<compile_context>
chip_gen: v7x
topology: tpu7x:2x2x1
jax: 0.10.2.dev20260603
libtpu: 0.0.44.dev20260713+nightly
codegen_flags: <defaults>
</compile_context>

<pallas_src>
import functools

import jax
import jax.numpy as jnp
from jax import lax
from jax.experimental import pallas as pl
from jax.experimental.pallas import tpu as pltpu
from jax.experimental.pallas import tpu_sc as plsc

NUM_NUM = 13
NUM_CAT = 26
VOCAB = 100000
D = 64
B = 4096
TOK = NUM_NUM + NUM_CAT
L = 16

_INFO = plsc.get_sparse_core_info()
NC = _INFO.num_cores
NS = _INFO.num_subcores
NW = NC * NS
ROWS = B // NW
S = 8
CHUNKS = ROWS // S
G = 4
NGRP = S * NUM_CAT // G
RING = 4


def _tokenizer_body(x_hbm, emb_hbm, tab_hbm, out_hbm,
                    xv, embv, idxv, stg, slot0, slot1,
                    gsem0, gsem1, gsem2, gsem3, wsem0, wsem1):
    slots = (slot0, slot1)
    gsems = (gsem0, gsem1, gsem2, gsem3)
    wsems = (wsem0, wsem1)

    wid = lax.axis_index("s") * NC + lax.axis_index("c")
    base = wid * ROWS

    pltpu.sync_copy(x_hbm.at[pl.ds(base, ROWS)], xv)
    pltpu.sync_copy(emb_hbm, embv)

    def idx_step(b, carry):
        bb = jnp.full((L,), b, jnp.int32)
        for cbase in (0, NUM_CAT - L):
            cc = lax.iota(jnp.int32, L) + cbase
            vals = plsc.load_gather(xv, [bb, cc + NUM_NUM])
            plsc.store_scatter(idxv, [bb, cc],
                               vals.astype(jnp.int32) + cc * VOCAB)
        return carry

    lax.fori_loop(0, ROWS, idx_step, 0)

    def fire_group(t, g, gp):
        def fire_one(k, carry):
            j = g * G + k
            gvec = plsc.load_gather(
                idxv,
                [jnp.full((L,), t * S, jnp.int32) + j // NUM_CAT,
                 jnp.full((L,), j % NUM_CAT, jnp.int32)],
            )
            gidx = jnp.max(gvec)
            blk = pl.multiple_of((gidx // S) * S, S)
            pltpu.async_copy(
                tab_hbm.at[pl.ds(blk, S)],
                stg.at[pl.ds((gp * G + k) * S, S)],
                gsems[gp],
            )
            return carry

        lax.fori_loop(0, G, fire_one, 0)

    def wait_group(gp):
        def wait_one(k, carry):
            pltpu.make_async_copy(
                tab_hbm.at[pl.ds(0, S)],
                stg.at[pl.ds((gp * G + k) * S, S)],
                gsems[gp],
            ).wait()
            return carry

        lax.fori_loop(0, G, wait_one, 0)

    def write_tile(t, p):
        slot, wsem = slots[p], wsems[p]
        pltpu.async_copy(
            slot, out_hbm.at[pl.ds((base + t * S) * TOK, S * TOK)], wsem
        )

    def wait_write(t, p):
        slot, wsem = slots[p], wsems[p]
        pltpu.make_async_copy(
            slot, out_hbm.at[pl.ds((base + t * S) * TOK, S * TOK)], wsem
        ).wait()

    def compute_num(t, p):
        slot = slots[p]
        b0 = t * S

        def num_step(rc, carry):
            r = rc // NUM_NUM
            c = rc % NUM_NUM
            bb = jnp.full((L,), b0 + r, jnp.int32)
            cc = jnp.full((L,), c, jnp.int32)
            sval = plsc.load_gather(xv, [bb, cc])
            row = jnp.full((L,), r * TOK + c, jnp.int32)
            for dd in range(D // L):
                ev = plsc.load_gather(
                    embv, [cc, lax.iota(jnp.int32, L) + dd * L]
                )
                plsc.store_scatter(
                    slot, [row, lax.iota(jnp.int32, L) + dd * L], sval * ev
                )
            return carry

        lax.fori_loop(0, S * NUM_NUM, num_step, 0)

    def lookups(t, p):
        slot = slots[p]

        def half(g, gp):
            wait_group(gp)

            def copy_one(k, carry):
                j = g * G + k
                gvec = plsc.load_gather(
                    idxv,
                    [jnp.full((L,), t * S, jnp.int32) + j // NUM_CAT,
                     jnp.full((L,), j % NUM_CAT, jnp.int32)],
                )
                off = jnp.full((L,), (gp * G + k) * S, jnp.int32) + gvec % S
                row = (jnp.full((L,), NUM_NUM, jnp.int32)
                       + (j // NUM_CAT) * TOK + j % NUM_CAT)
                for dd in range(D // L):
                    lanes = lax.iota(jnp.int32, L) + dd * L
                    v = plsc.load_gather(stg, [off, lanes])
                    plsc.store_scatter(slot, [row, lanes], v)
                return carry

            lax.fori_loop(0, G, copy_one, 0)

            @pl.when(g + RING < NGRP)
            def _():
                fire_group(t, g + RING, gp)

        def body(gg, carry):
            for q in range(RING):
                half(RING * gg + q, q)
            return carry

        for q in range(RING):
            fire_group(t, q, q)
        lax.fori_loop(0, NGRP // RING, body, 0)
        for g in range(NGRP - NGRP % RING, NGRP):
            half(jnp.int32(g), g % RING)

    def tile(t, p):
        @pl.when(t >= 2)
        def _():
            wait_write(t - 2, p)

        compute_num(t, p)
        lookups(t, p)
        write_tile(t, p)

    def tile_pair(tt, carry):
        tile(2 * tt, 0)
        tile(2 * tt + 1, 1)
        return carry

    lax.fori_loop(0, CHUNKS // 2, tile_pair, 0)
    wait_write(CHUNKS - 2, 0)
    wait_write(CHUNKS - 1, 1)


_tokenizer = functools.partial(
    pl.kernel,
    out_type=jax.ShapeDtypeStruct((B * TOK, D), jnp.float32),
    mesh=plsc.VectorSubcoreMesh(core_axis_name="c", subcore_axis_name="s"),
    compiler_params=pltpu.CompilerParams(needs_layout_passes=False),
    scratch_types=[
        pltpu.VMEM((ROWS, TOK), jnp.float32),
        pltpu.VMEM((NUM_NUM, D), jnp.float32),
        pltpu.VMEM((ROWS, NUM_CAT), jnp.int32),
        pltpu.VMEM((RING * G * S, D), jnp.float32),
        pltpu.VMEM((S * TOK, D), jnp.float32),
        pltpu.VMEM((S * TOK, D), jnp.float32),
        pltpu.SemaphoreType.DMA,
        pltpu.SemaphoreType.DMA,
        pltpu.SemaphoreType.DMA,
        pltpu.SemaphoreType.DMA,
        pltpu.SemaphoreType.DMA,
        pltpu.SemaphoreType.DMA,
    ],
)(_tokenizer_body)


def kernel(x, numerical_embeddings, categorical_tables):
    flat_table = categorical_tables.reshape(NUM_CAT * VOCAB, D)
    return _tokenizer(x, numerical_embeddings, flat_table).reshape(B, TOK, D)

# --- scband reference (transcript-rebuilt; emitter-appended) ---
"""Pipeline reference for scband-feature-tokenizer-12463995093315 (READ-ONLY COPY).

The authoritative reference and input builder live on the scoring server;
editing this copy changes nothing except your own understanding.
"""

import jax, jax.numpy as jnp
import numpy as np

NUM_NUMERICAL = 13
NUM_CATEGORICAL = 26
VOCAB = 100000
EMBED_DIM = 64
BATCH = 4096


def setup_inputs(seed: int = 0) -> dict:
    key = jax.random.key(seed)
    k1, k2, k3 = jax.random.split(key, 3)
    # x holds both numerical and categorical features in one tensor; categorical
    # columns (13..38) must be integer-valued indices in [0, VOCAB). Following the
    # fill=randint spec we fill every column with randint values cast to float32
    # (float32 exactly represents ints < 2**24, so indices round-trip safely).
    x = jax.random.randint(k1, (BATCH, NUM_NUMERICAL + NUM_CATEGORICAL), 0, VOCAB).astype(jnp.float32)
    # Learned parameters sized per init_kwargs (embedding_dim=64):
    numerical_embeddings = jax.random.normal(k2, (NUM_NUMERICAL, EMBED_DIM), dtype=jnp.float32)
    # 26 nn.Embedding tables, each [VOCAB, EMBED_DIM]; stacked since all cardinalities are equal.
    categorical_tables = jax.random.normal(k3, (NUM_CATEGORICAL, VOCAB, EMBED_DIM), dtype=jnp.float32) * 0.02
    return {"x": x, "numerical_embeddings": numerical_embeddings, "categorical_tables": categorical_tables}


def reference(x, numerical_embeddings, categorical_tables):
    # x_numerical = x[:, numerical_indices].float()  (numerical_indices = 0..12)
    x_num = x[:, :NUM_NUMERICAL].astype(jnp.float32)
    # x_categorical = x[:, categorical_indices].long()  (categorical_indices = 13..38)
    x_cat = x[:, NUM_NUMERICAL:NUM_NUMERICAL + NUM_CATEGORICAL].astype(jnp.int32)
    # numerical_tokens = x_numerical.unsqueeze(-1) * numerical_embeddings -> [B, 13, D]
    numerical_tokens = x_num[:, :, None] * numerical_embeddings[None, :, :]
    # per-field embedding lookup, each token unsqueezed to [B, 1, D] then concatenated
    cat_tokens = []
    for i in range(NUM_CATEGORICAL):
        tok = jnp.take(categorical_tables[i], x_cat[:, i], axis=0)[:, None, :]
        cat_tokens.append(tok)
    all_categorical_tokens = jnp.concatenate(cat_tokens, axis=1)  # [B, 26, D]
    all_tokens = jnp.concatenate([numerical_tokens, all_categorical_tokens], axis=1)  # [B, 39, D]
    return all_tokens

if __name__ == "__main__":
    import jax
    _d = setup_inputs()
    print(jax.jit(kernel)(*tuple(_d.values())))

</pallas_src>

<mosaic_0001>
#map = affine_map<(d0, d1) -> (0, 0)>
module attributes {stable_mosaic.version = 14 : i64} {
  func.func @_tokenizer_body(%arg0: i32, %arg1: i32, %arg2: memref<4096x39xf32, #tpu.memory_space<hbm>>, %arg3: memref<13x64xf32, #tpu.memory_space<hbm>>, %arg4: memref<2600000x64xf32, #tpu.memory_space<hbm>>, %arg5: memref<159744x64xf32, #tpu.memory_space<hbm>>, %arg6: memref<128x39xf32, #tpu.memory_space<vmem>>, %arg7: memref<13x64xf32, #tpu.memory_space<vmem>>, %arg8: memref<128x26xi32, #tpu.memory_space<vmem>>, %arg9: memref<128x64xf32, #tpu.memory_space<vmem>>, %arg10: memref<312x64xf32, #tpu.memory_space<vmem>>, %arg11: memref<312x64xf32, #tpu.memory_space<vmem>>, %arg12: memref<!tpu.dma_semaphore, #tpu.memory_space<semaphore_mem>>, %arg13: memref<!tpu.dma_semaphore, #tpu.memory_space<semaphore_mem>>, %arg14: memref<!tpu.dma_semaphore, #tpu.memory_space<semaphore_mem>>, %arg15: memref<!tpu.dma_semaphore, #tpu.memory_space<semaphore_mem>>, %arg16: memref<!tpu.dma_semaphore, #tpu.memory_space<semaphore_mem>>, %arg17: memref<!tpu.dma_semaphore, #tpu.memory_space<semaphore_mem>>) attributes {dimension_semantics = [#tpu.dimension_semantics<core_parallel>, #tpu.dimension_semantics<subcore_parallel>], iteration_bounds = array<i64: 2, 16>, scalar_prefetch = 0 : i64, scratch_operands = 12 : i64, tpu.core_type = #tpu.core_type<sc_vector_subcore>, window_params = [{transform_indices = #map}, {transform_indices = #map}, {transform_indices = #map}, {transform_indices = #map}]} {
    %mul3A = arith.constant 2 : i32
    %mul3A_0 = arith.muli %arg1, %mul3A : i32
    %add3A = arith.addi %mul3A_0, %arg0 : i32
    %mul3A_1 = arith.constant 128 : i32
    %mul3A_2 = arith.muli %add3A, %mul3A_1 : i32
    "tpu.region"() ({
      %run_scoped3A = tpu.sem_alloc : memref<!tpu.dma_semaphore, #tpu.memory_space<semaphore_mem>>
      %dma_start3A = arith.constant 0 : i32
      %dma_start3A_29 = tpu.memref_slice %arg2[%mul3A_2, %dma_start3A] : memref<4096x39xf32, #tpu.memory_space<hbm>> -> memref<128x39xf32, #tpu.memory_space<hbm>>
      %dma_start3A_30 = arith.constant 0 : i32
      %dma_start3A_31 = tpu.memref_slice %arg2[%mul3A_2, %dma_start3A_30] : memref<4096x39xf32, #tpu.memory_space<hbm>> -> memref<128x39xf32, #tpu.memory_space<hbm>>
      tpu.enqueue_dma source(%dma_start3A_31 : memref<128x39xf32, #tpu.memory_space<hbm>>) target(%arg6 : memref<128x39xf32, #tpu.memory_space<vmem>>) target_semaphore(%run_scoped3A : memref<!tpu.dma_semaphore, #tpu.memory_space<semaphore_mem>>)
      %dma_wait3A_32 = arith.constant 0 : i32
      %dma_wait3A_33 = tpu.memref_slice %arg2[%mul3A_2, %dma_wait3A_32] : memref<4096x39xf32, #tpu.memory_space<hbm>> -> memref<128x39xf32, #tpu.memory_space<hbm>>
      %dma_wait3A_34 = arith.constant 0 : i32
      %dma_wait3A_35 = tpu.memref_slice %arg2[%mul3A_2, %dma_wait3A_34] : memref<4096x39xf32, #tpu.memory_space<hbm>> -> memref<128x39xf32, #tpu.memory_space<hbm>>
      tpu.wait_dma2 semaphore(%run_scoped3A : memref<!tpu.dma_semaphore, #tpu.memory_space<semaphore_mem>>) src(%dma_wait3A_35 : memref<128x39xf32, #tpu.memory_space<hbm>>) dst(%arg6 : memref<128x39xf32, #tpu.memory_space<vmem>>)
      tpu.yield
    }) : () -> ()
    "tpu.region"() ({
      %run_scoped3A = tpu.sem_alloc : memref<!tpu.dma_semaphore, #tpu.memory_space<semaphore_mem>>
      tpu.enqueue_dma source(%arg3 : memref<13x64xf32, #tpu.memory_space<hbm>>) target(%arg7 : memref<13x64xf32, #tpu.memory_space<vmem>>) target_semaphore(%run_scoped3A : memref<!tpu.dma_semaphore, #tpu.memory_space<semaphore_mem>>)
      tpu.wait_dma2 semaphore(%run_scoped3A : memref<!tpu.dma_semaphore, #tpu.memory_space<semaphore_mem>>) src(%arg3 : memref<13x64xf32, #tpu.memory_space<hbm>>) dst(%arg7 : memref<13x64xf32, #tpu.memory_space<vmem>>)
      tpu.yield
    }) : () -> ()
    %scan3A = arith.constant 0 : i32
    %scan3A_3 = arith.constant 0 : i32
    %scan3A_4 = arith.constant 128 : i32
    %scan3A_5 = arith.addi %scan3A_3, %scan3A_4 : i32
    %scan3A_6 = arith.constant 1 : i32
    scf.for %scan3A_29 = %scan3A_3 to %scan3A_5 step %scan3A_6  : i32 {
      %broadcast_in_dim3A = vector.broadcast %scan3A_29 : i32 to vector<16xi32>
      %iota3A = tpu.iota {dimensions = array<i32: 0>} : vector<16xi32>
      %add3A_30 = arith.constant 0 : i32
      %add3A_31 = vector.broadcast %add3A_30 : i32 to vector<16xi32>
      %add3A_32 = arith.addi %iota3A, %add3A_31 : vector<16xi32>
      %add3A_33 = arith.constant 13 : i32
      %add3A_34 = vector.broadcast %add3A_33 : i32 to vector<16xi32>
      %add3A_35 = arith.addi %add3A_32, %add3A_34 : vector<16xi32>
      %gather3A = tpu.vector_load_idx %arg6[%broadcast_in_dim3A, %add3A_35] : memref<128x39xf32, #tpu.memory_space<vmem>>[vector<16xi32>, vector<16xi32>], vector<16xf32>,
      %convert_element_type3A = arith.fptosi %gather3A : vector<16xf32> to vector<16xi32>
      %mul3A_36 = arith.constant 100000 : i32
      %mul3A_37 = vector.broadcast %mul3A_36 : i32 to vector<16xi32>
      %mul3A_38 = arith.muli %add3A_32, %mul3A_37 : vector<16xi32>
      %add3A_39 = arith.addi %convert_element_type3A, %mul3A_38 : vector<16xi32>
      tpu.vector_store_idx %arg8[%broadcast_in_dim3A, %add3A_32], %add3A_39 : memref<128x26xi32, #tpu.memory_space<vmem>>[vector<16xi32>, vector<16xi32>], vector<16xi32>,
      %iota3A_40 = tpu.iota {dimensions = array<i32: 0>} : vector<16xi32>
      %add3A_41 = arith.constant 10 : i32
      %add3A_42 = vector.broadcast %add3A_41 : i32 to vector<16xi32>
      %add3A_43 = arith.addi %iota3A_40, %add3A_42 : vector<16xi32>
      %add3A_44 = arith.constant 13 : i32
      %add3A_45 = vector.broadcast %add3A_44 : i32 to vector<16xi32>
      %add3A_46 = arith.addi %add3A_43, %add3A_45 : vector<16xi32>
      %gather3A_47 = tpu.vector_load_idx %arg6[%broadcast_in_dim3A, %add3A_46] : memref<128x39xf32, #tpu.memory_space<vmem>>[vector<16xi32>, vector<16xi32>], vector<16xf32>,
      %convert_element_type3A_48 = arith.fptosi %gather3A_47 : vector<16xf32> to vector<16xi32>
      %mul3A_49 = arith.constant 100000 : i32
      %mul3A_50 = vector.broadcast %mul3A_49 : i32 to vector<16xi32>
      %mul3A_51 = arith.muli %add3A_43, %mul3A_50 : vector<16xi32>
      %add3A_52 = arith.addi %convert_element_type3A_48, %mul3A_51 : vector<16xi32>
      tpu.vector_store_idx %arg8[%broadcast_in_dim3A, %add3A_43], %add3A_52 : memref<128x26xi32, #tpu.memory_space<vmem>>[vector<16xi32>, vector<16xi32>], vector<16xi32>,
    }
    %scan3A_7 = arith.constant 128 : i32
    %scan3A_8 = arith.constant 0 : i32
    %scan3A_9 = arith.constant 0 : i32
    %scan3A_10 = arith.constant 8 : i32
    %scan3A_11 = arith.addi %scan3A_9, %scan3A_10 : i32
    %scan3A_12 = arith.constant 1 : i32
    scf.for %scan3A_29 = %scan3A_9 to %scan3A_11 step %scan3A_12  : i32 {
      %mul3A_30 = arith.constant 2 : i32
      %mul3A_31 = arith.muli %mul3A_30, %scan3A_29 : i32
      %ge3A = arith.constant 2 : i32
      %ge3A_32 = arith.cmpi sge, %mul3A_31, %ge3A : i32
      %convert_element_type3A = arith.extui %ge3A_32 : i1 to i32
      %cond3A = arith.constant 0 : i32
      %cond3A_33 = arith.cmpi ne, %convert_element_type3A, %cond3A : i32
      scf.if %cond3A_33 {
        %sub3A = arith.constant 2 : i32
        %sub3A_136 = arith.subi %mul3A_31, %sub3A : i32
        %mul3A_137 = arith.constant 8 : i32
        %mul3A_138 = arith.muli %sub3A_136, %mul3A_137 : i32
        %add3A_139 = arith.addi %mul3A_2, %mul3A_138 : i32
        %mul3A_140 = arith.constant 39 : i32
        %mul3A_141 = arith.muli %add3A_139, %mul3A_140 : i32
        %dma_wait3A_142 = arith.constant 0 : i32
        %dma_wait3A_143 = tpu.memref_slice %arg5[%mul3A_141, %dma_wait3A_142] : memref<159744x64xf32, #tpu.memory_space<hbm>> -> memref<312x64xf32, #tpu.memory_space<hbm>>
        %dma_wait3A_144 = arith.constant 0 : i32
        %dma_wait3A_145 = tpu.memref_slice %arg5[%mul3A_141, %dma_wait3A_144] : memref<159744x64xf32, #tpu.memory_space<hbm>> -> memref<312x64xf32, #tpu.memory_space<hbm>>
        tpu.wait_dma2 semaphore(%arg16 : memref<!tpu.dma_semaphore, #tpu.memory_space<semaphore_mem>>) src(%arg10 : memref<312x64xf32, #tpu.memory_space<vmem>>) dst(%dma_wait3A_145 : memref<312x64xf32, #tpu.memory_space<hbm>>)
      } else {
      }
      %mul3A_34 = arith.constant 8 : i32
      %mul3A_35 = arith.muli %mul3A_31, %mul3A_34 : i32
      %scan3A_36 = arith.constant 0 : i32
      %scan3A_37 = arith.constant 0 : i32
      %scan3A_38 = arith.constant 104 : i32
      %scan3A_39 = arith.addi %scan3A_37, %scan3A_38 : i32
      %scan3A_40 = arith.constant 1 : i32
      scf.for %scan3A_136 = %scan3A_37 to %scan3A_39 step %scan3A_40  : i32 {
        %jit3A = arith.constant 13 : i32
        %div3A = arith.divsi %scan3A_136, %jit3A : i32
        %sign3A = arith.constant 0 : i32
        %sign3A_137 = arith.cmpi sgt, %scan3A_136, %sign3A : i32
        %sign3A_138 = arith.extui %sign3A_137 : i1 to i32
        %sign3A_139 = arith.constant 0 : i32
        %sign3A_140 = arith.cmpi slt, %scan3A_136, %sign3A_139 : i32
        %sign3A_141 = arith.extui %sign3A_140 : i1 to i32
        %sign3A_142 = arith.subi %sign3A_138, %sign3A_141 : i32
        %sign3A_143 = arith.constant 0 : i32
        %sign3A_144 = arith.cmpi sgt, %jit3A, %sign3A_143 : i32
        %sign3A_145 = arith.extui %sign3A_144 : i1 to i32
        %sign3A_146 = arith.constant 0 : i32
        %sign3A_147 = arith.cmpi slt, %jit3A, %sign3A_146 : i32
        %sign3A_148 = arith.extui %sign3A_147 : i1 to i32
        %sign3A_149 = arith.subi %sign3A_145, %sign3A_148 : i32
        %ne3A = arith.cmpi ne, %sign3A_142, %sign3A_149 : i32
        %rem3A = arith.remsi %scan3A_136, %jit3A : i32
        %ne3A_150 = arith.constant 0 : i32
        %ne3A_151 = arith.cmpi ne, %rem3A, %ne3A_150 : i32
        %and3A = arith.andi %ne3A, %ne3A_151 : i1
        %sub3A = arith.constant 1 : i32
        %sub3A_152 = arith.subi %div3A, %sub3A : i32
        %select_n3A = arith.select %and3A, %sub3A_152, %div3A : i32
        %jit3A_153 = arith.constant 13 : i32
        %eq3A = arith.constant 0 : i32
        %eq3A_154 = arith.cmpi eq, %jit3A_153, %eq3A : i32
        %jit3A_155 = arith.constant 1 : i32
        %select_n3A_156 = arith.select %eq3A_154, %jit3A_155, %jit3A_153 : i32
        %rem3A_157 = arith.remsi %scan3A_136, %select_n3A_156 : i32
        %ne3A_158 = arith.constant 0 : i32
        %ne3A_159 = arith.cmpi ne, %rem3A_157, %ne3A_158 : i32
        %lt3A = arith.constant 0 : i32
        %lt3A_160 = arith.cmpi slt, %rem3A_157, %lt3A : i32
        %lt3A_161 = arith.constant 0 : i32
        %lt3A_162 = arith.cmpi slt, %select_n3A_156, %lt3A_161 : i32
        %ne3A_163 = arith.xori %lt3A_160, %lt3A_162 : i1
        %and3A_164 = arith.andi %ne3A_163, %ne3A_159 : i1
        %add3A_165 = arith.addi %rem3A_157, %select_n3A_156 : i32
        %select_n3A_166 = arith.select %and3A_164, %add3A_165, %rem3A_157 : i32
        %add3A_167 = arith.addi %mul3A_35, %select_n3A : i32
        %broadcast_in_dim3A = vector.broadcast %add3A_167 : i32 to vector<16xi32>
        %broadcast_in_dim3A_168 = vector.broadcast %select_n3A_166 : i32 to vector<16xi32>
        %gather3A = tpu.vector_load_idx %arg6[%broadcast_in_dim3A, %broadcast_in_dim3A_168] : memref<128x39xf32, #tpu.memory_space<vmem>>[vector<16xi32>, vector<16xi32>], vector<16xf32>,
        %mul3A_169 = arith.constant 39 : i32
        %mul3A_170 = arith.muli %select_n3A, %mul3A_169 : i32
        %add3A_171 = arith.addi %mul3A_170, %select_n3A_166 : i32
        %broadcast_in_dim3A_172 = vector.broadcast %add3A_171 : i32 to vector<16xi32>
        %iota3A = tpu.iota {dimensions = array<i32: 0>} : vector<16xi32>
        %add3A_173 = arith.constant 0 : i32
        %add3A_174 = vector.broadcast %add3A_173 : i32 to vector<16xi32>
        %add3A_175 = arith.addi %iota3A, %add3A_174 : vector<16xi32>
        %gather3A_176 = tpu.vector_load_idx %arg7[%broadcast_in_dim3A_168, %add3A_175] : memref<13x64xf32, #tpu.memory_space<vmem>>[vector<16xi32>, vector<16xi32>], vector<16xf32>,
        %iota3A_177 = tpu.iota {dimensions = array<i32: 0>} : vector<16xi32>
        %add3A_178 = arith.constant 0 : i32
        %add3A_179 = vector.broadcast %add3A_178 : i32 to vector<16xi32>
        %add3A_180 = arith.addi %iota3A_177, %add3A_179 : vector<16xi32>
        %mul3A_181 = arith.mulf %gather3A, %gather3A_176 : vector<16xf32>
        tpu.vector_store_idx %arg10[%broadcast_in_dim3A_172, %add3A_180], %mul3A_181 : memref<312x64xf32, #tpu.memory_space<vmem>>[vector<16xi32>, vector<16xi32>], vector<16xf32>,
        %iota3A_182 = tpu.iota {dimensions = array<i32: 0>} : vector<16xi32>
        %add3A_183 = arith.constant 16 : i32
        %add3A_184 = vector.broadcast %add3A_183 : i32 to vector<16xi32>
        %add3A_185 = arith.addi %iota3A_182, %add3A_184 : vector<16xi32>
        %gather3A_186 = tpu.vector_load_idx %arg7[%broadcast_in_dim3A_168, %add3A_185] : memref<13x64xf32, #tpu.memory_space<vmem>>[vector<16xi32>, vector<16xi32>], vector<16xf32>,
        %iota3A_187 = tpu.iota {dimensions = array<i32: 0>} : vector<16xi32>
        %add3A_188 = arith.constant 16 : i32
        %add3A_189 = vector.broadcast %add3A_188 : i32 to vector<16xi32>
        %add3A_190 = arith.addi %iota3A_187, %add3A_189 : vector<16xi32>
        %mul3A_191 = arith.mulf %gather3A, %gather3A_186 : vector<16xf32>
        tpu.vector_store_idx %arg10[%broadcast_in_dim3A_172, %add3A_190], %mul3A_191 : memref<312x64xf32, #tpu.memory_space<vmem>>[vector<16xi32>, vector<16xi32>], vector<16xf32>,
        %iota3A_192 = tpu.iota {dimensions = array<i32: 0>} : vector<16xi32>
        %add3A_193 = arith.constant 32 : i32
        %add3A_194 = vector.broadcast %add3A_193 : i32 to vector<16xi32>
        %add3A_195 = arith.addi %iota3A_192, %add3A_194 : vector<16xi32>
        %gather3A_196 = tpu.vector_load_idx %arg7[%broadcast_in_dim3A_168, %add3A_195] : memref<13x64xf32, #tpu.memory_space<vmem>>[vector<16xi32>, vector<16xi32>], vector<16xf32>,
        %iota3A_197 = tpu.iota {dimensions = array<i32: 0>} : vector<16xi32>
        %add3A_198 = arith.constant 32 : i32
        %add3A_199 = vector.broadcast %add3A_198 : i32 to vector<16xi32>
        %add3A_200 = arith.addi %iota3A_197, %add3A_199 : vector<16xi32>
        %mul3A_201 = arith.mulf %gather3A, %gather3A_196 : vector<16xf32>
        tpu.vector_store_idx %arg10[%broadcast_in_dim3A_172, %add3A_200], %mul3A_201 : memref<312x64xf32, #tpu.memory_space<vmem>>[vector<16xi32>, vector<16xi32>], vector<16xf32>,
        %iota3A_202 = tpu.iota {dimensions = array<i32: 0>} : vector<16xi32>
        %add3A_203 = arith.constant 48 : i32
        %add3A_204 = vector.broadcast %add3A_203 : i32 to vector<16xi32>
        %add3A_205 = arith.addi %iota3A_202, %add3A_204 : vector<16xi32>
        %gather3A_206 = tpu.vector_load_idx %arg7[%broadcast_in_dim3A_168, %add3A_205] : memref<13x64xf32, #tpu.memory_space<vmem>>[vector<16xi32>, vector<16xi32>], vector<16xf32>,
        %iota3A_207 = tpu.iota {dimensions = array<i32: 0>} : vector<16xi32>
        %add3A_208 = arith.constant 48 : i32
        %add3A_209 = vector.broadcast %add3A_208 : i32 to vector<16xi32>
        %add3A_210 = arith.addi %iota3A_207, %add3A_209 : vector<16xi32>
        %mul3A_211 = arith.mulf %gather3A, %gather3A_206 : vector<16xf32>
        tpu.vector_store_idx %arg10[%broadcast_in_dim3A_172, %add3A_210], %mul3A_211 : memref<312x64xf32, #tpu.memory_space<vmem>>[vector<16xi32>, vector<16xi32>], vector<16xf32>,
      }
      %scan3A_41 = arith.constant 104 : i32
      %scan3A_42 = arith.constant 0 : i32
      %scan3A_43 = arith.constant 0 : i32
      %scan3A_44 = arith.constant 4 : i32
      %scan3A_45 = arith.addi %scan3A_43, %scan3A_44 : i32
      %scan3A_46 = arith.constant 1 : i32
      scf.for %scan3A_136 = %scan3A_43 to %scan3A_45 step %scan3A_46  : i32 {
        %add3A_137 = arith.constant 0 : i32
        %add3A_138 = arith.addi %add3A_137, %scan3A_136 : i32
        %mul3A_139 = arith.constant 8 : i32
        %mul3A_140 = arith.muli %mul3A_31, %mul3A_139 : i32
        %broadcast_in_dim3A = vector.broadcast %mul3A_140 : i32 to vector<16xi32>
        %jit3A = arith.constant 26 : i32
        %div3A = arith.divsi %add3A_138, %jit3A : i32
        %sign3A = arith.constant 0 : i32
        %sign3A_141 = arith.cmpi sgt, %add3A_138, %sign3A : i32
        %sign3A_142 = arith.extui %sign3A_141 : i1 to i32
        %sign3A_143 = arith.constant 0 : i32
        %sign3A_144 = arith.cmpi slt, %add3A_138, %sign3A_143 : i32
        %sign3A_145 = arith.extui %sign3A_144 : i1 to i32
        %sign3A_146 = arith.subi %sign3A_142, %sign3A_145 : i32
        %sign3A_147 = arith.constant 0 : i32
        %sign3A_148 = arith.cmpi sgt, %jit3A, %sign3A_147 : i32
        %sign3A_149 = arith.extui %sign3A_148 : i1 to i32
        %sign3A_150 = arith.constant 0 : i32
        %sign3A_151 = arith.cmpi slt, %jit3A, %sign3A_150 : i32
        %sign3A_152 = arith.extui %sign3A_151 : i1 to i32
        %sign3A_153 = arith.subi %sign3A_149, %sign3A_152 : i32
        %ne3A = arith.cmpi ne, %sign3A_146, %sign3A_153 : i32
        %rem3A = arith.remsi %add3A_138, %jit3A : i32
        %ne3A_154 = arith.constant 0 : i32
        %ne3A_155 = arith.cmpi ne, %rem3A, %ne3A_154 : i32
        %and3A = arith.andi %ne3A, %ne3A_155 : i1
        %sub3A = arith.constant 1 : i32
        %sub3A_156 = arith.subi %div3A, %sub3A : i32
        %select_n3A = arith.select %and3A, %sub3A_156, %div3A : i32
        %add3A_157 = vector.broadcast %select_n3A : i32 to vector<16xi32>
        %add3A_158 = arith.addi %broadcast_in_dim3A, %add3A_157 : vector<16xi32>
        %jit3A_159 = arith.constant 26 : i32
        %eq3A = arith.constant 0 : i32
        %eq3A_160 = arith.cmpi eq, %jit3A_159, %eq3A : i32
        %jit3A_161 = arith.constant 1 : i32
        %select_n3A_162 = arith.select %eq3A_160, %jit3A_161, %jit3A_159 : i32
        %rem3A_163 = arith.remsi %add3A_138, %select_n3A_162 : i32
        %ne3A_164 = arith.constant 0 : i32
        %ne3A_165 = arith.cmpi ne, %rem3A_163, %ne3A_164 : i32
        %lt3A = arith.constant 0 : i32
        %lt3A_166 = arith.cmpi slt, %rem3A_163, %lt3A : i32
        %lt3A_167 = arith.constant 0 : i32
        %lt3A_168 = arith.cmpi slt, %select_n3A_162, %lt3A_167 : i32
        %ne3A_169 = arith.xori %lt3A_166, %lt3A_168 : i1
        %and3A_170 = arith.andi %ne3A_169, %ne3A_165 : i1
        %add3A_171 = arith.addi %rem3A_163, %select_n3A_162 : i32
        %select_n3A_172 = arith.select %and3A_170, %add3A_171, %rem3A_163 : i32
        %broadcast_in_dim3A_173 = vector.broadcast %select_n3A_172 : i32 to vector<16xi32>
        %gather3A = tpu.vector_load_idx %arg8[%add3A_158, %broadcast_in_dim3A_173] : memref<128x26xi32, #tpu.memory_space<vmem>>[vector<16xi32>, vector<16xi32>], vector<16xi32>,
        %reduce_max3A = arith.constant true
        %reduce_max3A_174 = vector.broadcast %reduce_max3A : i1 to vector<16xi1>
        %reduce_max3A_175 = arith.constant -2147483648 : i32
        %reduce_max3A_176 = vector.broadcast %reduce_max3A_175 : i32 to vector<16xi32>
        %reduce_max3A_177 = arith.xori %gather3A, %reduce_max3A_176 : vector<16xi32>
        %reduce_max3A_178 = tpu.scan <max>, %reduce_max3A_177 masked %reduce_max3A_174 : vector<16xi32>, vector<16xi1> -> vector<16xi32>
        %reduce_max3A_179 = arith.xori %reduce_max3A_178, %reduce_max3A_176 : vector<16xi32>
        %reduce_max3A_180 = vector.extract %reduce_max3A_179[15] : i32 from vector<16xi32>
        %jit3A_181 = arith.constant 8 : i32
        %div3A_182 = arith.divsi %reduce_max3A_180, %jit3A_181 : i32
        %sign3A_183 = arith.constant 0 : i32
        %sign3A_184 = arith.cmpi sgt, %reduce_max3A_180, %sign3A_183 : i32
        %sign3A_185 = arith.extui %sign3A_184 : i1 to i32
        %sign3A_186 = arith.constant 0 : i32
        %sign3A_187 = arith.cmpi slt, %reduce_max3A_180, %sign3A_186 : i32
        %sign3A_188 = arith.extui %sign3A_187 : i1 to i32
        %sign3A_189 = arith.subi %sign3A_185, %sign3A_188 : i32
        %sign3A_190 = arith.constant 0 : i32
        %sign3A_191 = arith.cmpi sgt, %jit3A_181, %sign3A_190 : i32
        %sign3A_192 = arith.extui %sign3A_191 : i1 to i32
        %sign3A_193 = arith.constant 0 : i32
        %sign3A_194 = arith.cmpi slt, %jit3A_181, %sign3A_193 : i32
        %sign3A_195 = arith.extui %sign3A_194 : i1 to i32
        %sign3A_196 = arith.subi %sign3A_192, %sign3A_195 : i32
        %ne3A_197 = arith.cmpi ne, %sign3A_189, %sign3A_196 : i32
        %rem3A_198 = arith.remsi %reduce_max3A_180, %jit3A_181 : i32
        %ne3A_199 = arith.constant 0 : i32
        %ne3A_200 = arith.cmpi ne, %rem3A_198, %ne3A_199 : i32
        %and3A_201 = arith.andi %ne3A_197, %ne3A_200 : i1
        %sub3A_202 = arith.constant 1 : i32
        %sub3A_203 = arith.subi %div3A_182, %sub3A_202 : i32
        %select_n3A_204 = arith.select %and3A_201, %sub3A_203, %div3A_182 : i32
        %mul3A_205 = arith.constant 8 : i32
        %mul3A_206 = arith.muli %select_n3A_204, %mul3A_205 : i32
        %multiple_of3A = tpu.assume_multiple %mul3A_206, 8 : i32
        %add3A_207 = arith.constant 0 : i32
        %add3A_208 = arith.addi %add3A_207, %scan3A_136 : i32
        %mul3A_209 = arith.constant 8 : i32
        %mul3A_210 = arith.muli %add3A_208, %mul3A_209 : i32
        %dma_start3A_211 = arith.constant 0 : i32
        %dma_start3A_212 = tpu.memref_slice %arg9[%mul3A_210, %dma_start3A_211] : memref<128x64xf32, #tpu.memory_space<vmem>> -> memref<8x64xf32, #tpu.memory_space<vmem>>
        %dma_start3A_213 = arith.constant 0 : i32
        %dma_start3A_214 = tpu.memref_slice %arg4[%multiple_of3A, %dma_start3A_213] : memref<2600000x64xf32, #tpu.memory_space<hbm>> -> memref<8x64xf32, #tpu.memory_space<hbm>>
        %dma_start3A_215 = arith.constant 0 : i32
        %dma_start3A_216 = tpu.memref_slice %arg9[%mul3A_210, %dma_start3A_215] : memref<128x64xf32, #tpu.memory_space<vmem>> -> memref<8x64xf32, #tpu.memory_space<vmem>>
        %dma_start3A_217 = arith.constant 0 : i32
        %dma_start3A_218 = tpu.memref_slice %arg4[%multiple_of3A, %dma_start3A_217] : memref<2600000x64xf32, #tpu.memory_space<hbm>> -> memref<8x64xf32, #tpu.memory_space<hbm>>
        tpu.enqueue_dma source(%dma_start3A_218 : memref<8x64xf32, #tpu.memory_space<hbm>>) target(%dma_start3A_216 : memref<8x64xf32, #tpu.memory_space<vmem>>) target_semaphore(%arg12 : memref<!tpu.dma_semaphore, #tpu.memory_space<semaphore_mem>>)
      }
      %scan3A_47 = arith.constant 4 : i32
      %scan3A_48 = arith.constant 0 : i32
      %scan3A_49 = arith.constant 0 : i32
      %scan3A_50 = arith.constant 4 : i32
      %scan3A_51 = arith.addi %scan3A_49, %scan3A_50 : i32
      %scan3A_52 = arith.constant 1 : i32
      scf.for %scan3A_136 = %scan3A_49 to %scan3A_51 step %scan3A_52  : i32 {
        %add3A_137 = arith.constant 4 : i32
        %add3A_138 = arith.addi %add3A_137, %scan3A_136 : i32
        %mul3A_139 = arith.constant 8 : i32
        %mul3A_140 = arith.muli %mul3A_31, %mul3A_139 : i32
        %broadcast_in_dim3A = vector.broadcast %mul3A_140 : i32 to vector<16xi32>
        %jit3A = arith.constant 26 : i32
        %div3A = arith.divsi %add3A_138, %jit3A : i32
        %sign3A = arith.constant 0 : i32
        %sign3A_141 = arith.cmpi sgt, %add3A_138, %sign3A : i32
        %sign3A_142 = arith.extui %sign3A_141 : i1 to i32
        %sign3A_143 = arith.constant 0 : i32
        %sign3A_144 = arith.cmpi slt, %add3A_138, %sign3A_143 : i32
        %sign3A_145 = arith.extui %sign3A_144 : i1 to i32
        %sign3A_146 = arith.subi %sign3A_142, %sign3A_145 : i32
        %sign3A_147 = arith.constant 0 : i32
        %sign3A_148 = arith.cmpi sgt, %jit3A, %sign3A_147 : i32
        %sign3A_149 = arith.extui %sign3A_148 : i1 to i32
        %sign3A_150 = arith.constant 0 : i32
        %sign3A_151 = arith.cmpi slt, %jit3A, %sign3A_150 : i32
        %sign3A_152 = arith.extui %sign3A_151 : i1 to i32
        %sign3A_153 = arith.subi %sign3A_149, %sign3A_152 : i32
        %ne3A = arith.cmpi ne, %sign3A_146, %sign3A_153 : i32
        %rem3A = arith.remsi %add3A_138, %jit3A : i32
        %ne3A_154 = arith.constant 0 : i32
        %ne3A_155 = arith.cmpi ne, %rem3A, %ne3A_154 : i32
        %and3A = arith.andi %ne3A, %ne3A_155 : i1
        %sub3A = arith.constant 1 : i32
        %sub3A_156 = arith.subi %div3A, %sub3A : i32
        %select_n3A = arith.select %and3A, %sub3A_156, %div3A : i32
        %add3A_157 = vector.broadcast %select_n3A : i32 to vector<16xi32>
        %add3A_158 = arith.addi %broadcast_in_dim3A, %add3A_157 : vector<16xi32>
        %jit3A_159 = arith.constant 26 : i32
        %eq3A = arith.constant 0 : i32
        %eq3A_160 = arith.cmpi eq, %jit3A_159, %eq3A : i32
        %jit3A_161 = arith.constant 1 : i32
        %select_n3A_162 = arith.select %eq3A_160, %jit3A_161, %jit3A_159 : i32
        %rem3A_163 = arith.remsi %add3A_138, %select_n3A_162 : i32
        %ne3A_164 = arith.constant 0 : i32
        %ne3A_165 = arith.cmpi ne, %rem3A_163, %ne3A_164 : i32
        %lt3A = arith.constant 0 : i32
        %lt3A_166 = arith.cmpi slt, %rem3A_163, %lt3A : i32
        %lt3A_167 = arith.constant 0 : i32
        %lt3A_168 = arith.cmpi slt, %select_n3A_162, %lt3A_167 : i32
        %ne3A_169 = arith.xori %lt3A_166, %lt3A_168 : i1
        %and3A_170 = arith.andi %ne3A_169, %ne3A_165 : i1
        %add3A_171 = arith.addi %rem3A_163, %select_n3A_162 : i32
        %select_n3A_172 = arith.select %and3A_170, %add3A_171, %rem3A_163 : i32
        %broadcast_in_dim3A_173 = vector.broadcast %select_n3A_172 : i32 to vector<16xi32>
        %gather3A = tpu.vector_load_idx %arg8[%add3A_158, %broadcast_in_dim3A_173] : memref<128x26xi32, #tpu.memory_space<vmem>>[vector<16xi32>, vector<16xi32>], vector<16xi32>,
        %reduce_max3A = arith.constant true
        %reduce_max3A_174 = vector.broadcast %reduce_max3A : i1 to vector<16xi1>
        %reduce_max3A_175 = arith.constant -2147483648 : i32
        %reduce_max3A_176 = vector.broadcast %reduce_max3A_175 : i32 to vector<16xi32>
        %reduce_max3A_177 = arith.xori %gather3A, %reduce_max3A_176 : vector<16xi32>
        %reduce_max3A_178 = tpu.scan <max>, %reduce_max3A_177 masked %reduce_max3A_174 : vector<16xi32>, vector<16xi1> -> vector<16xi32>
        %reduce_max3A_179 = arith.xori %reduce_max3A_178, %reduce_max3A_176 : vector<16xi32>
        %reduce_max3A_180 = vector.extract %reduce_max3A_179[15] : i32 from vector<16xi32>
        %jit3A_181 = arith.constant 8 : i32
        %div3A_182 = arith.divsi %reduce_max3A_180, %jit3A_181 : i32
        %sign3A_183 = arith.constant 0 : i32
        %sign3A_184 = arith.cmpi sgt, %reduce_max3A_180, %sign3A_183 : i32
        %sign3A_185 = arith.extui %sign3A_184 : i1 to i32
        %sign3A_186 = arith.constant 0 : i32
        %sign3A_187 = arith.cmpi slt, %reduce_max3A_180, %sign3A_186 : i32
        %sign3A_188 = arith.extui %sign3A_187 : i1 to i32
        %sign3A_189 = arith.subi %sign3A_185, %sign3A_188 : i32
        %sign3A_190 = arith.constant 0 : i32
        %sign3A_191 = arith.cmpi sgt, %jit3A_181, %sign3A_190 : i32
        %sign3A_192 = arith.extui %sign3A_191 : i1 to i32
        %sign3A_193 = arith.constant 0 : i32
        %sign3A_194 = arith.cmpi slt, %jit3A_181, %sign3A_193 : i32
        %sign3A_195 = arith.extui %sign3A_194 : i1 to i32
        %sign3A_196 = arith.subi %sign3A_192, %sign3A_195 : i32
        %ne3A_197 = arith.cmpi ne, %sign3A_189, %sign3A_196 : i32
        %rem3A_198 = arith.remsi %reduce_max3A_180, %jit3A_181 : i32
        %ne3A_199 = arith.constant 0 : i32
        %ne3A_200 = arith.cmpi ne, %rem3A_198, %ne3A_199 : i32
        %and3A_201 = arith.andi %ne3A_197, %ne3A_200 : i1
        %sub3A_202 = arith.constant 1 : i32
        %sub3A_203 = arith.subi %div3A_182, %sub3A_202 : i32
        %select_n3A_204 = arith.select %and3A_201, %sub3A_203, %div3A_182 : i32
        %mul3A_205 = arith.constant 8 : i32
        %mul3A_206 = arith.muli %select_n3A_204, %mul3A_205 : i32
        %multiple_of3A = tpu.assume_multiple %mul3A_206, 8 : i32
        %add3A_207 = arith.constant 4 : i32
        %add3A_208 = arith.addi %add3A_207, %scan3A_136 : i32
        %mul3A_209 = arith.constant 8 : i32
        %mul3A_210 = arith.muli %add3A_208, %mul3A_209 : i32
        %dma_start3A_211 = arith.constant 0 : i32
        %dma_start3A_212 = tpu.memref_slice %arg9[%mul3A_210, %dma_start3A_211] : memref<128x64xf32, #tpu.memory_space<vmem>> -> memref<8x64xf32, #tpu.memory_space<vmem>>
        %dma_start3A_213 = arith.constant 0 : i32
        %dma_start3A_214 = tpu.memref_slice %arg4[%multiple_of3A, %dma_start3A_213] : memref<2600000x64xf32, #tpu.memory_space<hbm>> -> memref<8x64xf32, #tpu.memory_space<hbm>>
        %dma_start3A_215 = arith.constant 0 : i32
        %dma_start3A_216 = tpu.memref_slice %arg9[%mul3A_210, %dma_start3A_215] : memref<128x64xf32, #tpu.memory_space<vmem>> -> memref<8x64xf32, #tpu.memory_space<vmem>>
        %dma_start3A_217 = arith.constant 0 : i32
        %dma_start3A_218 = tpu.memref_slice %arg4[%multiple_of3A, %dma_start3A_217] : memref<2600000x64xf32, #tpu.memory_space<hbm>> -> memref<8x64xf32, #tpu.memory_space<hbm>>
        tpu.enqueue_dma source(%dma_start3A_218 : memref<8x64xf32, #tpu.memory_space<hbm>>) target(%dma_start3A_216 : memref<8x64xf32, #tpu.memory_space<vmem>>) target_semaphore(%arg13 : memref<!tpu.dma_semaphore, #tpu.memory_space<semaphore_mem>>)
      }
      %scan3A_53 = arith.constant 4 : i32
      %scan3A_54 = arith.constant 0 : i32
      %scan3A_55 = arith.constant 0 : i32
      %scan3A_56 = arith.constant 4 : i32
      %scan3A_57 = arith.addi %scan3A_55, %scan3A_56 : i32
      %scan3A_58 = arith.constant 1 : i32
      scf.for %scan3A_136 = %scan3A_55 to %scan3A_57 step %scan3A_58  : i32 {
        %add3A_137 = arith.constant 8 : i32
        %add3A_138 = arith.addi %add3A_137, %scan3A_136 : i32
        %mul3A_139 = arith.constant 8 : i32
        %mul3A_140 = arith.muli %mul3A_31, %mul3A_139 : i32
        %broadcast_in_dim3A = vector.broadcast %mul3A_140 : i32 to vector<16xi32>
        %jit3A = arith.constant 26 : i32
        %div3A = arith.divsi %add3A_138, %jit3A : i32
        %sign3A = arith.constant 0 : i32
        %sign3A_141 = arith.cmpi sgt, %add3A_138, %sign3A : i32
        %sign3A_142 = arith.extui %sign3A_141 : i1 to i32
        %sign3A_143 = arith.constant 0 : i32
        %sign3A_144 = arith.cmpi slt, %add3A_138, %sign3A_143 : i32
        %sign3A_145 = arith.extui %sign3A_144 : i1 to i32
        %sign3A_146 = arith.subi %sign3A_142, %sign3A_145 : i32
        %sign3A_147 = arith.constant 0 : i32
        %sign3A_148 = arith.cmpi sgt, %jit3A, %sign3A_147 : i32
        %sign3A_149 = arith.extui %sign3A_148 : i1 to i32
        %sign3A_150 = arith.constant 0 : i32
        %sign3A_151 = arith.cmpi slt, %jit3A, %sign3A_150 : i32
        %sign3A_152 = arith.extui %sign3A_151 : i1 to i32
        %sign3A_153 = arith.subi %sign3A_149, %sign3A_152 : i32
        %ne3A = arith.cmpi ne, %sign3A_146, %sign3A_153 : i32
        %rem3A = arith.remsi %add3A_138, %jit3A : i32
        %ne3A_154 = arith.constant 0 : i32
        %ne3A_155 = arith.cmpi ne, %rem3A, %ne3A_154 : i32
        %and3A = arith.andi %ne3A, %ne3A_155 : i1
        %sub3A = arith.constant 1 : i32
        %sub3A_156 = arith.subi %div3A, %sub3A : i32
        %select_n3A = arith.select %and3A, %sub3A_156, %div3A : i32
        %add3A_157 = vector.broadcast %select_n3A : i32 to vector<16xi32>
        %add3A_158 = arith.addi %broadcast_in_dim3A, %add3A_157 : vector<16xi32>
        %jit3A_159 = arith.constant 26 : i32
        %eq3A = arith.constant 0 : i32
        %eq3A_160 = arith.cmpi eq, %jit3A_159, %eq3A : i32
        %jit3A_161 = arith.constant 1 : i32
        %select_n3A_162 = arith.select %eq3A_160, %jit3A_161, %jit3A_159 : i32
        %rem3A_163 = arith.remsi %add3A_138, %select_n3A_162 : i32
        %ne3A_164 = arith.constant 0 : i32
        %ne3A_165 = arith.cmpi ne, %rem3A_163, %ne3A_164 : i32
        %lt3A = arith.constant 0 : i32
        %lt3A_166 = arith.cmpi slt, %rem3A_163, %lt3A : i32
        %lt3A_167 = arith.constant 0 : i32
        %lt3A_168 = arith.cmpi slt, %select_n3A_162, %lt3A_167 : i32
        %ne3A_169 = arith.xori %lt3A_166, %lt3A_168 : i1
        %and3A_170 = arith.andi %ne3A_169, %ne3A_165 : i1
        %add3A_171 = arith.addi %rem3A_163, %select_n3A_162 : i32
        %select_n3A_172 = arith.select %and3A_170, %add3A_171, %rem3A_163 : i32
        %broadcast_in_dim3A_173 = vector.broadcast %select_n3A_172 : i32 to vector<16xi32>
        %gather3A = tpu.vector_load_idx %arg8[%add3A_158, %broadcast_in_dim3A_173] : memref<128x26xi32, #tpu.memory_space<vmem>>[vector<16xi32>, vector<16xi32>], vector<16xi32>,
        %reduce_max3A = arith.constant true
        %reduce_max3A_174 = vector.broadcast %reduce_max3A : i1 to vector<16xi1>
        %reduce_max3A_175 = arith.constant -2147483648 : i32
        %reduce_max3A_176 = vector.broadcast %reduce_max3A_175 : i32 to vector<16xi32>
        %reduce_max3A_177 = arith.xori %gather3A, %reduce_max3A_176 : vector<16xi32>
        %reduce_max3A_178 = tpu.scan <max>, %reduce_max3A_177 masked %reduce_max3A_174 : vector<16xi32>, vector<16xi1> -> vector<16xi32>
        %reduce_max3A_179 = arith.xori %reduce_max3A_178, %reduce_max3A_176 : vector<16xi32>
        %reduce_max3A_180 = vector.extract %reduce_max3A_179[15] : i32 from vector<16xi32>
        %jit3A_181 = arith.constant 8 : i32
        %div3A_182 = arith.divsi %reduce_max3A_180, %jit3A_181 : i32
        %sign3A_183 = arith.constant 0 : i32
        %sign3A_184 = arith.cmpi sgt, %reduce_max3A_180, %sign3A_183 : i32
        %sign3A_185 = arith.extui %sign3A_184 : i1 to i32
        %sign3A_186 = arith.constant 0 : i32
        %sign3A_187 = arith.cmpi slt, %reduce_max3A_180, %sign3A_186 : i32
        %sign3A_188 = arith.extui %sign3A_187 : i1 to i32
        %sign3A_189 = arith.subi %sign3A_185, %sign3A_188 : i32
        %sign3A_190 = arith.constant 0 : i32
        %sign3A_191 = arith.cmpi sgt, %jit3A_181, %sign3A_190 : i32
        %sign3A_192 = arith.extui %sign3A_191 : i1 to i32
        %sign3A_193 = arith.constant 0 : i32
        %sign3A_194 = arith.cmpi slt, %jit3A_181, %sign3A_193 : i32
        %sign3A_195 = arith.extui %sign3A_194 : i1 to i32
        %sign3A_196 = arith.subi %sign3A_192, %sign3A_195 : i32
        %ne3A_197 = arith.cmpi ne, %sign3A_189, %sign3A_196 : i32
        %rem3A_198 = arith.remsi %reduce_max3A_180, %jit3A_181 : i32
        %ne3A_199 = arith.constant 0 : i32
        %ne3A_200 = arith.cmpi ne, %rem3A_198, %ne3A_199 : i32
        %and3A_201 = arith.andi %ne3A_197, %ne3A_200 : i1
        %sub3A_202 = arith.constant 1 : i32
        %sub3A_203 = arith.subi %div3A_182, %sub3A_202 : i32
        %select_n3A_204 = arith.select %and3A_201, %sub3A_203, %div3A_182 : i32
        %mul3A_205 = arith.constant 8 : i32
        %mul3A_206 = arith.muli %select_n3A_204, %mul3A_205 : i32
        %multiple_of3A = tpu.assume_multiple %mul3A_206, 8 : i32
        %add3A_207 = arith.constant 8 : i32
        %add3A_208 = arith.addi %add3A_207, %scan3A_136 : i32
        %mul3A_209 = arith.constant 8 : i32
        %mul3A_210 = arith.muli %add3A_208, %mul3A_209 : i32
        %dma_start3A_211 = arith.constant 0 : i32
        %dma_start3A_212 = tpu.memref_slice %arg9[%mul3A_210, %dma_start3A_211] : memref<128x64xf32, #tpu.memory_space<vmem>> -> memref<8x64xf32, #tpu.memory_space<vmem>>
        %dma_start3A_213 = arith.constant 0 : i32
        %dma_start3A_214 = tpu.memref_slice %arg4[%multiple_of3A, %dma_start3A_213] : memref<2600000x64xf32, #tpu.memory_space<hbm>> -> memref<8x64xf32, #tpu.memory_space<hbm>>
        %dma_start3A_215 = arith.constant 0 : i32
        %dma_start3A_216 = tpu.memref_slice %arg9[%mul3A_210, %dma_start3A_215] : memref<128x64xf32, #tpu.memory_space<vmem>> -> memref<8x64xf32, #tpu.memory_space<vmem>>
        %dma_start3A_217 = arith.constant 0 : i32
        %dma_start3A_218 = tpu.memref_slice %arg4[%multiple_of3A, %dma_start3A_217] : memref<2600000x64xf32, #tpu.memory_space<hbm>> -> memref<8x64xf32, #tpu.memory_space<hbm>>
        tpu.enqueue_dma source(%dma_start3A_218 : memref<8x64xf32, #tpu.memory_space<hbm>>) target(%dma_start3A_216 : memref<8x64xf32, #tpu.memory_space<vmem>>) target_semaphore(%arg14 : memref<!tpu.dma_semaphore, #tpu.memory_space<semaphore_mem>>)
      }
      %scan3A_59 = arith.constant 4 : i32
      %scan3A_60 = arith.constant 0 : i32
      %scan3A_61 = arith.constant 0 : i32
      %scan3A_62 = arith.constant 4 : i32
      %scan3A_63 = arith.addi %scan3A_61, %scan3A_62 : i32
      %scan3A_64 = arith.constant 1 : i32
      scf.for %scan3A_136 = %scan3A_61 to %scan3A_63 step %scan3A_64  : i32 {
        %add3A_137 = arith.constant 12 : i32
        %add3A_138 = arith.addi %add3A_137, %scan3A_136 : i32
        %mul3A_139 = arith.constant 8 : i32
        %mul3A_140 = arith.muli %mul3A_31, %mul3A_139 : i32
        %broadcast_in_dim3A = vector.broadcast %mul3A_140 : i32 to vector<16xi32>
        %jit3A = arith.constant 26 : i32
        %div3A = arith.divsi %add3A_138, %jit3A : i32
        %sign3A = arith.constant 0 : i32
        %sign3A_141 = arith.cmpi sgt, %add3A_138, %sign3A : i32
        %sign3A_142 = arith.extui %sign3A_141 : i1 to i32
        %sign3A_143 = arith.constant 0 : i32
        %sign3A_144 = arith.cmpi slt, %add3A_138, %sign3A_143 : i32
        %sign3A_145 = arith.extui %sign3A_144 : i1 to i32
        %sign3A_146 = arith.subi %sign3A_142, %sign3A_145 : i32
        %sign3A_147 = arith.constant 0 : i32
        %sign3A_148 = arith.cmpi sgt, %jit3A, %sign3A_147 : i32
        %sign3A_149 = arith.extui %sign3A_148 : i1 to i32
        %sign3A_150 = arith.constant 0 : i32
        %sign3A_151 = arith.cmpi slt, %jit3A, %sign3A_150 : i32
        %sign3A_152 = arith.extui %sign3A_151 : i1 to i32
        %sign3A_153 = arith.subi %sign3A_149, %sign3A_152 : i32
        %ne3A = arith.cmpi ne, %sign3A_146, %sign3A_153 : i32
        %rem3A = arith.remsi %add3A_138, %jit3A : i32
        %ne3A_154 = arith.constant 0 : i32
        %ne3A_155 = arith.cmpi ne, %rem3A, %ne3A_154 : i32
        %and3A = arith.andi %ne3A, %ne3A_155 : i1
        %sub3A = arith.constant 1 : i32
        %sub3A_156 = arith.subi %div3A, %sub3A : i32
        %select_n3A = arith.select %and3A, %sub3A_156, %div3A : i32
        %add3A_157 = vector.broadcast %select_n3A : i32 to vector<16xi32>
        %add3A_158 = arith.addi %broadcast_in_dim3A, %add3A_157 : vector<16xi32>
        %jit3A_159 = arith.constant 26 : i32
        %eq3A = arith.constant 0 : i32
        %eq3A_160 = arith.cmpi eq, %jit3A_159, %eq3A : i32
        %jit3A_161 = arith.constant 1 : i32
        %select_n3A_162 = arith.select %eq3A_160, %jit3A_161, %jit3A_159 : i32
        %rem3A_163 = arith.remsi %add3A_138, %select_n3A_162 : i32
        %ne3A_164 = arith.constant 0 : i32
        %ne3A_165 = arith.cmpi ne, %rem3A_163, %ne3A_164 : i32
        %lt3A = arith.constant 0 : i32
        %lt3A_166 = arith.cmpi slt, %rem3A_163, %lt3A : i32
        %lt3A_167 = arith.constant 0 : i32
        %lt3A_168 = arith.cmpi slt, %select_n3A_162, %lt3A_167 : i32
        %ne3A_169 = arith.xori %lt3A_166, %lt3A_168 : i1
        %and3A_170 = arith.andi %ne3A_169, %ne3A_165 : i1
        %add3A_171 = arith.addi %rem3A_163, %select_n3A_162 : i32
        %select_n3A_172 = arith.select %and3A_170, %add3A_171, %rem3A_163 : i32
        %broadcast_in_dim3A_173 = vector.broadcast %select_n3A_172 : i32 to vector<16xi32>
        %gather3A = tpu.vector_load_idx %arg8[%add3A_158, %broadcast_in_dim3A_173] : memref<128x26xi32, #tpu.memory_space<vmem>>[vector<16xi32>, vector<16xi32>], vector<16xi32>,
        %reduce_max3A = arith.constant true
        %reduce_max3A_174 = vector.broadcast %reduce_max3A : i1 to vector<16xi1>
        %reduce_max3A_175 = arith.constant -2147483648 : i32
        %reduce_max3A_176 = vector.broadcast %reduce_max3A_175 : i32 to vector<16xi32>
        %reduce_max3A_177 = arith.xori %gather3A, %reduce_max3A_176 : vector<16xi32>
        %reduce_max3A_178 = tpu.scan <max>, %reduce_max3A_177 masked %reduce_max3A_174 : vector<16xi32>, vector<16xi1> -> vector<16xi32>
        %reduce_max3A_179 = arith.xori %reduce_max3A_178, %reduce_max3A_176 : vector<16xi32>
        %reduce_max3A_180 = vector.extract %reduce_max3A_179[15] : i32 from vector<16xi32>
        %jit3A_181 = arith.constant 8 : i32
        %div3A_182 = arith.divsi %reduce_max3A_180, %jit3A_181 : i32
        %sign3A_183 = arith.constant 0 : i32
        %sign3A_184 = arith.cmpi sgt, %reduce_max3A_180, %sign3A_183 : i32
        %sign3A_185 = arith.extui %sign3A_184 : i1 to i32
        %sign3A_186 = arith.constant 0 : i32
        %sign3A_187 = arith.cmpi slt, %reduce_max3A_180, %sign3A_186 : i32
        %sign3A_188 = arith.extui %sign3A_187 : i1 to i32
        %sign3A_189 = arith.subi %sign3A_185, %sign3A_188 : i32
        %sign3A_190 = arith.constant 0 : i32
        %sign3A_191 = arith.cmpi sgt, %jit3A_181, %sign3A_190 : i32
        %sign3A_192 = arith.extui %sign3A_191 : i1 to i32
        %sign3A_193 = arith.constant 0 : i32
        %sign3A_194 = arith.cmpi slt, %jit3A_181, %sign3A_193 : i32
        %sign3A_195 = arith.extui %sign3A_194 : i1 to i32
        %sign3A_196 = arith.subi %sign3A_192, %sign3A_195 : i32
        %ne3A_197 = arith.cmpi ne, %sign3A_189, %sign3A_196 : i32
        %rem3A_198 = arith.remsi %reduce_max3A_180, %jit3A_181 : i32
        %ne3A_199 = arith.constant 0 : i32
        %ne3A_200 = arith.cmpi ne, %rem3A_198, %ne3A_199 : i32
        %and3A_201 = arith.andi %ne3A_197, %ne3A_200 : i1
        %sub3A_202 = arith.constant 1 : i32
        %sub3A_203 = arith.subi %div3A_182, %sub3A_202 : i32
        %select_n3A_204 = arith.select %and3A_201, %sub3A_203, %div3A_182 : i32
        %mul3A_205 = arith.constant 8 : i32
        %mul3A_206 = arith.muli %select_n3A_204, %mul3A_205 : i32
        %multiple_of3A = tpu.assume_multiple %mul3A_206, 8 : i32
        %add3A_207 = arith.constant 12 : i32
        %add3A_208 = arith.addi %add3A_207, %scan3A_136 : i32
        %mul3A_209 = arith.constant 8 : i32
        %mul3A_210 = arith.muli %add3A_208, %mul3A_209 : i32
        %dma_start3A_211 = arith.constant 0 : i32
        %dma_start3A_212 = tpu.memref_slice %arg9[%mul3A_210, %dma_start3A_211] : memref<128x64xf32, #tpu.memory_space<vmem>> -> memref<8x64xf32, #tpu.memory_space<vmem>>
        %dma_start3A_213 = arith.constant 0 : i32
        %dma_start3A_214 = tpu.memref_slice %arg4[%multiple_of3A, %dma_start3A_213] : memref<2600000x64xf32, #tpu.memory_space<hbm>> -> memref<8x64xf32, #tpu.memory_space<hbm>>
        %dma_start3A_215 = arith.constant 0 : i32
        %dma_start3A_216 = tpu.memref_slice %arg9[%mul3A_210, %dma_start3A_215] : memref<128x64xf32, #tpu.memory_space<vmem>> -> memref<8x64xf32, #tpu.memory_space<vmem>>
        %dma_start3A_217 = arith.constant 0 : i32
        %dma_start3A_218 = tpu.memref_slice %arg4[%multiple_of3A, %dma_start3A_217] : memref<2600000x64xf32, #tpu.memory_space<hbm>> -> memref<8x64xf32, #tpu.memory_space<hbm>>
        tpu.enqueue_dma source(%dma_start3A_218 : memref<8x64xf32, #tpu.memory_space<hbm>>) target(%dma_start3A_216 : memref<8x64xf32, #tpu.memory_space<vmem>>) target_semaphore(%arg15 : memref<!tpu.dma_semaphore, #tpu.memory_space<semaphore_mem>>)
      }
      %scan3A_65 = arith.constant 4 : i32
      %scan3A_66 = arith.constant 0 : i32
      %scan3A_67 = arith.constant 0 : i32
      %scan3A_68 = arith.constant 13 : i32
      %scan3A_69 = arith.addi %scan3A_67, %scan3A_68 : i32
      %scan3A_70 = arith.constant 1 : i32
      scf.for %scan3A_136 = %scan3A_67 to %scan3A_69 step %scan3A_70  : i32 {
        %mul3A_137 = arith.constant 4 : i32
        %mul3A_138 = arith.muli %mul3A_137, %scan3A_136 : i32
        %add3A_139 = arith.constant 0 : i32
        %add3A_140 = arith.addi %mul3A_138, %add3A_139 : i32
        %scan3A_141 = arith.constant 0 : i32
        %scan3A_142 = arith.constant 0 : i32
        %scan3A_143 = arith.constant 4 : i32
        %scan3A_144 = arith.addi %scan3A_142, %scan3A_143 : i32
        %scan3A_145 = arith.constant 1 : i32
        scf.for %scan3A_228 = %scan3A_142 to %scan3A_144 step %scan3A_145  : i32 {
          %add3A_229 = arith.constant 0 : i32
          %add3A_230 = arith.addi %add3A_229, %scan3A_228 : i32
          %mul3A_231 = arith.constant 8 : i32
          %mul3A_232 = arith.muli %add3A_230, %mul3A_231 : i32
          %dma_wait3A_233 = arith.constant 0 : i32
          %dma_wait3A_234 = tpu.memref_slice %arg9[%mul3A_232, %dma_wait3A_233] : memref<128x64xf32, #tpu.memory_space<vmem>> -> memref<8x64xf32, #tpu.memory_space<vmem>>
          %dma_wait3A_235 = arith.constant 0 : i32
          %dma_wait3A_236 = arith.constant 0 : i32
          %dma_wait3A_237 = tpu.memref_slice %arg4[%dma_wait3A_235, %dma_wait3A_236] : memref<2600000x64xf32, #tpu.memory_space<hbm>> -> memref<8x64xf32, #tpu.memory_space<hbm>>
          %dma_wait3A_238 = arith.constant 0 : i32
          %dma_wait3A_239 = tpu.memref_slice %arg9[%mul3A_232, %dma_wait3A_238] : memref<128x64xf32, #tpu.memory_space<vmem>> -> memref<8x64xf32, #tpu.memory_space<vmem>>
          %dma_wait3A_240 = arith.constant 0 : i32
          %dma_wait3A_241 = arith.constant 0 : i32
          %dma_wait3A_242 = tpu.memref_slice %arg4[%dma_wait3A_240, %dma_wait3A_241] : memref<2600000x64xf32, #tpu.memory_space<hbm>> -> memref<8x64xf32, #tpu.memory_space<hbm>>
          tpu.wait_dma2 semaphore(%arg12 : memref<!tpu.dma_semaphore, #tpu.memory_space<semaphore_mem>>) src(%dma_wait3A_242 : memref<8x64xf32, #tpu.memory_space<hbm>>) dst(%dma_wait3A_239 : memref<8x64xf32, #tpu.memory_space<vmem>>)
        }
        %scan3A_146 = arith.constant 4 : i32
        %scan3A_147 = arith.constant 0 : i32
        %scan3A_148 = arith.constant 0 : i32
        %scan3A_149 = arith.constant 4 : i32
        %scan3A_150 = arith.addi %scan3A_148, %scan3A_149 : i32
        %scan3A_151 = arith.constant 1 : i32
        scf.for %scan3A_228 = %scan3A_148 to %scan3A_150 step %scan3A_151  : i32 {
          %mul3A_229 = arith.constant 4 : i32
          %mul3A_230 = arith.muli %add3A_140, %mul3A_229 : i32
          %add3A_231 = arith.addi %mul3A_230, %scan3A_228 : i32
          %mul3A_232 = arith.constant 8 : i32
          %mul3A_233 = arith.muli %mul3A_31, %mul3A_232 : i32
          %broadcast_in_dim3A = vector.broadcast %mul3A_233 : i32 to vector<16xi32>
          %jit3A = arith.constant 26 : i32
          %div3A = arith.divsi %add3A_231, %jit3A : i32
          %sign3A = arith.constant 0 : i32
          %sign3A_234 = arith.cmpi sgt, %add3A_231, %sign3A : i32
          %sign3A_235 = arith.extui %sign3A_234 : i1 to i32
          %sign3A_236 = arith.constant 0 : i32
          %sign3A_237 = arith.cmpi slt, %add3A_231, %sign3A_236 : i32
          %sign3A_238 = arith.extui %sign3A_237 : i1 to i32
          %sign3A_239 = arith.subi %sign3A_235, %sign3A_238 : i32
          %sign3A_240 = arith.constant 0 : i32
          %sign3A_241 = arith.cmpi sgt, %jit3A, %sign3A_240 : i32
          %sign3A_242 = arith.extui %sign3A_241 : i1 to i32
          %sign3A_243 = arith.constant 0 : i32
          %sign3A_244 = arith.cmpi slt, %jit3A, %sign3A_243 : i32
          %sign3A_245 = arith.extui %sign3A_244 : i1 to i32
          %sign3A_246 = arith.subi %sign3A_242, %sign3A_245 : i32
          %ne3A = arith.cmpi ne, %sign3A_239, %sign3A_246 : i32
          %rem3A = arith.remsi %add3A_231, %jit3A : i32
          %ne3A_247 = arith.constant 0 : i32
          %ne3A_248 = arith.cmpi ne, %rem3A, %ne3A_247 : i32
          %and3A = arith.andi %ne3A, %ne3A_248 : i1
          %sub3A = arith.constant 1 : i32
          %sub3A_249 = arith.subi %div3A, %sub3A : i32
          %select_n3A = arith.select %and3A, %sub3A_249, %div3A : i32
          %add3A_250 = vector.broadcast %select_n3A : i32 to vector<16xi32>
          %add3A_251 = arith.addi %broadcast_in_dim3A, %add3A_250 : vector<16xi32>
          %jit3A_252 = arith.constant 26 : i32
          %eq3A = arith.constant 0 : i32
          %eq3A_253 = arith.cmpi eq, %jit3A_252, %eq3A : i32
          %jit3A_254 = arith.constant 1 : i32
          %select_n3A_255 = arith.select %eq3A_253, %jit3A_254, %jit3A_252 : i32
          %rem3A_256 = arith.remsi %add3A_231, %select_n3A_255 : i32
          %ne3A_257 = arith.constant 0 : i32
          %ne3A_258 = arith.cmpi ne, %rem3A_256, %ne3A_257 : i32
          %lt3A_259 = arith.constant 0 : i32
          %lt3A_260 = arith.cmpi slt, %rem3A_256, %lt3A_259 : i32
          %lt3A_261 = arith.constant 0 : i32
          %lt3A_262 = arith.cmpi slt, %select_n3A_255, %lt3A_261 : i32
          %ne3A_263 = arith.xori %lt3A_260, %lt3A_262 : i1
          %and3A_264 = arith.andi %ne3A_263, %ne3A_258 : i1
          %add3A_265 = arith.addi %rem3A_256, %select_n3A_255 : i32
          %select_n3A_266 = arith.select %and3A_264, %add3A_265, %rem3A_256 : i32
          %broadcast_in_dim3A_267 = vector.broadcast %select_n3A_266 : i32 to vector<16xi32>
          %gather3A = tpu.vector_load_idx %arg8[%add3A_251, %broadcast_in_dim3A_267] : memref<128x26xi32, #tpu.memory_space<vmem>>[vector<16xi32>, vector<16xi32>], vector<16xi32>,
          %add3A_268 = arith.constant 0 : i32
          %add3A_269 = arith.addi %add3A_268, %scan3A_228 : i32
          %mul3A_270 = arith.constant 8 : i32
          %mul3A_271 = arith.muli %add3A_269, %mul3A_270 : i32
          %broadcast_in_dim3A_272 = vector.broadcast %mul3A_271 : i32 to vector<16xi32>
          %jit3A_273 = arith.constant 8 : i32
          %eq3A_274 = arith.constant 0 : i32
          %eq3A_275 = arith.cmpi eq, %jit3A_273, %eq3A_274 : i32
          %jit3A_276 = arith.constant 1 : i32
          %select_n3A_277 = arith.select %eq3A_275, %jit3A_276, %jit3A_273 : i32
          %rem3A_278 = vector.broadcast %select_n3A_277 : i32 to vector<16xi32>
          %rem3A_279 = arith.remsi %gather3A, %rem3A_278 : vector<16xi32>
          %ne3A_280 = arith.constant 0 : i32
          %ne3A_281 = vector.broadcast %ne3A_280 : i32 to vector<16xi32>
          %ne3A_282 = arith.cmpi ne, %rem3A_279, %ne3A_281 : vector<16xi32>
          %lt3A_283 = arith.constant 0 : i32
          %lt3A_284 = vector.broadcast %lt3A_283 : i32 to vector<16xi32>
          %lt3A_285 = arith.cmpi slt, %rem3A_279, %lt3A_284 : vector<16xi32>
          %lt3A_286 = arith.constant 0 : i32
          %lt3A_287 = arith.cmpi slt, %select_n3A_277, %lt3A_286 : i32
          %ne3A_288 = vector.broadcast %lt3A_287 : i1 to vector<16xi1>
          %ne3A_289 = vector.broadcast %ne3A_288 : vector<16xi1> to vector<16xi1>
          %ne3A_290 = arith.xori %lt3A_285, %ne3A_289 : vector<16xi1>
          %and3A_291 = arith.andi %ne3A_290, %ne3A_282 : vector<16xi1>
          %add3A_292 = vector.broadcast %select_n3A_277 : i32 to vector<16xi32>
          %add3A_293 = arith.addi %rem3A_279, %add3A_292 : vector<16xi32>
          %select_n3A_294 = arith.select %and3A_291, %add3A_293, %rem3A_279 : vector<16xi1>, vector<16xi32>
          %add3A_295 = arith.addi %broadcast_in_dim3A_272, %select_n3A_294 : vector<16xi32>
          %broadcast_in_dim3A_296 = arith.constant 13 : i32
          %broadcast_in_dim3A_297 = vector.broadcast %broadcast_in_dim3A_296 : i32 to vector<16xi32>
          %jit3A_298 = arith.constant 26 : i32
          %div3A_299 = arith.divsi %add3A_231, %jit3A_298 : i32
          %sign3A_300 = arith.constant 0 : i32
          %sign3A_301 = arith.cmpi sgt, %add3A_231, %sign3A_300 : i32
          %sign3A_302 = arith.extui %sign3A_301 : i1 to i32
          %sign3A_303 = arith.constant 0 : i32
          %sign3A_304 = arith.cmpi slt, %add3A_231, %sign3A_303 : i32
          %sign3A_305 = arith.extui %sign3A_304 : i1 to i32
          %sign3A_306 = arith.subi %sign3A_302, %sign3A_305 : i32
          %sign3A_307 = arith.constant 0 : i32
          %sign3A_308 = arith.cmpi sgt, %jit3A_298, %sign3A_307 : i32
          %sign3A_309 = arith.extui %sign3A_308 : i1 to i32
          %sign3A_310 = arith.constant 0 : i32
          %sign3A_311 = arith.cmpi slt, %jit3A_298, %sign3A_310 : i32
          %sign3A_312 = arith.extui %sign3A_311 : i1 to i32
          %sign3A_313 = arith.subi %sign3A_309, %sign3A_312 : i32
          %ne3A_314 = arith.cmpi ne, %sign3A_306, %sign3A_313 : i32
          %rem3A_315 = arith.remsi %add3A_231, %jit3A_298 : i32
          %ne3A_316 = arith.constant 0 : i32
          %ne3A_317 = arith.cmpi ne, %rem3A_315, %ne3A_316 : i32
          %and3A_318 = arith.andi %ne3A_314, %ne3A_317 : i1
          %sub3A_319 = arith.constant 1 : i32
          %sub3A_320 = arith.subi %div3A_299, %sub3A_319 : i32
          %select_n3A_321 = arith.select %and3A_318, %sub3A_320, %div3A_299 : i32
          %mul3A_322 = arith.constant 39 : i32
          %mul3A_323 = arith.muli %select_n3A_321, %mul3A_322 : i32
          %add3A_324 = vector.broadcast %mul3A_323 : i32 to vector<16xi32>
          %add3A_325 = arith.addi %broadcast_in_dim3A_297, %add3A_324 : vector<16xi32>
          %jit3A_326 = arith.constant 26 : i32
          %eq3A_327 = arith.constant 0 : i32
          %eq3A_328 = arith.cmpi eq, %jit3A_326, %eq3A_327 : i32
          %jit3A_329 = arith.constant 1 : i32
          %select_n3A_330 = arith.select %eq3A_328, %jit3A_329, %jit3A_326 : i32
          %rem3A_331 = arith.remsi %add3A_231, %select_n3A_330 : i32
          %ne3A_332 = arith.constant 0 : i32
          %ne3A_333 = arith.cmpi ne, %rem3A_331, %ne3A_332 : i32
          %lt3A_334 = arith.constant 0 : i32
          %lt3A_335 = arith.cmpi slt, %rem3A_331, %lt3A_334 : i32
          %lt3A_336 = arith.constant 0 : i32
          %lt3A_337 = arith.cmpi slt, %select_n3A_330, %lt3A_336 : i32
          %ne3A_338 = arith.xori %lt3A_335, %lt3A_337 : i1
          %and3A_339 = arith.andi %ne3A_338, %ne3A_333 : i1
          %add3A_340 = arith.addi %rem3A_331, %select_n3A_330 : i32
          %select_n3A_341 = arith.select %and3A_339, %add3A_340, %rem3A_331 : i32
          %add3A_342 = vector.broadcast %select_n3A_341 : i32 to vector<16xi32>
          %add3A_343 = arith.addi %add3A_325, %add3A_342 : vector<16xi32>
          %iota3A = tpu.iota {dimensions = array<i32: 0>} : vector<16xi32>
          %add3A_344 = arith.constant 0 : i32
          %add3A_345 = vector.broadcast %add3A_344 : i32 to vector<16xi32>
          %add3A_346 = arith.addi %iota3A, %add3A_345 : vector<16xi32>
          %gather3A_347 = tpu.vector_load_idx %arg9[%add3A_295, %add3A_346] : memref<128x64xf32, #tpu.memory_space<vmem>>[vector<16xi32>, vector<16xi32>], vector<16xf32>,
          tpu.vector_store_idx %arg10[%add3A_343, %add3A_346], %gather3A_347 : memref<312x64xf32, #tpu.memory_space<vmem>>[vector<16xi32>, vector<16xi32>], vector<16xf32>,
          %iota3A_348 = tpu.iota {dimensions = array<i32: 0>} : vector<16xi32>
          %add3A_349 = arith.constant 16 : i32
          %add3A_350 = vector.broadcast %add3A_349 : i32 to vector<16xi32>
          %add3A_351 = arith.addi %iota3A_348, %add3A_350 : vector<16xi32>
          %gather3A_352 = tpu.vector_load_idx %arg9[%add3A_295, %add3A_351] : memref<128x64xf32, #tpu.memory_space<vmem>>[vector<16xi32>, vector<16xi32>], vector<16xf32>,
          tpu.vector_store_idx %arg10[%add3A_343, %add3A_351], %gather3A_352 : memref<312x64xf32, #tpu.memory_space<vmem>>[vector<16xi32>, vector<16xi32>], vector<16xf32>,
          %iota3A_353 = tpu.iota {dimensions = array<i32: 0>} : vector<16xi32>
          %add3A_354 = arith.constant 32 : i32
          %add3A_355 = vector.broadcast %add3A_354 : i32 to vector<16xi32>
          %add3A_356 = arith.addi %iota3A_353, %add3A_355 : vector<16xi32>
          %gather3A_357 = tpu.vector_load_idx %arg9[%add3A_295, %add3A_356] : memref<128x64xf32, #tpu.memory_space<vmem>>[vector<16xi32>, vector<16xi32>], vector<16xf32>,
          tpu.vector_store_idx %arg10[%add3A_343, %add3A_356], %gather3A_357 : memref<312x64xf32, #tpu.memory_space<vmem>>[vector<16xi32>, vector<16xi32>], vector<16xf32>,
          %iota3A_358 = tpu.iota {dimensions = array<i32: 0>} : vector<16xi32>
          %add3A_359 = arith.constant 48 : i32
          %add3A_360 = vector.broadcast %add3A_359 : i32 to vector<16xi32>
          %add3A_361 = arith.addi %iota3A_358, %add3A_360 : vector<16xi32>
          %gather3A_362 = tpu.vector_load_idx %arg9[%add3A_295, %add3A_361] : memref<128x64xf32, #tpu.memory_space<vmem>>[vector<16xi32>, vector<16xi32>], vector<16xf32>,
          tpu.vector_store_idx %arg10[%add3A_343, %add3A_361], %gather3A_362 : memref<312x64xf32, #tpu.memory_space<vmem>>[vector<16xi32>, vector<16xi32>], vector<16xf32>,
        }
        %scan3A_152 = arith.constant 4 : i32
        %add3A_153 = arith.constant 4 : i32
        %add3A_154 = arith.addi %add3A_140, %add3A_153 : i32
        %lt3A = arith.constant 52 : i32
        %lt3A_155 = arith.cmpi slt, %add3A_154, %lt3A : i32
        %convert_element_type3A_156 = arith.extui %lt3A_155 : i1 to i32
        %cond3A_157 = arith.constant 0 : i32
        %cond3A_158 = arith.cmpi ne, %convert_element_type3A_156, %cond3A_157 : i32
        scf.if %cond3A_158 {
          %add3A_228 = arith.constant 4 : i32
          %add3A_229 = arith.addi %add3A_140, %add3A_228 : i32
          %scan3A_230 = arith.constant 0 : i32
          %scan3A_231 = arith.constant 0 : i32
          %scan3A_232 = arith.constant 4 : i32
          %scan3A_233 = arith.addi %scan3A_231, %scan3A_232 : i32
          %scan3A_234 = arith.constant 1 : i32
          scf.for %scan3A_236 = %scan3A_231 to %scan3A_233 step %scan3A_234  : i32 {
            %mul3A_237 = arith.constant 4 : i32
            %mul3A_238 = arith.muli %add3A_229, %mul3A_237 : i32
            %add3A_239 = arith.addi %mul3A_238, %scan3A_236 : i32
            %mul3A_240 = arith.constant 8 : i32
            %mul3A_241 = arith.muli %mul3A_31, %mul3A_240 : i32
            %broadcast_in_dim3A = vector.broadcast %mul3A_241 : i32 to vector<16xi32>
            %jit3A = arith.constant 26 : i32
            %div3A = arith.divsi %add3A_239, %jit3A : i32
            %sign3A = arith.constant 0 : i32
            %sign3A_242 = arith.cmpi sgt, %add3A_239, %sign3A : i32
            %sign3A_243 = arith.extui %sign3A_242 : i1 to i32
            %sign3A_244 = arith.constant 0 : i32
            %sign3A_245 = arith.cmpi slt, %add3A_239, %sign3A_244 : i32
            %sign3A_246 = arith.extui %sign3A_245 : i1 to i32
            %sign3A_247 = arith.subi %sign3A_243, %sign3A_246 : i32
            %sign3A_248 = arith.constant 0 : i32
            %sign3A_249 = arith.cmpi sgt, %jit3A, %sign3A_248 : i32
            %sign3A_250 = arith.extui %sign3A_249 : i1 to i32
            %sign3A_251 = arith.constant 0 : i32
            %sign3A_252 = arith.cmpi slt, %jit3A, %sign3A_251 : i32
            %sign3A_253 = arith.extui %sign3A_252 : i1 to i32
            %sign3A_254 = arith.subi %sign3A_250, %sign3A_253 : i32
            %ne3A = arith.cmpi ne, %sign3A_247, %sign3A_254 : i32
            %rem3A = arith.remsi %add3A_239, %jit3A : i32
            %ne3A_255 = arith.constant 0 : i32
            %ne3A_256 = arith.cmpi ne, %rem3A, %ne3A_255 : i32
            %and3A = arith.andi %ne3A, %ne3A_256 : i1
            %sub3A = arith.constant 1 : i32
            %sub3A_257 = arith.subi %div3A, %sub3A : i32
            %select_n3A = arith.select %and3A, %sub3A_257, %div3A : i32
            %add3A_258 = vector.broadcast %select_n3A : i32 to vector<16xi32>
            %add3A_259 = arith.addi %broadcast_in_dim3A, %add3A_258 : vector<16xi32>
            %jit3A_260 = arith.constant 26 : i32
            %eq3A = arith.constant 0 : i32
            %eq3A_261 = arith.cmpi eq, %jit3A_260, %eq3A : i32
            %jit3A_262 = arith.constant 1 : i32
            %select_n3A_263 = arith.select %eq3A_261, %jit3A_262, %jit3A_260 : i32
            %rem3A_264 = arith.remsi %add3A_239, %select_n3A_263 : i32
            %ne3A_265 = arith.constant 0 : i32
            %ne3A_266 = arith.cmpi ne, %rem3A_264, %ne3A_265 : i32
            %lt3A_267 = arith.constant 0 : i32
            %lt3A_268 = arith.cmpi slt, %rem3A_264, %lt3A_267 : i32
            %lt3A_269 = arith.constant 0 : i32
            %lt3A_270 = arith.cmpi slt, %select_n3A_263, %lt3A_269 : i32
            %ne3A_271 = arith.xori %lt3A_268, %lt3A_270 : i1
            %and3A_272 = arith.andi %ne3A_271, %ne3A_266 : i1
            %add3A_273 = arith.addi %rem3A_264, %select_n3A_263 : i32
            %select_n3A_274 = arith.select %and3A_272, %add3A_273, %rem3A_264 : i32
            %broadcast_in_dim3A_275 = vector.broadcast %select_n3A_274 : i32 to vector<16xi32>
            %gather3A = tpu.vector_load_idx %arg8[%add3A_259, %broadcast_in_dim3A_275] : memref<128x26xi32, #tpu.memory_space<vmem>>[vector<16xi32>, vector<16xi32>], vector<16xi32>,
            %reduce_max3A = arith.constant true
            %reduce_max3A_276 = vector.broadcast %reduce_max3A : i1 to vector<16xi1>
            %reduce_max3A_277 = arith.constant -2147483648 : i32
            %reduce_max3A_278 = vector.broadcast %reduce_max3A_277 : i32 to vector<16xi32>
            %reduce_max3A_279 = arith.xori %gather3A, %reduce_max3A_278 : vector<16xi32>
            %reduce_max3A_280 = tpu.scan <max>, %reduce_max3A_279 masked %reduce_max3A_276 : vector<16xi32>, vector<16xi1> -> vector<16xi32>
            %reduce_max3A_281 = arith.xori %reduce_max3A_280, %reduce_max3A_278 : vector<16xi32>
            %reduce_max3A_282 = vector.extract %reduce_max3A_281[15] : i32 from vector<16xi32>
            %jit3A_283 = arith.constant 8 : i32
            %div3A_284 = arith.divsi %reduce_max3A_282, %jit3A_283 : i32
            %sign3A_285 = arith.constant 0 : i32
            %sign3A_286 = arith.cmpi sgt, %reduce_max3A_282, %sign3A_285 : i32
            %sign3A_287 = arith.extui %sign3A_286 : i1 to i32
            %sign3A_288 = arith.constant 0 : i32
            %sign3A_289 = arith.cmpi slt, %reduce_max3A_282, %sign3A_288 : i32
            %sign3A_290 = arith.extui %sign3A_289 : i1 to i32
            %sign3A_291 = arith.subi %sign3A_287, %sign3A_290 : i32
            %sign3A_292 = arith.constant 0 : i32
            %sign3A_293 = arith.cmpi sgt, %jit3A_283, %sign3A_292 : i32
            %sign3A_294 = arith.extui %sign3A_293 : i1 to i32
            %sign3A_295 = arith.constant 0 : i32
            %sign3A_296 = arith.cmpi slt, %jit3A_283, %sign3A_295 : i32
            %sign3A_297 = arith.extui %sign3A_296 : i1 to i32
            %sign3A_298 = arith.subi %sign3A_294, %sign3A_297 : i32
            %ne3A_299 = arith.cmpi ne, %sign3A_291, %sign3A_298 : i32
            %rem3A_300 = arith.remsi %reduce_max3A_282, %jit3A_283 : i32
            %ne3A_301 = arith.constant 0 : i32
            %ne3A_302 = arith.cmpi ne, %rem3A_300, %ne3A_301 : i32
            %and3A_303 = arith.andi %ne3A_299, %ne3A_302 : i1
            %sub3A_304 = arith.constant 1 : i32
            %sub3A_305 = arith.subi %div3A_284, %sub3A_304 : i32
            %select_n3A_306 = arith.select %and3A_303, %sub3A_305, %div3A_284 : i32
            %mul3A_307 = arith.constant 8 : i32
            %mul3A_308 = arith.muli %select_n3A_306, %mul3A_307 : i32
            %multiple_of3A = tpu.assume_multiple %mul3A_308, 8 : i32
            %add3A_309 = arith.constant 0 : i32
            %add3A_310 = arith.addi %add3A_309, %scan3A_236 : i32
            %mul3A_311 = arith.constant 8 : i32
            %mul3A_312 = arith.muli %add3A_310, %mul3A_311 : i32
            %dma_start3A_313 = arith.constant 0 : i32
            %dma_start3A_314 = tpu.memref_slice %arg9[%mul3A_312, %dma_start3A_313] : memref<128x64xf32, #tpu.memory_space<vmem>> -> memref<8x64xf32, #tpu.memory_space<vmem>>
            %dma_start3A_315 = arith.constant 0 : i32
            %dma_start3A_316 = tpu.memref_slice %arg4[%multiple_of3A, %dma_start3A_315] : memref<2600000x64xf32, #tpu.memory_space<hbm>> -> memref<8x64xf32, #tpu.memory_space<hbm>>
            %dma_start3A_317 = arith.constant 0 : i32
            %dma_start3A_318 = tpu.memref_slice %arg9[%mul3A_312, %dma_start3A_317] : memref<128x64xf32, #tpu.memory_space<vmem>> -> memref<8x64xf32, #tpu.memory_space<vmem>>
            %dma_start3A_319 = arith.constant 0 : i32
            %dma_start3A_320 = tpu.memref_slice %arg4[%multiple_of3A, %dma_start3A_319] : memref<2600000x64xf32, #tpu.memory_space<hbm>> -> memref<8x64xf32, #tpu.memory_space<hbm>>
            tpu.enqueue_dma source(%dma_start3A_320 : memref<8x64xf32, #tpu.memory_space<hbm>>) target(%dma_start3A_318 : memref<8x64xf32, #tpu.memory_space<vmem>>) target_semaphore(%arg12 : memref<!tpu.dma_semaphore, #tpu.memory_space<semaphore_mem>>)
          }
          %scan3A_235 = arith.constant 4 : i32
        } else {
        }
        %mul3A_159 = arith.constant 4 : i32
        %mul3A_160 = arith.muli %mul3A_159, %scan3A_136 : i32
        %add3A_161 = arith.constant 1 : i32
        %add3A_162 = arith.addi %mul3A_160, %add3A_161 : i32
        %scan3A_163 = arith.constant 0 : i32
        %scan3A_164 = arith.constant 0 : i32
        %scan3A_165 = arith.constant 4 : i32
        %scan3A_166 = arith.addi %scan3A_164, %scan3A_165 : i32
        %scan3A_167 = arith.constant 1 : i32
        scf.for %scan3A_228 = %scan3A_164 to %scan3A_166 step %scan3A_167  : i32 {
          %add3A_229 = arith.constant 4 : i32
          %add3A_230 = arith.addi %add3A_229, %scan3A_228 : i32
          %mul3A_231 = arith.constant 8 : i32
          %mul3A_232 = arith.muli %add3A_230, %mul3A_231 : i32
          %dma_wait3A_233 = arith.constant 0 : i32
          %dma_wait3A_234 = tpu.memref_slice %arg9[%mul3A_232, %dma_wait3A_233] : memref<128x64xf32, #tpu.memory_space<vmem>> -> memref<8x64xf32, #tpu.memory_space<vmem>>
          %dma_wait3A_235 = arith.constant 0 : i32
          %dma_wait3A_236 = arith.constant 0 : i32
          %dma_wait3A_237 = tpu.memref_slice %arg4[%dma_wait3A_235, %dma_wait3A_236] : memref<2600000x64xf32, #tpu.memory_space<hbm>> -> memref<8x64xf32, #tpu.memory_space<hbm>>
          %dma_wait3A_238 = arith.constant 0 : i32
          %dma_wait3A_239 = tpu.memref_slice %arg9[%mul3A_232, %dma_wait3A_238] : memref<128x64xf32, #tpu.memory_space<vmem>> -> memref<8x64xf32, #tpu.memory_space<vmem>>
          %dma_wait3A_240 = arith.constant 0 : i32
          %dma_wait3A_241 = arith.constant 0 : i32
          %dma_wait3A_242 = tpu.memref_slice %arg4[%dma_wait3A_240, %dma_wait3A_241] : memref<2600000x64xf32, #tpu.memory_space<hbm>> -> memref<8x64xf32, #tpu.memory_space<hbm>>
          tpu.wait_dma2 semaphore(%arg13 : memref<!tpu.dma_semaphore, #tpu.memory_space<semaphore_mem>>) src(%dma_wait3A_242 : memref<8x64xf32, #tpu.memory_space<hbm>>) dst(%dma_wait3A_239 : memref<8x64xf32, #tpu.memory_space<vmem>>)
        }
        %scan3A_168 = arith.constant 4 : i32
        %scan3A_169 = arith.constant 0 : i32
        %scan3A_170 = arith.constant 0 : i32
        %scan3A_171 = arith.constant 4 : i32
        %scan3A_172 = arith.addi %scan3A_170, %scan3A_171 : i32
        %scan3A_173 = arith.constant 1 : i32
        scf.for %scan3A_228 = %scan3A_170 to %scan3A_172 step %scan3A_173  : i32 {
          %mul3A_229 = arith.constant 4 : i32
          %mul3A_230 = arith.muli %add3A_162, %mul3A_229 : i32
          %add3A_231 = arith.addi %mul3A_230, %scan3A_228 : i32
          %mul3A_232 = arith.constant 8 : i32
          %mul3A_233 = arith.muli %mul3A_31, %mul3A_232 : i32
          %broadcast_in_dim3A = vector.broadcast %mul3A_233 : i32 to vector<16xi32>
          %jit3A = arith.constant 26 : i32
          %div3A = arith.divsi %add3A_231, %jit3A : i32
          %sign3A = arith.constant 0 : i32
          %sign3A_234 = arith.cmpi sgt, %add3A_231, %sign3A : i32
          %sign3A_235 = arith.extui %sign3A_234 : i1 to i32
          %sign3A_236 = arith.constant 0 : i32
          %sign3A_237 = arith.cmpi slt, %add3A_231, %sign3A_236 : i32
          %sign3A_238 = arith.extui %sign3A_237 : i1 to i32
          %sign3A_239 = arith.subi %sign3A_235, %sign3A_238 : i32
          %sign3A_240 = arith.constant 0 : i32
          %sign3A_241 = arith.cmpi sgt, %jit3A, %sign3A_240 : i32
          %sign3A_242 = arith.extui %sign3A_241 : i1 to i32
          %sign3A_243 = arith.constant 0 : i32
          %sign3A_244 = arith.cmpi slt, %jit3A, %sign3A_243 : i32
          %sign3A_245 = arith.extui %sign3A_244 : i1 to i32
          %sign3A_246 = arith.subi %sign3A_242, %sign3A_245 : i32
          %ne3A = arith.cmpi ne, %sign3A_239, %sign3A_246 : i32
          %rem3A = arith.remsi %add3A_231, %jit3A : i32
          %ne3A_247 = arith.constant 0 : i32
          %ne3A_248 = arith.cmpi ne, %rem3A, %ne3A_247 : i32
          %and3A = arith.andi %ne3A, %ne3A_248 : i1
          %sub3A = arith.constant 1 : i32
          %sub3A_249 = arith.subi %div3A, %sub3A : i32
          %select_n3A = arith.select %and3A, %sub3A_249, %div3A : i32
          %add3A_250 = vector.broadcast %select_n3A : i32 to vector<16xi32>
          %add3A_251 = arith.addi %broadcast_in_dim3A, %add3A_250 : vector<16xi32>
          %jit3A_252 = arith.constant 26 : i32
          %eq3A = arith.constant 0 : i32
          %eq3A_253 = arith.cmpi eq, %jit3A_252, %eq3A : i32
          %jit3A_254 = arith.constant 1 : i32
          %select_n3A_255 = arith.select %eq3A_253, %jit3A_254, %jit3A_252 : i32
          %rem3A_256 = arith.remsi %add3A_231, %select_n3A_255 : i32
          %ne3A_257 = arith.constant 0 : i32
          %ne3A_258 = arith.cmpi ne, %rem3A_256, %ne3A_257 : i32
          %lt3A_259 = arith.constant 0 : i32
          %lt3A_260 = arith.cmpi slt, %rem3A_256, %lt3A_259 : i32
          %lt3A_261 = arith.constant 0 : i32
          %lt3A_262 = arith.cmpi slt, %select_n3A_255, %lt3A_261 : i32
          %ne3A_263 = arith.xori %lt3A_260, %lt3A_262 : i1
          %and3A_264 = arith.andi %ne3A_263, %ne3A_258 : i1
          %add3A_265 = arith.addi %rem3A_256, %select_n3A_255 : i32
          %select_n3A_266 = arith.select %and3A_264, %add3A_265, %rem3A_256 : i32
          %broadcast_in_dim3A_267 = vector.broadcast %select_n3A_266 : i32 to vector<16xi32>
          %gather3A = tpu.vector_load_idx %arg8[%add3A_251, %broadcast_in_dim3A_267] : memref<128x26xi32, #tpu.memory_space<vmem>>[vector<16xi32>, vector<16xi32>], vector<16xi32>,
          %add3A_268 = arith.constant 4 : i32
          %add3A_269 = arith.addi %add3A_268, %scan3A_228 : i32
          %mul3A_270 = arith.constant 8 : i32
          %mul3A_271 = arith.muli %add3A_269, %mul3A_270 : i32
          %broadcast_in_dim3A_272 = vector.broadcast %mul3A_271 : i32 to vector<16xi32>
          %jit3A_273 = arith.constant 8 : i32
          %eq3A_274 = arith.constant 0 : i32
          %eq3A_275 = arith.cmpi eq, %jit3A_273, %eq3A_274 : i32
          %jit3A_276 = arith.constant 1 : i32
          %select_n3A_277 = arith.select %eq3A_275, %jit3A_276, %jit3A_273 : i32
          %rem3A_278 = vector.broadcast %select_n3A_277 : i32 to vector<16xi32>
          %rem3A_279 = arith.remsi %gather3A, %rem3A_278 : vector<16xi32>
          %ne3A_280 = arith.constant 0 : i32
          %ne3A_281 = vector.broadcast %ne3A_280 : i32 to vector<16xi32>
          %ne3A_282 = arith.cmpi ne, %rem3A_279, %ne3A_281 : vector<16xi32>
          %lt3A_283 = arith.constant 0 : i32
          %lt3A_284 = vector.broadcast %lt3A_283 : i32 to vector<16xi32>
          %lt3A_285 = arith.cmpi slt, %rem3A_279, %lt3A_284 : vector<16xi32>
          %lt3A_286 = arith.constant 0 : i32
          %lt3A_287 = arith.cmpi slt, %select_n3A_277, %lt3A_286 : i32
          %ne3A_288 = vector.broadcast %lt3A_287 : i1 to vector<16xi1>
          %ne3A_289 = vector.broadcast %ne3A_288 : vector<16xi1> to vector<16xi1>
          %ne3A_290 = arith.xori %lt3A_285, %ne3A_289 : vector<16xi1>
          %and3A_291 = arith.andi %ne3A_290, %ne3A_282 : vector<16xi1>
          %add3A_292 = vector.broadcast %select_n3A_277 : i32 to vector<16xi32>
          %add3A_293 = arith.addi %rem3A_279, %add3A_292 : vector<16xi32>
          %select_n3A_294 = arith.select %and3A_291, %add3A_293, %rem3A_279 : vector<16xi1>, vector<16xi32>
          %add3A_295 = arith.addi %broadcast_in_dim3A_272, %select_n3A_294 : vector<16xi32>
          %broadcast_in_dim3A_296 = arith.constant 13 : i32
          %broadcast_in_dim3A_297 = vector.broadcast %broadcast_in_dim3A_296 : i32 to vector<16xi32>
          %jit3A_298 = arith.constant 26 : i32
          %div3A_299 = arith.divsi %add3A_231, %jit3A_298 : i32
          %sign3A_300 = arith.constant 0 : i32
          %sign3A_301 = arith.cmpi sgt, %add3A_231, %sign3A_300 : i32
          %sign3A_302 = arith.extui %sign3A_301 : i1 to i32
          %sign3A_303 = arith.constant 0 : i32
          %sign3A_304 = arith.cmpi slt, %add3A_231, %sign3A_303 : i32
          %sign3A_305 = arith.extui %sign3A_304 : i1 to i32
          %sign3A_306 = arith.subi %sign3A_302, %sign3A_305 : i32
          %sign3A_307 = arith.constant 0 : i32
          %sign3A_308 = arith.cmpi sgt, %jit3A_298, %sign3A_307 : i32
          %sign3A_309 = arith.extui %sign3A_308 : i1 to i32
          %sign3A_310 = arith.constant 0 : i32
          %sign3A_311 = arith.cmpi slt, %jit3A_298, %sign3A_310 : i32
          %sign3A_312 = arith.extui %sign3A_311 : i1 to i32
          %sign3A_313 = arith.subi %sign3A_309, %sign3A_312 : i32
          %ne3A_314 = arith.cmpi ne, %sign3A_306, %sign3A_313 : i32
          %rem3A_315 = arith.remsi %add3A_231, %jit3A_298 : i32
          %ne3A_316 = arith.constant 0 : i32
          %ne3A_317 = arith.cmpi ne, %rem3A_315, %ne3A_316 : i32
          %and3A_318 = arith.andi %ne3A_314, %ne3A_317 : i1
          %sub3A_319 = arith.constant 1 : i32
          %sub3A_320 = arith.subi %div3A_299, %sub3A_319 : i32
          %select_n3A_321 = arith.select %and3A_318, %sub3A_320, %div3A_299 : i32
          %mul3A_322 = arith.constant 39 : i32
          %mul3A_323 = arith.muli %select_n3A_321, %mul3A_322 : i32
          %add3A_324 = vector.broadcast %mul3A_323 : i32 to vector<16xi32>
          %add3A_325 = arith.addi %broadcast_in_dim3A_297, %add3A_324 : vector<16xi32>
          %jit3A_326 = arith.constant 26 : i32
          %eq3A_327 = arith.constant 0 : i32
          %eq3A_328 = arith.cmpi eq, %jit3A_326, %eq3A_327 : i32
          %jit3A_329 = arith.constant 1 : i32
          %select_n3A_330 = arith.select %eq3A_328, %jit3A_329, %jit3A_326 : i32
          %rem3A_331 = arith.remsi %add3A_231, %select_n3A_330 : i32
          %ne3A_332 = arith.constant 0 : i32
          %ne3A_333 = arith.cmpi ne, %rem3A_331, %ne3A_332 : i32
          %lt3A_334 = arith.constant 0 : i32
          %lt3A_335 = arith.cmpi slt, %rem3A_331, %lt3A_334 : i32
          %lt3A_336 = arith.constant 0 : i32
          %lt3A_337 = arith.cmpi slt, %select_n3A_330, %lt3A_336 : i32
          %ne3A_338 = arith.xori %lt3A_335, %lt3A_337 : i1
          %and3A_339 = arith.andi %ne3A_338, %ne3A_333 : i1
          %add3A_340 = arith.addi %rem3A_331, %select_n3A_330 : i32
          %select_n3A_341 = arith.select %and3A_339, %add3A_340, %rem3A_331 : i32
          %add3A_342 = vector.broadcast %select_n3A_341 : i32 to vector<16xi32>
          %add3A_343 = arith.addi %add3A_325, %add3A_342 : vector<16xi32>
          %iota3A = tpu.iota {dimensions = array<i32: 0>} : vector<16xi32>
          %add3A_344 = arith.constant 0 : i32
          %add3A_345 = vector.broadcast %add3A_344 : i32 to vector<16xi32>
          %add3A_346 = arith.addi %iota3A, %add3A_345 : vector<16xi32>
          %gather3A_347 = tpu.vector_load_idx %arg9[%add3A_295, %add3A_346] : memref<128x64xf32, #tpu.memory_space<vmem>>[vector<16xi32>, vector<16xi32>], vector<16xf32>,
          tpu.vector_store_idx %arg10[%add3A_343, %add3A_346], %gather3A_347 : memref<312x64xf32, #tpu.memory_space<vmem>>[vector<16xi32>, vector<16xi32>], vector<16xf32>,
          %iota3A_348 = tpu.iota {dimensions = array<i32: 0>} : vector<16xi32>
          %add3A_349 = arith.constant 16 : i32
          %add3A_350 = vector.broadcast %add3A_349 : i32 to vector<16xi32>
          %add3A_351 = arith.addi %iota3A_348, %add3A_350 : vector<16xi32>
          %gather3A_352 = tpu.vector_load_idx %arg9[%add3A_295, %add3A_351] : memref<128x64xf32, #tpu.memory_space<vmem>>[vector<16xi32>, vector<16xi32>], vector<16xf32>,
          tpu.vector_store_idx %arg10[%add3A_343, %add3A_351], %gather3A_352 : memref<312x64xf32, #tpu.memory_space<vmem>>[vector<16xi32>, vector<16xi32>], vector<16xf32>,
          %iota3A_353 = tpu.iota {dimensions = array<i32: 0>} : vector<16xi32>
          %add3A_354 = arith.constant 32 : i32
          %add3A_355 = vector.broadcast %add3A_354 : i32 to vector<16xi32>
          %add3A_356 = arith.addi %iota3A_353, %add3A_355 : vector<16xi32>
          %gather3A_357 = tpu.vector_load_idx %arg9[%add3A_295, %add3A_356] : memref<128x64xf32, #tpu.memory_space<vmem>>[vector<16xi32>, vector<16xi32>], vector<16xf32>,
          tpu.vector_store_idx %arg10[%add3A_343, %add3A_356], %gather3A_357 : memref<312x64xf32, #tpu.memory_space<vmem>>[vector<16xi32>, vector<16xi32>], vector<16xf32>,
          %iota3A_358 = tpu.iota {dimensions = array<i32: 0>} : vector<16xi32>
          %add3A_359 = arith.constant 48 : i32
          %add3A_360 = vector.broadcast %add3A_359 : i32 to vector<16xi32>
          %add3A_361 = arith.addi %iota3A_358, %add3A_360 : vector<16xi32>
          %gather3A_362 = tpu.vector_load_idx %arg9[%add3A_295, %add3A_361] : memref<128x64xf32, #tpu.memory_space<vmem>>[vector<16xi32>, vector<16xi32>], vector<16xf32>,
          tpu.vector_store_idx %arg10[%add3A_343, %add3A_361], %gather3A_362 : memref<312x64xf32, #tpu.memory_space<vmem>>[vector<16xi32>, vector<16xi32>], vector<16xf32>,
        }
        %scan3A_174 = arith.constant 4 : i32
        %add3A_175 = arith.constant 4 : i32
        %add3A_176 = arith.addi %add3A_162, %add3A_175 : i32
        %lt3A_177 = arith.constant 52 : i32
        %lt3A_178 = arith.cmpi slt, %add3A_176, %lt3A_177 : i32
        %convert_element_type3A_179 = arith.extui %lt3A_178 : i1 to i32
        %cond3A_180 = arith.constant 0 : i32
        %cond3A_181 = arith.cmpi ne, %convert_element_type3A_179, %cond3A_180 : i32
        scf.if %cond3A_181 {
          %add3A_228 = arith.constant 4 : i32
          %add3A_229 = arith.addi %add3A_162, %add3A_228 : i32
          %scan3A_230 = arith.constant 0 : i32
          %scan3A_231 = arith.constant 0 : i32
          %scan3A_232 = arith.constant 4 : i32
          %scan3A_233 = arith.addi %scan3A_231, %scan3A_232 : i32
          %scan3A_234 = arith.constant 1 : i32
          scf.for %scan3A_236 = %scan3A_231 to %scan3A_233 step %scan3A_234  : i32 {
            %mul3A_237 = arith.constant 4 : i32
            %mul3A_238 = arith.muli %add3A_229, %mul3A_237 : i32
            %add3A_239 = arith.addi %mul3A_238, %scan3A_236 : i32
            %mul3A_240 = arith.constant 8 : i32
            %mul3A_241 = arith.muli %mul3A_31, %mul3A_240 : i32
            %broadcast_in_dim3A = vector.broadcast %mul3A_241 : i32 to vector<16xi32>
            %jit3A = arith.constant 26 : i32
            %div3A = arith.divsi %add3A_239, %jit3A : i32
            %sign3A = arith.constant 0 : i32
            %sign3A_242 = arith.cmpi sgt, %add3A_239, %sign3A : i32
            %sign3A_243 = arith.extui %sign3A_242 : i1 to i32
            %sign3A_244 = arith.constant 0 : i32
            %sign3A_245 = arith.cmpi slt, %add3A_239, %sign3A_244 : i32
            %sign3A_246 = arith.extui %sign3A_245 : i1 to i32
            %sign3A_247 = arith.subi %sign3A_243, %sign3A_246 : i32
            %sign3A_248 = arith.constant 0 : i32
            %sign3A_249 = arith.cmpi sgt, %jit3A, %sign3A_248 : i32
            %sign3A_250 = arith.extui %sign3A_249 : i1 to i32
            %sign3A_251 = arith.constant 0 : i32
            %sign3A_252 = arith.cmpi slt, %jit3A, %sign3A_251 : i32
            %sign3A_253 = arith.extui %sign3A_252 : i1 to i32
            %sign3A_254 = arith.subi %sign3A_250, %sign3A_253 : i32
            %ne3A = arith.cmpi ne, %sign3A_247, %sign3A_254 : i32
            %rem3A = arith.remsi %add3A_239, %jit3A : i32
            %ne3A_255 = arith.constant 0 : i32
            %ne3A_256 = arith.cmpi ne, %rem3A, %ne3A_255 : i32
            %and3A = arith.andi %ne3A, %ne3A_256 : i1
            %sub3A = arith.constant 1 : i32
            %sub3A_257 = arith.subi %div3A, %sub3A : i32
            %select_n3A = arith.select %and3A, %sub3A_257, %div3A : i32
            %add3A_258 = vector.broadcast %select_n3A : i32 to vector<16xi32>
            %add3A_259 = arith.addi %broadcast_in_dim3A, %add3A_258 : vector<16xi32>
            %jit3A_260 = arith.constant 26 : i32
            %eq3A = arith.constant 0 : i32
            %eq3A_261 = arith.cmpi eq, %jit3A_260, %eq3A : i32
            %jit3A_262 = arith.constant 1 : i32
            %select_n3A_263 = arith.select %eq3A_261, %jit3A_262, %jit3A_260 : i32
            %rem3A_264 = arith.remsi %add3A_239, %select_n3A_263 : i32
            %ne3A_265 = arith.constant 0 : i32
            %ne3A_266 = arith.cmpi ne, %rem3A_264, %ne3A_265 : i32
            %lt3A_267 = arith.constant 0 : i32
            %lt3A_268 = arith.cmpi slt, %rem3A_264, %lt3A_267 : i32
            %lt3A_269 = arith.constant 0 : i32
            %lt3A_270 = arith.cmpi slt, %select_n3A_263, %lt3A_269 : i32
            %ne3A_271 = arith.xori %lt3A_268, %lt3A_270 : i1
            %and3A_272 = arith.andi %ne3A_271, %ne3A_266 : i1
            %add3A_273 = arith.addi %rem3A_264, %select_n3A_263 : i32
            %select_n3A_274 = arith.select %and3A_272, %add3A_273, %rem3A_264 : i32
            %broadcast_in_dim3A_275 = vector.broadcast %select_n3A_274 : i32 to vector<16xi32>
            %gather3A = tpu.vector_load_idx %arg8[%add3A_259, %broadcast_in_dim3A_275] : memref<128x26xi32, #tpu.memory_space<vmem>>[vector<16xi32>, vector<16xi32>], vector<16xi32>,
            %reduce_max3A = arith.constant true
            %reduce_max3A_276 = vector.broadcast %reduce_max3A : i1 to vector<16xi1>
            %reduce_max3A_277 = arith.constant -2147483648 : i32
            %reduce_max3A_278 = vector.broadcast %reduce_max3A_277 : i32 to vector<16xi32>
            %reduce_max3A_279 = arith.xori %gather3A, %reduce_max3A_278 : vector<16xi32>
            %reduce_max3A_280 = tpu.scan <max>, %reduce_max3A_279 masked %reduce_max3A_276 : vector<16xi32>, vector<16xi1> -> vector<16xi32>
            %reduce_max3A_281 = arith.xori %reduce_max3A_280, %reduce_max3A_278 : vector<16xi32>
            %reduce_max3A_282 = vector.extract %reduce_max3A_281[15] : i32 from vector<16xi32>
            %jit3A_283 = arith.constant 8 : i32
            %div3A_284 = arith.divsi %reduce_max3A_282, %jit3A_283 : i32
            %sign3A_285 = arith.constant 0 : i32
            %sign3A_286 = arith.cmpi sgt, %reduce_max3A_282, %sign3A_285 : i32
            %sign3A_287 = arith.extui %sign3A_286 : i1 to i32
            %sign3A_288 = arith.constant 0 : i32
            %sign3A_289 = arith.cmpi slt, %reduce_max3A_282, %sign3A_288 : i32
            %sign3A_290 = arith.extui %sign3A_289 : i1 to i32
            %sign3A_291 = arith.subi %sign3A_287, %sign3A_290 : i32
            %sign3A_292 = arith.constant 0 : i32
            %sign3A_293 = arith.cmpi sgt, %jit3A_283, %sign3A_292 : i32
            %sign3A_294 = arith.extui %sign3A_293 : i1 to i32
            %sign3A_295 = arith.constant 0 : i32
            %sign3A_296 = arith.cmpi slt, %jit3A_283, %sign3A_295 : i32
            %sign3A_297 = arith.extui %sign3A_296 : i1 to i32
            %sign3A_298 = arith.subi %sign3A_294, %sign3A_297 : i32
            %ne3A_299 = arith.cmpi ne, %sign3A_291, %sign3A_298 : i32
            %rem3A_300 = arith.remsi %reduce_max3A_282, %jit3A_283 : i32
            %ne3A_301 = arith.constant 0 : i32
            %ne3A_302 = arith.cmpi ne, %rem3A_300, %ne3A_301 : i32
            %and3A_303 = arith.andi %ne3A_299, %ne3A_302 : i1
            %sub3A_304 = arith.constant 1 : i32
            %sub3A_305 = arith.subi %div3A_284, %sub3A_304 : i32
            %select_n3A_306 = arith.select %and3A_303, %sub3A_305, %div3A_284 : i32
            %mul3A_307 = arith.constant 8 : i32
            %mul3A_308 = arith.muli %select_n3A_306, %mul3A_307 : i32
            %multiple_of3A = tpu.assume_multiple %mul3A_308, 8 : i32
            %add3A_309 = arith.constant 4 : i32
            %add3A_310 = arith.addi %add3A_309, %scan3A_236 : i32
            %mul3A_311 = arith.constant 8 : i32
            %mul3A_312 = arith.muli %add3A_310, %mul3A_311 : i32
            %dma_start3A_313 = arith.constant 0 : i32
            %dma_start3A_314 = tpu.memref_slice %arg9[%mul3A_312, %dma_start3A_313] : memref<128x64xf32, #tpu.memory_space<vmem>> -> memref<8x64xf32, #tpu.memory_space<vmem>>
            %dma_start3A_315 = arith.constant 0 : i32
            %dma_start3A_316 = tpu.memref_slice %arg4[%multiple_of3A, %dma_start3A_315] : memref<2600000x64xf32, #tpu.memory_space<hbm>> -> memref<8x64xf32, #tpu.memory_space<hbm>>
            %dma_start3A_317 = arith.constant 0 : i32
            %dma_start3A_318 = tpu.memref_slice %arg9[%mul3A_312, %dma_start3A_317] : memref<128x64xf32, #tpu.memory_space<vmem>> -> memref<8x64xf32, #tpu.memory_space<vmem>>
            %dma_start3A_319 = arith.constant 0 : i32
            %dma_start3A_320 = tpu.memref_slice %arg4[%multiple_of3A, %dma_start3A_319] : memref<2600000x64xf32, #tpu.memory_space<hbm>> -> memref<8x64xf32, #tpu.memory_space<hbm>>
            tpu.enqueue_dma source(%dma_start3A_320 : memref<8x64xf32, #tpu.memory_space<hbm>>) target(%dma_start3A_318 : memref<8x64xf32, #tpu.memory_space<vmem>>) target_semaphore(%arg13 : memref<!tpu.dma_semaphore, #tpu.memory_space<semaphore_mem>>)
          }
          %scan3A_235 = arith.constant 4 : i32
        } else {
        }
        %mul3A_182 = arith.constant 4 : i32
        %mul3A_183 = arith.muli %mul3A_182, %scan3A_136 : i32
        %add3A_184 = arith.constant 2 : i32
        %add3A_185 = arith.addi %mul3A_183, %add3A_184 : i32
        %scan3A_186 = arith.constant 0 : i32
        %scan3A_187 = arith.constant 0 : i32
        %scan3A_188 = arith.constant 4 : i32
        %scan3A_189 = arith.addi %scan3A_187, %scan3A_188 : i32
        %scan3A_190 = arith.constant 1 : i32
        scf.for %scan3A_228 = %scan3A_187 to %scan3A_189 step %scan3A_190  : i32 {
          %add3A_229 = arith.constant 8 : i32
          %add3A_230 = arith.addi %add3A_229, %scan3A_228 : i32
          %mul3A_231 = arith.constant 8 : i32
          %mul3A_232 = arith.muli %add3A_230, %mul3A_231 : i32
          %dma_wait3A_233 = arith.constant 0 : i32
          %dma_wait3A_234 = tpu.memref_slice %arg9[%mul3A_232, %dma_wait3A_233] : memref<128x64xf32, #tpu.memory_space<vmem>> -> memref<8x64xf32, #tpu.memory_space<vmem>>
          %dma_wait3A_235 = arith.constant 0 : i32
          %dma_wait3A_236 = arith.constant 0 : i32
          %dma_wait3A_237 = tpu.memref_slice %arg4[%dma_wait3A_235, %dma_wait3A_236] : memref<2600000x64xf32, #tpu.memory_space<hbm>> -> memref<8x64xf32, #tpu.memory_space<hbm>>
          %dma_wait3A_238 = arith.constant 0 : i32
          %dma_wait3A_239 = tpu.memref_slice %arg9[%mul3A_232, %dma_wait3A_238] : memref<128x64xf32, #tpu.memory_space<vmem>> -> memref<8x64xf32, #tpu.memory_space<vmem>>
          %dma_wait3A_240 = arith.constant 0 : i32
          %dma_wait3A_241 = arith.constant 0 : i32
          %dma_wait3A_242 = tpu.memref_slice %arg4[%dma_wait3A_240, %dma_wait3A_241] : memref<2600000x64xf32, #tpu.memory_space<hbm>> -> memref<8x64xf32, #tpu.memory_space<hbm>>
          tpu.wait_dma2 semaphore(%arg14 : memref<!tpu.dma_semaphore, #tpu.memory_space<semaphore_mem>>) src(%dma_wait3A_242 : memref<8x64xf32, #tpu.memory_space<hbm>>) dst(%dma_wait3A_239 : memref<8x64xf32, #tpu.memory_space<vmem>>)
        }
        %scan3A_191 = arith.constant 4 : i32
        %scan3A_192 = arith.constant 0 : i32
        %scan3A_193 = arith.constant 0 : i32
        %scan3A_194 = arith.constant 4 : i32
        %scan3A_195 = arith.addi %scan3A_193, %scan3A_194 : i32
        %scan3A_196 = arith.constant 1 : i32
        scf.for %scan3A_228 = %scan3A_193 to %scan3A_195 step %scan3A_196  : i32 {
          %mul3A_229 = arith.constant 4 : i32
          %mul3A_230 = arith.muli %add3A_185, %mul3A_229 : i32
          %add3A_231 = arith.addi %mul3A_230, %scan3A_228 : i32
          %mul3A_232 = arith.constant 8 : i32
          %mul3A_233 = arith.muli %mul3A_31, %mul3A_232 : i32
          %broadcast_in_dim3A = vector.broadcast %mul3A_233 : i32 to vector<16xi32>
          %jit3A = arith.constant 26 : i32
          %div3A = arith.divsi %add3A_231, %jit3A : i32
          %sign3A = arith.constant 0 : i32
          %sign3A_234 = arith.cmpi sgt, %add3A_231, %sign3A : i32
          %sign3A_235 = arith.extui %sign3A_234 : i1 to i32
          %sign3A_236 = arith.constant 0 : i32
          %sign3A_237 = arith.cmpi slt, %add3A_231, %sign3A_236 : i32
          %sign3A_238 = arith.extui %sign3A_237 : i1 to i32
          %sign3A_239 = arith.subi %sign3A_235, %sign3A_238 : i32
          %sign3A_240 = arith.constant 0 : i32
          %sign3A_241 = arith.cmpi sgt, %jit3A, %sign3A_240 : i32
          %sign3A_242 = arith.extui %sign3A_241 : i1 to i32
          %sign3A_243 = arith.constant 0 : i32
          %sign3A_244 = arith.cmpi slt, %jit3A, %sign3A_243 : i32
          %sign3A_245 = arith.extui %sign3A_244 : i1 to i32
          %sign3A_246 = arith.subi %sign3A_242, %sign3A_245 : i32
          %ne3A = arith.cmpi ne, %sign3A_239, %sign3A_246 : i32
          %rem3A = arith.remsi %add3A_231, %jit3A : i32
          %ne3A_247 = arith.constant 0 : i32
          %ne3A_248 = arith.cmpi ne, %rem3A, %ne3A_247 : i32
          %and3A = arith.andi %ne3A, %ne3A_248 : i1
          %sub3A = arith.constant 1 : i32
          %sub3A_249 = arith.subi %div3A, %sub3A : i32
          %select_n3A = arith.select %and3A, %sub3A_249, %div3A : i32
          %add3A_250 = vector.broadcast %select_n3A : i32 to vector<16xi32>
          %add3A_251 = arith.addi %broadcast_in_dim3A, %add3A_250 : vector<16xi32>
          %jit3A_252 = arith.constant 26 : i32
          %eq3A = arith.constant 0 : i32
          %eq3A_253 = arith.cmpi eq, %jit3A_252, %eq3A : i32
          %jit3A_254 = arith.constant 1 : i32
          %select_n3A_255 = arith.select %eq3A_253, %jit3A_254, %jit3A_252 : i32
          %rem3A_256 = arith.remsi %add3A_231, %select_n3A_255 : i32
          %ne3A_257 = arith.constant 0 : i32
          %ne3A_258 = arith.cmpi ne, %rem3A_256, %ne3A_257 : i32
          %lt3A_259 = arith.constant 0 : i32
          %lt3A_260 = arith.cmpi slt, %rem3A_256, %lt3A_259 : i32
          %lt3A_261 = arith.constant 0 : i32
          %lt3A_262 = arith.cmpi slt, %select_n3A_255, %lt3A_261 : i32
          %ne3A_263 = arith.xori %lt3A_260, %lt3A_262 : i1
          %and3A_264 = arith.andi %ne3A_263, %ne3A_258 : i1
          %add3A_265 = arith.addi %rem3A_256, %select_n3A_255 : i32
          %select_n3A_266 = arith.select %and3A_264, %add3A_265, %rem3A_256 : i32
          %broadcast_in_dim3A_267 = vector.broadcast %select_n3A_266 : i32 to vector<16xi32>
          %gather3A = tpu.vector_load_idx %arg8[%add3A_251, %broadcast_in_dim3A_267] : memref<128x26xi32, #tpu.memory_space<vmem>>[vector<16xi32>, vector<16xi32>], vector<16xi32>,
          %add3A_268 = arith.constant 8 : i32
          %add3A_269 = arith.addi %add3A_268, %scan3A_228 : i32
          %mul3A_270 = arith.constant 8 : i32
          %mul3A_271 = arith.muli %add3A_269, %mul3A_270 : i32
          %broadcast_in_dim3A_272 = vector.broadcast %mul3A_271 : i32 to vector<16xi32>
          %jit3A_273 = arith.constant 8 : i32
          %eq3A_274 = arith.constant 0 : i32
          %eq3A_275 = arith.cmpi eq, %jit3A_273, %eq3A_274 : i32
          %jit3A_276 = arith.constant 1 : i32
          %select_n3A_277 = arith.select %eq3A_275, %jit3A_276, %jit3A_273 : i32
          %rem3A_278 = vector.broadcast %select_n3A_277 : i32 to vector<16xi32>
          %rem3A_279 = arith.remsi %gather3A, %rem3A_278 : vector<16xi32>
          %ne3A_280 = arith.constant 0 : i32
          %ne3A_281 = vector.broadcast %ne3A_280 : i32 to vector<16xi32>
          %ne3A_282 = arith.cmpi ne, %rem3A_279, %ne3A_281 : vector<16xi32>
          %lt3A_283 = arith.constant 0 : i32
          %lt3A_284 = vector.broadcast %lt3A_283 : i32 to vector<16xi32>
          %lt3A_285 = arith.cmpi slt, %rem3A_279, %lt3A_284 : vector<16xi32>
          %lt3A_286 = arith.constant 0 : i32
          %lt3A_287 = arith.cmpi slt, %select_n3A_277, %lt3A_286 : i32
          %ne3A_288 = vector.broadcast %lt3A_287 : i1 to vector<16xi1>
          %ne3A_289 = vector.broadcast %ne3A_288 : vector<16xi1> to vector<16xi1>
          %ne3A_290 = arith.xori %lt3A_285, %ne3A_289 : vector<16xi1>
          %and3A_291 = arith.andi %ne3A_290, %ne3A_282 : vector<16xi1>
          %add3A_292 = vector.broadcast %select_n3A_277 : i32 to vector<16xi32>
          %add3A_293 = arith.addi %rem3A_279, %add3A_292 : vector<16xi32>
          %select_n3A_294 = arith.select %and3A_291, %add3A_293, %rem3A_279 : vector<16xi1>, vector<16xi32>
          %add3A_295 = arith.addi %broadcast_in_dim3A_272, %select_n3A_294 : vector<16xi32>
          %broadcast_in_dim3A_296 = arith.constant 13 : i32
          %broadcast_in_dim3A_297 = vector.broadcast %broadcast_in_dim3A_296 : i32 to vector<16xi32>
          %jit3A_298 = arith.constant 26 : i32
          %div3A_299 = arith.divsi %add3A_231, %jit3A_298 : i32
          %sign3A_300 = arith.constant 0 : i32
          %sign3A_301 = arith.cmpi sgt, %add3A_231, %sign3A_300 : i32
          %sign3A_302 = arith.extui %sign3A_301 : i1 to i32
          %sign3A_303 = arith.constant 0 : i32
          %sign3A_304 = arith.cmpi slt, %add3A_231, %sign3A_303 : i32
          %sign3A_305 = arith.extui %sign3A_304 : i1 to i32
          %sign3A_306 = arith.subi %sign3A_302, %sign3A_305 : i32
          %sign3A_307 = arith.constant 0 : i32
          %sign3A_308 = arith.cmpi sgt, %jit3A_298, %sign3A_307 : i32
          %sign3A_309 = arith.extui %sign3A_308 : i1 to i32
          %sign3A_310 = arith.constant 0 : i32
          %sign3A_311 = arith.cmpi slt, %jit3A_298, %sign3A_310 : i32
          %sign3A_312 = arith.extui %sign3A_311 : i1 to i32
          %sign3A_313 = arith.subi %sign3A_309, %sign3A_312 : i32
          %ne3A_314 = arith.cmpi ne, %sign3A_306, %sign3A_313 : i32
          %rem3A_315 = arith.remsi %add3A_231, %jit3A_298 : i32
          %ne3A_316 = arith.constant 0 : i32
          %ne3A_317 = arith.cmpi ne, %rem3A_315, %ne3A_316 : i32
          %and3A_318 = arith.andi %ne3A_314, %ne3A_317 : i1
          %sub3A_319 = arith.constant 1 : i32
          %sub3A_320 = arith.subi %div3A_299, %sub3A_319 : i32
          %select_n3A_321 = arith.select %and3A_318, %sub3A_320, %div3A_299 : i32
          %mul3A_322 = arith.constant 39 : i32
          %mul3A_323 = arith.muli %select_n3A_321, %mul3A_322 : i32
          %add3A_324 = vector.broadcast %mul3A_323 : i32 to vector<16xi32>
          %add3A_325 = arith.addi %broadcast_in_dim3A_297, %add3A_324 : vector<16xi32>
          %jit3A_326 = arith.constant 26 : i32
          %eq3A_327 = arith.constant 0 : i32
          %eq3A_328 = arith.cmpi eq, %jit3A_326, %eq3A_327 : i32
          %jit3A_329 = arith.constant 1 : i32
          %select_n3A_330 = arith.select %eq3A_328, %jit3A_329, %jit3A_326 : i32
          %rem3A_331 = arith.remsi %add3A_231, %select_n3A_330 : i32
          %ne3A_332 = arith.constant 0 : i32
          %ne3A_333 = arith.cmpi ne, %rem3A_331, %ne3A_332 : i32
          %lt3A_334 = arith.constant 0 : i32
          %lt3A_335 = arith.cmpi slt, %rem3A_331, %lt3A_334 : i32
          %lt3A_336 = arith.constant 0 : i32
          %lt3A_337 = arith.cmpi slt, %select_n3A_330, %lt3A_336 : i32
          %ne3A_338 = arith.xori %lt3A_335, %lt3A_337 : i1
          %and3A_339 = arith.andi %ne3A_338, %ne3A_333 : i1
          %add3A_340 = arith.addi %rem3A_331, %select_n3A_330 : i32
          %select_n3A_341 = arith.select %and3A_339, %add3A_340, %rem3A_331 : i32
          %add3A_342 = vector.broadcast %select_n3A_341 : i32 to vector<16xi32>
          %add3A_343 = arith.addi %add3A_325, %add3A_342 : vector<16xi32>
          %iota3A = tpu.iota {dimensions = array<i32: 0>} : vector<16xi32>
          %add3A_344 = arith.constant 0 : i32
          %add3A_345 = vector.broadcast %add3A_344 : i32 to vector<16xi32>
          %add3A_346 = arith.addi %iota3A, %add3A_345 : vector<16xi32>
          %gather3A_347 = tpu.vector_load_idx %arg9[%add3A_295, %add3A_346] : memref<128x64xf32, #tpu.memory_space<vmem>>[vector<16xi32>, vector<16xi32>], vector<16xf32>,
          tpu.vector_store_idx %arg10[%add3A_343, %add3A_346], %gather3A_347 : memref<312x64xf32, #tpu.memory_space<vmem>>[vector<16xi32>, vector<16xi32>], vector<16xf32>,
          %iota3A_348 = tpu.iota {dimensions = array<i32: 0>} : vector<16xi32>
          %add3A_349 = arith.constant 16 : i32
          %add3A_350 = vector.broadcast %add3A_349 : i32 to vector<16xi32>
          %add3A_351 = arith.addi %iota3A_348, %add3A_350 : vector<16xi32>
          %gather3A_352 = tpu.vector_load_idx %arg9[%add3A_295, %add3A_351] : memref<128x64xf32, #tpu.memory_space<vmem>>[vector<16xi32>, vector<16xi32>], vector<16xf32>,
          tpu.vector_store_idx %arg10[%add3A_343, %add3A_351], %gather3A_352 : memref<312x64xf32, #tpu.memory_space<vmem>>[vector<16xi32>, vector<16xi32>], vector<16xf32>,
          %iota3A_353 = tpu.iota {dimensions = array<i32: 0>} : vector<16xi32>
          %add3A_354 = arith.constant 32 : i32
          %add3A_355 = vector.broadcast %add3A_354 : i32 to vector<16xi32>
          %add3A_356 = arith.addi %iota3A_353, %add3A_355 : vector<16xi32>
          %gather3A_357 = tpu.vector_load_idx %arg9[%add3A_295, %add3A_356] : memref<128x64xf32, #tpu.memory_space<vmem>>[vector<16xi32>, vector<16xi32>], vector<16xf32>,
          tpu.vector_store_idx %arg10[%add3A_343, %add3A_356], %gather3A_357 : memref<312x64xf32, #tpu.memory_space<vmem>>[vector<16xi32>, vector<16xi32>], vector<16xf32>,
          %iota3A_358 = tpu.iota {dimensions = array<i32: 0>} : vector<16xi32>
          %add3A_359 = arith.constant 48 : i32
          %add3A_360 = vector.broadcast %add3A_359 : i32 to vector<16xi32>
          %add3A_361 = arith.addi %iota3A_358, %add3A_360 : vector<16xi32>
          %gather3A_362 = tpu.vector_load_idx %arg9[%add3A_295, %add3A_361] : memref<128x64xf32, #tpu.memory_space<vmem>>[vector<16xi32>, vector<16xi32>], vector<16xf32>,
          tpu.vector_store_idx %arg10[%add3A_343, %add3A_361], %gather3A_362 : memref<312x64xf32, #tpu.memory_space<vmem>>[vector<16xi32>, vector<16xi32>], vector<16xf32>,
        }
        %scan3A_197 = arith.constant 4 : i32
        %add3A_198 = arith.constant 4 : i32
        %add3A_199 = arith.addi %add3A_185, %add3A_198 : i32
        %lt3A_200 = arith.constant 52 : i32
        %lt3A_201 = arith.cmpi slt, %add3A_199, %lt3A_200 : i32
        %convert_element_type3A_202 = arith.extui %lt3A_201 : i1 to i32
        %cond3A_203 = arith.constant 0 : i32
        %cond3A_204 = arith.cmpi ne, %convert_element_type3A_202, %cond3A_203 : i32
        scf.if %cond3A_204 {
          %add3A_228 = arith.constant 4 : i32
          %add3A_229 = arith.addi %add3A_185, %add3A_228 : i32
          %scan3A_230 = arith.constant 0 : i32
          %scan3A_231 = arith.constant 0 : i32
          %scan3A_232 = arith.constant 4 : i32
          %scan3A_233 = arith.addi %scan3A_231, %scan3A_232 : i32
          %scan3A_234 = arith.constant 1 : i32
          scf.for %scan3A_236 = %scan3A_231 to %scan3A_233 step %scan3A_234  : i32 {
            %mul3A_237 = arith.constant 4 : i32
            %mul3A_238 = arith.muli %add3A_229, %mul3A_237 : i32
            %add3A_239 = arith.addi %mul3A_238, %scan3A_236 : i32
            %mul3A_240 = arith.constant 8 : i32
            %mul3A_241 = arith.muli %mul3A_31, %mul3A_240 : i32
            %broadcast_in_dim3A = vector.broadcast %mul3A_241 : i32 to vector<16xi32>
            %jit3A = arith.constant 26 : i32
            %div3A = arith.divsi %add3A_239, %jit3A : i32
            %sign3A = arith.constant 0 : i32
            %sign3A_242 = arith.cmpi sgt, %add3A_239, %sign3A : i32
            %sign3A_243 = arith.extui %sign3A_242 : i1 to i32
            %sign3A_244 = arith.constant 0 : i32
            %sign3A_245 = arith.cmpi slt, %add3A_239, %sign3A_244 : i32
            %sign3A_246 = arith.extui %sign3A_245 : i1 to i32
            %sign3A_247 = arith.subi %sign3A_243, %sign3A_246 : i32
            %sign3A_248 = arith.constant 0 : i32
            %sign3A_249 = arith.cmpi sgt, %jit3A, %sign3A_248 : i32
            %sign3A_250 = arith.extui %sign3A_249 : i1 to i32
            %sign3A_251 = arith.constant 0 : i32
            %sign3A_252 = arith.cmpi slt, %jit3A, %sign3A_251 : i32
            %sign3A_253 = arith.extui %sign3A_252 : i1 to i32
            %sign3A_254 = arith.subi %sign3A_250, %sign3A_253 : i32
            %ne3A = arith.cmpi ne, %sign3A_247, %sign3A_254 : i32
            %rem3A = arith.remsi %add3A_239, %jit3A : i32
            %ne3A_255 = arith.constant 0 : i32
            %ne3A_256 = arith.cmpi ne, %rem3A, %ne3A_255 : i32
            %and3A = arith.andi %ne3A, %ne3A_256 : i1
            %sub3A = arith.constant 1 : i32
            %sub3A_257 = arith.subi %div3A, %sub3A : i32
            %select_n3A = arith.select %and3A, %sub3A_257, %div3A : i32
            %add3A_258 = vector.broadcast %select_n3A : i32 to vector<16xi32>
            %add3A_259 = arith.addi %broadcast_in_dim3A, %add3A_258 : vector<16xi32>
            %jit3A_260 = arith.constant 26 : i32
            %eq3A = arith.constant 0 : i32
            %eq3A_261 = arith.cmpi eq, %jit3A_260, %eq3A : i32
            %jit3A_262 = arith.constant 1 : i32
            %select_n3A_263 = arith.select %eq3A_261, %jit3A_262, %jit3A_260 : i32
            %rem3A_264 = arith.remsi %add3A_239, %select_n3A_263 : i32
            %ne3A_265 = arith.constant 0 : i32
            %ne3A_266 = arith.cmpi ne, %rem3A_264, %ne3A_265 : i32
            %lt3A_267 = arith.constant 0 : i32
            %lt3A_268 = arith.cmpi slt, %rem3A_264, %lt3A_267 : i32
            %lt3A_269 = arith.constant 0 : i32
            %lt3A_270 = arith.cmpi slt, %select_n3A_263, %lt3A_269 : i32
            %ne3A_271 = arith.xori %lt3A_268, %lt3A_270 : i1
            %and3A_272 = arith.andi %ne3A_271, %ne3A_266 : i1
            %add3A_273 = arith.addi %rem3A_264, %select_n3A_263 : i32
            %select_n3A_274 = arith.select %and3A_272, %add3A_273, %rem3A_264 : i32
            %broadcast_in_dim3A_275 = vector.broadcast %select_n3A_274 : i32 to vector<16xi32>
            %gather3A = tpu.vector_load_idx %arg8[%add3A_259, %broadcast_in_dim3A_275] : memref<128x26xi32, #tpu.memory_space<vmem>>[vector<16xi32>, vector<16xi32>], vector<16xi32>,
            %reduce_max3A = arith.constant true
            %reduce_max3A_276 = vector.broadcast %reduce_max3A : i1 to vector<16xi1>
            %reduce_max3A_277 = arith.constant -2147483648 : i32
            %reduce_max3A_278 = vector.broadcast %reduce_max3A_277 : i32 to vector<16xi32>
            %reduce_max3A_279 = arith.xori %gather3A, %reduce_max3A_278 : vector<16xi32>
            %reduce_max3A_280 = tpu.scan <max>, %reduce_max3A_279 masked %reduce_max3A_276 : vector<16xi32>, vector<16xi1> -> vector<16xi32>
            %reduce_max3A_281 = arith.xori %reduce_max3A_280, %reduce_max3A_278 : vector<16xi32>
            %reduce_max3A_282 = vector.extract %reduce_max3A_281[15] : i32 from vector<16xi32>
            %jit3A_283 = arith.constant 8 : i32
            %div3A_284 = arith.divsi %reduce_max3A_282, %jit3A_283 : i32
            %sign3A_285 = arith.constant 0 : i32
            %sign3A_286 = arith.cmpi sgt, %reduce_max3A_282, %sign3A_285 : i32
            %sign3A_287 = arith.extui %sign3A_286 : i1 to i32
            %sign3A_288 = arith.constant 0 : i32
            %sign3A_289 = arith.cmpi slt, %reduce_max3A_282, %sign3A_288 : i32
            %sign3A_290 = arith.extui %sign3A_289 : i1 to i32
            %sign3A_291 = arith.subi %sign3A_287, %sign3A_290 : i32
            %sign3A_292 = arith.constant 0 : i32
            %sign3A_293 = arith.cmpi sgt, %jit3A_283, %sign3A_292 : i32
            %sign3A_294 = arith.extui %sign3A_293 : i1 to i32
            %sign3A_295 = arith.constant 0 : i32
            %sign3A_296 = arith.cmpi slt, %jit3A_283, %sign3A_295 : i32
            %sign3A_297 = arith.extui %sign3A_296 : i1 to i32
            %sign3A_298 = arith.subi %sign3A_294, %sign3A_297 : i32
            %ne3A_299 = arith.cmpi ne, %sign3A_291, %sign3A_298 : i32
            %rem3A_300 = arith.remsi %reduce_max3A_282, %jit3A_283 : i32
            %ne3A_301 = arith.constant 0 : i32
            %ne3A_302 = arith.cmpi ne, %rem3A_300, %ne3A_301 : i32
            %and3A_303 = arith.andi %ne3A_299, %ne3A_302 : i1
            %sub3A_304 = arith.constant 1 : i32
            %sub3A_305 = arith.subi %div3A_284, %sub3A_304 : i32
            %select_n3A_306 = arith.select %and3A_303, %sub3A_305, %div3A_284 : i32
            %mul3A_307 = arith.constant 8 : i32
            %mul3A_308 = arith.muli %select_n3A_306, %mul3A_307 : i32
            %multiple_of3A = tpu.assume_multiple %mul3A_308, 8 : i32
            %add3A_309 = arith.constant 8 : i32
            %add3A_310 = arith.addi %add3A_309, %scan3A_236 : i32
            %mul3A_311 = arith.constant 8 : i32
            %mul3A_312 = arith.muli %add3A_310, %mul3A_311 : i32
            %dma_start3A_313 = arith.constant 0 : i32
            %dma_start3A_314 = tpu.memref_slice %arg9[%mul3A_312, %dma_start3A_313] : memref<128x64xf32, #tpu.memory_space<vmem>> -> memref<8x64xf32, #tpu.memory_space<vmem>>
            %dma_start3A_315 = arith.constant 0 : i32
            %dma_start3A_316 = tpu.memref_slice %arg4[%multiple_of3A, %dma_start3A_315] : memref<2600000x64xf32, #tpu.memory_space<hbm>> -> memref<8x64xf32, #tpu.memory_space<hbm>>
            %dma_start3A_317 = arith.constant 0 : i32
            %dma_start3A_318 = tpu.memref_slice %arg9[%mul3A_312, %dma_start3A_317] : memref<128x64xf32, #tpu.memory_space<vmem>> -> memref<8x64xf32, #tpu.memory_space<vmem>>
            %dma_start3A_319 = arith.constant 0 : i32
            %dma_start3A_320 = tpu.memref_slice %arg4[%multiple_of3A, %dma_start3A_319] : memref<2600000x64xf32, #tpu.memory_space<hbm>> -> memref<8x64xf32, #tpu.memory_space<hbm>>
            tpu.enqueue_dma source(%dma_start3A_320 : memref<8x64xf32, #tpu.memory_space<hbm>>) target(%dma_start3A_318 : memref<8x64xf32, #tpu.memory_space<vmem>>) target_semaphore(%arg14 : memref<!tpu.dma_semaphore, #tpu.memory_space<semaphore_mem>>)
          }
          %scan3A_235 = arith.constant 4 : i32
        } else {
        }
        %mul3A_205 = arith.constant 4 : i32
        %mul3A_206 = arith.muli %mul3A_205, %scan3A_136 : i32
        %add3A_207 = arith.constant 3 : i32
        %add3A_208 = arith.addi %mul3A_206, %add3A_207 : i32
        %scan3A_209 = arith.constant 0 : i32
        %scan3A_210 = arith.constant 0 : i32
        %scan3A_211 = arith.constant 4 : i32
        %scan3A_212 = arith.addi %scan3A_210, %scan3A_211 : i32
        %scan3A_213 = arith.constant 1 : i32
        scf.for %scan3A_228 = %scan3A_210 to %scan3A_212 step %scan3A_213  : i32 {
          %add3A_229 = arith.constant 12 : i32
          %add3A_230 = arith.addi %add3A_229, %scan3A_228 : i32
          %mul3A_231 = arith.constant 8 : i32
          %mul3A_232 = arith.muli %add3A_230, %mul3A_231 : i32
          %dma_wait3A_233 = arith.constant 0 : i32
          %dma_wait3A_234 = tpu.memref_slice %arg9[%mul3A_232, %dma_wait3A_233] : memref<128x64xf32, #tpu.memory_space<vmem>> -> memref<8x64xf32, #tpu.memory_space<vmem>>
          %dma_wait3A_235 = arith.constant 0 : i32
          %dma_wait3A_236 = arith.constant 0 : i32
          %dma_wait3A_237 = tpu.memref_slice %arg4[%dma_wait3A_235, %dma_wait3A_236] : memref<2600000x64xf32, #tpu.memory_space<hbm>> -> memref<8x64xf32, #tpu.memory_space<hbm>>
          %dma_wait3A_238 = arith.constant 0 : i32
          %dma_wait3A_239 = tpu.memref_slice %arg9[%mul3A_232, %dma_wait3A_238] : memref<128x64xf32, #tpu.memory_space<vmem>> -> memref<8x64xf32, #tpu.memory_space<vmem>>
          %dma_wait3A_240 = arith.constant 0 : i32
          %dma_wait3A_241 = arith.constant 0 : i32
          %dma_wait3A_242 = tpu.memref_slice %arg4[%dma_wait3A_240, %dma_wait3A_241] : memref<2600000x64xf32, #tpu.memory_space<hbm>> -> memref<8x64xf32, #tpu.memory_space<hbm>>
          tpu.wait_dma2 semaphore(%arg15 : memref<!tpu.dma_semaphore, #tpu.memory_space<semaphore_mem>>) src(%dma_wait3A_242 : memref<8x64xf32, #tpu.memory_space<hbm>>) dst(%dma_wait3A_239 : memref<8x64xf32, #tpu.memory_space<vmem>>)
        }
        %scan3A_214 = arith.constant 4 : i32
        %scan3A_215 = arith.constant 0 : i32
        %scan3A_216 = arith.constant 0 : i32
        %scan3A_217 = arith.constant 4 : i32
        %scan3A_218 = arith.addi %scan3A_216, %scan3A_217 : i32
        %scan3A_219 = arith.constant 1 : i32
        scf.for %scan3A_228 = %scan3A_216 to %scan3A_218 step %scan3A_219  : i32 {
          %mul3A_229 = arith.constant 4 : i32
          %mul3A_230 = arith.muli %add3A_208, %mul3A_229 : i32
          %add3A_231 = arith.addi %mul3A_230, %scan3A_228 : i32
          %mul3A_232 = arith.constant 8 : i32
          %mul3A_233 = arith.muli %mul3A_31, %mul3A_232 : i32
          %broadcast_in_dim3A = vector.broadcast %mul3A_233 : i32 to vector<16xi32>
          %jit3A = arith.constant 26 : i32
          %div3A = arith.divsi %add3A_231, %jit3A : i32
          %sign3A = arith.constant 0 : i32
          %sign3A_234 = arith.cmpi sgt, %add3A_231, %sign3A : i32
          %sign3A_235 = arith.extui %sign3A_234 : i1 to i32
          %sign3A_236 = arith.constant 0 : i32
          %sign3A_237 = arith.cmpi slt, %add3A_231, %sign3A_236 : i32
          %sign3A_238 = arith.extui %sign3A_237 : i1 to i32
          %sign3A_239 = arith.subi %sign3A_235, %sign3A_238 : i32
          %sign3A_240 = arith.constant 0 : i32
          %sign3A_241 = arith.cmpi sgt, %jit3A, %sign3A_240 : i32
          %sign3A_242 = arith.extui %sign3A_241 : i1 to i32
          %sign3A_243 = arith.constant 0 : i32
          %sign3A_244 = arith.cmpi slt, %jit3A, %sign3A_243 : i32
          %sign3A_245 = arith.extui %sign3A_244 : i1 to i32
          %sign3A_246 = arith.subi %sign3A_242, %sign3A_245 : i32
          %ne3A = arith.cmpi ne, %sign3A_239, %sign3A_246 : i32
          %rem3A = arith.remsi %add3A_231, %jit3A : i32
          %ne3A_247 = arith.constant 0 : i32
          %ne3A_248 = arith.cmpi ne, %rem3A, %ne3A_247 : i32
          %and3A = arith.andi %ne3A, %ne3A_248 : i1
          %sub3A = arith.constant 1 : i32
          %sub3A_249 = arith.subi %div3A, %sub3A : i32
          %select_n3A = arith.select %and3A, %sub3A_249, %div3A : i32
          %add3A_250 = vector.broadcast %select_n3A : i32 to vector<16xi32>
          %add3A_251 = arith.addi %broadcast_in_dim3A, %add3A_250 : vector<16xi32>
          %jit3A_252 = arith.constant 26 : i32
          %eq3A = arith.constant 0 : i32
          %eq3A_253 = arith.cmpi eq, %jit3A_252, %eq3A : i32
          %jit3A_254 = arith.constant 1 : i32
          %select_n3A_255 = arith.select %eq3A_253, %jit3A_254, %jit3A_252 : i32
          %rem3A_256 = arith.remsi %add3A_231, %select_n3A_255 : i32
          %ne3A_257 = arith.constant 0 : i32
          %ne3A_258 = arith.cmpi ne, %rem3A_256, %ne3A_257 : i32
          %lt3A_259 = arith.constant 0 : i32
          %lt3A_260 = arith.cmpi slt, %rem3A_256, %lt3A_259 : i32
          %lt3A_261 = arith.constant 0 : i32
          %lt3A_262 = arith.cmpi slt, %select_n3A_255, %lt3A_261 : i32
          %ne3A_263 = arith.xori %lt3A_260, %lt3A_262 : i1
          %and3A_264 = arith.andi %ne3A_263, %ne3A_258 : i1
          %add3A_265 = arith.addi %rem3A_256, %select_n3A_255 : i32
          %select_n3A_266 = arith.select %and3A_264, %add3A_265, %rem3A_256 : i32
          %broadcast_in_dim3A_267 = vector.broadcast %select_n3A_266 : i32 to vector<16xi32>
          %gather3A = tpu.vector_load_idx %arg8[%add3A_251, %broadcast_in_dim3A_267] : memref<128x26xi32, #tpu.memory_space<vmem>>[vector<16xi32>, vector<16xi32>], vector<16xi32>,
          %add3A_268 = arith.constant 12 : i32
          %add3A_269 = arith.addi %add3A_268, %scan3A_228 : i32
          %mul3A_270 = arith.constant 8 : i32
          %mul3A_271 = arith.muli %add3A_269, %mul3A_270 : i32
          %broadcast_in_dim3A_272 = vector.broadcast %mul3A_271 : i32 to vector<16xi32>
          %jit3A_273 = arith.constant 8 : i32
          %eq3A_274 = arith.constant 0 : i32
          %eq3A_275 = arith.cmpi eq, %jit3A_273, %eq3A_274 : i32
          %jit3A_276 = arith.constant 1 : i32
          %select_n3A_277 = arith.select %eq3A_275, %jit3A_276, %jit3A_273 : i32
          %rem3A_278 = vector.broadcast %select_n3A_277 : i32 to vector<16xi32>
          %rem3A_279 = arith.remsi %gather3A, %rem3A_278 : vector<16xi32>
          %ne3A_280 = arith.constant 0 : i32
          %ne3A_281 = vector.broadcast %ne3A_280 : i32 to vector<16xi32>
          %ne3A_282 = arith.cmpi ne, %rem3A_279, %ne3A_281 : vector<16xi32>
          %lt3A_283 = arith.constant 0 : i32
          %lt3A_284 = vector.broadcast %lt3A_283 : i32 to vector<16xi32>
          %lt3A_285 = arith.cmpi slt, %rem3A_279, %lt3A_284 : vector<16xi32>
          %lt3A_286 = arith.constant 0 : i32
          %lt3A_287 = arith.cmpi slt, %select_n3A_277, %lt3A_286 : i32
          %ne3A_288 = vector.broadcast %lt3A_287 : i1 to vector<16xi1>
          %ne3A_289 = vector.broadcast %ne3A_288 : vector<16xi1> to vector<16xi1>
          %ne3A_290 = arith.xori %lt3A_285, %ne3A_289 : vector<16xi1>
          %and3A_291 = arith.andi %ne3A_290, %ne3A_282 : vector<16xi1>
          %add3A_292 = vector.broadcast %select_n3A_277 : i32 to vector<16xi32>
          %add3A_293 = arith.addi %rem3A_279, %add3A_292 : vector<16xi32>
          %select_n3A_294 = arith.select %and3A_291, %add3A_293, %rem3A_279 : vector<16xi1>, vector<16xi32>
          %add3A_295 = arith.addi %broadcast_in_dim3A_272, %select_n3A_294 : vector<16xi32>
          %broadcast_in_dim3A_296 = arith.constant 13 : i32
          %broadcast_in_dim3A_297 = vector.broadcast %broadcast_in_dim3A_296 : i32 to vector<16xi32>
          %jit3A_298 = arith.constant 26 : i32
          %div3A_299 = arith.divsi %add3A_231, %jit3A_298 : i32
          %sign3A_300 = arith.constant 0 : i32
          %sign3A_301 = arith.cmpi sgt, %add3A_231, %sign3A_300 : i32
          %sign3A_302 = arith.extui %sign3A_301 : i1 to i32
          %sign3A_303 = arith.constant 0 : i32
          %sign3A_304 = arith.cmpi slt, %add3A_231, %sign3A_303 : i32
          %sign3A_305 = arith.extui %sign3A_304 : i1 to i32
          %sign3A_306 = arith.subi %sign3A_302, %sign3A_305 : i32
          %sign3A_307 = arith.constant 0 : i32
          %sign3A_308 = arith.cmpi sgt, %jit3A_298, %sign3A_307 : i32
          %sign3A_309 = arith.extui %sign3A_308 : i1 to i32
          %sign3A_310 = arith.constant 0 : i32
          %sign3A_311 = arith.cmpi slt, %jit3A_298, %sign3A_310 : i32
          %sign3A_312 = arith.extui %sign3A_311 : i1 to i32
          %sign3A_313 = arith.subi %sign3A_309, %sign3A_312 : i32
          %ne3A_314 = arith.cmpi ne, %sign3A_306, %sign3A_313 : i32
          %rem3A_315 = arith.remsi %add3A_231, %jit3A_298 : i32
          %ne3A_316 = arith.constant 0 : i32
          %ne3A_317 = arith.cmpi ne, %rem3A_315, %ne3A_316 : i32
          %and3A_318 = arith.andi %ne3A_314, %ne3A_317 : i1
          %sub3A_319 = arith.constant 1 : i32
          %sub3A_320 = arith.subi %div3A_299, %sub3A_319 : i32
          %select_n3A_321 = arith.select %and3A_318, %sub3A_320, %div3A_299 : i32
          %mul3A_322 = arith.constant 39 : i32
          %mul3A_323 = arith.muli %select_n3A_321, %mul3A_322 : i32
          %add3A_324 = vector.broadcast %mul3A_323 : i32 to vector<16xi32>
          %add3A_325 = arith.addi %broadcast_in_dim3A_297, %add3A_324 : vector<16xi32>
          %jit3A_326 = arith.constant 26 : i32
          %eq3A_327 = arith.constant 0 : i32
          %eq3A_328 = arith.cmpi eq, %jit3A_326, %eq3A_327 : i32
          %jit3A_329 = arith.constant 1 : i32
          %select_n3A_330 = arith.select %eq3A_328, %jit3A_329, %jit3A_326 : i32
          %rem3A_331 = arith.remsi %add3A_231, %select_n3A_330 : i32
          %ne3A_332 = arith.constant 0 : i32
          %ne3A_333 = arith.cmpi ne, %rem3A_331, %ne3A_332 : i32
          %lt3A_334 = arith.constant 0 : i32
          %lt3A_335 = arith.cmpi slt, %rem3A_331, %lt3A_334 : i32
          %lt3A_336 = arith.constant 0 : i32
          %lt3A_337 = arith.cmpi slt, %select_n3A_330, %lt3A_336 : i32
          %ne3A_338 = arith.xori %lt3A_335, %lt3A_337 : i1
          %and3A_339 = arith.andi %ne3A_338, %ne3A_333 : i1
          %add3A_340 = arith.addi %rem3A_331, %select_n3A_330 : i32
          %select_n3A_341 = arith.select %and3A_339, %add3A_340, %rem3A_331 : i32
          %add3A_342 = vector.broadcast %select_n3A_341 : i32 to vector<16xi32>
          %add3A_343 = arith.addi %add3A_325, %add3A_342 : vector<16xi32>
          %iota3A = tpu.iota {dimensions = array<i32: 0>} : vector<16xi32>
          %add3A_344 = arith.constant 0 : i32
          %add3A_345 = vector.broadcast %add3A_344 : i32 to vector<16xi32>
          %add3A_346 = arith.addi %iota3A, %add3A_345 : vector<16xi32>
          %gather3A_347 = tpu.vector_load_idx %arg9[%add3A_295, %add3A_346] : memref<128x64xf32, #tpu.memory_space<vmem>>[vector<16xi32>, vector<16xi32>], vector<16xf32>,
          tpu.vector_store_idx %arg10[%add3A_343, %add3A_346], %gather3A_347 : memref<312x64xf32, #tpu.memory_space<vmem>>[vector<16xi32>, vector<16xi32>], vector<16xf32>,
          %iota3A_348 = tpu.iota {dimensions = array<i32: 0>} : vector<16xi32>
          %add3A_349 = arith.constant 16 : i32
          %add3A_350 = vector.broadcast %add3A_349 : i32 to vector<16xi32>
          %add3A_351 = arith.addi %iota3A_348, %add3A_350 : vector<16xi32>
          %gather3A_352 = tpu.vector_load_idx %arg9[%add3A_295, %add3A_351] : memref<128x64xf32, #tpu.memory_space<vmem>>[vector<16xi32>, vector<16xi32>], vector<16xf32>,
          tpu.vector_store_idx %arg10[%add3A_343, %add3A_351], %gather3A_352 : memref<312x64xf32, #tpu.memory_space<vmem>>[vector<16xi32>, vector<16xi32>], vector<16xf32>,
          %iota3A_353 = tpu.iota {dimensions = array<i32: 0>} : vector<16xi32>
          %add3A_354 = arith.constant 32 : i32
          %add3A_355 = vector.broadcast %add3A_354 : i32 to vector<16xi32>
          %add3A_356 = arith.addi %iota3A_353, %add3A_355 : vector<16xi32>
          %gather3A_357 = tpu.vector_load_idx %arg9[%add3A_295, %add3A_356] : memref<128x64xf32, #tpu.memory_space<vmem>>[vector<16xi32>, vector<16xi32>], vector<16xf32>,
          tpu.vector_store_idx %arg10[%add3A_343, %add3A_356], %gather3A_357 : memref<312x64xf32, #tpu.memory_space<vmem>>[vector<16xi32>, vector<16xi32>], vector<16xf32>,
          %iota3A_358 = tpu.iota {dimensions = array<i32: 0>} : vector<16xi32>
          %add3A_359 = arith.constant 48 : i32
          %add3A_360 = vector.broadcast %add3A_359 : i32 to vector<16xi32>
          %add3A_361 = arith.addi %iota3A_358, %add3A_360 : vector<16xi32>
          %gather3A_362 = tpu.vector_load_idx %arg9[%add3A_295, %add3A_361] : memref<128x64xf32, #tpu.memory_space<vmem>>[vector<16xi32>, vector<16xi32>], vector<16xf32>,
          tpu.vector_store_idx %arg10[%add3A_343, %add3A_361], %gather3A_362 : memref<312x64xf32, #tpu.memory_space<vmem>>[vector<16xi32>, vector<16xi32>], vector<16xf32>,
        }
        %scan3A_220 = arith.constant 4 : i32
        %add3A_221 = arith.constant 4 : i32
        %add3A_222 = arith.addi %add3A_208, %add3A_221 : i32
        %lt3A_223 = arith.constant 52 : i32
        %lt3A_224 = arith.cmpi slt, %add3A_222, %lt3A_223 : i32
        %convert_element_type3A_225 = arith.extui %lt3A_224 : i1 to i32
        %cond3A_226 = arith.constant 0 : i32
        %cond3A_227 = arith.cmpi ne, %convert_element_type3A_225, %cond3A_226 : i32
        scf.if %cond3A_227 {
          %add3A_228 = arith.constant 4 : i32
          %add3A_229 = arith.addi %add3A_208, %add3A_228 : i32
          %scan3A_230 = arith.constant 0 : i32
          %scan3A_231 = arith.constant 0 : i32
          %scan3A_232 = arith.constant 4 : i32
          %scan3A_233 = arith.addi %scan3A_231, %scan3A_232 : i32
          %scan3A_234 = arith.constant 1 : i32
          scf.for %scan3A_236 = %scan3A_231 to %scan3A_233 step %scan3A_234  : i32 {
            %mul3A_237 = arith.constant 4 : i32
            %mul3A_238 = arith.muli %add3A_229, %mul3A_237 : i32
            %add3A_239 = arith.addi %mul3A_238, %scan3A_236 : i32
            %mul3A_240 = arith.constant 8 : i32
            %mul3A_241 = arith.muli %mul3A_31, %mul3A_240 : i32
            %broadcast_in_dim3A = vector.broadcast %mul3A_241 : i32 to vector<16xi32>
            %jit3A = arith.constant 26 : i32
            %div3A = arith.divsi %add3A_239, %jit3A : i32
            %sign3A = arith.constant 0 : i32
            %sign3A_242 = arith.cmpi sgt, %add3A_239, %sign3A : i32
            %sign3A_243 = arith.extui %sign3A_242 : i1 to i32
            %sign3A_244 = arith.constant 0 : i32
            %sign3A_245 = arith.cmpi slt, %add3A_239, %sign3A_244 : i32
            %sign3A_246 = arith.extui %sign3A_245 : i1 to i32
            %sign3A_247 = arith.subi %sign3A_243, %sign3A_246 : i32
            %sign3A_248 = arith.constant 0 : i32
            %sign3A_249 = arith.cmpi sgt, %jit3A, %sign3A_248 : i32
            %sign3A_250 = arith.extui %sign3A_249 : i1 to i32
            %sign3A_251 = arith.constant 0 : i32
            %sign3A_252 = arith.cmpi slt, %jit3A, %sign3A_251 : i32
            %sign3A_253 = arith.extui %sign3A_252 : i1 to i32
            %sign3A_254 = arith.subi %sign3A_250, %sign3A_253 : i32
            %ne3A = arith.cmpi ne, %sign3A_247, %sign3A_254 : i32
            %rem3A = arith.remsi %add3A_239, %jit3A : i32
            %ne3A_255 = arith.constant 0 : i32
            %ne3A_256 = arith.cmpi ne, %rem3A, %ne3A_255 : i32
            %and3A = arith.andi %ne3A, %ne3A_256 : i1
            %sub3A = arith.constant 1 : i32
            %sub3A_257 = arith.subi %div3A, %sub3A : i32
            %select_n3A = arith.select %and3A, %sub3A_257, %div3A : i32
            %add3A_258 = vector.broadcast %select_n3A : i32 to vector<16xi32>
            %add3A_259 = arith.addi %broadcast_in_dim3A, %add3A_258 : vector<16xi32>
            %jit3A_260 = arith.constant 26 : i32
            %eq3A = arith.constant 0 : i32
            %eq3A_261 = arith.cmpi eq, %jit3A_260, %eq3A : i32
            %jit3A_262 = arith.constant 1 : i32
            %select_n3A_263 = arith.select %eq3A_261, %jit3A_262, %jit3A_260 : i32
            %rem3A_264 = arith.remsi %add3A_239, %select_n3A_263 : i32
            %ne3A_265 = arith.constant 0 : i32
            %ne3A_266 = arith.cmpi ne, %rem3A_264, %ne3A_265 : i32
            %lt3A_267 = arith.constant 0 : i32
            %lt3A_268 = arith.cmpi slt, %rem3A_264, %lt3A_267 : i32
            %lt3A_269 = arith.constant 0 : i32
            %lt3A_270 = arith.cmpi slt, %select_n3A_263, %lt3A_269 : i32
            %ne3A_271 = arith.xori %lt3A_268, %lt3A_270 : i1
            %and3A_272 = arith.andi %ne3A_271, %ne3A_266 : i1
            %add3A_273 = arith.addi %rem3A_264, %select_n3A_263 : i32
            %select_n3A_274 = arith.select %and3A_272, %add3A_273, %rem3A_264 : i32
            %broadcast_in_dim3A_275 = vector.broadcast %select_n3A_274 : i32 to vector<16xi32>
            %gather3A = tpu.vector_load_idx %arg8[%add3A_259, %broadcast_in_dim3A_275] : memref<128x26xi32, #tpu.memory_space<vmem>>[vector<16xi32>, vector<16xi32>], vector<16xi32>,
            %reduce_max3A = arith.constant true
            %reduce_max3A_276 = vector.broadcast %reduce_max3A : i1 to vector<16xi1>
            %reduce_max3A_277 = arith.constant -2147483648 : i32
            %reduce_max3A_278 = vector.broadcast %reduce_max3A_277 : i32 to vector<16xi32>
            %reduce_max3A_279 = arith.xori %gather3A, %reduce_max3A_278 : vector<16xi32>
            %reduce_max3A_280 = tpu.scan <max>, %reduce_max3A_279 masked %reduce_max3A_276 : vector<16xi32>, vector<16xi1> -> vector<16xi32>
            %reduce_max3A_281 = arith.xori %reduce_max3A_280, %reduce_max3A_278 : vector<16xi32>
            %reduce_max3A_282 = vector.extract %reduce_max3A_281[15] : i32 from vector<16xi32>
            %jit3A_283 = arith.constant 8 : i32
            %div3A_284 = arith.divsi %reduce_max3A_282, %jit3A_283 : i32
            %sign3A_285 = arith.constant 0 : i32
            %sign3A_286 = arith.cmpi sgt, %reduce_max3A_282, %sign3A_285 : i32
            %sign3A_287 = arith.extui %sign3A_286 : i1 to i32
            %sign3A_288 = arith.constant 0 : i32
            %sign3A_289 = arith.cmpi slt, %reduce_max3A_282, %sign3A_288 : i32
            %sign3A_290 = arith.extui %sign3A_289 : i1 to i32
            %sign3A_291 = arith.subi %sign3A_287, %sign3A_290 : i32
            %sign3A_292 = arith.constant 0 : i32
            %sign3A_293 = arith.cmpi sgt, %jit3A_283, %sign3A_292 : i32
            %sign3A_294 = arith.extui %sign3A_293 : i1 to i32
            %sign3A_295 = arith.constant 0 : i32
            %sign3A_296 = arith.cmpi slt, %jit3A_283, %sign3A_295 : i32
            %sign3A_297 = arith.extui %sign3A_296 : i1 to i32
            %sign3A_298 = arith.subi %sign3A_294, %sign3A_297 : i32
            %ne3A_299 = arith.cmpi ne, %sign3A_291, %sign3A_298 : i32
            %rem3A_300 = arith.remsi %reduce_max3A_282, %jit3A_283 : i32
            %ne3A_301 = arith.constant 0 : i32
            %ne3A_302 = arith.cmpi ne, %rem3A_300, %ne3A_301 : i32
            %and3A_303 = arith.andi %ne3A_299, %ne3A_302 : i1
            %sub3A_304 = arith.constant 1 : i32
            %sub3A_305 = arith.subi %div3A_284, %sub3A_304 : i32
            %select_n3A_306 = arith.select %and3A_303, %sub3A_305, %div3A_284 : i32
            %mul3A_307 = arith.constant 8 : i32
            %mul3A_308 = arith.muli %select_n3A_306, %mul3A_307 : i32
            %multiple_of3A = tpu.assume_multiple %mul3A_308, 8 : i32
            %add3A_309 = arith.constant 12 : i32
            %add3A_310 = arith.addi %add3A_309, %scan3A_236 : i32
            %mul3A_311 = arith.constant 8 : i32
            %mul3A_312 = arith.muli %add3A_310, %mul3A_311 : i32
            %dma_start3A_313 = arith.constant 0 : i32
            %dma_start3A_314 = tpu.memref_slice %arg9[%mul3A_312, %dma_start3A_313] : memref<128x64xf32, #tpu.memory_space<vmem>> -> memref<8x64xf32, #tpu.memory_space<vmem>>
            %dma_start3A_315 = arith.constant 0 : i32
            %dma_start3A_316 = tpu.memref_slice %arg4[%multiple_of3A, %dma_start3A_315] : memref<2600000x64xf32, #tpu.memory_space<hbm>> -> memref<8x64xf32, #tpu.memory_space<hbm>>
            %dma_start3A_317 = arith.constant 0 : i32
            %dma_start3A_318 = tpu.memref_slice %arg9[%mul3A_312, %dma_start3A_317] : memref<128x64xf32, #tpu.memory_space<vmem>> -> memref<8x64xf32, #tpu.memory_space<vmem>>
            %dma_start3A_319 = arith.constant 0 : i32
            %dma_start3A_320 = tpu.memref_slice %arg4[%multiple_of3A, %dma_start3A_319] : memref<2600000x64xf32, #tpu.memory_space<hbm>> -> memref<8x64xf32, #tpu.memory_space<hbm>>
            tpu.enqueue_dma source(%dma_start3A_320 : memref<8x64xf32, #tpu.memory_space<hbm>>) target(%dma_start3A_318 : memref<8x64xf32, #tpu.memory_space<vmem>>) target_semaphore(%arg15 : memref<!tpu.dma_semaphore, #tpu.memory_space<semaphore_mem>>)
          }
          %scan3A_235 = arith.constant 4 : i32
        } else {
        }
      }
      %scan3A_71 = arith.constant 13 : i32
      %mul3A_72 = arith.constant 8 : i32
      %mul3A_73 = arith.muli %mul3A_31, %mul3A_72 : i32
      %add3A_74 = arith.addi %mul3A_2, %mul3A_73 : i32
      %mul3A_75 = arith.constant 39 : i32
      %mul3A_76 = arith.muli %add3A_74, %mul3A_75 : i32
      %dma_start3A = arith.constant 0 : i32
      %dma_start3A_77 = tpu.memref_slice %arg5[%mul3A_76, %dma_start3A] : memref<159744x64xf32, #tpu.memory_space<hbm>> -> memref<312x64xf32, #tpu.memory_space<hbm>>
      %dma_start3A_78 = arith.constant 0 : i32
      %dma_start3A_79 = tpu.memref_slice %arg5[%mul3A_76, %dma_start3A_78] : memref<159744x64xf32, #tpu.memory_space<hbm>> -> memref<312x64xf32, #tpu.memory_space<hbm>>
      tpu.enqueue_dma source(%arg10 : memref<312x64xf32, #tpu.memory_space<vmem>>) target(%dma_start3A_79 : memref<312x64xf32, #tpu.memory_space<hbm>>) target_semaphore(%arg16 : memref<!tpu.dma_semaphore, #tpu.memory_space<semaphore_mem>>)
      %mul3A_80 = arith.constant 2 : i32
      %mul3A_81 = arith.muli %mul3A_80, %scan3A_29 : i32
      %add3A_82 = arith.constant 1 : i32
      %add3A_83 = arith.addi %mul3A_81, %add3A_82 : i32
      %ge3A_84 = arith.constant 2 : i32
      %ge3A_85 = arith.cmpi sge, %add3A_83, %ge3A_84 : i32
      %convert_element_type3A_86 = arith.extui %ge3A_85 : i1 to i32
      %cond3A_87 = arith.constant 0 : i32
      %cond3A_88 = arith.cmpi ne, %convert_element_type3A_86, %cond3A_87 : i32
      scf.if %cond3A_88 {
        %sub3A = arith.constant 2 : i32
        %sub3A_136 = arith.subi %add3A_83, %sub3A : i32
        %mul3A_137 = arith.constant 8 : i32
        %mul3A_138 = arith.muli %sub3A_136, %mul3A_137 : i32
        %add3A_139 = arith.addi %mul3A_2, %mul3A_138 : i32
        %mul3A_140 = arith.constant 39 : i32
        %mul3A_141 = arith.muli %add3A_139, %mul3A_140 : i32
        %dma_wait3A_142 = arith.constant 0 : i32
        %dma_wait3A_143 = tpu.memref_slice %arg5[%mul3A_141, %dma_wait3A_142] : memref<159744x64xf32, #tpu.memory_space<hbm>> -> memref<312x64xf32, #tpu.memory_space<hbm>>
        %dma_wait3A_144 = arith.constant 0 : i32
        %dma_wait3A_145 = tpu.memref_slice %arg5[%mul3A_141, %dma_wait3A_144] : memref<159744x64xf32, #tpu.memory_space<hbm>> -> memref<312x64xf32, #tpu.memory_space<hbm>>
        tpu.wait_dma2 semaphore(%arg17 : memref<!tpu.dma_semaphore, #tpu.memory_space<semaphore_mem>>) src(%arg11 : memref<312x64xf32, #tpu.memory_space<vmem>>) dst(%dma_wait3A_145 : memref<312x64xf32, #tpu.memory_space<hbm>>)
      } else {
      }
      %mul3A_89 = arith.constant 8 : i32
      %mul3A_90 = arith.muli %add3A_83, %mul3A_89 : i32
      %scan3A_91 = arith.constant 0 : i32
      %scan3A_92 = arith.constant 0 : i32
      %scan3A_93 = arith.constant 104 : i32
      %scan3A_94 = arith.addi %scan3A_92, %scan3A_93 : i32
      %scan3A_95 = arith.constant 1 : i32
      scf.for %scan3A_136 = %scan3A_92 to %scan3A_94 step %scan3A_95  : i32 {
        %jit3A = arith.constant 13 : i32
        %div3A = arith.divsi %scan3A_136, %jit3A : i32
        %sign3A = arith.constant 0 : i32
        %sign3A_137 = arith.cmpi sgt, %scan3A_136, %sign3A : i32
        %sign3A_138 = arith.extui %sign3A_137 : i1 to i32
        %sign3A_139 = arith.constant 0 : i32
        %sign3A_140 = arith.cmpi slt, %scan3A_136, %sign3A_139 : i32
        %sign3A_141 = arith.extui %sign3A_140 : i1 to i32
        %sign3A_142 = arith.subi %sign3A_138, %sign3A_141 : i32
        %sign3A_143 = arith.constant 0 : i32
        %sign3A_144 = arith.cmpi sgt, %jit3A, %sign3A_143 : i32
        %sign3A_145 = arith.extui %sign3A_144 : i1 to i32
        %sign3A_146 = arith.constant 0 : i32
        %sign3A_147 = arith.cmpi slt, %jit3A, %sign3A_146 : i32
        %sign3A_148 = arith.extui %sign3A_147 : i1 to i32
        %sign3A_149 = arith.subi %sign3A_145, %sign3A_148 : i32
        %ne3A = arith.cmpi ne, %sign3A_142, %sign3A_149 : i32
        %rem3A = arith.remsi %scan3A_136, %jit3A : i32
        %ne3A_150 = arith.constant 0 : i32
        %ne3A_151 = arith.cmpi ne, %rem3A, %ne3A_150 : i32
        %and3A = arith.andi %ne3A, %ne3A_151 : i1
        %sub3A = arith.constant 1 : i32
        %sub3A_152 = arith.subi %div3A, %sub3A : i32
        %select_n3A = arith.select %and3A, %sub3A_152, %div3A : i32
        %jit3A_153 = arith.constant 13 : i32
        %eq3A = arith.constant 0 : i32
        %eq3A_154 = arith.cmpi eq, %jit3A_153, %eq3A : i32
        %jit3A_155 = arith.constant 1 : i32
        %select_n3A_156 = arith.select %eq3A_154, %jit3A_155, %jit3A_153 : i32
        %rem3A_157 = arith.remsi %scan3A_136, %select_n3A_156 : i32
        %ne3A_158 = arith.constant 0 : i32
        %ne3A_159 = arith.cmpi ne, %rem3A_157, %ne3A_158 : i32
        %lt3A = arith.constant 0 : i32
        %lt3A_160 = arith.cmpi slt, %rem3A_157, %lt3A : i32
        %lt3A_161 = arith.constant 0 : i32
        %lt3A_162 = arith.cmpi slt, %select_n3A_156, %lt3A_161 : i32
        %ne3A_163 = arith.xori %lt3A_160, %lt3A_162 : i1
        %and3A_164 = arith.andi %ne3A_163, %ne3A_159 : i1
        %add3A_165 = arith.addi %rem3A_157, %select_n3A_156 : i32
        %select_n3A_166 = arith.select %and3A_164, %add3A_165, %rem3A_157 : i32
        %add3A_167 = arith.addi %mul3A_90, %select_n3A : i32
        %broadcast_in_dim3A = vector.broadcast %add3A_167 : i32 to vector<16xi32>
        %broadcast_in_dim3A_168 = vector.broadcast %select_n3A_166 : i32 to vector<16xi32>
        %gather3A = tpu.vector_load_idx %arg6[%broadcast_in_dim3A, %broadcast_in_dim3A_168] : memref<128x39xf32, #tpu.memory_space<vmem>>[vector<16xi32>, vector<16xi32>], vector<16xf32>,
        %mul3A_169 = arith.constant 39 : i32
        %mul3A_170 = arith.muli %select_n3A, %mul3A_169 : i32
        %add3A_171 = arith.addi %mul3A_170, %select_n3A_166 : i32
        %broadcast_in_dim3A_172 = vector.broadcast %add3A_171 : i32 to vector<16xi32>
        %iota3A = tpu.iota {dimensions = array<i32: 0>} : vector<16xi32>
        %add3A_173 = arith.constant 0 : i32
        %add3A_174 = vector.broadcast %add3A_173 : i32 to vector<16xi32>
        %add3A_175 = arith.addi %iota3A, %add3A_174 : vector<16xi32>
        %gather3A_176 = tpu.vector_load_idx %arg7[%broadcast_in_dim3A_168, %add3A_175] : memref<13x64xf32, #tpu.memory_space<vmem>>[vector<16xi32>, vector<16xi32>], vector<16xf32>,
        %iota3A_177 = tpu.iota {dimensions = array<i32: 0>} : vector<16xi32>
        %add3A_178 = arith.constant 0 : i32
        %add3A_179 = vector.broadcast %add3A_178 : i32 to vector<16xi32>
        %add3A_180 = arith.addi %iota3A_177, %add3A_179 : vector<16xi32>
        %mul3A_181 = arith.mulf %gather3A, %gather3A_176 : vector<16xf32>
        tpu.vector_store_idx %arg11[%broadcast_in_dim3A_172, %add3A_180], %mul3A_181 : memref<312x64xf32, #tpu.memory_space<vmem>>[vector<16xi32>, vector<16xi32>], vector<16xf32>,
        %iota3A_182 = tpu.iota {dimensions = array<i32: 0>} : vector<16xi32>
        %add3A_183 = arith.constant 16 : i32
        %add3A_184 = vector.broadcast %add3A_183 : i32 to vector<16xi32>
        %add3A_185 = arith.addi %iota3A_182, %add3A_184 : vector<16xi32>
        %gather3A_186 = tpu.vector_load_idx %arg7[%broadcast_in_dim3A_168, %add3A_185] : memref<13x64xf32, #tpu.memory_space<vmem>>[vector<16xi32>, vector<16xi32>], vector<16xf32>,
        %iota3A_187 = tpu.iota {dimensions = array<i32: 0>} : vector<16xi32>
        %add3A_188 = arith.constant 16 : i32
        %add3A_189 = vector.broadcast %add3A_188 : i32 to vector<16xi32>
        %add3A_190 = arith.addi %iota3A_187, %add3A_189 : vector<16xi32>
        %mul3A_191 = arith.mulf %gather3A, %gather3A_186 : vector<16xf32>
        tpu.vector_store_idx %arg11[%broadcast_in_dim3A_172, %add3A_190], %mul3A_191 : memref<312x64xf32, #tpu.memory_space<vmem>>[vector<16xi32>, vector<16xi32>], vector<16xf32>,
        %iota3A_192 = tpu.iota {dimensions = array<i32: 0>} : vector<16xi32>
        %add3A_193 = arith.constant 32 : i32
        %add3A_194 = vector.broadcast %add3A_193 : i32 to vector<16xi32>
        %add3A_195 = arith.addi %iota3A_192, %add3A_194 : vector<16xi32>
        %gather3A_196 = tpu.vector_load_idx %arg7[%broadcast_in_dim3A_168, %add3A_195] : memref<13x64xf32, #tpu.memory_space<vmem>>[vector<16xi32>, vector<16xi32>], vector<16xf32>,
        %iota3A_197 = tpu.iota {dimensions = array<i32: 0>} : vector<16xi32>
        %add3A_198 = arith.constant 32 : i32
        %add3A_199 = vector.broadcast %add3A_198 : i32 to vector<16xi32>
        %add3A_200 = arith.addi %iota3A_197, %add3A_199 : vector<16xi32>
        %mul3A_201 = arith.mulf %gather3A, %gather3A_196 : vector<16xf32>
        tpu.vector_store_idx %arg11[%broadcast_in_dim3A_172, %add3A_200], %mul3A_201 : memref<312x64xf32, #tpu.memory_space<vmem>>[vector<16xi32>, vector<16xi32>], vector<16xf32>,
        %iota3A_202 = tpu.iota {dimensions = array<i32: 0>} : vector<16xi32>
        %add3A_203 = arith.constant 48 : i32
        %add3A_204 = vector.broadcast %add3A_203 : i32 to vector<16xi32>
        %add3A_205 = arith.addi %iota3A_202, %add3A_204 : vector<16xi32>
        %gather3A_206 = tpu.vector_load_idx %arg7[%broadcast_in_dim3A_168, %add3A_205] : memref<13x64xf32, #tpu.memory_space<vmem>>[vector<16xi32>, vector<16xi32>], vector<16xf32>,
        %iota3A_207 = tpu.iota {dimensions = array<i32: 0>} : vector<16xi32>
        %add3A_208 = arith.constant 48 : i32
        %add3A_209 = vector.broadcast %add3A_208 : i32 to vector<16xi32>
        %add3A_210 = arith.addi %iota3A_207, %add3A_209 : vector<16xi32>
        %mul3A_211 = arith.mulf %gather3A, %gather3A_206 : vector<16xf32>
        tpu.vector_store_idx %arg11[%broadcast_in_dim3A_172, %add3A_210], %mul3A_211 : memref<312x64xf32, #tpu.memory_space<vmem>>[vector<16xi32>, vector<16xi32>], vector<16xf32>,
      }
      %scan3A_96 = arith.constant 104 : i32
      %scan3A_97 = arith.constant 0 : i32
      %scan3A_98 = arith.constant 0 : i32
      %scan3A_99 = arith.constant 4 : i32
      %scan3A_100 = arith.addi %scan3A_98, %scan3A_99 : i32
      %scan3A_101 = arith.constant 1 : i32
      scf.for %scan3A_136 = %scan3A_98 to %scan3A_100 step %scan3A_101  : i32 {
        %add3A_137 = arith.constant 0 : i32
        %add3A_138 = arith.addi %add3A_137, %scan3A_136 : i32
        %mul3A_139 = arith.constant 8 : i32
        %mul3A_140 = arith.muli %add3A_83, %mul3A_139 : i32
        %broadcast_in_dim3A = vector.broadcast %mul3A_140 : i32 to vector<16xi32>
        %jit3A = arith.constant 26 : i32
        %div3A = arith.divsi %add3A_138, %jit3A : i32
        %sign3A = arith.constant 0 : i32
        %sign3A_141 = arith.cmpi sgt, %add3A_138, %sign3A : i32
        %sign3A_142 = arith.extui %sign3A_141 : i1 to i32
        %sign3A_143 = arith.constant 0 : i32
        %sign3A_144 = arith.cmpi slt, %add3A_138, %sign3A_143 : i32
        %sign3A_145 = arith.extui %sign3A_144 : i1 to i32
        %sign3A_146 = arith.subi %sign3A_142, %sign3A_145 : i32
        %sign3A_147 = arith.constant 0 : i32
        %sign3A_148 = arith.cmpi sgt, %jit3A, %sign3A_147 : i32
        %sign3A_149 = arith.extui %sign3A_148 : i1 to i32
        %sign3A_150 = arith.constant 0 : i32
        %sign3A_151 = arith.cmpi slt, %jit3A, %sign3A_150 : i32
        %sign3A_152 = arith.extui %sign3A_151 : i1 to i32
        %sign3A_153 = arith.subi %sign3A_149, %sign3A_152 : i32
        %ne3A = arith.cmpi ne, %sign3A_146, %sign3A_153 : i32
        %rem3A = arith.remsi %add3A_138, %jit3A : i32
        %ne3A_154 = arith.constant 0 : i32
        %ne3A_155 = arith.cmpi ne, %rem3A, %ne3A_154 : i32
        %and3A = arith.andi %ne3A, %ne3A_155 : i1
        %sub3A = arith.constant 1 : i32
        %sub3A_156 = arith.subi %div3A, %sub3A : i32
        %select_n3A = arith.select %and3A, %sub3A_156, %div3A : i32
        %add3A_157 = vector.broadcast %select_n3A : i32 to vector<16xi32>
        %add3A_158 = arith.addi %broadcast_in_dim3A, %add3A_157 : vector<16xi32>
        %jit3A_159 = arith.constant 26 : i32
        %eq3A = arith.constant 0 : i32
        %eq3A_160 = arith.cmpi eq, %jit3A_159, %eq3A : i32
        %jit3A_161 = arith.constant 1 : i32
        %select_n3A_162 = arith.select %eq3A_160, %jit3A_161, %jit3A_159 : i32
        %rem3A_163 = arith.remsi %add3A_138, %select_n3A_162 : i32
        %ne3A_164 = arith.constant 0 : i32
        %ne3A_165 = arith.cmpi ne, %rem3A_163, %ne3A_164 : i32
        %lt3A = arith.constant 0 : i32
        %lt3A_166 = arith.cmpi slt, %rem3A_163, %lt3A : i32
        %lt3A_167 = arith.constant 0 : i32
        %lt3A_168 = arith.cmpi slt, %select_n3A_162, %lt3A_167 : i32
        %ne3A_169 = arith.xori %lt3A_166, %lt3A_168 : i1
        %and3A_170 = arith.andi %ne3A_169, %ne3A_165 : i1
        %add3A_171 = arith.addi %rem3A_163, %select_n3A_162 : i32
        %select_n3A_172 = arith.select %and3A_170, %add3A_171, %rem3A_163 : i32
        %broadcast_in_dim3A_173 = vector.broadcast %select_n3A_172 : i32 to vector<16xi32>
        %gather3A = tpu.vector_load_idx %arg8[%add3A_158, %broadcast_in_dim3A_173] : memref<128x26xi32, #tpu.memory_space<vmem>>[vector<16xi32>, vector<16xi32>], vector<16xi32>,
        %reduce_max3A = arith.constant true
        %reduce_max3A_174 = vector.broadcast %reduce_max3A : i1 to vector<16xi1>
        %reduce_max3A_175 = arith.constant -2147483648 : i32
        %reduce_max3A_176 = vector.broadcast %reduce_max3A_175 : i32 to vector<16xi32>
        %reduce_max3A_177 = arith.xori %gather3A, %reduce_max3A_176 : vector<16xi32>
        %reduce_max3A_178 = tpu.scan <max>, %reduce_max3A_177 masked %reduce_max3A_174 : vector<16xi32>, vector<16xi1> -> vector<16xi32>
        %reduce_max3A_179 = arith.xori %reduce_max3A_178, %reduce_max3A_176 : vector<16xi32>
        %reduce_max3A_180 = vector.extract %reduce_max3A_179[15] : i32 from vector<16xi32>
        %jit3A_181 = arith.constant 8 : i32
        %div3A_182 = arith.divsi %reduce_max3A_180, %jit3A_181 : i32
        %sign3A_183 = arith.constant 0 : i32
        %sign3A_184 = arith.cmpi sgt, %reduce_max3A_180, %sign3A_183 : i32
        %sign3A_185 = arith.extui %sign3A_184 : i1 to i32
        %sign3A_186 = arith.constant 0 : i32
        %sign3A_187 = arith.cmpi slt, %reduce_max3A_180, %sign3A_186 : i32
        %sign3A_188 = arith.extui %sign3A_187 : i1 to i32
        %sign3A_189 = arith.subi %sign3A_185, %sign3A_188 : i32
        %sign3A_190 = arith.constant 0 : i32
        %sign3A_191 = arith.cmpi sgt, %jit3A_181, %sign3A_190 : i32
        %sign3A_192 = arith.extui %sign3A_191 : i1 to i32
        %sign3A_193 = arith.constant 0 : i32
        %sign3A_194 = arith.cmpi slt, %jit3A_181, %sign3A_193 : i32
        %sign3A_195 = arith.extui %sign3A_194 : i1 to i32
        %sign3A_196 = arith.subi %sign3A_192, %sign3A_195 : i32
        %ne3A_197 = arith.cmpi ne, %sign3A_189, %sign3A_196 : i32
        %rem3A_198 = arith.remsi %reduce_max3A_180, %jit3A_181 : i32
        %ne3A_199 = arith.constant 0 : i32
        %ne3A_200 = arith.cmpi ne, %rem3A_198, %ne3A_199 : i32
        %and3A_201 = arith.andi %ne3A_197, %ne3A_200 : i1
        %sub3A_202 = arith.constant 1 : i32
        %sub3A_203 = arith.subi %div3A_182, %sub3A_202 : i32
        %select_n3A_204 = arith.select %and3A_201, %sub3A_203, %div3A_182 : i32
        %mul3A_205 = arith.constant 8 : i32
        %mul3A_206 = arith.muli %select_n3A_204, %mul3A_205 : i32
        %multiple_of3A = tpu.assume_multiple %mul3A_206, 8 : i32
        %add3A_207 = arith.constant 0 : i32
        %add3A_208 = arith.addi %add3A_207, %scan3A_136 : i32
        %mul3A_209 = arith.constant 8 : i32
        %mul3A_210 = arith.muli %add3A_208, %mul3A_209 : i32
        %dma_start3A_211 = arith.constant 0 : i32
        %dma_start3A_212 = tpu.memref_slice %arg9[%mul3A_210, %dma_start3A_211] : memref<128x64xf32, #tpu.memory_space<vmem>> -> memref<8x64xf32, #tpu.memory_space<vmem>>
        %dma_start3A_213 = arith.constant 0 : i32
        %dma_start3A_214 = tpu.memref_slice %arg4[%multiple_of3A, %dma_start3A_213] : memref<2600000x64xf32, #tpu.memory_space<hbm>> -> memref<8x64xf32, #tpu.memory_space<hbm>>
        %dma_start3A_215 = arith.constant 0 : i32
        %dma_start3A_216 = tpu.memref_slice %arg9[%mul3A_210, %dma_start3A_215] : memref<128x64xf32, #tpu.memory_space<vmem>> -> memref<8x64xf32, #tpu.memory_space<vmem>>
        %dma_start3A_217 = arith.constant 0 : i32
        %dma_start3A_218 = tpu.memref_slice %arg4[%multiple_of3A, %dma_start3A_217] : memref<2600000x64xf32, #tpu.memory_space<hbm>> -> memref<8x64xf32, #tpu.memory_space<hbm>>
        tpu.enqueue_dma source(%dma_start3A_218 : memref<8x64xf32, #tpu.memory_space<hbm>>) target(%dma_start3A_216 : memref<8x64xf32, #tpu.memory_space<vmem>>) target_semaphore(%arg12 : memref<!tpu.dma_semaphore, #tpu.memory_space<semaphore_mem>>)
      }
      %scan3A_102 = arith.constant 4 : i32
      %scan3A_103 = arith.constant 0 : i32
      %scan3A_104 = arith.constant 0 : i32
      %scan3A_105 = arith.constant 4 : i32
      %scan3A_106 = arith.addi %scan3A_104, %scan3A_105 : i32
      %scan3A_107 = arith.constant 1 : i32
      scf.for %scan3A_136 = %scan3A_104 to %scan3A_106 step %scan3A_107  : i32 {
        %add3A_137 = arith.constant 4 : i32
        %add3A_138 = arith.addi %add3A_137, %scan3A_136 : i32
        %mul3A_139 = arith.constant 8 : i32
        %mul3A_140 = arith.muli %add3A_83, %mul3A_139 : i32
        %broadcast_in_dim3A = vector.broadcast %mul3A_140 : i32 to vector<16xi32>
        %jit3A = arith.constant 26 : i32
        %div3A = arith.divsi %add3A_138, %jit3A : i32
        %sign3A = arith.constant 0 : i32
        %sign3A_141 = arith.cmpi sgt, %add3A_138, %sign3A : i32
        %sign3A_142 = arith.extui %sign3A_141 : i1 to i32
        %sign3A_143 = arith.constant 0 : i32
        %sign3A_144 = arith.cmpi slt, %add3A_138, %sign3A_143 : i32
        %sign3A_145 = arith.extui %sign3A_144 : i1 to i32
        %sign3A_146 = arith.subi %sign3A_142, %sign3A_145 : i32
        %sign3A_147 = arith.constant 0 : i32
        %sign3A_148 = arith.cmpi sgt, %jit3A, %sign3A_147 : i32
        %sign3A_149 = arith.extui %sign3A_148 : i1 to i32
        %sign3A_150 = arith.constant 0 : i32
        %sign3A_151 = arith.cmpi slt, %jit3A, %sign3A_150 : i32
        %sign3A_152 = arith.extui %sign3A_151 : i1 to i32
        %sign3A_153 = arith.subi %sign3A_149, %sign3A_152 : i32
        %ne3A = arith.cmpi ne, %sign3A_146, %sign3A_153 : i32
        %rem3A = arith.remsi %add3A_138, %jit3A : i32
        %ne3A_154 = arith.constant 0 : i32
        %ne3A_155 = arith.cmpi ne, %rem3A, %ne3A_154 : i32
        %and3A = arith.andi %ne3A, %ne3A_155 : i1
        %sub3A = arith.constant 1 : i32
        %sub3A_156 = arith.subi %div3A, %sub3A : i32
        %select_n3A = arith.select %and3A, %sub3A_156, %div3A : i32
        %add3A_157 = vector.broadcast %select_n3A : i32 to vector<16xi32>
        %add3A_158 = arith.addi %broadcast_in_dim3A, %add3A_157 : vector<16xi32>
        %jit3A_159 = arith.constant 26 : i32
        %eq3A = arith.constant 0 : i32
        %eq3A_160 = arith.cmpi eq, %jit3A_159, %eq3A : i32
        %jit3A_161 = arith.constant 1 : i32
        %select_n3A_162 = arith.select %eq3A_160, %jit3A_161, %jit3A_159 : i32
        %rem3A_163 = arith.remsi %add3A_138, %select_n3A_162 : i32
        %ne3A_164 = arith.constant 0 : i32
        %ne3A_165 = arith.cmpi ne, %rem3A_163, %ne3A_164 : i32
        %lt3A = arith.constant 0 : i32
        %lt3A_166 = arith.cmpi slt, %rem3A_163, %lt3A : i32
        %lt3A_167 = arith.constant 0 : i32
        %lt3A_168 = arith.cmpi slt, %select_n3A_162, %lt3A_167 : i32
        %ne3A_169 = arith.xori %lt3A_166, %lt3A_168 : i1
        %and3A_170 = arith.andi %ne3A_169, %ne3A_165 : i1
        %add3A_171 = arith.addi %rem3A_163, %select_n3A_162 : i32
        %select_n3A_172 = arith.select %and3A_170, %add3A_171, %rem3A_163 : i32
        %broadcast_in_dim3A_173 = vector.broadcast %select_n3A_172 : i32 to vector<16xi32>
        %gather3A = tpu.vector_load_idx %arg8[%add3A_158, %broadcast_in_dim3A_173] : memref<128x26xi32, #tpu.memory_space<vmem>>[vector<16xi32>, vector<16xi32>], vector<16xi32>,
        %reduce_max3A = arith.constant true
        %reduce_max3A_174 = vector.broadcast %reduce_max3A : i1 to vector<16xi1>
        %reduce_max3A_175 = arith.constant -2147483648 : i32
        %reduce_max3A_176 = vector.broadcast %reduce_max3A_175 : i32 to vector<16xi32>
        %reduce_max3A_177 = arith.xori %gather3A, %reduce_max3A_176 : vector<16xi32>
        %reduce_max3A_178 = tpu.scan <max>, %reduce_max3A_177 masked %reduce_max3A_174 : vector<16xi32>, vector<16xi1> -> vector<16xi32>
        %reduce_max3A_179 = arith.xori %reduce_max3A_178, %reduce_max3A_176 : vector<16xi32>
        %reduce_max3A_180 = vector.extract %reduce_max3A_179[15] : i32 from vector<16xi32>
        %jit3A_181 = arith.constant 8 : i32
        %div3A_182 = arith.divsi %reduce_max3A_180, %jit3A_181 : i32
        %sign3A_183 = arith.constant 0 : i32
        %sign3A_184 = arith.cmpi sgt, %reduce_max3A_180, %sign3A_183 : i32
        %sign3A_185 = arith.extui %sign3A_184 : i1 to i32
        %sign3A_186 = arith.constant 0 : i32
        %sign3A_187 = arith.cmpi slt, %reduce_max3A_180, %sign3A_186 : i32
        %sign3A_188 = arith.extui %sign3A_187 : i1 to i32
        %sign3A_189 = arith.subi %sign3A_185, %sign3A_188 : i32
        %sign3A_190 = arith.constant 0 : i32
        %sign3A_191 = arith.cmpi sgt, %jit3A_181, %sign3A_190 : i32
        %sign3A_192 = arith.extui %sign3A_191 : i1 to i32
        %sign3A_193 = arith.constant 0 : i32
        %sign3A_194 = arith.cmpi slt, %jit3A_181, %sign3A_193 : i32
        %sign3A_195 = arith.extui %sign3A_194 : i1 to i32
        %sign3A_196 = arith.subi %sign3A_192, %sign3A_195 : i32
        %ne3A_197 = arith.cmpi ne, %sign3A_189, %sign3A_196 : i32
        %rem3A_198 = arith.remsi %reduce_max3A_180, %jit3A_181 : i32
        %ne3A_199 = arith.constant 0 : i32
        %ne3A_200 = arith.cmpi ne, %rem3A_198, %ne3A_199 : i32
        %and3A_201 = arith.andi %ne3A_197, %ne3A_200 : i1
        %sub3A_202 = arith.constant 1 : i32
        %sub3A_203 = arith.subi %div3A_182, %sub3A_202 : i32
        %select_n3A_204 = arith.select %and3A_201, %sub3A_203, %div3A_182 : i32
        %mul3A_205 = arith.constant 8 : i32
        %mul3A_206 = arith.muli %select_n3A_204, %mul3A_205 : i32
        %multiple_of3A = tpu.assume_multiple %mul3A_206, 8 : i32
        %add3A_207 = arith.constant 4 : i32
        %add3A_208 = arith.addi %add3A_207, %scan3A_136 : i32
        %mul3A_209 = arith.constant 8 : i32
        %mul3A_210 = arith.muli %add3A_208, %mul3A_209 : i32
        %dma_start3A_211 = arith.constant 0 : i32
        %dma_start3A_212 = tpu.memref_slice %arg9[%mul3A_210, %dma_start3A_211] : memref<128x64xf32, #tpu.memory_space<vmem>> -> memref<8x64xf32, #tpu.memory_space<vmem>>
        %dma_start3A_213 = arith.constant 0 : i32
        %dma_start3A_214 = tpu.memref_slice %arg4[%multiple_of3A, %dma_start3A_213] : memref<2600000x64xf32, #tpu.memory_space<hbm>> -> memref<8x64xf32, #tpu.memory_space<hbm>>
        %dma_start3A_215 = arith.constant 0 : i32
        %dma_start3A_216 = tpu.memref_slice %arg9[%mul3A_210, %dma_start3A_215] : memref<128x64xf32, #tpu.memory_space<vmem>> -> memref<8x64xf32, #tpu.memory_space<vmem>>
        %dma_start3A_217 = arith.constant 0 : i32
        %dma_start3A_218 = tpu.memref_slice %arg4[%multiple_of3A, %dma_start3A_217] : memref<2600000x64xf32, #tpu.memory_space<hbm>> -> memref<8x64xf32, #tpu.memory_space<hbm>>
        tpu.enqueue_dma source(%dma_start3A_218 : memref<8x64xf32, #tpu.memory_space<hbm>>) target(%dma_start3A_216 : memref<8x64xf32, #tpu.memory_space<vmem>>) target_semaphore(%arg13 : memref<!tpu.dma_semaphore, #tpu.memory_space<semaphore_mem>>)
      }
      %scan3A_108 = arith.constant 4 : i32
      %scan3A_109 = arith.constant 0 : i32
      %scan3A_110 = arith.constant 0 : i32
      %scan3A_111 = arith.constant 4 : i32
      %scan3A_112 = arith.addi %scan3A_110, %scan3A_111 : i32
      %scan3A_113 = arith.constant 1 : i32
      scf.for %scan3A_136 = %scan3A_110 to %scan3A_112 step %scan3A_113  : i32 {
        %add3A_137 = arith.constant 8 : i32
        %add3A_138 = arith.addi %add3A_137, %scan3A_136 : i32
        %mul3A_139 = arith.constant 8 : i32
        %mul3A_140 = arith.muli %add3A_83, %mul3A_139 : i32
        %broadcast_in_dim3A = vector.broadcast %mul3A_140 : i32 to vector<16xi32>
        %jit3A = arith.constant 26 : i32
        %div3A = arith.divsi %add3A_138, %jit3A : i32
        %sign3A = arith.constant 0 : i32
        %sign3A_141 = arith.cmpi sgt, %add3A_138, %sign3A : i32
        %sign3A_142 = arith.extui %sign3A_141 : i1 to i32
        %sign3A_143 = arith.constant 0 : i32
        %sign3A_144 = arith.cmpi slt, %add3A_138, %sign3A_143 : i32
        %sign3A_145 = arith.extui %sign3A_144 : i1 to i32
        %sign3A_146 = arith.subi %sign3A_142, %sign3A_145 : i32
        %sign3A_147 = arith.constant 0 : i32
        %sign3A_148 = arith.cmpi sgt, %jit3A, %sign3A_147 : i32
        %sign3A_149 = arith.extui %sign3A_148 : i1 to i32
        %sign3A_150 = arith.constant 0 : i32
        %sign3A_151 = arith.cmpi slt, %jit3A, %sign3A_150 : i32
        %sign3A_152 = arith.extui %sign3A_151 : i1 to i32
        %sign3A_153 = arith.subi %sign3A_149, %sign3A_152 : i32
        %ne3A = arith.cmpi ne, %sign3A_146, %sign3A_153 : i32
        %rem3A = arith.remsi %add3A_138, %jit3A : i32
        %ne3A_154 = arith.constant 0 : i32
        %ne3A_155 = arith.cmpi ne, %rem3A, %ne3A_154 : i32
        %and3A = arith.andi %ne3A, %ne3A_155 : i1
        %sub3A = arith.constant 1 : i32
        %sub3A_156 = arith.subi %div3A, %sub3A : i32
        %select_n3A = arith.select %and3A, %sub3A_156, %div3A : i32
        %add3A_157 = vector.broadcast %select_n3A : i32 to vector<16xi32>
        %add3A_158 = arith.addi %broadcast_in_dim3A, %add3A_157 : vector<16xi32>
        %jit3A_159 = arith.constant 26 : i32
        %eq3A = arith.constant 0 : i32
        %eq3A_160 = arith.cmpi eq, %jit3A_159, %eq3A : i32
        %jit3A_161 = arith.constant 1 : i32
        %select_n3A_162 = arith.select %eq3A_160, %jit3A_161, %jit3A_159 : i32
        %rem3A_163 = arith.remsi %add3A_138, %select_n3A_162 : i32
        %ne3A_164 = arith.constant 0 : i32
        %ne3A_165 = arith.cmpi ne, %rem3A_163, %ne3A_164 : i32
        %lt3A = arith.constant 0 : i32
        %lt3A_166 = arith.cmpi slt, %rem3A_163, %lt3A : i32
        %lt3A_167 = arith.constant 0 : i32
        %lt3A_168 = arith.cmpi slt, %select_n3A_162, %lt3A_167 : i32
        %ne3A_169 = arith.xori %lt3A_166, %lt3A_168 : i1
        %and3A_170 = arith.andi %ne3A_169, %ne3A_165 : i1
        %add3A_171 = arith.addi %rem3A_163, %select_n3A_162 : i32
        %select_n3A_172 = arith.select %and3A_170, %add3A_171, %rem3A_163 : i32
        %broadcast_in_dim3A_173 = vector.broadcast %select_n3A_172 : i32 to vector<16xi32>
        %gather3A = tpu.vector_load_idx %arg8[%add3A_158, %broadcast_in_dim3A_173] : memref<128x26xi32, #tpu.memory_space<vmem>>[vector<16xi32>, vector<16xi32>], vector<16xi32>,
        %reduce_max3A = arith.constant true
        %reduce_max3A_174 = vector.broadcast %reduce_max3A : i1 to vector<16xi1>
        %reduce_max3A_175 = arith.constant -2147483648 : i32
        %reduce_max3A_176 = vector.broadcast %reduce_max3A_175 : i32 to vector<16xi32>
        %reduce_max3A_177 = arith.xori %gather3A, %reduce_max3A_176 : vector<16xi32>
        %reduce_max3A_178 = tpu.scan <max>, %reduce_max3A_177 masked %reduce_max3A_174 : vector<16xi32>, vector<16xi1> -> vector<16xi32>
        %reduce_max3A_179 = arith.xori %reduce_max3A_178, %reduce_max3A_176 : vector<16xi32>
        %reduce_max3A_180 = vector.extract %reduce_max3A_179[15] : i32 from vector<16xi32>
        %jit3A_181 = arith.constant 8 : i32
        %div3A_182 = arith.divsi %reduce_max3A_180, %jit3A_181 : i32
        %sign3A_183 = arith.constant 0 : i32
        %sign3A_184 = arith.cmpi sgt, %reduce_max3A_180, %sign3A_183 : i32
        %sign3A_185 = arith.extui %sign3A_184 : i1 to i32
        %sign3A_186 = arith.constant 0 : i32
        %sign3A_187 = arith.cmpi slt, %reduce_max3A_180, %sign3A_186 : i32
        %sign3A_188 = arith.extui %sign3A_187 : i1 to i32
        %sign3A_189 = arith.subi %sign3A_185, %sign3A_188 : i32
        %sign3A_190 = arith.constant 0 : i32
        %sign3A_191 = arith.cmpi sgt, %jit3A_181, %sign3A_190 : i32
        %sign3A_192 = arith.extui %sign3A_191 : i1 to i32
        %sign3A_193 = arith.constant 0 : i32
        %sign3A_194 = arith.cmpi slt, %jit3A_181, %sign3A_193 : i32
        %sign3A_195 = arith.extui %sign3A_194 : i1 to i32
        %sign3A_196 = arith.subi %sign3A_192, %sign3A_195 : i32
        %ne3A_197 = arith.cmpi ne, %sign3A_189, %sign3A_196 : i32
        %rem3A_198 = arith.remsi %reduce_max3A_180, %jit3A_181 : i32
        %ne3A_199 = arith.constant 0 : i32
        %ne3A_200 = arith.cmpi ne, %rem3A_198, %ne3A_199 : i32
        %and3A_201 = arith.andi %ne3A_197, %ne3A_200 : i1
        %sub3A_202 = arith.constant 1 : i32
        %sub3A_203 = arith.subi %div3A_182, %sub3A_202 : i32
        %select_n3A_204 = arith.select %and3A_201, %sub3A_203, %div3A_182 : i32
        %mul3A_205 = arith.constant 8 : i32
        %mul3A_206 = arith.muli %select_n3A_204, %mul3A_205 : i32
        %multiple_of3A = tpu.assume_multiple %mul3A_206, 8 : i32
        %add3A_207 = arith.constant 8 : i32
        %add3A_208 = arith.addi %add3A_207, %scan3A_136 : i32
        %mul3A_209 = arith.constant 8 : i32
        %mul3A_210 = arith.muli %add3A_208, %mul3A_209 : i32
        %dma_start3A_211 = arith.constant 0 : i32
        %dma_start3A_212 = tpu.memref_slice %arg9[%mul3A_210, %dma_start3A_211] : memref<128x64xf32, #tpu.memory_space<vmem>> -> memref<8x64xf32, #tpu.memory_space<vmem>>
        %dma_start3A_213 = arith.constant 0 : i32
        %dma_start3A_214 = tpu.memref_slice %arg4[%multiple_of3A, %dma_start3A_213] : memref<2600000x64xf32, #tpu.memory_space<hbm>> -> memref<8x64xf32, #tpu.memory_space<hbm>>
        %dma_start3A_215 = arith.constant 0 : i32
        %dma_start3A_216 = tpu.memref_slice %arg9[%mul3A_210, %dma_start3A_215] : memref<128x64xf32, #tpu.memory_space<vmem>> -> memref<8x64xf32, #tpu.memory_space<vmem>>
        %dma_start3A_217 = arith.constant 0 : i32
        %dma_start3A_218 = tpu.memref_slice %arg4[%multiple_of3A, %dma_start3A_217] : memref<2600000x64xf32, #tpu.memory_space<hbm>> -> memref<8x64xf32, #tpu.memory_space<hbm>>
        tpu.enqueue_dma source(%dma_start3A_218 : memref<8x64xf32, #tpu.memory_space<hbm>>) target(%dma_start3A_216 : memref<8x64xf32, #tpu.memory_space<vmem>>) target_semaphore(%arg14 : memref<!tpu.dma_semaphore, #tpu.memory_space<semaphore_mem>>)
      }
      %scan3A_114 = arith.constant 4 : i32
      %scan3A_115 = arith.constant 0 : i32
      %scan3A_116 = arith.constant 0 : i32
      %scan3A_117 = arith.constant 4 : i32
      %scan3A_118 = arith.addi %scan3A_116, %scan3A_117 : i32
      %scan3A_119 = arith.constant 1 : i32
      scf.for %scan3A_136 = %scan3A_116 to %scan3A_118 step %scan3A_119  : i32 {
        %add3A_137 = arith.constant 12 : i32
        %add3A_138 = arith.addi %add3A_137, %scan3A_136 : i32
        %mul3A_139 = arith.constant 8 : i32
        %mul3A_140 = arith.muli %add3A_83, %mul3A_139 : i32
        %broadcast_in_dim3A = vector.broadcast %mul3A_140 : i32 to vector<16xi32>
        %jit3A = arith.constant 26 : i32
        %div3A = arith.divsi %add3A_138, %jit3A : i32
        %sign3A = arith.constant 0 : i32
        %sign3A_141 = arith.cmpi sgt, %add3A_138, %sign3A : i32
        %sign3A_142 = arith.extui %sign3A_141 : i1 to i32
        %sign3A_143 = arith.constant 0 : i32
        %sign3A_144 = arith.cmpi slt, %add3A_138, %sign3A_143 : i32
        %sign3A_145 = arith.extui %sign3A_144 : i1 to i32
        %sign3A_146 = arith.subi %sign3A_142, %sign3A_145 : i32
        %sign3A_147 = arith.constant 0 : i32
        %sign3A_148 = arith.cmpi sgt, %jit3A, %sign3A_147 : i32
        %sign3A_149 = arith.extui %sign3A_148 : i1 to i32
        %sign3A_150 = arith.constant 0 : i32
        %sign3A_151 = arith.cmpi slt, %jit3A, %sign3A_150 : i32
        %sign3A_152 = arith.extui %sign3A_151 : i1 to i32
        %sign3A_153 = arith.subi %sign3A_149, %sign3A_152 : i32
        %ne3A = arith.cmpi ne, %sign3A_146, %sign3A_153 : i32
        %rem3A = arith.remsi %add3A_138, %jit3A : i32
        %ne3A_154 = arith.constant 0 : i32
        %ne3A_155 = arith.cmpi ne, %rem3A, %ne3A_154 : i32
        %and3A = arith.andi %ne3A, %ne3A_155 : i1
        %sub3A = arith.constant 1 : i32
        %sub3A_156 = arith.subi %div3A, %sub3A : i32
        %select_n3A = arith.select %and3A, %sub3A_156, %div3A : i32
        %add3A_157 = vector.broadcast %select_n3A : i32 to vector<16xi32>
        %add3A_158 = arith.addi %broadcast_in_dim3A, %add3A_157 : vector<16xi32>
        %jit3A_159 = arith.constant 26 : i32
        %eq3A = arith.constant 0 : i32
        %eq3A_160 = arith.cmpi eq, %jit3A_159, %eq3A : i32
        %jit3A_161 = arith.constant 1 : i32
        %select_n3A_162 = arith.select %eq3A_160, %jit3A_161, %jit3A_159 : i32
        %rem3A_163 = arith.remsi %add3A_138, %select_n3A_162 : i32
        %ne3A_164 = arith.constant 0 : i32
        %ne3A_165 = arith.cmpi ne, %rem3A_163, %ne3A_164 : i32
        %lt3A = arith.constant 0 : i32
        %lt3A_166 = arith.cmpi slt, %rem3A_163, %lt3A : i32
        %lt3A_167 = arith.constant 0 : i32
        %lt3A_168 = arith.cmpi slt, %select_n3A_162, %lt3A_167 : i32
        %ne3A_169 = arith.xori %lt3A_166, %lt3A_168 : i1
        %and3A_170 = arith.andi %ne3A_169, %ne3A_165 : i1
        %add3A_171 = arith.addi %rem3A_163, %select_n3A_162 : i32
        %select_n3A_172 = arith.select %and3A_170, %add3A_171, %rem3A_163 : i32
        %broadcast_in_dim3A_173 = vector.broadcast %select_n3A_172 : i32 to vector<16xi32>
        %gather3A = tpu.vector_load_idx %arg8[%add3A_158, %broadcast_in_dim3A_173] : memref<128x26xi32, #tpu.memory_space<vmem>>[vector<16xi32>, vector<16xi32>], vector<16xi32>,
        %reduce_max3A = arith.constant true
        %reduce_max3A_174 = vector.broadcast %reduce_max3A : i1 to vector<16xi1>
        %reduce_max3A_175 = arith.constant -2147483648 : i32
        %reduce_max3A_176 = vector.broadcast %reduce_max3A_175 : i32 to vector<16xi32>
        %reduce_max3A_177 = arith.xori %gather3A, %reduce_max3A_176 : vector<16xi32>
        %reduce_max3A_178 = tpu.scan <max>, %reduce_max3A_177 masked %reduce_max3A_174 : vector<16xi32>, vector<16xi1> -> vector<16xi32>
        %reduce_max3A_179 = arith.xori %reduce_max3A_178, %reduce_max3A_176 : vector<16xi32>
        %reduce_max3A_180 = vector.extract %reduce_max3A_179[15] : i32 from vector<16xi32>
        %jit3A_181 = arith.constant 8 : i32
        %div3A_182 = arith.divsi %reduce_max3A_180, %jit3A_181 : i32
        %sign3A_183 = arith.constant 0 : i32
        %sign3A_184 = arith.cmpi sgt, %reduce_max3A_180, %sign3A_183 : i32
        %sign3A_185 = arith.extui %sign3A_184 : i1 to i32
        %sign3A_186 = arith.constant 0 : i32
        %sign3A_187 = arith.cmpi slt, %reduce_max3A_180, %sign3A_186 : i32
        %sign3A_188 = arith.extui %sign3A_187 : i1 to i32
        %sign3A_189 = arith.subi %sign3A_185, %sign3A_188 : i32
        %sign3A_190 = arith.constant 0 : i32
        %sign3A_191 = arith.cmpi sgt, %jit3A_181, %sign3A_190 : i32
        %sign3A_192 = arith.extui %sign3A_191 : i1 to i32
        %sign3A_193 = arith.constant 0 : i32
        %sign3A_194 = arith.cmpi slt, %jit3A_181, %sign3A_193 : i32
        %sign3A_195 = arith.extui %sign3A_194 : i1 to i32
        %sign3A_196 = arith.subi %sign3A_192, %sign3A_195 : i32
        %ne3A_197 = arith.cmpi ne, %sign3A_189, %sign3A_196 : i32
        %rem3A_198 = arith.remsi %reduce_max3A_180, %jit3A_181 : i32
        %ne3A_199 = arith.constant 0 : i32
        %ne3A_200 = arith.cmpi ne, %rem3A_198, %ne3A_199 : i32
        %and3A_201 = arith.andi %ne3A_197, %ne3A_200 : i1
        %sub3A_202 = arith.constant 1 : i32
        %sub3A_203 = arith.subi %div3A_182, %sub3A_202 : i32
        %select_n3A_204 = arith.select %and3A_201, %sub3A_203, %div3A_182 : i32
        %mul3A_205 = arith.constant 8 : i32
        %mul3A_206 = arith.muli %select_n3A_204, %mul3A_205 : i32
        %multiple_of3A = tpu.assume_multiple %mul3A_206, 8 : i32
        %add3A_207 = arith.constant 12 : i32
        %add3A_208 = arith.addi %add3A_207, %scan3A_136 : i32
        %mul3A_209 = arith.constant 8 : i32
        %mul3A_210 = arith.muli %add3A_208, %mul3A_209 : i32
        %dma_start3A_211 = arith.constant 0 : i32
        %dma_start3A_212 = tpu.memref_slice %arg9[%mul3A_210, %dma_start3A_211] : memref<128x64xf32, #tpu.memory_space<vmem>> -> memref<8x64xf32, #tpu.memory_space<vmem>>
        %dma_start3A_213 = arith.constant 0 : i32
        %dma_start3A_214 = tpu.memref_slice %arg4[%multiple_of3A, %dma_start3A_213] : memref<2600000x64xf32, #tpu.memory_space<hbm>> -> memref<8x64xf32, #tpu.memory_space<hbm>>
        %dma_start3A_215 = arith.constant 0 : i32
        %dma_start3A_216 = tpu.memref_slice %arg9[%mul3A_210, %dma_start3A_215] : memref<128x64xf32, #tpu.memory_space<vmem>> -> memref<8x64xf32, #tpu.memory_space<vmem>>
        %dma_start3A_217 = arith.constant 0 : i32
        %dma_start3A_218 = tpu.memref_slice %arg4[%multiple_of3A, %dma_start3A_217] : memref<2600000x64xf32, #tpu.memory_space<hbm>> -> memref<8x64xf32, #tpu.memory_space<hbm>>
        tpu.enqueue_dma source(%dma_start3A_218 : memref<8x64xf32, #tpu.memory_space<hbm>>) target(%dma_start3A_216 : memref<8x64xf32, #tpu.memory_space<vmem>>) target_semaphore(%arg15 : memref<!tpu.dma_semaphore, #tpu.memory_space<semaphore_mem>>)
      }
      %scan3A_120 = arith.constant 4 : i32
      %scan3A_121 = arith.constant 0 : i32
      %scan3A_122 = arith.constant 0 : i32
      %scan3A_123 = arith.constant 13 : i32
      %scan3A_124 = arith.addi %scan3A_122, %scan3A_123 : i32
      %scan3A_125 = arith.constant 1 : i32
      scf.for %scan3A_136 = %scan3A_122 to %scan3A_124 step %scan3A_125  : i32 {
        %mul3A_137 = arith.constant 4 : i32
        %mul3A_138 = arith.muli %mul3A_137, %scan3A_136 : i32
        %add3A_139 = arith.constant 0 : i32
        %add3A_140 = arith.addi %mul3A_138, %add3A_139 : i32
        %scan3A_141 = arith.constant 0 : i32
        %scan3A_142 = arith.constant 0 : i32
        %scan3A_143 = arith.constant 4 : i32
        %scan3A_144 = arith.addi %scan3A_142, %scan3A_143 : i32
        %scan3A_145 = arith.constant 1 : i32
        scf.for %scan3A_228 = %scan3A_142 to %scan3A_144 step %scan3A_145  : i32 {
          %add3A_229 = arith.constant 0 : i32
          %add3A_230 = arith.addi %add3A_229, %scan3A_228 : i32
          %mul3A_231 = arith.constant 8 : i32
          %mul3A_232 = arith.muli %add3A_230, %mul3A_231 : i32
          %dma_wait3A_233 = arith.constant 0 : i32
          %dma_wait3A_234 = tpu.memref_slice %arg9[%mul3A_232, %dma_wait3A_233] : memref<128x64xf32, #tpu.memory_space<vmem>> -> memref<8x64xf32, #tpu.memory_space<vmem>>
          %dma_wait3A_235 = arith.constant 0 : i32
          %dma_wait3A_236 = arith.constant 0 : i32
          %dma_wait3A_237 = tpu.memref_slice %arg4[%dma_wait3A_235, %dma_wait3A_236] : memref<2600000x64xf32, #tpu.memory_space<hbm>> -> memref<8x64xf32, #tpu.memory_space<hbm>>
          %dma_wait3A_238 = arith.constant 0 : i32
          %dma_wait3A_239 = tpu.memref_slice %arg9[%mul3A_232, %dma_wait3A_238] : memref<128x64xf32, #tpu.memory_space<vmem>> -> memref<8x64xf32, #tpu.memory_space<vmem>>
          %dma_wait3A_240 = arith.constant 0 : i32
          %dma_wait3A_241 = arith.constant 0 : i32
          %dma_wait3A_242 = tpu.memref_slice %arg4[%dma_wait3A_240, %dma_wait3A_241] : memref<2600000x64xf32, #tpu.memory_space<hbm>> -> memref<8x64xf32, #tpu.memory_space<hbm>>
          tpu.wait_dma2 semaphore(%arg12 : memref<!tpu.dma_semaphore, #tpu.memory_space<semaphore_mem>>) src(%dma_wait3A_242 : memref<8x64xf32, #tpu.memory_space<hbm>>) dst(%dma_wait3A_239 : memref<8x64xf32, #tpu.memory_space<vmem>>)
        }
        %scan3A_146 = arith.constant 4 : i32
        %scan3A_147 = arith.constant 0 : i32
        %scan3A_148 = arith.constant 0 : i32
        %scan3A_149 = arith.constant 4 : i32
        %scan3A_150 = arith.addi %scan3A_148, %scan3A_149 : i32
        %scan3A_151 = arith.constant 1 : i32
        scf.for %scan3A_228 = %scan3A_148 to %scan3A_150 step %scan3A_151  : i32 {
          %mul3A_229 = arith.constant 4 : i32
          %mul3A_230 = arith.muli %add3A_140, %mul3A_229 : i32
          %add3A_231 = arith.addi %mul3A_230, %scan3A_228 : i32
          %mul3A_232 = arith.constant 8 : i32
          %mul3A_233 = arith.muli %add3A_83, %mul3A_232 : i32
          %broadcast_in_dim3A = vector.broadcast %mul3A_233 : i32 to vector<16xi32>
          %jit3A = arith.constant 26 : i32
          %div3A = arith.divsi %add3A_231, %jit3A : i32
          %sign3A = arith.constant 0 : i32
          %sign3A_234 = arith.cmpi sgt, %add3A_231, %sign3A : i32
          %sign3A_235 = arith.extui %sign3A_234 : i1 to i32
          %sign3A_236 = arith.constant 0 : i32
          %sign3A_237 = arith.cmpi slt, %add3A_231, %sign3A_236 : i32
          %sign3A_238 = arith.extui %sign3A_237 : i1 to i32
          %sign3A_239 = arith.subi %sign3A_235, %sign3A_238 : i32
          %sign3A_240 = arith.constant 0 : i32
          %sign3A_241 = arith.cmpi sgt, %jit3A, %sign3A_240 : i32
          %sign3A_242 = arith.extui %sign3A_241 : i1 to i32
          %sign3A_243 = arith.constant 0 : i32
          %sign3A_244 = arith.cmpi slt, %jit3A, %sign3A_243 : i32
          %sign3A_245 = arith.extui %sign3A_244 : i1 to i32
          %sign3A_246 = arith.subi %sign3A_242, %sign3A_245 : i32
          %ne3A = arith.cmpi ne, %sign3A_239, %sign3A_246 : i32
          %rem3A = arith.remsi %add3A_231, %jit3A : i32
          %ne3A_247 = arith.constant 0 : i32
          %ne3A_248 = arith.cmpi ne, %rem3A, %ne3A_247 : i32
          %and3A = arith.andi %ne3A, %ne3A_248 : i1
          %sub3A = arith.constant 1 : i32
          %sub3A_249 = arith.subi %div3A, %sub3A : i32
          %select_n3A = arith.select %and3A, %sub3A_249, %div3A : i32
          %add3A_250 = vector.broadcast %select_n3A : i32 to vector<16xi32>
          %add3A_251 = arith.addi %broadcast_in_dim3A, %add3A_250 : vector<16xi32>
          %jit3A_252 = arith.constant 26 : i32
          %eq3A = arith.constant 0 : i32
          %eq3A_253 = arith.cmpi eq, %jit3A_252, %eq3A : i32
          %jit3A_254 = arith.constant 1 : i32
          %select_n3A_255 = arith.select %eq3A_253, %jit3A_254, %jit3A_252 : i32
          %rem3A_256 = arith.remsi %add3A_231, %select_n3A_255 : i32
          %ne3A_257 = arith.constant 0 : i32
          %ne3A_258 = arith.cmpi ne, %rem3A_256, %ne3A_257 : i32
          %lt3A_259 = arith.constant 0 : i32
          %lt3A_260 = arith.cmpi slt, %rem3A_256, %lt3A_259 : i32
          %lt3A_261 = arith.constant 0 : i32
          %lt3A_262 = arith.cmpi slt, %select_n3A_255, %lt3A_261 : i32
          %ne3A_263 = arith.xori %lt3A_260, %lt3A_262 : i1
          %and3A_264 = arith.andi %ne3A_263, %ne3A_258 : i1
          %add3A_265 = arith.addi %rem3A_256, %select_n3A_255 : i32
          %select_n3A_266 = arith.select %and3A_264, %add3A_265, %rem3A_256 : i32
          %broadcast_in_dim3A_267 = vector.broadcast %select_n3A_266 : i32 to vector<16xi32>
          %gather3A = tpu.vector_load_idx %arg8[%add3A_251, %broadcast_in_dim3A_267] : memref<128x26xi32, #tpu.memory_space<vmem>>[vector<16xi32>, vector<16xi32>], vector<16xi32>,
          %add3A_268 = arith.constant 0 : i32
          %add3A_269 = arith.addi %add3A_268, %scan3A_228 : i32
          %mul3A_270 = arith.constant 8 : i32
          %mul3A_271 = arith.muli %add3A_269, %mul3A_270 : i32
          %broadcast_in_dim3A_272 = vector.broadcast %mul3A_271 : i32 to vector<16xi32>
          %jit3A_273 = arith.constant 8 : i32
          %eq3A_274 = arith.constant 0 : i32
          %eq3A_275 = arith.cmpi eq, %jit3A_273, %eq3A_274 : i32
          %jit3A_276 = arith.constant 1 : i32
          %select_n3A_277 = arith.select %eq3A_275, %jit3A_276, %jit3A_273 : i32
          %rem3A_278 = vector.broadcast %select_n3A_277 : i32 to vector<16xi32>
          %rem3A_279 = arith.remsi %gather3A, %rem3A_278 : vector<16xi32>
          %ne3A_280 = arith.constant 0 : i32
          %ne3A_281 = vector.broadcast %ne3A_280 : i32 to vector<16xi32>
          %ne3A_282 = arith.cmpi ne, %rem3A_279, %ne3A_281 : vector<16xi32>
          %lt3A_283 = arith.constant 0 : i32
          %lt3A_284 = vector.broadcast %lt3A_283 : i32 to vector<16xi32>
          %lt3A_285 = arith.cmpi slt, %rem3A_279, %lt3A_284 : vector<16xi32>
          %lt3A_286 = arith.constant 0 : i32
          %lt3A_287 = arith.cmpi slt, %select_n3A_277, %lt3A_286 : i32
          %ne3A_288 = vector.broadcast %lt3A_287 : i1 to vector<16xi1>
          %ne3A_289 = vector.broadcast %ne3A_288 : vector<16xi1> to vector<16xi1>
          %ne3A_290 = arith.xori %lt3A_285, %ne3A_289 : vector<16xi1>
          %and3A_291 = arith.andi %ne3A_290, %ne3A_282 : vector<16xi1>
          %add3A_292 = vector.broadcast %select_n3A_277 : i32 to vector<16xi32>
          %add3A_293 = arith.addi %rem3A_279, %add3A_292 : vector<16xi32>
          %select_n3A_294 = arith.select %and3A_291, %add3A_293, %rem3A_279 : vector<16xi1>, vector<16xi32>
          %add3A_295 = arith.addi %broadcast_in_dim3A_272, %select_n3A_294 : vector<16xi32>
          %broadcast_in_dim3A_296 = arith.constant 13 : i32
          %broadcast_in_dim3A_297 = vector.broadcast %broadcast_in_dim3A_296 : i32 to vector<16xi32>
          %jit3A_298 = arith.constant 26 : i32
          %div3A_299 = arith.divsi %add3A_231, %jit3A_298 : i32
          %sign3A_300 = arith.constant 0 : i32
          %sign3A_301 = arith.cmpi sgt, %add3A_231, %sign3A_300 : i32
          %sign3A_302 = arith.extui %sign3A_301 : i1 to i32
          %sign3A_303 = arith.constant 0 : i32
          %sign3A_304 = arith.cmpi slt, %add3A_231, %sign3A_303 : i32
          %sign3A_305 = arith.extui %sign3A_304 : i1 to i32
          %sign3A_306 = arith.subi %sign3A_302, %sign3A_305 : i32
          %sign3A_307 = arith.constant 0 : i32
          %sign3A_308 = arith.cmpi sgt, %jit3A_298, %sign3A_307 : i32
          %sign3A_309 = arith.extui %sign3A_308 : i1 to i32
          %sign3A_310 = arith.constant 0 : i32
          %sign3A_311 = arith.cmpi slt, %jit3A_298, %sign3A_310 : i32
          %sign3A_312 = arith.extui %sign3A_311 : i1 to i32
          %sign3A_313 = arith.subi %sign3A_309, %sign3A_312 : i32
          %ne3A_314 = arith.cmpi ne, %sign3A_306, %sign3A_313 : i32
          %rem3A_315 = arith.remsi %add3A_231, %jit3A_298 : i32
          %ne3A_316 = arith.constant 0 : i32
          %ne3A_317 = arith.cmpi ne, %rem3A_315, %ne3A_316 : i32
          %and3A_318 = arith.andi %ne3A_314, %ne3A_317 : i1
          %sub3A_319 = arith.constant 1 : i32
          %sub3A_320 = arith.subi %div3A_299, %sub3A_319 : i32
          %select_n3A_321 = arith.select %and3A_318, %sub3A_320, %div3A_299 : i32
          %mul3A_322 = arith.constant 39 : i32
          %mul3A_323 = arith.muli %select_n3A_321, %mul3A_322 : i32
          %add3A_324 = vector.broadcast %mul3A_323 : i32 to vector<16xi32>
          %add3A_325 = arith.addi %broadcast_in_dim3A_297, %add3A_324 : vector<16xi32>
          %jit3A_326 = arith.constant 26 : i32
          %eq3A_327 = arith.constant 0 : i32
          %eq3A_328 = arith.cmpi eq, %jit3A_326, %eq3A_327 : i32
          %jit3A_329 = arith.constant 1 : i32
          %select_n3A_330 = arith.select %eq3A_328, %jit3A_329, %jit3A_326 : i32
          %rem3A_331 = arith.remsi %add3A_231, %select_n3A_330 : i32
          %ne3A_332 = arith.constant 0 : i32
          %ne3A_333 = arith.cmpi ne, %rem3A_331, %ne3A_332 : i32
          %lt3A_334 = arith.constant 0 : i32
          %lt3A_335 = arith.cmpi slt, %rem3A_331, %lt3A_334 : i32
          %lt3A_336 = arith.constant 0 : i32
          %lt3A_337 = arith.cmpi slt, %select_n3A_330, %lt3A_336 : i32
          %ne3A_338 = arith.xori %lt3A_335, %lt3A_337 : i1
          %and3A_339 = arith.andi %ne3A_338, %ne3A_333 : i1
          %add3A_340 = arith.addi %rem3A_331, %select_n3A_330 : i32
          %select_n3A_341 = arith.select %and3A_339, %add3A_340, %rem3A_331 : i32
          %add3A_342 = vector.broadcast %select_n3A_341 : i32 to vector<16xi32>
          %add3A_343 = arith.addi %add3A_325, %add3A_342 : vector<16xi32>
          %iota3A = tpu.iota {dimensions = array<i32: 0>} : vector<16xi32>
          %add3A_344 = arith.constant 0 : i32
          %add3A_345 = vector.broadcast %add3A_344 : i32 to vector<16xi32>
          %add3A_346 = arith.addi %iota3A, %add3A_345 : vector<16xi32>
          %gather3A_347 = tpu.vector_load_idx %arg9[%add3A_295, %add3A_346] : memref<128x64xf32, #tpu.memory_space<vmem>>[vector<16xi32>, vector<16xi32>], vector<16xf32>,
          tpu.vector_store_idx %arg11[%add3A_343, %add3A_346], %gather3A_347 : memref<312x64xf32, #tpu.memory_space<vmem>>[vector<16xi32>, vector<16xi32>], vector<16xf32>,
          %iota3A_348 = tpu.iota {dimensions = array<i32: 0>} : vector<16xi32>
          %add3A_349 = arith.constant 16 : i32
          %add3A_350 = vector.broadcast %add3A_349 : i32 to vector<16xi32>
          %add3A_351 = arith.addi %iota3A_348, %add3A_350 : vector<16xi32>
          %gather3A_352 = tpu.vector_load_idx %arg9[%add3A_295, %add3A_351] : memref<128x64xf32, #tpu.memory_space<vmem>>[vector<16xi32>, vector<16xi32>], vector<16xf32>,
          tpu.vector_store_idx %arg11[%add3A_343, %add3A_351], %gather3A_352 : memref<312x64xf32, #tpu.memory_space<vmem>>[vector<16xi32>, vector<16xi32>], vector<16xf32>,
          %iota3A_353 = tpu.iota {dimensions = array<i32: 0>} : vector<16xi32>
          %add3A_354 = arith.constant 32 : i32
          %add3A_355 = vector.broadcast %add3A_354 : i32 to vector<16xi32>
          %add3A_356 = arith.addi %iota3A_353, %add3A_355 : vector<16xi32>
          %gather3A_357 = tpu.vector_load_idx %arg9[%add3A_295, %add3A_356] : memref<128x64xf32, #tpu.memory_space<vmem>>[vector<16xi32>, vector<16xi32>], vector<16xf32>,
          tpu.vector_store_idx %arg11[%add3A_343, %add3A_356], %gather3A_357 : memref<312x64xf32, #tpu.memory_space<vmem>>[vector<16xi32>, vector<16xi32>], vector<16xf32>,
          %iota3A_358 = tpu.iota {dimensions = array<i32: 0>} : vector<16xi32>
          %add3A_359 = arith.constant 48 : i32
          %add3A_360 = vector.broadcast %add3A_359 : i32 to vector<16xi32>
          %add3A_361 = arith.addi %iota3A_358, %add3A_360 : vector<16xi32>
          %gather3A_362 = tpu.vector_load_idx %arg9[%add3A_295, %add3A_361] : memref<128x64xf32, #tpu.memory_space<vmem>>[vector<16xi32>, vector<16xi32>], vector<16xf32>,
          tpu.vector_store_idx %arg11[%add3A_343, %add3A_361], %gather3A_362 : memref<312x64xf32, #tpu.memory_space<vmem>>[vector<16xi32>, vector<16xi32>], vector<16xf32>,
        }
        %scan3A_152 = arith.constant 4 : i32
        %add3A_153 = arith.constant 4 : i32
        %add3A_154 = arith.addi %add3A_140, %add3A_153 : i32
        %lt3A = arith.constant 52 : i32
        %lt3A_155 = arith.cmpi slt, %add3A_154, %lt3A : i32
        %convert_element_type3A_156 = arith.extui %lt3A_155 : i1 to i32
        %cond3A_157 = arith.constant 0 : i32
        %cond3A_158 = arith.cmpi ne, %convert_element_type3A_156, %cond3A_157 : i32
        scf.if %cond3A_158 {
          %add3A_228 = arith.constant 4 : i32
          %add3A_229 = arith.addi %add3A_140, %add3A_228 : i32
          %scan3A_230 = arith.constant 0 : i32
          %scan3A_231 = arith.constant 0 : i32
          %scan3A_232 = arith.constant 4 : i32
          %scan3A_233 = arith.addi %scan3A_231, %scan3A_232 : i32
          %scan3A_234 = arith.constant 1 : i32
          scf.for %scan3A_236 = %scan3A_231 to %scan3A_233 step %scan3A_234  : i32 {
            %mul3A_237 = arith.constant 4 : i32
            %mul3A_238 = arith.muli %add3A_229, %mul3A_237 : i32
            %add3A_239 = arith.addi %mul3A_238, %scan3A_236 : i32
            %mul3A_240 = arith.constant 8 : i32
            %mul3A_241 = arith.muli %add3A_83, %mul3A_240 : i32
            %broadcast_in_dim3A = vector.broadcast %mul3A_241 : i32 to vector<16xi32>
            %jit3A = arith.constant 26 : i32
            %div3A = arith.divsi %add3A_239, %jit3A : i32
            %sign3A = arith.constant 0 : i32
            %sign3A_242 = arith.cmpi sgt, %add3A_239, %sign3A : i32
            %sign3A_243 = arith.extui %sign3A_242 : i1 to i32
            %sign3A_244 = arith.constant 0 : i32
            %sign3A_245 = arith.cmpi slt, %add3A_239, %sign3A_244 : i32
            %sign3A_246 = arith.extui %sign3A_245 : i1 to i32
            %sign3A_247 = arith.subi %sign3A_243, %sign3A_246 : i32
            %sign3A_248 = arith.constant 0 : i32
            %sign3A_249 = arith.cmpi sgt, %jit3A, %sign3A_248 : i32
            %sign3A_250 = arith.extui %sign3A_249 : i1 to i32
            %sign3A_251 = arith.constant 0 : i32
            %sign3A_252 = arith.cmpi slt, %jit3A, %sign3A_251 : i32
            %sign3A_253 = arith.extui %sign3A_252 : i1 to i32
            %sign3A_254 = arith.subi %sign3A_250, %sign3A_253 : i32
            %ne3A = arith.cmpi ne, %sign3A_247, %sign3A_254 : i32
            %rem3A = arith.remsi %add3A_239, %jit3A : i32
            %ne3A_255 = arith.constant 0 : i32
            %ne3A_256 = arith.cmpi ne, %rem3A, %ne3A_255 : i32
            %and3A = arith.andi %ne3A, %ne3A_256 : i1
            %sub3A = arith.constant 1 : i32
            %sub3A_257 = arith.subi %div3A, %sub3A : i32
            %select_n3A = arith.select %and3A, %sub3A_257, %div3A : i32
            %add3A_258 = vector.broadcast %select_n3A : i32 to vector<16xi32>
            %add3A_259 = arith.addi %broadcast_in_dim3A, %add3A_258 : vector<16xi32>
            %jit3A_260 = arith.constant 26 : i32
            %eq3A = arith.constant 0 : i32
            %eq3A_261 = arith.cmpi eq, %jit3A_260, %eq3A : i32
            %jit3A_262 = arith.constant 1 : i32
            %select_n3A_263 = arith.select %eq3A_261, %jit3A_262, %jit3A_260 : i32
            %rem3A_264 = arith.remsi %add3A_239, %select_n3A_263 : i32
            %ne3A_265 = arith.constant 0 : i32
            %ne3A_266 = arith.cmpi ne, %rem3A_264, %ne3A_265 : i32
            %lt3A_267 = arith.constant 0 : i32
            %lt3A_268 = arith.cmpi slt, %rem3A_264, %lt3A_267 : i32
            %lt3A_269 = arith.constant 0 : i32
            %lt3A_270 = arith.cmpi slt, %select_n3A_263, %lt3A_269 : i32
            %ne3A_271 = arith.xori %lt3A_268, %lt3A_270 : i1
            %and3A_272 = arith.andi %ne3A_271, %ne3A_266 : i1
            %add3A_273 = arith.addi %rem3A_264, %select_n3A_263 : i32
            %select_n3A_274 = arith.select %and3A_272, %add3A_273, %rem3A_264 : i32
            %broadcast_in_dim3A_275 = vector.broadcast %select_n3A_274 : i32 to vector<16xi32>
            %gather3A = tpu.vector_load_idx %arg8[%add3A_259, %broadcast_in_dim3A_275] : memref<128x26xi32, #tpu.memory_space<vmem>>[vector<16xi32>, vector<16xi32>], vector<16xi32>,
            %reduce_max3A = arith.constant true
            %reduce_max3A_276 = vector.broadcast %reduce_max3A : i1 to vector<16xi1>
            %reduce_max3A_277 = arith.constant -2147483648 : i32
            %reduce_max3A_278 = vector.broadcast %reduce_max3A_277 : i32 to vector<16xi32>
            %reduce_max3A_279 = arith.xori %gather3A, %reduce_max3A_278 : vector<16xi32>
            %reduce_max3A_280 = tpu.scan <max>, %reduce_max3A_279 masked %reduce_max3A_276 : vector<16xi32>, vector<16xi1> -> vector<16xi32>
            %reduce_max3A_281 = arith.xori %reduce_max3A_280, %reduce_max3A_278 : vector<16xi32>
            %reduce_max3A_282 = vector.extract %reduce_max3A_281[15] : i32 from vector<16xi32>
            %jit3A_283 = arith.constant 8 : i32
            %div3A_284 = arith.divsi %reduce_max3A_282, %jit3A_283 : i32
            %sign3A_285 = arith.constant 0 : i32
            %sign3A_286 = arith.cmpi sgt, %reduce_max3A_282, %sign3A_285 : i32
            %sign3A_287 = arith.extui %sign3A_286 : i1 to i32
            %sign3A_288 = arith.constant 0 : i32
            %sign3A_289 = arith.cmpi slt, %reduce_max3A_282, %sign3A_288 : i32
            %sign3A_290 = arith.extui %sign3A_289 : i1 to i32
            %sign3A_291 = arith.subi %sign3A_287, %sign3A_290 : i32
            %sign3A_292 = arith.constant 0 : i32
            %sign3A_293 = arith.cmpi sgt, %jit3A_283, %sign3A_292 : i32
            %sign3A_294 = arith.extui %sign3A_293 : i1 to i32
            %sign3A_295 = arith.constant 0 : i32
            %sign3A_296 = arith.cmpi slt, %jit3A_283, %sign3A_295 : i32
            %sign3A_297 = arith.extui %sign3A_296 : i1 to i32
            %sign3A_298 = arith.subi %sign3A_294, %sign3A_297 : i32
            %ne3A_299 = arith.cmpi ne, %sign3A_291, %sign3A_298 : i32
            %rem3A_300 = arith.remsi %reduce_max3A_282, %jit3A_283 : i32
            %ne3A_301 = arith.constant 0 : i32
            %ne3A_302 = arith.cmpi ne, %rem3A_300, %ne3A_301 : i32
            %and3A_303 = arith.andi %ne3A_299, %ne3A_302 : i1
            %sub3A_304 = arith.constant 1 : i32
            %sub3A_305 = arith.subi %div3A_284, %sub3A_304 : i32
            %select_n3A_306 = arith.select %and3A_303, %sub3A_305, %div3A_284 : i32
            %mul3A_307 = arith.constant 8 : i32
            %mul3A_308 = arith.muli %select_n3A_306, %mul3A_307 : i32
            %multiple_of3A = tpu.assume_multiple %mul3A_308, 8 : i32
            %add3A_309 = arith.constant 0 : i32
            %add3A_310 = arith.addi %add3A_309, %scan3A_236 : i32
            %mul3A_311 = arith.constant 8 : i32
            %mul3A_312 = arith.muli %add3A_310, %mul3A_311 : i32
            %dma_start3A_313 = arith.constant 0 : i32
            %dma_start3A_314 = tpu.memref_slice %arg9[%mul3A_312, %dma_start3A_313] : memref<128x64xf32, #tpu.memory_space<vmem>> -> memref<8x64xf32, #tpu.memory_space<vmem>>
            %dma_start3A_315 = arith.constant 0 : i32
            %dma_start3A_316 = tpu.memref_slice %arg4[%multiple_of3A, %dma_start3A_315] : memref<2600000x64xf32, #tpu.memory_space<hbm>> -> memref<8x64xf32, #tpu.memory_space<hbm>>
            %dma_start3A_317 = arith.constant 0 : i32
            %dma_start3A_318 = tpu.memref_slice %arg9[%mul3A_312, %dma_start3A_317] : memref<128x64xf32, #tpu.memory_space<vmem>> -> memref<8x64xf32, #tpu.memory_space<vmem>>
            %dma_start3A_319 = arith.constant 0 : i32
            %dma_start3A_320 = tpu.memref_slice %arg4[%multiple_of3A, %dma_start3A_319] : memref<2600000x64xf32, #tpu.memory_space<hbm>> -> memref<8x64xf32, #tpu.memory_space<hbm>>
            tpu.enqueue_dma source(%dma_start3A_320 : memref<8x64xf32, #tpu.memory_space<hbm>>) target(%dma_start3A_318 : memref<8x64xf32, #tpu.memory_space<vmem>>) target_semaphore(%arg12 : memref<!tpu.dma_semaphore, #tpu.memory_space<semaphore_mem>>)
          }
          %scan3A_235 = arith.constant 4 : i32
        } else {
        }
        %mul3A_159 = arith.constant 4 : i32
        %mul3A_160 = arith.muli %mul3A_159, %scan3A_136 : i32
        %add3A_161 = arith.constant 1 : i32
        %add3A_162 = arith.addi %mul3A_160, %add3A_161 : i32
        %scan3A_163 = arith.constant 0 : i32
        %scan3A_164 = arith.constant 0 : i32
        %scan3A_165 = arith.constant 4 : i32
        %scan3A_166 = arith.addi %scan3A_164, %scan3A_165 : i32
        %scan3A_167 = arith.constant 1 : i32
        scf.for %scan3A_228 = %scan3A_164 to %scan3A_166 step %scan3A_167  : i32 {
          %add3A_229 = arith.constant 4 : i32
          %add3A_230 = arith.addi %add3A_229, %scan3A_228 : i32
          %mul3A_231 = arith.constant 8 : i32
          %mul3A_232 = arith.muli %add3A_230, %mul3A_231 : i32
          %dma_wait3A_233 = arith.constant 0 : i32
          %dma_wait3A_234 = tpu.memref_slice %arg9[%mul3A_232, %dma_wait3A_233] : memref<128x64xf32, #tpu.memory_space<vmem>> -> memref<8x64xf32, #tpu.memory_space<vmem>>
          %dma_wait3A_235 = arith.constant 0 : i32
          %dma_wait3A_236 = arith.constant 0 : i32
          %dma_wait3A_237 = tpu.memref_slice %arg4[%dma_wait3A_235, %dma_wait3A_236] : memref<2600000x64xf32, #tpu.memory_space<hbm>> -> memref<8x64xf32, #tpu.memory_space<hbm>>
          %dma_wait3A_238 = arith.constant 0 : i32
          %dma_wait3A_239 = tpu.memref_slice %arg9[%mul3A_232, %dma_wait3A_238] : memref<128x64xf32, #tpu.memory_space<vmem>> -> memref<8x64xf32, #tpu.memory_space<vmem>>
          %dma_wait3A_240 = arith.constant 0 : i32
          %dma_wait3A_241 = arith.constant 0 : i32
          %dma_wait3A_242 = tpu.memref_slice %arg4[%dma_wait3A_240, %dma_wait3A_241] : memref<2600000x64xf32, #tpu.memory_space<hbm>> -> memref<8x64xf32, #tpu.memory_space<hbm>>
          tpu.wait_dma2 semaphore(%arg13 : memref<!tpu.dma_semaphore, #tpu.memory_space<semaphore_mem>>) src(%dma_wait3A_242 : memref<8x64xf32, #tpu.memory_space<hbm>>) dst(%dma_wait3A_239 : memref<8x64xf32, #tpu.memory_space<vmem>>)
        }
        %scan3A_168 = arith.constant 4 : i32
        %scan3A_169 = arith.constant 0 : i32
        %scan3A_170 = arith.constant 0 : i32
        %scan3A_171 = arith.constant 4 : i32
        %scan3A_172 = arith.addi %scan3A_170, %scan3A_171 : i32
        %scan3A_173 = arith.constant 1 : i32
        scf.for %scan3A_228 = %scan3A_170 to %scan3A_172 step %scan3A_173  : i32 {
          %mul3A_229 = arith.constant 4 : i32
          %mul3A_230 = arith.muli %add3A_162, %mul3A_229 : i32
          %add3A_231 = arith.addi %mul3A_230, %scan3A_228 : i32
          %mul3A_232 = arith.constant 8 : i32
          %mul3A_233 = arith.muli %add3A_83, %mul3A_232 : i32
          %broadcast_in_dim3A = vector.broadcast %mul3A_233 : i32 to vector<16xi32>
          %jit3A = arith.constant 26 : i32
          %div3A = arith.divsi %add3A_231, %jit3A : i32
          %sign3A = arith.constant 0 : i32
          %sign3A_234 = arith.cmpi sgt, %add3A_231, %sign3A : i32
          %sign3A_235 = arith.extui %sign3A_234 : i1 to i32
          %sign3A_236 = arith.constant 0 : i32
          %sign3A_237 = arith.cmpi slt, %add3A_231, %sign3A_236 : i32
          %sign3A_238 = arith.extui %sign3A_237 : i1 to i32
          %sign3A_239 = arith.subi %sign3A_235, %sign3A_238 : i32
          %sign3A_240 = arith.constant 0 : i32
          %sign3A_241 = arith.cmpi sgt, %jit3A, %sign3A_240 : i32
          %sign3A_242 = arith.extui %sign3A_241 : i1 to i32
          %sign3A_243 = arith.constant 0 : i32
          %sign3A_244 = arith.cmpi slt, %jit3A, %sign3A_243 : i32
          %sign3A_245 = arith.extui %sign3A_244 : i1 to i32
          %sign3A_246 = arith.subi %sign3A_242, %sign3A_245 : i32
          %ne3A = arith.cmpi ne, %sign3A_239, %sign3A_246 : i32
          %rem3A = arith.remsi %add3A_231, %jit3A : i32
          %ne3A_247 = arith.constant 0 : i32
          %ne3A_248 = arith.cmpi ne, %rem3A, %ne3A_247 : i32
          %and3A = arith.andi %ne3A, %ne3A_248 : i1
          %sub3A = arith.constant 1 : i32
          %sub3A_249 = arith.subi %div3A, %sub3A : i32
          %select_n3A = arith.select %and3A, %sub3A_249, %div3A : i32
          %add3A_250 = vector.broadcast %select_n3A : i32 to vector<16xi32>
          %add3A_251 = arith.addi %broadcast_in_dim3A, %add3A_250 : vector<16xi32>
          %jit3A_252 = arith.constant 26 : i32
          %eq3A = arith.constant 0 : i32
          %eq3A_253 = arith.cmpi eq, %jit3A_252, %eq3A : i32
          %jit3A_254 = arith.constant 1 : i32
          %select_n3A_255 = arith.select %eq3A_253, %jit3A_254, %jit3A_252 : i32
          %rem3A_256 = arith.remsi %add3A_231, %select_n3A_255 : i32
          %ne3A_257 = arith.constant 0 : i32
          %ne3A_258 = arith.cmpi ne, %rem3A_256, %ne3A_257 : i32
          %lt3A_259 = arith.constant 0 : i32
          %lt3A_260 = arith.cmpi slt, %rem3A_256, %lt3A_259 : i32
          %lt3A_261 = arith.constant 0 : i32
          %lt3A_262 = arith.cmpi slt, %select_n3A_255, %lt3A_261 : i32
          %ne3A_263 = arith.xori %lt3A_260, %lt3A_262 : i1
          %and3A_264 = arith.andi %ne3A_263, %ne3A_258 : i1
          %add3A_265 = arith.addi %rem3A_256, %select_n3A_255 : i32
          %select_n3A_266 = arith.select %and3A_264, %add3A_265, %rem3A_256 : i32
          %broadcast_in_dim3A_267 = vector.broadcast %select_n3A_266 : i32 to vector<16xi32>
          %gather3A = tpu.vector_load_idx %arg8[%add3A_251, %broadcast_in_dim3A_267] : memref<128x26xi32, #tpu.memory_space<vmem>>[vector<16xi32>, vector<16xi32>], vector<16xi32>,
          %add3A_268 = arith.constant 4 : i32
          %add3A_269 = arith.addi %add3A_268, %scan3A_228 : i32
          %mul3A_270 = arith.constant 8 : i32
          %mul3A_271 = arith.muli %add3A_269, %mul3A_270 : i32
          %broadcast_in_dim3A_272 = vector.broadcast %mul3A_271 : i32 to vector<16xi32>
          %jit3A_273 = arith.constant 8 : i32
          %eq3A_274 = arith.constant 0 : i32
          %eq3A_275 = arith.cmpi eq, %jit3A_273, %eq3A_274 : i32
          %jit3A_276 = arith.constant 1 : i32
          %select_n3A_277 = arith.select %eq3A_275, %jit3A_276, %jit3A_273 : i32
          %rem3A_278 = vector.broadcast %select_n3A_277 : i32 to vector<16xi32>
          %rem3A_279 = arith.remsi %gather3A, %rem3A_278 : vector<16xi32>
          %ne3A_280 = arith.constant 0 : i32
          %ne3A_281 = vector.broadcast %ne3A_280 : i32 to vector<16xi32>
          %ne3A_282 = arith.cmpi ne, %rem3A_279, %ne3A_281 : vector<16xi32>
          %lt3A_283 = arith.constant 0 : i32
          %lt3A_284 = vector.broadcast %lt3A_283 : i32 to vector<16xi32>
          %lt3A_285 = arith.cmpi slt, %rem3A_279, %lt3A_284 : vector<16xi32>
          %lt3A_286 = arith.constant 0 : i32
          %lt3A_287 = arith.cmpi slt, %select_n3A_277, %lt3A_286 : i32
          %ne3A_288 = vector.broadcast %lt3A_287 : i1 to vector<16xi1>
          %ne3A_289 = vector.broadcast %ne3A_288 : vector<16xi1> to vector<16xi1>
          %ne3A_290 = arith.xori %lt3A_285, %ne3A_289 : vector<16xi1>
          %and3A_291 = arith.andi %ne3A_290, %ne3A_282 : vector<16xi1>
          %add3A_292 = vector.broadcast %select_n3A_277 : i32 to vector<16xi32>
          %add3A_293 = arith.addi %rem3A_279, %add3A_292 : vector<16xi32>
          %select_n3A_294 = arith.select %and3A_291, %add3A_293, %rem3A_279 : vector<16xi1>, vector<16xi32>
          %add3A_295 = arith.addi %broadcast_in_dim3A_272, %select_n3A_294 : vector<16xi32>
          %broadcast_in_dim3A_296 = arith.constant 13 : i32
          %broadcast_in_dim3A_297 = vector.broadcast %broadcast_in_dim3A_296 : i32 to vector<16xi32>
          %jit3A_298 = arith.constant 26 : i32
          %div3A_299 = arith.divsi %add3A_231, %jit3A_298 : i32
          %sign3A_300 = arith.constant 0 : i32
          %sign3A_301 = arith.cmpi sgt, %add3A_231, %sign3A_300 : i32
          %sign3A_302 = arith.extui %sign3A_301 : i1 to i32
          %sign3A_303 = arith.constant 0 : i32
          %sign3A_304 = arith.cmpi slt, %add3A_231, %sign3A_303 : i32
          %sign3A_305 = arith.extui %sign3A_304 : i1 to i32
          %sign3A_306 = arith.subi %sign3A_302, %sign3A_305 : i32
          %sign3A_307 = arith.constant 0 : i32
          %sign3A_308 = arith.cmpi sgt, %jit3A_298, %sign3A_307 : i32
          %sign3A_309 = arith.extui %sign3A_308 : i1 to i32
          %sign3A_310 = arith.constant 0 : i32
          %sign3A_311 = arith.cmpi slt, %jit3A_298, %sign3A_310 : i32
          %sign3A_312 = arith.extui %sign3A_311 : i1 to i32
          %sign3A_313 = arith.subi %sign3A_309, %sign3A_312 : i32
          %ne3A_314 = arith.cmpi ne, %sign3A_306, %sign3A_313 : i32
          %rem3A_315 = arith.remsi %add3A_231, %jit3A_298 : i32
          %ne3A_316 = arith.constant 0 : i32
          %ne3A_317 = arith.cmpi ne, %rem3A_315, %ne3A_316 : i32
          %and3A_318 = arith.andi %ne3A_314, %ne3A_317 : i1
          %sub3A_319 = arith.constant 1 : i32
          %sub3A_320 = arith.subi %div3A_299, %sub3A_319 : i32
          %select_n3A_321 = arith.select %and3A_318, %sub3A_320, %div3A_299 : i32
          %mul3A_322 = arith.constant 39 : i32
          %mul3A_323 = arith.muli %select_n3A_321, %mul3A_322 : i32
          %add3A_324 = vector.broadcast %mul3A_323 : i32 to vector<16xi32>
          %add3A_325 = arith.addi %broadcast_in_dim3A_297, %add3A_324 : vector<16xi32>
          %jit3A_326 = arith.constant 26 : i32
          %eq3A_327 = arith.constant 0 : i32
          %eq3A_328 = arith.cmpi eq, %jit3A_326, %eq3A_327 : i32
          %jit3A_329 = arith.constant 1 : i32
          %select_n3A_330 = arith.select %eq3A_328, %jit3A_329, %jit3A_326 : i32
          %rem3A_331 = arith.remsi %add3A_231, %select_n3A_330 : i32
          %ne3A_332 = arith.constant 0 : i32
          %ne3A_333 = arith.cmpi ne, %rem3A_331, %ne3A_332 : i32
          %lt3A_334 = arith.constant 0 : i32
          %lt3A_335 = arith.cmpi slt, %rem3A_331, %lt3A_334 : i32
          %lt3A_336 = arith.constant 0 : i32
          %lt3A_337 = arith.cmpi slt, %select_n3A_330, %lt3A_336 : i32
          %ne3A_338 = arith.xori %lt3A_335, %lt3A_337 : i1
          %and3A_339 = arith.andi %ne3A_338, %ne3A_333 : i1
          %add3A_340 = arith.addi %rem3A_331, %select_n3A_330 : i32
          %select_n3A_341 = arith.select %and3A_339, %add3A_340, %rem3A_331 : i32
          %add3A_342 = vector.broadcast %select_n3A_341 : i32 to vector<16xi32>
          %add3A_343 = arith.addi %add3A_325, %add3A_342 : vector<16xi32>
          %iota3A = tpu.iota {dimensions = array<i32: 0>} : vector<16xi32>
          %add3A_344 = arith.constant 0 : i32
          %add3A_345 = vector.broadcast %add3A_344 : i32 to vector<16xi32>
          %add3A_346 = arith.addi %iota3A, %add3A_345 : vector<16xi32>
          %gather3A_347 = tpu.vector_load_idx %arg9[%add3A_295, %add3A_346] : memref<128x64xf32, #tpu.memory_space<vmem>>[vector<16xi32>, vector<16xi32>], vector<16xf32>,
          tpu.vector_store_idx %arg11[%add3A_343, %add3A_346], %gather3A_347 : memref<312x64xf32, #tpu.memory_space<vmem>>[vector<16xi32>, vector<16xi32>], vector<16xf32>,
          %iota3A_348 = tpu.iota {dimensions = array<i32: 0>} : vector<16xi32>
          %add3A_349 = arith.constant 16 : i32
          %add3A_350 = vector.broadcast %add3A_349 : i32 to vector<16xi32>
          %add3A_351 = arith.addi %iota3A_348, %add3A_350 : vector<16xi32>
          %gather3A_352 = tpu.vector_load_idx %arg9[%add3A_295, %add3A_351] : memref<128x64xf32, #tpu.memory_space<vmem>>[vector<16xi32>, vector<16xi32>], vector<16xf32>,
          tpu.vector_store_idx %arg11[%add3A_343, %add3A_351], %gather3A_352 : memref<312x64xf32, #tpu.memory_space<vmem>>[vector<16xi32>, vector<16xi32>], vector<16xf32>,
          %iota3A_353 = tpu.iota {dimensions = array<i32: 0>} : vector<16xi32>
          %add3A_354 = arith.constant 32 : i32
          %add3A_355 = vector.broadcast %add3A_354 : i32 to vector<16xi32>
          %add3A_356 = arith.addi %iota3A_353, %add3A_355 : vector<16xi32>
          %gather3A_357 = tpu.vector_load_idx %arg9[%add3A_295, %add3A_356] : memref<128x64xf32, #tpu.memory_space<vmem>>[vector<16xi32>, vector<16xi32>], vector<16xf32>,
          tpu.vector_store_idx %arg11[%add3A_343, %add3A_356], %gather3A_357 : memref<312x64xf32, #tpu.memory_space<vmem>>[vector<16xi32>, vector<16xi32>], vector<16xf32>,
          %iota3A_358 = tpu.iota {dimensions = array<i32: 0>} : vector<16xi32>
          %add3A_359 = arith.constant 48 : i32
          %add3A_360 = vector.broadcast %add3A_359 : i32 to vector<16xi32>
          %add3A_361 = arith.addi %iota3A_358, %add3A_360 : vector<16xi32>
          %gather3A_362 = tpu.vector_load_idx %arg9[%add3A_295, %add3A_361] : memref<128x64xf32, #tpu.memory_space<vmem>>[vector<16xi32>, vector<16xi32>], vector<16xf32>,
          tpu.vector_store_idx %arg11[%add3A_343, %add3A_361], %gather3A_362 : memref<312x64xf32, #tpu.memory_space<vmem>>[vector<16xi32>, vector<16xi32>], vector<16xf32>,
        }
        %scan3A_174 = arith.constant 4 : i32
        %add3A_175 = arith.constant 4 : i32
        %add3A_176 = arith.addi %add3A_162, %add3A_175 : i32
        %lt3A_177 = arith.constant 52 : i32
        %lt3A_178 = arith.cmpi slt, %add3A_176, %lt3A_177 : i32
        %convert_element_type3A_179 = arith.extui %lt3A_178 : i1 to i32
        %cond3A_180 = arith.constant 0 : i32
        %cond3A_181 = arith.cmpi ne, %convert_element_type3A_179, %cond3A_180 : i32
        scf.if %cond3A_181 {
          %add3A_228 = arith.constant 4 : i32
          %add3A_229 = arith.addi %add3A_162, %add3A_228 : i32
          %scan3A_230 = arith.constant 0 : i32
          %scan3A_231 = arith.constant 0 : i32
          %scan3A_232 = arith.constant 4 : i32
          %scan3A_233 = arith.addi %scan3A_231, %scan3A_232 : i32
          %scan3A_234 = arith.constant 1 : i32
          scf.for %scan3A_236 = %scan3A_231 to %scan3A_233 step %scan3A_234  : i32 {
            %mul3A_237 = arith.constant 4 : i32
            %mul3A_238 = arith.muli %add3A_229, %mul3A_237 : i32
            %add3A_239 = arith.addi %mul3A_238, %scan3A_236 : i32
            %mul3A_240 = arith.constant 8 : i32
            %mul3A_241 = arith.muli %add3A_83, %mul3A_240 : i32
            %broadcast_in_dim3A = vector.broadcast %mul3A_241 : i32 to vector<16xi32>
            %jit3A = arith.constant 26 : i32
            %div3A = arith.divsi %add3A_239, %jit3A : i32
            %sign3A = arith.constant 0 : i32
            %sign3A_242 = arith.cmpi sgt, %add3A_239, %sign3A : i32
            %sign3A_243 = arith.extui %sign3A_242 : i1 to i32
            %sign3A_244 = arith.constant 0 : i32
            %sign3A_245 = arith.cmpi slt, %add3A_239, %sign3A_244 : i32
            %sign3A_246 = arith.extui %sign3A_245 : i1 to i32
            %sign3A_247 = arith.subi %sign3A_243, %sign3A_246 : i32
            %sign3A_248 = arith.constant 0 : i32
            %sign3A_249 = arith.cmpi sgt, %jit3A, %sign3A_248 : i32
            %sign3A_250 = arith.extui %sign3A_249 : i1 to i32
            %sign3A_251 = arith.constant 0 : i32
            %sign3A_252 = arith.cmpi slt, %jit3A, %sign3A_251 : i32
            %sign3A_253 = arith.extui %sign3A_252 : i1 to i32
            %sign3A_254 = arith.subi %sign3A_250, %sign3A_253 : i32
            %ne3A = arith.cmpi ne, %sign3A_247, %sign3A_254 : i32
            %rem3A = arith.remsi %add3A_239, %jit3A : i32
            %ne3A_255 = arith.constant 0 : i32
            %ne3A_256 = arith.cmpi ne, %rem3A, %ne3A_255 : i32
            %and3A = arith.andi %ne3A, %ne3A_256 : i1
            %sub3A = arith.constant 1 : i32
            %sub3A_257 = arith.subi %div3A, %sub3A : i32
            %select_n3A = arith.select %and3A, %sub3A_257, %div3A : i32
            %add3A_258 = vector.broadcast %select_n3A : i32 to vector<16xi32>
            %add3A_259 = arith.addi %broadcast_in_dim3A, %add3A_258 : vector<16xi32>
            %jit3A_260 = arith.constant 26 : i32
            %eq3A = arith.constant 0 : i32
            %eq3A_261 = arith.cmpi eq, %jit3A_260, %eq3A : i32
            %jit3A_262 = arith.constant 1 : i32
            %select_n3A_263 = arith.select %eq3A_261, %jit3A_262, %jit3A_260 : i32
            %rem3A_264 = arith.remsi %add3A_239, %select_n3A_263 : i32
            %ne3A_265 = arith.constant 0 : i32
            %ne3A_266 = arith.cmpi ne, %rem3A_264, %ne3A_265 : i32
            %lt3A_267 = arith.constant 0 : i32
            %lt3A_268 = arith.cmpi slt, %rem3A_264, %lt3A_267 : i32
            %lt3A_269 = arith.constant 0 : i32
            %lt3A_270 = arith.cmpi slt, %select_n3A_263, %lt3A_269 : i32
            %ne3A_271 = arith.xori %lt3A_268, %lt3A_270 : i1
            %and3A_272 = arith.andi %ne3A_271, %ne3A_266 : i1
            %add3A_273 = arith.addi %rem3A_264, %select_n3A_263 : i32
            %select_n3A_274 = arith.select %and3A_272, %add3A_273, %rem3A_264 : i32
            %broadcast_in_dim3A_275 = vector.broadcast %select_n3A_274 : i32 to vector<16xi32>
            %gather3A = tpu.vector_load_idx %arg8[%add3A_259, %broadcast_in_dim3A_275] : memref<128x26xi32, #tpu.memory_space<vmem>>[vector<16xi32>, vector<16xi32>], vector<16xi32>,
            %reduce_max3A = arith.constant true
            %reduce_max3A_276 = vector.broadcast %reduce_max3A : i1 to vector<16xi1>
            %reduce_max3A_277 = arith.constant -2147483648 : i32
            %reduce_max3A_278 = vector.broadcast %reduce_max3A_277 : i32 to vector<16xi32>
            %reduce_max3A_279 = arith.xori %gather3A, %reduce_max3A_278 : vector<16xi32>
            %reduce_max3A_280 = tpu.scan <max>, %reduce_max3A_279 masked %reduce_max3A_276 : vector<16xi32>, vector<16xi1> -> vector<16xi32>
            %reduce_max3A_281 = arith.xori %reduce_max3A_280, %reduce_max3A_278 : vector<16xi32>
            %reduce_max3A_282 = vector.extract %reduce_max3A_281[15] : i32 from vector<16xi32>
            %jit3A_283 = arith.constant 8 : i32
            %div3A_284 = arith.divsi %reduce_max3A_282, %jit3A_283 : i32
            %sign3A_285 = arith.constant 0 : i32
            %sign3A_286 = arith.cmpi sgt, %reduce_max3A_282, %sign3A_285 : i32
            %sign3A_287 = arith.extui %sign3A_286 : i1 to i32
            %sign3A_288 = arith.constant 0 : i32
            %sign3A_289 = arith.cmpi slt, %reduce_max3A_282, %sign3A_288 : i32
            %sign3A_290 = arith.extui %sign3A_289 : i1 to i32
            %sign3A_291 = arith.subi %sign3A_287, %sign3A_290 : i32
            %sign3A_292 = arith.constant 0 : i32
            %sign3A_293 = arith.cmpi sgt, %jit3A_283, %sign3A_292 : i32
            %sign3A_294 = arith.extui %sign3A_293 : i1 to i32
            %sign3A_295 = arith.constant 0 : i32
            %sign3A_296 = arith.cmpi slt, %jit3A_283, %sign3A_295 : i32
            %sign3A_297 = arith.extui %sign3A_296 : i1 to i32
            %sign3A_298 = arith.subi %sign3A_294, %sign3A_297 : i32
            %ne3A_299 = arith.cmpi ne, %sign3A_291, %sign3A_298 : i32
            %rem3A_300 = arith.remsi %reduce_max3A_282, %jit3A_283 : i32
            %ne3A_301 = arith.constant 0 : i32
            %ne3A_302 = arith.cmpi ne, %rem3A_300, %ne3A_301 : i32
            %and3A_303 = arith.andi %ne3A_299, %ne3A_302 : i1
            %sub3A_304 = arith.constant 1 : i32
            %sub3A_305 = arith.subi %div3A_284, %sub3A_304 : i32
            %select_n3A_306 = arith.select %and3A_303, %sub3A_305, %div3A_284 : i32
            %mul3A_307 = arith.constant 8 : i32
            %mul3A_308 = arith.muli %select_n3A_306, %mul3A_307 : i32
            %multiple_of3A = tpu.assume_multiple %mul3A_308, 8 : i32
            %add3A_309 = arith.constant 4 : i32
            %add3A_310 = arith.addi %add3A_309, %scan3A_236 : i32
            %mul3A_311 = arith.constant 8 : i32
            %mul3A_312 = arith.muli %add3A_310, %mul3A_311 : i32
            %dma_start3A_313 = arith.constant 0 : i32
            %dma_start3A_314 = tpu.memref_slice %arg9[%mul3A_312, %dma_start3A_313] : memref<128x64xf32, #tpu.memory_space<vmem>> -> memref<8x64xf32, #tpu.memory_space<vmem>>
            %dma_start3A_315 = arith.constant 0 : i32
            %dma_start3A_316 = tpu.memref_slice %arg4[%multiple_of3A, %dma_start3A_315] : memref<2600000x64xf32, #tpu.memory_space<hbm>> -> memref<8x64xf32, #tpu.memory_space<hbm>>
            %dma_start3A_317 = arith.constant 0 : i32
            %dma_start3A_318 = tpu.memref_slice %arg9[%mul3A_312, %dma_start3A_317] : memref<128x64xf32, #tpu.memory_space<vmem>> -> memref<8x64xf32, #tpu.memory_space<vmem>>
            %dma_start3A_319 = arith.constant 0 : i32
            %dma_start3A_320 = tpu.memref_slice %arg4[%multiple_of3A, %dma_start3A_319] : memref<2600000x64xf32, #tpu.memory_space<hbm>> -> memref<8x64xf32, #tpu.memory_space<hbm>>
            tpu.enqueue_dma source(%dma_start3A_320 : memref<8x64xf32, #tpu.memory_space<hbm>>) target(%dma_start3A_318 : memref<8x64xf32, #tpu.memory_space<vmem>>) target_semaphore(%arg13 : memref<!tpu.dma_semaphore, #tpu.memory_space<semaphore_mem>>)
          }
          %scan3A_235 = arith.constant 4 : i32
        } else {
        }
        %mul3A_182 = arith.constant 4 : i32
        %mul3A_183 = arith.muli %mul3A_182, %scan3A_136 : i32
        %add3A_184 = arith.constant 2 : i32
        %add3A_185 = arith.addi %mul3A_183, %add3A_184 : i32
        %scan3A_186 = arith.constant 0 : i32
        %scan3A_187 = arith.constant 0 : i32
        %scan3A_188 = arith.constant 4 : i32
        %scan3A_189 = arith.addi %scan3A_187, %scan3A_188 : i32
        %scan3A_190 = arith.constant 1 : i32
        scf.for %scan3A_228 = %scan3A_187 to %scan3A_189 step %scan3A_190  : i32 {
          %add3A_229 = arith.constant 8 : i32
          %add3A_230 = arith.addi %add3A_229, %scan3A_228 : i32
          %mul3A_231 = arith.constant 8 : i32
          %mul3A_232 = arith.muli %add3A_230, %mul3A_231 : i32
          %dma_wait3A_233 = arith.constant 0 : i32
          %dma_wait3A_234 = tpu.memref_slice %arg9[%mul3A_232, %dma_wait3A_233] : memref<128x64xf32, #tpu.memory_space<vmem>> -> memref<8x64xf32, #tpu.memory_space<vmem>>
          %dma_wait3A_235 = arith.constant 0 : i32
          %dma_wait3A_236 = arith.constant 0 : i32
          %dma_wait3A_237 = tpu.memref_slice %arg4[%dma_wait3A_235, %dma_wait3A_236] : memref<2600000x64xf32, #tpu.memory_space<hbm>> -> memref<8x64xf32, #tpu.memory_space<hbm>>
          %dma_wait3A_238 = arith.constant 0 : i32
          %dma_wait3A_239 = tpu.memref_slice %arg9[%mul3A_232, %dma_wait3A_238] : memref<128x64xf32, #tpu.memory_space<vmem>> -> memref<8x64xf32, #tpu.memory_space<vmem>>
          %dma_wait3A_240 = arith.constant 0 : i32
          %dma_wait3A_241 = arith.constant 0 : i32
          %dma_wait3A_242 = tpu.memref_slice %arg4[%dma_wait3A_240, %dma_wait3A_241] : memref<2600000x64xf32, #tpu.memory_space<hbm>> -> memref<8x64xf32, #tpu.memory_space<hbm>>
          tpu.wait_dma2 semaphore(%arg14 : memref<!tpu.dma_semaphore, #tpu.memory_space<semaphore_mem>>) src(%dma_wait3A_242 : memref<8x64xf32, #tpu.memory_space<hbm>>) dst(%dma_wait3A_239 : memref<8x64xf32, #tpu.memory_space<vmem>>)
        }
        %scan3A_191 = arith.constant 4 : i32
        %scan3A_192 = arith.constant 0 : i32
        %scan3A_193 = arith.constant 0 : i32
        %scan3A_194 = arith.constant 4 : i32
        %scan3A_195 = arith.addi %scan3A_193, %scan3A_194 : i32
        %scan3A_196 = arith.constant 1 : i32
        scf.for %scan3A_228 = %scan3A_193 to %scan3A_195 step %scan3A_196  : i32 {
          %mul3A_229 = arith.constant 4 : i32
          %mul3A_230 = arith.muli %add3A_185, %mul3A_229 : i32
          %add3A_231 = arith.addi %mul3A_230, %scan3A_228 : i32
          %mul3A_232 = arith.constant 8 : i32
          %mul3A_233 = arith.muli %add3A_83, %mul3A_232 : i32
          %broadcast_in_dim3A = vector.broadcast %mul3A_233 : i32 to vector<16xi32>
          %jit3A = arith.constant 26 : i32
          %div3A = arith.divsi %add3A_231, %jit3A : i32
          %sign3A = arith.constant 0 : i32
          %sign3A_234 = arith.cmpi sgt, %add3A_231, %sign3A : i32
          %sign3A_235 = arith.extui %sign3A_234 : i1 to i32
          %sign3A_236 = arith.constant 0 : i32
          %sign3A_237 = arith.cmpi slt, %add3A_231, %sign3A_236 : i32
          %sign3A_238 = arith.extui %sign3A_237 : i1 to i32
          %sign3A_239 = arith.subi %sign3A_235, %sign3A_238 : i32
          %sign3A_240 = arith.constant 0 : i32
          %sign3A_241 = arith.cmpi sgt, %jit3A, %sign3A_240 : i32
          %sign3A_242 = arith.extui %sign3A_241 : i1 to i32
          %sign3A_243 = arith.constant 0 : i32
          %sign3A_244 = arith.cmpi slt, %jit3A, %sign3A_243 : i32
          %sign3A_245 = arith.extui %sign3A_244 : i1 to i32
          %sign3A_246 = arith.subi %sign3A_242, %sign3A_245 : i32
          %ne3A = arith.cmpi ne, %sign3A_239, %sign3A_246 : i32
          %rem3A = arith.remsi %add3A_231, %jit3A : i32
          %ne3A_247 = arith.constant 0 : i32
          %ne3A_248 = arith.cmpi ne, %rem3A, %ne3A_247 : i32
          %and3A = arith.andi %ne3A, %ne3A_248 : i1
          %sub3A = arith.constant 1 : i32
          %sub3A_249 = arith.subi %div3A, %sub3A : i32
          %select_n3A = arith.select %and3A, %sub3A_249, %div3A : i32
          %add3A_250 = vector.broadcast %select_n3A : i32 to vector<16xi32>
          %add3A_251 = arith.addi %broadcast_in_dim3A, %add3A_250 : vector<16xi32>
          %jit3A_252 = arith.constant 26 : i32
          %eq3A = arith.constant 0 : i32
          %eq3A_253 = arith.cmpi eq, %jit3A_252, %eq3A : i32
          %jit3A_254 = arith.constant 1 : i32
          %select_n3A_255 = arith.select %eq3A_253, %jit3A_254, %jit3A_252 : i32
          %rem3A_256 = arith.remsi %add3A_231, %select_n3A_255 : i32
          %ne3A_257 = arith.constant 0 : i32
          %ne3A_258 = arith.cmpi ne, %rem3A_256, %ne3A_257 : i32
          %lt3A_259 = arith.constant 0 : i32
          %lt3A_260 = arith.cmpi slt, %rem3A_256, %lt3A_259 : i32
          %lt3A_261 = arith.constant 0 : i32
          %lt3A_262 = arith.cmpi slt, %select_n3A_255, %lt3A_261 : i32
          %ne3A_263 = arith.xori %lt3A_260, %lt3A_262 : i1
          %and3A_264 = arith.andi %ne3A_263, %ne3A_258 : i1
          %add3A_265 = arith.addi %rem3A_256, %select_n3A_255 : i32
          %select_n3A_266 = arith.select %and3A_264, %add3A_265, %rem3A_256 : i32
          %broadcast_in_dim3A_267 = vector.broadcast %select_n3A_266 : i32 to vector<16xi32>
          %gather3A = tpu.vector_load_idx %arg8[%add3A_251, %broadcast_in_dim3A_267] : memref<128x26xi32, #tpu.memory_space<vmem>>[vector<16xi32>, vector<16xi32>], vector<16xi32>,
          %add3A_268 = arith.constant 8 : i32
          %add3A_269 = arith.addi %add3A_268, %scan3A_228 : i32
          %mul3A_270 = arith.constant 8 : i32
          %mul3A_271 = arith.muli %add3A_269, %mul3A_270 : i32
          %broadcast_in_dim3A_272 = vector.broadcast %mul3A_271 : i32 to vector<16xi32>
          %jit3A_273 = arith.constant 8 : i32
          %eq3A_274 = arith.constant 0 : i32
          %eq3A_275 = arith.cmpi eq, %jit3A_273, %eq3A_274 : i32
          %jit3A_276 = arith.constant 1 : i32
          %select_n3A_277 = arith.select %eq3A_275, %jit3A_276, %jit3A_273 : i32
          %rem3A_278 = vector.broadcast %select_n3A_277 : i32 to vector<16xi32>
          %rem3A_279 = arith.remsi %gather3A, %rem3A_278 : vector<16xi32>
          %ne3A_280 = arith.constant 0 : i32
          %ne3A_281 = vector.broadcast %ne3A_280 : i32 to vector<16xi32>
          %ne3A_282 = arith.cmpi ne, %rem3A_279, %ne3A_281 : vector<16xi32>
          %lt3A_283 = arith.constant 0 : i32
          %lt3A_284 = vector.broadcast %lt3A_283 : i32 to vector<16xi32>
          %lt3A_285 = arith.cmpi slt, %rem3A_279, %lt3A_284 : vector<16xi32>
          %lt3A_286 = arith.constant 0 : i32
          %lt3A_287 = arith.cmpi slt, %select_n3A_277, %lt3A_286 : i32
          %ne3A_288 = vector.broadcast %lt3A_287 : i1 to vector<16xi1>
          %ne3A_289 = vector.broadcast %ne3A_288 : vector<16xi1> to vector<16xi1>
          %ne3A_290 = arith.xori %lt3A_285, %ne3A_289 : vector<16xi1>
          %and3A_291 = arith.andi %ne3A_290, %ne3A_282 : vector<16xi1>
          %add3A_292 = vector.broadcast %select_n3A_277 : i32 to vector<16xi32>
          %add3A_293 = arith.addi %rem3A_279, %add3A_292 : vector<16xi32>
          %select_n3A_294 = arith.select %and3A_291, %add3A_293, %rem3A_279 : vector<16xi1>, vector<16xi32>
          %add3A_295 = arith.addi %broadcast_in_dim3A_272, %select_n3A_294 : vector<16xi32>
          %broadcast_in_dim3A_296 = arith.constant 13 : i32
          %broadcast_in_dim3A_297 = vector.broadcast %broadcast_in_dim3A_296 : i32 to vector<16xi32>
          %jit3A_298 = arith.constant 26 : i32
          %div3A_299 = arith.divsi %add3A_231, %jit3A_298 : i32
          %sign3A_300 = arith.constant 0 : i32
          %sign3A_301 = arith.cmpi sgt, %add3A_231, %sign3A_300 : i32
          %sign3A_302 = arith.extui %sign3A_301 : i1 to i32
          %sign3A_303 = arith.constant 0 : i32
          %sign3A_304 = arith.cmpi slt, %add3A_231, %sign3A_303 : i32
          %sign3A_305 = arith.extui %sign3A_304 : i1 to i32
          %sign3A_306 = arith.subi %sign3A_302, %sign3A_305 : i32
          %sign3A_307 = arith.constant 0 : i32
          %sign3A_308 = arith.cmpi sgt, %jit3A_298, %sign3A_307 : i32
          %sign3A_309 = arith.extui %sign3A_308 : i1 to i32
          %sign3A_310 = arith.constant 0 : i32
          %sign3A_311 = arith.cmpi slt, %jit3A_298, %sign3A_310 : i32
          %sign3A_312 = arith.extui %sign3A_311 : i1 to i32
          %sign3A_313 = arith.subi %sign3A_309, %sign3A_312 : i32
          %ne3A_314 = arith.cmpi ne, %sign3A_306, %sign3A_313 : i32
          %rem3A_315 = arith.remsi %add3A_231, %jit3A_298 : i32
          %ne3A_316 = arith.constant 0 : i32
          %ne3A_317 = arith.cmpi ne, %rem3A_315, %ne3A_316 : i32
          %and3A_318 = arith.andi %ne3A_314, %ne3A_317 : i1
          %sub3A_319 = arith.constant 1 : i32
          %sub3A_320 = arith.subi %div3A_299, %sub3A_319 : i32
          %select_n3A_321 = arith.select %and3A_318, %sub3A_320, %div3A_299 : i32
          %mul3A_322 = arith.constant 39 : i32
          %mul3A_323 = arith.muli %select_n3A_321, %mul3A_322 : i32
          %add3A_324 = vector.broadcast %mul3A_323 : i32 to vector<16xi32>
          %add3A_325 = arith.addi %broadcast_in_dim3A_297, %add3A_324 : vector<16xi32>
          %jit3A_326 = arith.constant 26 : i32
          %eq3A_327 = arith.constant 0 : i32
          %eq3A_328 = arith.cmpi eq, %jit3A_326, %eq3A_327 : i32
          %jit3A_329 = arith.constant 1 : i32
          %select_n3A_330 = arith.select %eq3A_328, %jit3A_329, %jit3A_326 : i32
          %rem3A_331 = arith.remsi %add3A_231, %select_n3A_330 : i32
          %ne3A_332 = arith.constant 0 : i32
          %ne3A_333 = arith.cmpi ne, %rem3A_331, %ne3A_332 : i32
          %lt3A_334 = arith.constant 0 : i32
          %lt3A_335 = arith.cmpi slt, %rem3A_331, %lt3A_334 : i32
          %lt3A_336 = arith.constant 0 : i32
          %lt3A_337 = arith.cmpi slt, %select_n3A_330, %lt3A_336 : i32
          %ne3A_338 = arith.xori %lt3A_335, %lt3A_337 : i1
          %and3A_339 = arith.andi %ne3A_338, %ne3A_333 : i1
          %add3A_340 = arith.addi %rem3A_331, %select_n3A_330 : i32
          %select_n3A_341 = arith.select %and3A_339, %add3A_340, %rem3A_331 : i32
          %add3A_342 = vector.broadcast %select_n3A_341 : i32 to vector<16xi32>
          %add3A_343 = arith.addi %add3A_325, %add3A_342 : vector<16xi32>
          %iota3A = tpu.iota {dimensions = array<i32: 0>} : vector<16xi32>
          %add3A_344 = arith.constant 0 : i32
          %add3A_345 = vector.broadcast %add3A_344 : i32 to vector<16xi32>
          %add3A_346 = arith.addi %iota3A, %add3A_345 : vector<16xi32>
          %gather3A_347 = tpu.vector_load_idx %arg9[%add3A_295, %add3A_346] : memref<128x64xf32, #tpu.memory_space<vmem>>[vector<16xi32>, vector<16xi32>], vector<16xf32>,
          tpu.vector_store_idx %arg11[%add3A_343, %add3A_346], %gather3A_347 : memref<312x64xf32, #tpu.memory_space<vmem>>[vector<16xi32>, vector<16xi32>], vector<16xf32>,
          %iota3A_348 = tpu.iota {dimensions = array<i32: 0>} : vector<16xi32>
          %add3A_349 = arith.constant 16 : i32
          %add3A_350 = vector.broadcast %add3A_349 : i32 to vector<16xi32>
          %add3A_351 = arith.addi %iota3A_348, %add3A_350 : vector<16xi32>
          %gather3A_352 = tpu.vector_load_idx %arg9[%add3A_295, %add3A_351] : memref<128x64xf32, #tpu.memory_space<vmem>>[vector<16xi32>, vector<16xi32>], vector<16xf32>,
          tpu.vector_store_idx %arg11[%add3A_343, %add3A_351], %gather3A_352 : memref<312x64xf32, #tpu.memory_space<vmem>>[vector<16xi32>, vector<16xi32>], vector<16xf32>,
          %iota3A_353 = tpu.iota {dimensions = array<i32: 0>} : vector<16xi32>
          %add3A_354 = arith.constant 32 : i32
          %add3A_355 = vector.broadcast %add3A_354 : i32 to vector<16xi32>
          %add3A_356 = arith.addi %iota3A_353, %add3A_355 : vector<16xi32>
          %gather3A_357 = tpu.vector_load_idx %arg9[%add3A_295, %add3A_356] : memref<128x64xf32, #tpu.memory_space<vmem>>[vector<16xi32>, vector<16xi32>], vector<16xf32>,
          tpu.vector_store_idx %arg11[%add3A_343, %add3A_356], %gather3A_357 : memref<312x64xf32, #tpu.memory_space<vmem>>[vector<16xi32>, vector<16xi32>], vector<16xf32>,
          %iota3A_358 = tpu.iota {dimensions = array<i32: 0>} : vector<16xi32>
          %add3A_359 = arith.constant 48 : i32
          %add3A_360 = vector.broadcast %add3A_359 : i32 to vector<16xi32>
          %add3A_361 = arith.addi %iota3A_358, %add3A_360 : vector<16xi32>
          %gather3A_362 = tpu.vector_load_idx %arg9[%add3A_295, %add3A_361] : memref<128x64xf32, #tpu.memory_space<vmem>>[vector<16xi32>, vector<16xi32>], vector<16xf32>,
          tpu.vector_store_idx %arg11[%add3A_343, %add3A_361], %gather3A_362 : memref<312x64xf32, #tpu.memory_space<vmem>>[vector<16xi32>, vector<16xi32>], vector<16xf32>,
        }
        %scan3A_197 = arith.constant 4 : i32
        %add3A_198 = arith.constant 4 : i32
        %add3A_199 = arith.addi %add3A_185, %add3A_198 : i32
        %lt3A_200 = arith.constant 52 : i32
        %lt3A_201 = arith.cmpi slt, %add3A_199, %lt3A_200 : i32
        %convert_element_type3A_202 = arith.extui %lt3A_201 : i1 to i32
        %cond3A_203 = arith.constant 0 : i32
        %cond3A_204 = arith.cmpi ne, %convert_element_type3A_202, %cond3A_203 : i32
        scf.if %cond3A_204 {
          %add3A_228 = arith.constant 4 : i32
          %add3A_229 = arith.addi %add3A_185, %add3A_228 : i32
          %scan3A_230 = arith.constant 0 : i32
          %scan3A_231 = arith.constant 0 : i32
          %scan3A_232 = arith.constant 4 : i32
          %scan3A_233 = arith.addi %scan3A_231, %scan3A_232 : i32
          %scan3A_234 = arith.constant 1 : i32
          scf.for %scan3A_236 = %scan3A_231 to %scan3A_233 step %scan3A_234  : i32 {
            %mul3A_237 = arith.constant 4 : i32
            %mul3A_238 = arith.muli %add3A_229, %mul3A_237 : i32
            %add3A_239 = arith.addi %mul3A_238, %scan3A_236 : i32
            %mul3A_240 = arith.constant 8 : i32
            %mul3A_241 = arith.muli %add3A_83, %mul3A_240 : i32
            %broadcast_in_dim3A = vector.broadcast %mul3A_241 : i32 to vector<16xi32>
            %jit3A = arith.constant 26 : i32
            %div3A = arith.divsi %add3A_239, %jit3A : i32
            %sign3A = arith.constant 0 : i32
            %sign3A_242 = arith.cmpi sgt, %add3A_239, %sign3A : i32
            %sign3A_243 = arith.extui %sign3A_242 : i1 to i32
            %sign3A_244 = arith.constant 0 : i32
            %sign3A_245 = arith.cmpi slt, %add3A_239, %sign3A_244 : i32
            %sign3A_246 = arith.extui %sign3A_245 : i1 to i32
            %sign3A_247 = arith.subi %sign3A_243, %sign3A_246 : i32
            %sign3A_248 = arith.constant 0 : i32
            %sign3A_249 = arith.cmpi sgt, %jit3A, %sign3A_248 : i32
            %sign3A_250 = arith.extui %sign3A_249 : i1 to i32
            %sign3A_251 = arith.constant 0 : i32
            %sign3A_252 = arith.cmpi slt, %jit3A, %sign3A_251 : i32
            %sign3A_253 = arith.extui %sign3A_252 : i1 to i32
            %sign3A_254 = arith.subi %sign3A_250, %sign3A_253 : i32
            %ne3A = arith.cmpi ne, %sign3A_247, %sign3A_254 : i32
            %rem3A = arith.remsi %add3A_239, %jit3A : i32
            %ne3A_255 = arith.constant 0 : i32
            %ne3A_256 = arith.cmpi ne, %rem3A, %ne3A_255 : i32
            %and3A = arith.andi %ne3A, %ne3A_256 : i1
            %sub3A = arith.constant 1 : i32
            %sub3A_257 = arith.subi %div3A, %sub3A : i32
            %select_n3A = arith.select %and3A, %sub3A_257, %div3A : i32
            %add3A_258 = vector.broadcast %select_n3A : i32 to vector<16xi32>
            %add3A_259 = arith.addi %broadcast_in_dim3A, %add3A_258 : vector<16xi32>
            %jit3A_260 = arith.constant 26 : i32
            %eq3A = arith.constant 0 : i32
            %eq3A_261 = arith.cmpi eq, %jit3A_260, %eq3A : i32
            %jit3A_262 = arith.constant 1 : i32
            %select_n3A_263 = arith.select %eq3A_261, %jit3A_262, %jit3A_260 : i32
            %rem3A_264 = arith.remsi %add3A_239, %select_n3A_263 : i32
            %ne3A_265 = arith.constant 0 : i32
            %ne3A_266 = arith.cmpi ne, %rem3A_264, %ne3A_265 : i32
            %lt3A_267 = arith.constant 0 : i32
            %lt3A_268 = arith.cmpi slt, %rem3A_264, %lt3A_267 : i32
            %lt3A_269 = arith.constant 0 : i32
            %lt3A_270 = arith.cmpi slt, %select_n3A_263, %lt3A_269 : i32
            %ne3A_271 = arith.xori %lt3A_268, %lt3A_270 : i1
            %and3A_272 = arith.andi %ne3A_271, %ne3A_266 : i1
            %add3A_273 = arith.addi %rem3A_264, %select_n3A_263 : i32
            %select_n3A_274 = arith.select %and3A_272, %add3A_273, %rem3A_264 : i32
            %broadcast_in_dim3A_275 = vector.broadcast %select_n3A_274 : i32 to vector<16xi32>
            %gather3A = tpu.vector_load_idx %arg8[%add3A_259, %broadcast_in_dim3A_275] : memref<128x26xi32, #tpu.memory_space<vmem>>[vector<16xi32>, vector<16xi32>], vector<16xi32>,
            %reduce_max3A = arith.constant true
            %reduce_max3A_276 = vector.broadcast %reduce_max3A : i1 to vector<16xi1>
            %reduce_max3A_277 = arith.constant -2147483648 : i32
            %reduce_max3A_278 = vector.broadcast %reduce_max3A_277 : i32 to vector<16xi32>
            %reduce_max3A_279 = arith.xori %gather3A, %reduce_max3A_278 : vector<16xi32>
            %reduce_max3A_280 = tpu.scan <max>, %reduce_max3A_279 masked %reduce_max3A_276 : vector<16xi32>, vector<16xi1> -> vector<16xi32>
            %reduce_max3A_281 = arith.xori %reduce_max3A_280, %reduce_max3A_278 : vector<16xi32>
            %reduce_max3A_282 = vector.extract %reduce_max3A_281[15] : i32 from vector<16xi32>
            %jit3A_283 = arith.constant 8 : i32
            %div3A_284 = arith.divsi %reduce_max3A_282, %jit3A_283 : i32
            %sign3A_285 = arith.constant 0 : i32
            %sign3A_286 = arith.cmpi sgt, %reduce_max3A_282, %sign3A_285 : i32
            %sign3A_287 = arith.extui %sign3A_286 : i1 to i32
            %sign3A_288 = arith.constant 0 : i32
            %sign3A_289 = arith.cmpi slt, %reduce_max3A_282, %sign3A_288 : i32
            %sign3A_290 = arith.extui %sign3A_289 : i1 to i32
            %sign3A_291 = arith.subi %sign3A_287, %sign3A_290 : i32
            %sign3A_292 = arith.constant 0 : i32
            %sign3A_293 = arith.cmpi sgt, %jit3A_283, %sign3A_292 : i32
            %sign3A_294 = arith.extui %sign3A_293 : i1 to i32
            %sign3A_295 = arith.constant 0 : i32
            %sign3A_296 = arith.cmpi slt, %jit3A_283, %sign3A_295 : i32
            %sign3A_297 = arith.extui %sign3A_296 : i1 to i32
            %sign3A_298 = arith.subi %sign3A_294, %sign3A_297 : i32
            %ne3A_299 = arith.cmpi ne, %sign3A_291, %sign3A_298 : i32
            %rem3A_300 = arith.remsi %reduce_max3A_282, %jit3A_283 : i32
            %ne3A_301 = arith.constant 0 : i32
            %ne3A_302 = arith.cmpi ne, %rem3A_300, %ne3A_301 : i32
            %and3A_303 = arith.andi %ne3A_299, %ne3A_302 : i1
            %sub3A_304 = arith.constant 1 : i32
            %sub3A_305 = arith.subi %div3A_284, %sub3A_304 : i32
            %select_n3A_306 = arith.select %and3A_303, %sub3A_305, %div3A_284 : i32
            %mul3A_307 = arith.constant 8 : i32
            %mul3A_308 = arith.muli %select_n3A_306, %mul3A_307 : i32
            %multiple_of3A = tpu.assume_multiple %mul3A_308, 8 : i32
            %add3A_309 = arith.constant 8 : i32
            %add3A_310 = arith.addi %add3A_309, %scan3A_236 : i32
            %mul3A_311 = arith.constant 8 : i32
            %mul3A_312 = arith.muli %add3A_310, %mul3A_311 : i32
            %dma_start3A_313 = arith.constant 0 : i32
            %dma_start3A_314 = tpu.memref_slice %arg9[%mul3A_312, %dma_start3A_313] : memref<128x64xf32, #tpu.memory_space<vmem>> -> memref<8x64xf32, #tpu.memory_space<vmem>>
            %dma_start3A_315 = arith.constant 0 : i32
            %dma_start3A_316 = tpu.memref_slice %arg4[%multiple_of3A, %dma_start3A_315] : memref<2600000x64xf32, #tpu.memory_space<hbm>> -> memref<8x64xf32, #tpu.memory_space<hbm>>
            %dma_start3A_317 = arith.constant 0 : i32
            %dma_start3A_318 = tpu.memref_slice %arg9[%mul3A_312, %dma_start3A_317] : memref<128x64xf32, #tpu.memory_space<vmem>> -> memref<8x64xf32, #tpu.memory_space<vmem>>
            %dma_start3A_319 = arith.constant 0 : i32
            %dma_start3A_320 = tpu.memref_slice %arg4[%multiple_of3A, %dma_start3A_319] : memref<2600000x64xf32, #tpu.memory_space<hbm>> -> memref<8x64xf32, #tpu.memory_space<hbm>>
            tpu.enqueue_dma source(%dma_start3A_320 : memref<8x64xf32, #tpu.memory_space<hbm>>) target(%dma_start3A_318 : memref<8x64xf32, #tpu.memory_space<vmem>>) target_semaphore(%arg14 : memref<!tpu.dma_semaphore, #tpu.memory_space<semaphore_mem>>)
          }
          %scan3A_235 = arith.constant 4 : i32
        } else {
        }
        %mul3A_205 = arith.constant 4 : i32
        %mul3A_206 = arith.muli %mul3A_205, %scan3A_136 : i32
        %add3A_207 = arith.constant 3 : i32
        %add3A_208 = arith.addi %mul3A_206, %add3A_207 : i32
        %scan3A_209 = arith.constant 0 : i32
        %scan3A_210 = arith.constant 0 : i32
        %scan3A_211 = arith.constant 4 : i32
        %scan3A_212 = arith.addi %scan3A_210, %scan3A_211 : i32
        %scan3A_213 = arith.constant 1 : i32
        scf.for %scan3A_228 = %scan3A_210 to %scan3A_212 step %scan3A_213  : i32 {
          %add3A_229 = arith.constant 12 : i32
          %add3A_230 = arith.addi %add3A_229, %scan3A_228 : i32
          %mul3A_231 = arith.constant 8 : i32
          %mul3A_232 = arith.muli %add3A_230, %mul3A_231 : i32
          %dma_wait3A_233 = arith.constant 0 : i32
          %dma_wait3A_234 = tpu.memref_slice %arg9[%mul3A_232, %dma_wait3A_233] : memref<128x64xf32, #tpu.memory_space<vmem>> -> memref<8x64xf32, #tpu.memory_space<vmem>>
          %dma_wait3A_235 = arith.constant 0 : i32
          %dma_wait3A_236 = arith.constant 0 : i32
          %dma_wait3A_237 = tpu.memref_slice %arg4[%dma_wait3A_235, %dma_wait3A_236] : memref<2600000x64xf32, #tpu.memory_space<hbm>> -> memref<8x64xf32, #tpu.memory_space<hbm>>
          %dma_wait3A_238 = arith.constant 0 : i32
          %dma_wait3A_239 = tpu.memref_slice %arg9[%mul3A_232, %dma_wait3A_238] : memref<128x64xf32, #tpu.memory_space<vmem>> -> memref<8x64xf32, #tpu.memory_space<vmem>>
          %dma_wait3A_240 = arith.constant 0 : i32
          %dma_wait3A_241 = arith.constant 0 : i32
          %dma_wait3A_242 = tpu.memref_slice %arg4[%dma_wait3A_240, %dma_wait3A_241] : memref<2600000x64xf32, #tpu.memory_space<hbm>> -> memref<8x64xf32, #tpu.memory_space<hbm>>
          tpu.wait_dma2 semaphore(%arg15 : memref<!tpu.dma_semaphore, #tpu.memory_space<semaphore_mem>>) src(%dma_wait3A_242 : memref<8x64xf32, #tpu.memory_space<hbm>>) dst(%dma_wait3A_239 : memref<8x64xf32, #tpu.memory_space<vmem>>)
        }
        %scan3A_214 = arith.constant 4 : i32
        %scan3A_215 = arith.constant 0 : i32
        %scan3A_216 = arith.constant 0 : i32
        %scan3A_217 = arith.constant 4 : i32
        %scan3A_218 = arith.addi %scan3A_216, %scan3A_217 : i32
        %scan3A_219 = arith.constant 1 : i32
        scf.for %scan3A_228 = %scan3A_216 to %scan3A_218 step %scan3A_219  : i32 {
          %mul3A_229 = arith.constant 4 : i32
          %mul3A_230 = arith.muli %add3A_208, %mul3A_229 : i32
          %add3A_231 = arith.addi %mul3A_230, %scan3A_228 : i32
          %mul3A_232 = arith.constant 8 : i32
          %mul3A_233 = arith.muli %add3A_83, %mul3A_232 : i32
          %broadcast_in_dim3A = vector.broadcast %mul3A_233 : i32 to vector<16xi32>
          %jit3A = arith.constant 26 : i32
          %div3A = arith.divsi %add3A_231, %jit3A : i32
          %sign3A = arith.constant 0 : i32
          %sign3A_234 = arith.cmpi sgt, %add3A_231, %sign3A : i32
          %sign3A_235 = arith.extui %sign3A_234 : i1 to i32
          %sign3A_236 = arith.constant 0 : i32
          %sign3A_237 = arith.cmpi slt, %add3A_231, %sign3A_236 : i32
          %sign3A_238 = arith.extui %sign3A_237 : i1 to i32
          %sign3A_239 = arith.subi %sign3A_235, %sign3A_238 : i32
          %sign3A_240 = arith.constant 0 : i32
          %sign3A_241 = arith.cmpi sgt, %jit3A, %sign3A_240 : i32
          %sign3A_242 = arith.extui %sign3A_241 : i1 to i32
          %sign3A_243 = arith.constant 0 : i32
          %sign3A_244 = arith.cmpi slt, %jit3A, %sign3A_243 : i32
          %sign3A_245 = arith.extui %sign3A_244 : i1 to i32
          %sign3A_246 = arith.subi %sign3A_242, %sign3A_245 : i32
          %ne3A = arith.cmpi ne, %sign3A_239, %sign3A_246 : i32
          %rem3A = arith.remsi %add3A_231, %jit3A : i32
          %ne3A_247 = arith.constant 0 : i32
          %ne3A_248 = arith.cmpi ne, %rem3A, %ne3A_247 : i32
          %and3A = arith.andi %ne3A, %ne3A_248 : i1
          %sub3A = arith.constant 1 : i32
          %sub3A_249 = arith.subi %div3A, %sub3A : i32
          %select_n3A = arith.select %and3A, %sub3A_249, %div3A : i32
          %add3A_250 = vector.broadcast %select_n3A : i32 to vector<16xi32>
          %add3A_251 = arith.addi %broadcast_in_dim3A, %add3A_250 : vector<16xi32>
          %jit3A_252 = arith.constant 26 : i32
          %eq3A = arith.constant 0 : i32
          %eq3A_253 = arith.cmpi eq, %jit3A_252, %eq3A : i32
          %jit3A_254 = arith.constant 1 : i32
          %select_n3A_255 = arith.select %eq3A_253, %jit3A_254, %jit3A_252 : i32
          %rem3A_256 = arith.remsi %add3A_231, %select_n3A_255 : i32
          %ne3A_257 = arith.constant 0 : i32
          %ne3A_258 = arith.cmpi ne, %rem3A_256, %ne3A_257 : i32
          %lt3A_259 = arith.constant 0 : i32
          %lt3A_260 = arith.cmpi slt, %rem3A_256, %lt3A_259 : i32
          %lt3A_261 = arith.constant 0 : i32
          %lt3A_262 = arith.cmpi slt, %select_n3A_255, %lt3A_261 : i32
          %ne3A_263 = arith.xori %lt3A_260, %lt3A_262 : i1
          %and3A_264 = arith.andi %ne3A_263, %ne3A_258 : i1
          %add3A_265 = arith.addi %rem3A_256, %select_n3A_255 : i32
          %select_n3A_266 = arith.select %and3A_264, %add3A_265, %rem3A_256 : i32
          %broadcast_in_dim3A_267 = vector.broadcast %select_n3A_266 : i32 to vector<16xi32>
          %gather3A = tpu.vector_load_idx %arg8[%add3A_251, %broadcast_in_dim3A_267] : memref<128x26xi32, #tpu.memory_space<vmem>>[vector<16xi32>, vector<16xi32>], vector<16xi32>,
          %add3A_268 = arith.constant 12 : i32
          %add3A_269 = arith.addi %add3A_268, %scan3A_228 : i32
          %mul3A_270 = arith.constant 8 : i32
          %mul3A_271 = arith.muli %add3A_269, %mul3A_270 : i32
          %broadcast_in_dim3A_272 = vector.broadcast %mul3A_271 : i32 to vector<16xi32>
          %jit3A_273 = arith.constant 8 : i32
          %eq3A_274 = arith.constant 0 : i32
          %eq3A_275 = arith.cmpi eq, %jit3A_273, %eq3A_274 : i32
          %jit3A_276 = arith.constant 1 : i32
          %select_n3A_277 = arith.select %eq3A_275, %jit3A_276, %jit3A_273 : i32
          %rem3A_278 = vector.broadcast %select_n3A_277 : i32 to vector<16xi32>
          %rem3A_279 = arith.remsi %gather3A, %rem3A_278 : vector<16xi32>
          %ne3A_280 = arith.constant 0 : i32
          %ne3A_281 = vector.broadcast %ne3A_280 : i32 to vector<16xi32>
          %ne3A_282 = arith.cmpi ne, %rem3A_279, %ne3A_281 : vector<16xi32>
          %lt3A_283 = arith.constant 0 : i32
          %lt3A_284 = vector.broadcast %lt3A_283 : i32 to vector<16xi32>
          %lt3A_285 = arith.cmpi slt, %rem3A_279, %lt3A_284 : vector<16xi32>
          %lt3A_286 = arith.constant 0 : i32
          %lt3A_287 = arith.cmpi slt, %select_n3A_277, %lt3A_286 : i32
          %ne3A_288 = vector.broadcast %lt3A_287 : i1 to vector<16xi1>
          %ne3A_289 = vector.broadcast %ne3A_288 : vector<16xi1> to vector<16xi1>
          %ne3A_290 = arith.xori %lt3A_285, %ne3A_289 : vector<16xi1>
          %and3A_291 = arith.andi %ne3A_290, %ne3A_282 : vector<16xi1>
          %add3A_292 = vector.broadcast %select_n3A_277 : i32 to vector<16xi32>
          %add3A_293 = arith.addi %rem3A_279, %add3A_292 : vector<16xi32>
          %select_n3A_294 = arith.select %and3A_291, %add3A_293, %rem3A_279 : vector<16xi1>, vector<16xi32>
          %add3A_295 = arith.addi %broadcast_in_dim3A_272, %select_n3A_294 : vector<16xi32>
          %broadcast_in_dim3A_296 = arith.constant 13 : i32
          %broadcast_in_dim3A_297 = vector.broadcast %broadcast_in_dim3A_296 : i32 to vector<16xi32>
          %jit3A_298 = arith.constant 26 : i32
          %div3A_299 = arith.divsi %add3A_231, %jit3A_298 : i32
          %sign3A_300 = arith.constant 0 : i32
          %sign3A_301 = arith.cmpi sgt, %add3A_231, %sign3A_300 : i32
          %sign3A_302 = arith.extui %sign3A_301 : i1 to i32
          %sign3A_303 = arith.constant 0 : i32
          %sign3A_304 = arith.cmpi slt, %add3A_231, %sign3A_303 : i32
          %sign3A_305 = arith.extui %sign3A_304 : i1 to i32
          %sign3A_306 = arith.subi %sign3A_302, %sign3A_305 : i32
          %sign3A_307 = arith.constant 0 : i32
          %sign3A_308 = arith.cmpi sgt, %jit3A_298, %sign3A_307 : i32
          %sign3A_309 = arith.extui %sign3A_308 : i1 to i32
          %sign3A_310 = arith.constant 0 : i32
          %sign3A_311 = arith.cmpi slt, %jit3A_298, %sign3A_310 : i32
          %sign3A_312 = arith.extui %sign3A_311 : i1 to i32
          %sign3A_313 = arith.subi %sign3A_309, %sign3A_312 : i32
          %ne3A_314 = arith.cmpi ne, %sign3A_306, %sign3A_313 : i32
          %rem3A_315 = arith.remsi %add3A_231, %jit3A_298 : i32
          %ne3A_316 = arith.constant 0 : i32
          %ne3A_317 = arith.cmpi ne, %rem3A_315, %ne3A_316 : i32
          %and3A_318 = arith.andi %ne3A_314, %ne3A_317 : i1
          %sub3A_319 = arith.constant 1 : i32
          %sub3A_320 = arith.subi %div3A_299, %sub3A_319 : i32
          %select_n3A_321 = arith.select %and3A_318, %sub3A_320, %div3A_299 : i32
          %mul3A_322 = arith.constant 39 : i32
          %mul3A_323 = arith.muli %select_n3A_321, %mul3A_322 : i32
          %add3A_324 = vector.broadcast %mul3A_323 : i32 to vector<16xi32>
          %add3A_325 = arith.addi %broadcast_in_dim3A_297, %add3A_324 : vector<16xi32>
          %jit3A_326 = arith.constant 26 : i32
          %eq3A_327 = arith.constant 0 : i32
          %eq3A_328 = arith.cmpi eq, %jit3A_326, %eq3A_327 : i32
          %jit3A_329 = arith.constant 1 : i32
          %select_n3A_330 = arith.select %eq3A_328, %jit3A_329, %jit3A_326 : i32
          %rem3A_331 = arith.remsi %add3A_231, %select_n3A_330 : i32
          %ne3A_332 = arith.constant 0 : i32
          %ne3A_333 = arith.cmpi ne, %rem3A_331, %ne3A_332 : i32
          %lt3A_334 = arith.constant 0 : i32
          %lt3A_335 = arith.cmpi slt, %rem3A_331, %lt3A_334 : i32
          %lt3A_336 = arith.constant 0 : i32
          %lt3A_337 = arith.cmpi slt, %select_n3A_330, %lt3A_336 : i32
          %ne3A_338 = arith.xori %lt3A_335, %lt3A_337 : i1
          %and3A_339 = arith.andi %ne3A_338, %ne3A_333 : i1
          %add3A_340 = arith.addi %rem3A_331, %select_n3A_330 : i32
          %select_n3A_341 = arith.select %and3A_339, %add3A_340, %rem3A_331 : i32
          %add3A_342 = vector.broadcast %select_n3A_341 : i32 to vector<16xi32>
          %add3A_343 = arith.addi %add3A_325, %add3A_342 : vector<16xi32>
          %iota3A = tpu.iota {dimensions = array<i32: 0>} : vector<16xi32>
          %add3A_344 = arith.constant 0 : i32
          %add3A_345 = vector.broadcast %add3A_344 : i32 to vector<16xi32>
          %add3A_346 = arith.addi %iota3A, %add3A_345 : vector<16xi32>
          %gather3A_347 = tpu.vector_load_idx %arg9[%add3A_295, %add3A_346] : memref<128x64xf32, #tpu.memory_space<vmem>>[vector<16xi32>, vector<16xi32>], vector<16xf32>,
          tpu.vector_store_idx %arg11[%add3A_343, %add3A_346], %gather3A_347 : memref<312x64xf32, #tpu.memory_space<vmem>>[vector<16xi32>, vector<16xi32>], vector<16xf32>,
          %iota3A_348 = tpu.iota {dimensions = array<i32: 0>} : vector<16xi32>
          %add3A_349 = arith.constant 16 : i32
          %add3A_350 = vector.broadcast %add3A_349 : i32 to vector<16xi32>
          %add3A_351 = arith.addi %iota3A_348, %add3A_350 : vector<16xi32>
          %gather3A_352 = tpu.vector_load_idx %arg9[%add3A_295, %add3A_351] : memref<128x64xf32, #tpu.memory_space<vmem>>[vector<16xi32>, vector<16xi32>], vector<16xf32>,
          tpu.vector_store_idx %arg11[%add3A_343, %add3A_351], %gather3A_352 : memref<312x64xf32, #tpu.memory_space<vmem>>[vector<16xi32>, vector<16xi32>], vector<16xf32>,
          %iota3A_353 = tpu.iota {dimensions = array<i32: 0>} : vector<16xi32>
          %add3A_354 = arith.constant 32 : i32
          %add3A_355 = vector.broadcast %add3A_354 : i32 to vector<16xi32>
          %add3A_356 = arith.addi %iota3A_353, %add3A_355 : vector<16xi32>
          %gather3A_357 = tpu.vector_load_idx %arg9[%add3A_295, %add3A_356] : memref<128x64xf32, #tpu.memory_space<vmem>>[vector<16xi32>, vector<16xi32>], vector<16xf32>,
          tpu.vector_store_idx %arg11[%add3A_343, %add3A_356], %gather3A_357 : memref<312x64xf32, #tpu.memory_space<vmem>>[vector<16xi32>, vector<16xi32>], vector<16xf32>,
          %iota3A_358 = tpu.iota {dimensions = array<i32: 0>} : vector<16xi32>
          %add3A_359 = arith.constant 48 : i32
          %add3A_360 = vector.broadcast %add3A_359 : i32 to vector<16xi32>
          %add3A_361 = arith.addi %iota3A_358, %add3A_360 : vector<16xi32>
          %gather3A_362 = tpu.vector_load_idx %arg9[%add3A_295, %add3A_361] : memref<128x64xf32, #tpu.memory_space<vmem>>[vector<16xi32>, vector<16xi32>], vector<16xf32>,
          tpu.vector_store_idx %arg11[%add3A_343, %add3A_361], %gather3A_362 : memref<312x64xf32, #tpu.memory_space<vmem>>[vector<16xi32>, vector<16xi32>], vector<16xf32>,
        }
        %scan3A_220 = arith.constant 4 : i32
        %add3A_221 = arith.constant 4 : i32
        %add3A_222 = arith.addi %add3A_208, %add3A_221 : i32
        %lt3A_223 = arith.constant 52 : i32
        %lt3A_224 = arith.cmpi slt, %add3A_222, %lt3A_223 : i32
        %convert_element_type3A_225 = arith.extui %lt3A_224 : i1 to i32
        %cond3A_226 = arith.constant 0 : i32
        %cond3A_227 = arith.cmpi ne, %convert_element_type3A_225, %cond3A_226 : i32
        scf.if %cond3A_227 {
          %add3A_228 = arith.constant 4 : i32
          %add3A_229 = arith.addi %add3A_208, %add3A_228 : i32
          %scan3A_230 = arith.constant 0 : i32
          %scan3A_231 = arith.constant 0 : i32
          %scan3A_232 = arith.constant 4 : i32
          %scan3A_233 = arith.addi %scan3A_231, %scan3A_232 : i32
          %scan3A_234 = arith.constant 1 : i32
          scf.for %scan3A_236 = %scan3A_231 to %scan3A_233 step %scan3A_234  : i32 {
            %mul3A_237 = arith.constant 4 : i32
            %mul3A_238 = arith.muli %add3A_229, %mul3A_237 : i32
            %add3A_239 = arith.addi %mul3A_238, %scan3A_236 : i32
            %mul3A_240 = arith.constant 8 : i32
            %mul3A_241 = arith.muli %add3A_83, %mul3A_240 : i32
            %broadcast_in_dim3A = vector.broadcast %mul3A_241 : i32 to vector<16xi32>
            %jit3A = arith.constant 26 : i32
            %div3A = arith.divsi %add3A_239, %jit3A : i32
            %sign3A = arith.constant 0 : i32
            %sign3A_242 = arith.cmpi sgt, %add3A_239, %sign3A : i32
            %sign3A_243 = arith.extui %sign3A_242 : i1 to i32
            %sign3A_244 = arith.constant 0 : i32
            %sign3A_245 = arith.cmpi slt, %add3A_239, %sign3A_244 : i32
            %sign3A_246 = arith.extui %sign3A_245 : i1 to i32
            %sign3A_247 = arith.subi %sign3A_243, %sign3A_246 : i32
            %sign3A_248 = arith.constant 0 : i32
            %sign3A_249 = arith.cmpi sgt, %jit3A, %sign3A_248 : i32
            %sign3A_250 = arith.extui %sign3A_249 : i1 to i32
            %sign3A_251 = arith.constant 0 : i32
            %sign3A_252 = arith.cmpi slt, %jit3A, %sign3A_251 : i32
            %sign3A_253 = arith.extui %sign3A_252 : i1 to i32
            %sign3A_254 = arith.subi %sign3A_250, %sign3A_253 : i32
            %ne3A = arith.cmpi ne, %sign3A_247, %sign3A_254 : i32
            %rem3A = arith.remsi %add3A_239, %jit3A : i32
            %ne3A_255 = arith.constant 0 : i32
            %ne3A_256 = arith.cmpi ne, %rem3A, %ne3A_255 : i32
            %and3A = arith.andi %ne3A, %ne3A_256 : i1
            %sub3A = arith.constant 1 : i32
            %sub3A_257 = arith.subi %div3A, %sub3A : i32
            %select_n3A = arith.select %and3A, %sub3A_257, %div3A : i32
            %add3A_258 = vector.broadcast %select_n3A : i32 to vector<16xi32>
            %add3A_259 = arith.addi %broadcast_in_dim3A, %add3A_258 : vector<16xi32>
            %jit3A_260 = arith.constant 26 : i32
            %eq3A = arith.constant 0 : i32
            %eq3A_261 = arith.cmpi eq, %jit3A_260, %eq3A : i32
            %jit3A_262 = arith.constant 1 : i32
            %select_n3A_263 = arith.select %eq3A_261, %jit3A_262, %jit3A_260 : i32
            %rem3A_264 = arith.remsi %add3A_239, %select_n3A_263 : i32
            %ne3A_265 = arith.constant 0 : i32
            %ne3A_266 = arith.cmpi ne, %rem3A_264, %ne3A_265 : i32
            %lt3A_267 = arith.constant 0 : i32
            %lt3A_268 = arith.cmpi slt, %rem3A_264, %lt3A_267 : i32
            %lt3A_269 = arith.constant 0 : i32
            %lt3A_270 = arith.cmpi slt, %select_n3A_263, %lt3A_269 : i32
            %ne3A_271 = arith.xori %lt3A_268, %lt3A_270 : i1
            %and3A_272 = arith.andi %ne3A_271, %ne3A_266 : i1
            %add3A_273 = arith.addi %rem3A_264, %select_n3A_263 : i32
            %select_n3A_274 = arith.select %and3A_272, %add3A_273, %rem3A_264 : i32
            %broadcast_in_dim3A_275 = vector.broadcast %select_n3A_274 : i32 to vector<16xi32>
            %gather3A = tpu.vector_load_idx %arg8[%add3A_259, %broadcast_in_dim3A_275] : memref<128x26xi32, #tpu.memory_space<vmem>>[vector<16xi32>, vector<16xi32>], vector<16xi32>,
            %reduce_max3A = arith.constant true
            %reduce_max3A_276 = vector.broadcast %reduce_max3A : i1 to vector<16xi1>
            %reduce_max3A_277 = arith.constant -2147483648 : i32
            %reduce_max3A_278 = vector.broadcast %reduce_max3A_277 : i32 to vector<16xi32>
            %reduce_max3A_279 = arith.xori %gather3A, %reduce_max3A_278 : vector<16xi32>
            %reduce_max3A_280 = tpu.scan <max>, %reduce_max3A_279 masked %reduce_max3A_276 : vector<16xi32>, vector<16xi1> -> vector<16xi32>
            %reduce_max3A_281 = arith.xori %reduce_max3A_280, %reduce_max3A_278 : vector<16xi32>
            %reduce_max3A_282 = vector.extract %reduce_max3A_281[15] : i32 from vector<16xi32>
            %jit3A_283 = arith.constant 8 : i32
            %div3A_284 = arith.divsi %reduce_max3A_282, %jit3A_283 : i32
            %sign3A_285 = arith.constant 0 : i32
            %sign3A_286 = arith.cmpi sgt, %reduce_max3A_282, %sign3A_285 : i32
            %sign3A_287 = arith.extui %sign3A_286 : i1 to i32
            %sign3A_288 = arith.constant 0 : i32
            %sign3A_289 = arith.cmpi slt, %reduce_max3A_282, %sign3A_288 : i32
            %sign3A_290 = arith.extui %sign3A_289 : i1 to i32
            %sign3A_291 = arith.subi %sign3A_287, %sign3A_290 : i32
            %sign3A_292 = arith.constant 0 : i32
            %sign3A_293 = arith.cmpi sgt, %jit3A_283, %sign3A_292 : i32
            %sign3A_294 = arith.extui %sign3A_293 : i1 to i32
            %sign3A_295 = arith.constant 0 : i32
            %sign3A_296 = arith.cmpi slt, %jit3A_283, %sign3A_295 : i32
            %sign3A_297 = arith.extui %sign3A_296 : i1 to i32
            %sign3A_298 = arith.subi %sign3A_294, %sign3A_297 : i32
            %ne3A_299 = arith.cmpi ne, %sign3A_291, %sign3A_298 : i32
            %rem3A_300 = arith.remsi %reduce_max3A_282, %jit3A_283 : i32
            %ne3A_301 = arith.constant 0 : i32
            %ne3A_302 = arith.cmpi ne, %rem3A_300, %ne3A_301 : i32
            %and3A_303 = arith.andi %ne3A_299, %ne3A_302 : i1
            %sub3A_304 = arith.constant 1 : i32
            %sub3A_305 = arith.subi %div3A_284, %sub3A_304 : i32
            %select_n3A_306 = arith.select %and3A_303, %sub3A_305, %div3A_284 : i32
            %mul3A_307 = arith.constant 8 : i32
            %mul3A_308 = arith.muli %select_n3A_306, %mul3A_307 : i32
            %multiple_of3A = tpu.assume_multiple %mul3A_308, 8 : i32
            %add3A_309 = arith.constant 12 : i32
            %add3A_310 = arith.addi %add3A_309, %scan3A_236 : i32
            %mul3A_311 = arith.constant 8 : i32
            %mul3A_312 = arith.muli %add3A_310, %mul3A_311 : i32
            %dma_start3A_313 = arith.constant 0 : i32
            %dma_start3A_314 = tpu.memref_slice %arg9[%mul3A_312, %dma_start3A_313] : memref<128x64xf32, #tpu.memory_space<vmem>> -> memref<8x64xf32, #tpu.memory_space<vmem>>
            %dma_start3A_315 = arith.constant 0 : i32
            %dma_start3A_316 = tpu.memref_slice %arg4[%multiple_of3A, %dma_start3A_315] : memref<2600000x64xf32, #tpu.memory_space<hbm>> -> memref<8x64xf32, #tpu.memory_space<hbm>>
            %dma_start3A_317 = arith.constant 0 : i32
            %dma_start3A_318 = tpu.memref_slice %arg9[%mul3A_312, %dma_start3A_317] : memref<128x64xf32, #tpu.memory_space<vmem>> -> memref<8x64xf32, #tpu.memory_space<vmem>>
            %dma_start3A_319 = arith.constant 0 : i32
            %dma_start3A_320 = tpu.memref_slice %arg4[%multiple_of3A, %dma_start3A_319] : memref<2600000x64xf32, #tpu.memory_space<hbm>> -> memref<8x64xf32, #tpu.memory_space<hbm>>
            tpu.enqueue_dma source(%dma_start3A_320 : memref<8x64xf32, #tpu.memory_space<hbm>>) target(%dma_start3A_318 : memref<8x64xf32, #tpu.memory_space<vmem>>) target_semaphore(%arg15 : memref<!tpu.dma_semaphore, #tpu.memory_space<semaphore_mem>>)
          }
          %scan3A_235 = arith.constant 4 : i32
        } else {
        }
      }
      %scan3A_126 = arith.constant 13 : i32
      %mul3A_127 = arith.constant 8 : i32
      %mul3A_128 = arith.muli %add3A_83, %mul3A_127 : i32
      %add3A_129 = arith.addi %mul3A_2, %mul3A_128 : i32
      %mul3A_130 = arith.constant 39 : i32
      %mul3A_131 = arith.muli %add3A_129, %mul3A_130 : i32
      %dma_start3A_132 = arith.constant 0 : i32
      %dma_start3A_133 = tpu.memref_slice %arg5[%mul3A_131, %dma_start3A_132] : memref<159744x64xf32, #tpu.memory_space<hbm>> -> memref<312x64xf32, #tpu.memory_space<hbm>>
      %dma_start3A_134 = arith.constant 0 : i32
      %dma_start3A_135 = tpu.memref_slice %arg5[%mul3A_131, %dma_start3A_134] : memref<159744x64xf32, #tpu.memory_space<hbm>> -> memref<312x64xf32, #tpu.memory_space<hbm>>
      tpu.enqueue_dma source(%arg11 : memref<312x64xf32, #tpu.memory_space<vmem>>) target(%dma_start3A_135 : memref<312x64xf32, #tpu.memory_space<hbm>>) target_semaphore(%arg17 : memref<!tpu.dma_semaphore, #tpu.memory_space<semaphore_mem>>)
    }
    %scan3A_13 = arith.constant 8 : i32
    %add3A_14 = arith.constant 112 : i32
    %add3A_15 = arith.addi %mul3A_2, %add3A_14 : i32
    %mul3A_16 = arith.constant 39 : i32
    %mul3A_17 = arith.muli %add3A_15, %mul3A_16 : i32
    %dma_wait3A = arith.constant 0 : i32
    %dma_wait3A_18 = tpu.memref_slice %arg5[%mul3A_17, %dma_wait3A] : memref<159744x64xf32, #tpu.memory_space<hbm>> -> memref<312x64xf32, #tpu.memory_space<hbm>>
    %dma_wait3A_19 = arith.constant 0 : i32
    %dma_wait3A_20 = tpu.memref_slice %arg5[%mul3A_17, %dma_wait3A_19] : memref<159744x64xf32, #tpu.memory_space<hbm>> -> memref<312x64xf32, #tpu.memory_space<hbm>>
    tpu.wait_dma2 semaphore(%arg16 : memref<!tpu.dma_semaphore, #tpu.memory_space<semaphore_mem>>) src(%arg10 : memref<312x64xf32, #tpu.memory_space<vmem>>) dst(%dma_wait3A_20 : memref<312x64xf32, #tpu.memory_space<hbm>>)
    %add3A_21 = arith.constant 120 : i32
    %add3A_22 = arith.addi %mul3A_2, %add3A_21 : i32
    %mul3A_23 = arith.constant 39 : i32
    %mul3A_24 = arith.muli %add3A_22, %mul3A_23 : i32
    %dma_wait3A_25 = arith.constant 0 : i32
    %dma_wait3A_26 = tpu.memref_slice %arg5[%mul3A_24, %dma_wait3A_25] : memref<159744x64xf32, #tpu.memory_space<hbm>> -> memref<312x64xf32, #tpu.memory_space<hbm>>
    %dma_wait3A_27 = arith.constant 0 : i32
    %dma_wait3A_28 = tpu.memref_slice %arg5[%mul3A_24, %dma_wait3A_27] : memref<159744x64xf32, #tpu.memory_space<hbm>> -> memref<312x64xf32, #tpu.memory_space<hbm>>
    tpu.wait_dma2 semaphore(%arg17 : memref<!tpu.dma_semaphore, #tpu.memory_space<semaphore_mem>>) src(%arg11 : memref<312x64xf32, #tpu.memory_space<vmem>>) dst(%dma_wait3A_28 : memref<312x64xf32, #tpu.memory_space<hbm>>)
    return
  }
}

</mosaic_0001>

<sc_bundles>
// kernel: kernel.3.cloned.1.call-start
scs
__scs_entry_jumppad:
0x0: {  	(pc) =	sbr.rel $0x88, $3  }
0x1: {  	(tag) =	ssettag $0x0;
	lr =	simm.s32 $0x1  }
0x2: {  	[smem:$0x3F9E] =	sst lr;
	_ =	strace $0xD0000000  }
0x3: {  	_ = 	snop  }
0x4: {  	_ = 	snop  }
0x5: {  	_ = 	snop  }
0x6: {  	_ = 	snop  }
0x7: {  	_ = 	snop  }
__scs_overlays_trampoline_lowered:
0x8: {  	[smem:$0x3FAD] =	sst s0  }
0x9: {  	[smem:$0x3FAE] =	sst s1  }
0xa: {  	[smem:$0x3FAF] =	sst s2  }
0xb: {  	[smem:$0x3FB0] =	sst s3  }
0xc: {  	[smem:$0x3FB1] =	sst s4  }
0xd: {  	[smem:$0x3FB2] =	sst s5  }
0xe: {  	[smem:$0x3FB3] =	sst s6  }
0xf: {  	[smem:$0x3FB4] =	sst s7  }
0x10: {  	[smem:$0x3FB5] =	sst s8  }
0x11: {  	[smem:$0x3FB6] =	sst s9;
	s0 =	simm.s32 @!p0 $0x0  }
0x12: {  	s1 =	sld [smem:$0x3F9C];
	s0 =	simm.s32 @p0 $0x1  }
0x13: {  	[smem:$0x3FB7] =	sst s0;
	s0 =	simm.s32 @!p1 $0x0  }
0x14: {  	s2 =	sld [smem:$0x3F9B];
	s0 =	simm.s32 @p1 $0x1  }
0x15: {  	[smem:$0x3FB8] =	sst s0;
	s0 =	simm.s32 @!p2 $0x0  }
0x16: {  	s3 =	sld [smem:$0x3FDB];
	s0 =	simm.s32 @p2 $0x1  }
0x17: {  	s4 =	simm.s32 $0x1BF5;
	[smem:$0x3FBA] =	sst s0  }
0x18: {  	s0 =	sld [smem:$0x3F9D];
	_ =	swait.ge [sflag:s4], $0x0  }
0x19: {  	s7 =	sld [smem:$0x3F9E]  }
0x1a: {  	s8 =	sadd.s32 $0xFFFFE003, lr  }
0x1b: {  	s9 =	sadd.s32 $0xFFFFFEF7, lr;
	s5 =	simm.s32 $0xFFFFFFFF;
	p2 =	slt.u32 s8, $0xFFFFF086  }
0x1c: {  	p1 =	slt.u32 s9, $0xF7A;
	s5 =	simm.s32 @!p2 $0x0  }
0x1d: {  	s5 =	simm.s32 @p1 $0x1;
	p0 =	seq.s32 s7, s2  }
0x1e: {  	s7 =	smul.u32 @!p0 $0xF7A, s2;
	p2 =	seq.s32 @!p0 s5, $0x0  }
0x1f: {  	s9 =	smul.u32 $0xF7A, s1;
	s8 =	simm.s32 @!p0 $0x1BF5;
	p2 =	por !p2, p0  }
0x20: {  	[sflag:s8] =	ssyncset.s32 @!p0 $0xFFFFF086;
	s6 =	sadd.s32 @!p0 s3, s7;
	s7 =	simm.s32 @!p0 $0x108  }
0x21: {  	s3 =	sadd.s32 s3, s9;
	s6 =	sadd.s32 @!p0 $0x88, s6;
	s7 =	simm.s32 @p2 $0x1082  }
0x22: {  	[simem:s7], [sflag:s8] =	dma.local @!p0 [hbm:s6], $0xF7A  }
0x23: {  	s9 =	sor.u32 $0xD0000000, s2;
	s6 =	simm.s32 $0x108;
	_ =	swait.ge @!p0 [sflag:s8], $0x0  }
0x24: {  	s3 =	sadd.s32 $0x88, s3;
	s6 =	simm.s32 @!p1 $0x1082;
	[sflag:s4] =	ssyncset.s32 $0xFFFFF086  }
0x25: {  	[simem:s6], [sflag:s4] =	dma.local [hbm:s3], $0xF7A  }
0x26: {  	[smem:$0x3F9E] =	sst s1;
	(tag) =	ssettag s2;
	_ =	strace s9  }
0x27: {  	s1 =	sld [smem:$0x3FAE]  }
0x28: {  	s2 =	sld [smem:$0x3FAF]  }
0x29: {  	s4 =	sld [smem:$0x3FB1]  }
0x2a: {  	p0 =	seq.s32 s5, $0x0;
	s5 =	sld [smem:$0x3FB2]  }
0x2b: {  	s6 =	sld [smem:$0x3FB3]  }
0x2c: {  	s7 =	sld [smem:$0x3FB4]  }
0x2d: {  	s3 =	simm.s32 $0x108;
	s8 =	sld [smem:$0x3FB5]  }
0x2e: {  	s3 =	simm.s32 @!p0 $0x1082;
	s9 =	sld [smem:$0x3FB6]  }
0x2f: {  	lr =	sadd.s32 s0, s3;
	s0 =	sld [smem:$0x3FAD]  }
0x30: {  	s3 =	sld [smem:$0x3FB0]  }
0x31: {  	[smem:$0x3FB9] =	sst s10  }
0x32: {  	s10 =	sld [smem:$0x3FB7];
	_ =	sdelay $0x3  }
0x33: {  	p0 =	seq.s32 s10, $0x1;
	s10 =	sld [smem:$0x3FB9];
	_ =	sdelay $0x3  }
0x34: {  	[smem:$0x3FB9] =	sst s10  }
0x35: {  	s10 =	sld [smem:$0x3FB8];
	_ =	sdelay $0x3  }
0x36: {  	p1 =	seq.s32 s10, $0x1;
	s10 =	sld [smem:$0x3FB9];
	_ =	sdelay $0x3  }
0x37: {  	[smem:$0x3FB9] =	sst s10  }
0x38: {  	s10 =	sld [smem:$0x3FBA]  }
0x39: {  	_ = 	snop;
	(pc) =	sbr.ind lr, $3  }
0x3a: {  	_ = 	snop  }
0x3b: {  	_ = 	snop  }
0x3c: {  	p2 =	seq.s32 s10, $0x1;
	s10 =	sld [smem:$0x3FB9]  }
0x3d: {  	_ =	shalt  }
0x3e: {  	_ =	shalt  }
0x3f: {  	_ =	shalt  }
0x40: {  	_ =	shalt  }
0x41: {  	_ =	shalt  }
0x42: {  	_ =	shalt  }
0x43: {  	_ =	shalt  }
0x44: {  	_ =	shalt  }
0x45: {  	_ =	shalt  }
0x46: {  	_ =	shalt  }
0x47: {  	_ =	shalt  }
0x48: {  	_ =	shalt  }
0x49: {  	_ =	shalt  }
0x4a: {  	_ =	shalt  }
0x4b: {  	_ =	shalt  }
0x4c: {  	_ =	shalt  }
0x4d: {  	_ =	shalt  }
0x4e: {  	_ =	shalt  }
0x4f: {  	_ =	shalt  }
0x50: {  	_ =	shalt  }
0x51: {  	_ =	shalt  }
0x52: {  	_ =	shalt  }
0x53: {  	_ =	shalt  }
0x54: {  	_ =	shalt  }
0x55: {  	_ =	shalt  }
0x56: {  	_ =	shalt  }
0x57: {  	_ =	shalt  }
0x58: {  	_ =	shalt  }
0x59: {  	_ =	shalt  }
0x5a: {  	_ =	shalt  }
0x5b: {  	_ =	shalt  }
0x5c: {  	_ =	shalt  }
0x5d: {  	_ =	shalt  }
0x5e: {  	_ =	shalt  }
0x5f: {  	_ =	shalt  }
0x60: {  	_ =	shalt  }
0x61: {  	_ =	shalt  }
0x62: {  	_ =	shalt  }
0x63: {  	_ =	shalt  }
0x64: {  	_ =	shalt  }
0x65: {  	_ =	shalt  }
0x66: {  	_ =	shalt  }
0x67: {  	_ =	shalt  }
0x68: {  	_ =	shalt  }
0x69: {  	_ =	shalt  }
0x6a: {  	_ =	shalt  }
0x6b: {  	_ =	shalt  }
0x6c: {  	_ =	shalt  }
0x6d: {  	_ =	shalt  }
0x6e: {  	_ =	shalt  }
0x6f: {  	_ =	shalt  }
0x70: {  	_ =	shalt  }
0x71: {  	_ =	shalt  }
0x72: {  	_ =	shalt  }
0x73: {  	_ =	shalt  }
0x74: {  	_ =	shalt  }
0x75: {  	_ =	shalt  }
0x76: {  	_ =	shalt  }
0x77: {  	_ =	shalt  }
0x78: {  	_ =	shalt  }
0x79: {  	_ =	shalt  }
0x7a: {  	_ =	shalt  }
0x7b: {  	_ =	shalt  }
0x7c: {  	_ =	shalt  }
0x7d: {  	_ =	shalt  }
0x7e: {  	_ =	shalt  }
0x7f: {  	_ =	shalt  }
0x80: {  	_ =	shalt  }
0x81: {  	_ =	shalt  }
0x82: {  	_ =	shalt  }
0x83: {  	_ =	shalt  }
0x84: {  	_ =	shalt  }
0x85: {  	_ =	shalt  }
0x86: {  	_ =	shalt  }
0x87: {  	_ =	shalt  }
.Lfunc_end0:
.L_simem_size_0:
called_computation.1_lowered:
.L_overlay_start_0:
0x88: {  	s2 =	sld [smem:$0x3FD9]  }
0x89: {  	s3 =	sld [smem:$0x3FFE];
	_ =	sdelay $0x1  }
0x8a: {  	s1 =	srdreg.scid  }
0x8b: {  	s0 =	sand.u32 $0x1, s1  }
0x8c: {  	s17 =	sshll.u32 s0, $0xA;
	s2 =	sadd.s32 s3, s2  }
0x8d: {  	s2 =	sadd.s32 s2, s17  }
0x8e: {  	[smem:$0x3FC5] =	sst s2  }
0x8f: {  	_ = 	snop  }
0x90: {  	s2 =	sld [smem:$0x3FC8]  }
0x91: {  	s18 =	sld [smem:$0x3FD0];
	(tm) =	ssettm $0x1  }
0x92: {  	s4 =	sld [smem:$0x3FFB];
	_ =	sdelay $0x3  }
0x93: {  	_ =	strace s4  }
0x94: {  	s4 =	sld [smem:$0x3FFC];
	_ =	sdelay $0x3  }
0x95: {  	_ =	strace s4  }
0x96: {  	s4 =	sld [smem:$0x3FFD];
	_ =	sdelay $0x3  }
0x97: {  	_ =	strace s4  }
0x98: {  	_ =	strace $0x8FFFFFFF  }
0x99: {  	s19 =	sld [smem:$0x3FDB];
	_ =	sdelay $0x1  }
0x9a: {  	s5 =	simm.s32 $_scs_section_size  }
0x9b: {  	s6 =	simm.s32 $_size__tile_overlayer_lowered;
	s7 =	simm.s32 $_tile_overlayer_lowered  }
0x9c: {  	s22 =	simm.s32 $0x1BFF;
	s21 =	sshll.u32 s7, $0x1;
	s4 =	sadd.s32 s5, s19  }
0x9d: {  	s8 =	simm.s32 $0x0;
	s20 =	sshll.u32 s6, $0x1;
	s6 =	sadd.s32 s21, s4  }
0x9e: {  	[timem:s8], [sflag:s22] =	dma.local [hbm:s6], s20  }
0x9f: {  	_ =	swait.ge [sflag:s22], s20  }
0xa0: {  	s5 =	ssub.s32 $0x0, s20;
	[sflag:s22] =	ssyncset.done $0x0  }
0xa1: {  	[sflag:s22] =	ssyncadd.s32 s5;
	_ =	sdelay $0x1  }
0xa2: {  	s23 =	simm.s32 $0x1B8B  }
0xa3: {  	_ =	swait.ge [sflag:s23], $0x1  }
0xa4: {  	[sflag:s23] =	ssyncset.done $0x0  }
0xa5: {  	s25 =	simm.s32 $0x1B8E;
	s24 =	sld [smem:$0x3FFE];
	[sflag:s23] =	ssyncadd.s32 $0xFFFFFFFF  }
0xa6: {  	s26 =	simm.s32 $execute0_lowered;
	[smem:$0x3FD2] =	sst s25  }
0xa7: {  	s6 =	sshll.u32 s26, $0x1;
	_ =	strace $0x80000046;
	[dreg:$0x1] =	wrdreg $0xFFFFFFFF  }
0xa8: {  	s28 =	simm.s32 $_size_execute0_lowered;
	s4 =	sadd.s32 s4, s6;
	[dreg:$0x0] =	wrdreg $0x0  }
0xa9: {  	s6 =	sshll.u32 s28, $0x1;
	[dreg:$0x2] =	wrdreg s4  }
0xaa: {  	[dreg:$0x3] =	wrdreg s6  }
0xab: {  	[dreg:$0x4] =	wrdreg $0xC0  }
0xac: {  	_ =	task [dreg:s8], $0x5FFFF  }
0xad: {  	[dreg:$0x1] =	wrdreg $0xFFFFFFFF  }
0xae: {  	[dreg:$0x0] =	wrdreg $0x60  }
0xaf: {  	[dreg:$0x2] =	wrdreg s18  }
0xb0: {  	[dreg:$0x3] =	wrdreg s2  }
0xb1: {  	[dreg:$0x4] =	wrdreg s24  }
0xb2: {  	[dreg:$0x5] =	wrdreg $0x9  }
0xb3: {  	_ =	task.clear_ibuf [dreg:s8], $0x6FFFF;
	_ =	strace $0x90000046  }
0xb4: {  	s29 =	simm.s32 $0x9;
	_ =	strace $0x80000048  }
0xb5: {  	_ =	swait.ge [sflag:s29], $0x1  }
0xb6: {  	[sflag:s29] =	ssyncadd.s32 $0xFFFFFFFF  }
0xb7: {  	_ =	strace $0x90000048  }
0xb8: {  	_ =	sfence  }
0xb9: {  	s30 =	sld [smem:$0x0];
	_ =	sdelay $0x2  }
0xba: {  	s31 =	sshll.u32 s1, $0xD;
	s1 =	sshrl.u32 s1, $0x2  }
0xbb: {  	s3 =	sand.u32 $0x4000, s31;
	s1 =	sadd.s32 s1, s30  }
0xbc: {  	s0 =	sor.u32 s3, s0;
	s1 =	sshll.u32 s1, $0x11  }
0xbd: {  	s0 =	sor.u32 s1, s0  }
0xbe: {  	s0 =	sadd.s32 $0x8F2B, s0  }
0xbf: {  	[sflag:s0] =	ssyncadd.remote.s32 $0x1  }
0xc0: {  	_ =	sfence.sel $0xFFFF  }
0xc1: {  	[dreg:$0x0] =	wrdreg $0xFFFFFFFF;
	(pc) =	sbr.abs _section_cstart, $3  }
0xc2: {  	[dreg:$0x1] =	wrdreg $0xFFFFFFFF  }
0xc3: {  	_ =	task.clear_ibuf [dreg:s8], $0x2FFFF;
	_ =	strace $0x9FFFFFFF  }
0xc4: {  	(tm) =	ssettm $0x7FFFFFFF  }
0xc5: {  	_ =	shalt  }
tec
execute0_lowered:
.L_overlay_start_1:
0x0: {  	(tag) =	ssettag $0x1  }
0x1: {  	s0 =	rddreg [dreg:$0x0]  }
0x2: {  	s1 =	rddreg [dreg:$0x2]  }
0x3: {  	s3 =	simm.s32 $0x0;
	s2 =	srdreg.scid;
	s4 =	stileid.u32  }
0x4: {  	s10 =	simm.s32 $0x4000;
	s11 =	simm.s32 $0x4800;
	s12 =	simm.s32 $0xC800  }
0x5: {  	s13 =	simm.s32 $0x1;
	s14 =	simm.s32 $0x8800;
	s15 =	simm.s32 $0x2  }
0x6: {  	s16 =	simm.s32 $0x3;
	s17 =	simm.s32 $0x4;
	[smem:$0x7FF] =	sst s3  }
0x7: {  	s2 =	sand.u32 $0x1, s2;
	s5 =	sshll.u32 s4, $0x8;
	s4 =	sadd.s32 $0x800, s1  }
0x8: {  	s1 =	sadd.s32 $0x27ACC00, s1;
	s6 =	ssub.s32 $0x2, s2;
	s2 =	sshll.u32 s2, $0x7  }
.Ltmp0:
0x9: {  	_ =	strace $0x80000047;
	s2 =	sor.u32 s2, s5;
	(pc) =	sbr.rel .LBB2_1-.Ltmp0, $4  }
0xa: {  	v0 =	vlaneseq.u32;
	s7 =	sshrl.u32 s6, $0x1;
	[dreg:$0x4] =	wrdreg s2;
	s2 =	sshll.u32 s2, $0x4  }
0xb: {  	v1 =	vmul.u32 $0x186A0, v0;
	v2 =	vadd.s32 $0xD, v0;
	[dreg:$0x5] =	wrdreg s1;
	s30 =	ssub.s32 s6, s7;
	s0 =	sadd.s32 s0, s2  }
0xc: {  	s18 =	simm.s32 $0x16400;
	v3 =	vadd.s32 $0x17, v0;
	v5 =	vadd.s32 $0xA, v0;
	v6 =	vor.u32 $0x10, v0;
	s31 =	smax.u32 s30, $0x1;
	[dreg:$0x6] =	wrdreg s0  }
0xd: {  	s22 =	simm.s32 $0x0;
	v7 =	vor.u32 $0x20, v0;
	v8 =	vor.u32 $0x30, v0;
	v4 =	vadd.s32 $0xF4240, v1;
	s2 =	simm.s32 $0x0;
	[dreg:$0x7] =	wrdreg s31  }
.LBB2_79:
0xe: {  	s0 =	simm.s32 $0x5  }
0xf: {  	_ =	swait.ge [sflag:s0], $0x9C00  }
0x10: {  	[sflag:s0] =	ssyncset.done $0x0  }
0x11: {  	s1 =	simm.s32 $0x6;
	[sflag:s0] =	ssyncadd.s32 $0xFFFF6400  }
0x12: {  	_ =	swait.ge [sflag:s1], $0x9C00  }
0x13: {  	s2 =	rddreg [dreg:$0x8]  }
0x14: {  	s31 =	rddreg [dreg:$0x7];
	s2 =	sadd.s32 $0x1, s2  }
0x15: {  	p0 =	sne.s32 s2, s31  }
.Ltmp1:
0x16: {  	_ = 	snop;
	(pc) =	sbr.rel @!p0 .LBB2_80-.Ltmp1, $3  }
0x17: {  	_ =	sdelay $0x1  }
0x18: {  	[sflag:s1] =	ssyncset.done $0x0  }
0x19: {  	[sflag:s1] =	ssyncadd.s32 $0xFFFF6400  }
.LBB2_1:
0x1a: {  	[dreg:$0x8] =	wrdreg s2  }
0x1b: {  	s0 =	rddreg [dreg:$0x6];
	s30 =	simm.s32 $0x7  }
0x1c: {  	[tilespmem:s3], [sflag:$0x7] =	stream.linear.gather [hbm4b:s0+s3], $0x4000, $0x38;
	v63 =	vld [tilespmem:$0x0]  }
0x1d: {  	_ =	swait.ge [sflag:s30], $0x4000  }
0x1e: {  	[sflag:s30] =	ssyncset.done $0x0  }
0x1f: {  	s1 =	simm.s32 $0x0;
	[sflag:s30] =	ssyncadd.s32 $0xFFFFC000  }
0x20: {  	v9 =	vor.u32 s1, v2;
	s31 =	rddreg [dreg:$0x1]  }
0x21: {  	[tilespmem:s10], [sflag:$0x7] =	stream.linear.gather [hbm4b:s31+s3], $0x680, $0x38;
	v63 =	vld [tilespmem:$0x0]  }
0x22: {  	_ =	swait.ge [sflag:s30], $0x680  }
0x23: {  	[sflag:s30] =	ssyncset.done $0x0  }
0x24: {  	[sflag:s30] =	ssyncadd.s32 $0xFFFFF980  }
0x25: {  	v9 =	vld.idx.msk [tilespmem:v9+s3+$0x0], $0xffff;
	_ =	sdelay $0x3  }
0x26: {  	v10 =	vor.u32 s1, v0  }
0x27: {  	v11 =	vor.u32 s1, v3;
	v9 =	vtrunc.f32 v9  }
0x28: {  	v9 =	vcvt.f32.s32 v9;
	_ =	sdelay $0x1  }
0x29: {  	v9 =	vadd.s32 v1, v9  }
0x2a: {  	[tilespmem:v10+s11+$0x0] =	vst.idx.msk $0xffff, v9  }
0x2b: {  	v9 =	vld.idx.msk [tilespmem:v11+s3+$0x0], $0xffff;
	_ =	sdelay $0x4  }
0x2c: {  	s0 =	simm.s32 $0x80;
	v10 =	vor.u32 s1, v5;
	v9 =	vtrunc.f32 v9  }
0x2d: {  	v11 =	vcvt.f32.s32 v9;
	v9 =	vor.u32 s0, v2;
	_ =	sdelay $0x2  }
0x2e: {  	s2 =	simm.s32 $0x2;
	s1 =	simm.s32 $0x0;
	v11 =	vadd.s32 v4, v11  }
.LBB2_2:
0x2f: {  	p0 =	sne.s32 s2, $0x7F;
	[tilespmem:v10+s11+$0x0] =	vst.idx.msk $0xffff, v11;
	s6 =	smov.u32 s2;
	s2 =	sadd.s32 $0x1, s2  }
0x30: {  	v9 =	vld.idx.msk [tilespmem:v9+s1+$0x0], $0xffff;
	_ =	sdelay $0x4  }
0x31: {  	v10 =	vor.u32 s0, v0  }
0x32: {  	v11 =	vor.u32 s0, v3;
	v9 =	vtrunc.f32 v9  }
0x33: {  	v9 =	vcvt.f32.s32 v9;
	_ =	sdelay $0x1  }
0x34: {  	v9 =	vadd.s32 v1, v9  }
0x35: {  	[tilespmem:v10+s11+$0x0] =	vst.idx.msk $0xffff, v9  }
0x36: {  	v11 =	vld.idx.msk [tilespmem:v11+s1+$0x0], $0xffff;
	s1 =	smov.u32 s22;
	_ =	sdelay $0x4  }
.Ltmp2:
0x37: {  	v10 =	vor.u32 s0, v5;
	s0 =	sshll.u32 s6, $0x7;
	(pc) =	sbr.rel @p0 .LBB2_2-.Ltmp2, $3  }
0x38: {  	v9 =	vor.u32 s0, v2;
	v11 =	vtrunc.f32 v11  }
0x39: {  	v11 =	vcvt.f32.s32 v11;
	_ =	sdelay $0x1  }
0x3a: {  	v11 =	vadd.s32 v4, v11  }
0x3b: {  	_ =	sdelay $0x3  }
0x3c: {  	[tilespmem:v10+s11+$0x0] =	vst.idx.msk $0xffff, v11  }
0x3d: {  	v9 =	vld.idx.msk [tilespmem:v9+s1+$0x0], $0xffff;
	_ =	sdelay $0x3  }
0x3e: {  	v10 =	vor.u32 s0, v0  }
0x3f: {  	v11 =	vor.u32 s0, v3;
	v9 =	vtrunc.f32 v9  }
0x40: {  	v9 =	vcvt.f32.s32 v9;
	_ =	sdelay $0x1  }
0x41: {  	v9 =	vadd.s32 v1, v9  }
0x42: {  	[tilespmem:v10+s11+$0x0] =	vst.idx.msk $0xffff, v9  }
0x43: {  	v9 =	vld.idx.msk [tilespmem:v11+s1+$0x0], $0xffff;
	_ =	sdelay $0x3  }
0x44: {  	v10 =	vor.u32 s0, v5  }
.Ltmp3:
0x45: {  	v9 =	vtrunc.f32 v9;
	(pc) =	sbr.rel .LBB2_4-.Ltmp3, $3  }
0x46: {  	v9 =	vcvt.f32.s32 v9;
	_ =	sdelay $0x1  }
0x47: {  	v9 =	vadd.s32 v4, v9  }
0x48: {  	s1 =	simm.s32 $0x0;
	[tilespmem:v10+s11+$0x0] =	vst.idx.msk $0xffff, v9  }
.LBB2_78:
0x49: {  	s0 =	rddreg [dreg:$0x4]  }
0x4a: {  	s0 =	sadd.s32 s0, s24  }
0x4b: {  	s1 =	rddreg [dreg:$0x5];
	s0 =	smul.u32 $0x270, s0  }
0x4c: {  	s31 =	rddreg [dreg:$0x9]  }
0x4d: {  	s0 =	sadd.s32 s1, s0;
	s1 =	sadd.s32 $0x1, s31  }
0x4e: {  	p0 =	sne.s32 s1, $0x8  }
.Ltmp4:
0x4f: {  	_ = 	snop;
	(pc) =	sbr.rel @!p0 .LBB2_79-.Ltmp4, $2  }
0x50: {  	_ =	sdelay $0x2  }
0x51: {  	[hbm4b:s0+s3] =	stream.linear.scatter [tilespmem:s18], [sflag:$0x6], $0x9C00, $0x38;
	v63 =	vld [tilespmem:$0x0]  }
.LBB2_4:
0x52: {  	p0 =	seq.s32 s1, $0x0  }
0x53: {  	s0 =	simm.s32 @!p0 $0x5  }
0x54: {  	s28 =	smul.u32 $0x4F, s22;
	_ =	swait.ge @!p0 [sflag:s0], $0x9C00  }
0x55: {  	[sflag:s0] =	ssyncset.done @!p0 $0x0  }
0x56: {  	[sflag:s0] =	ssyncadd.s32 @!p0 $0xFFFF6400;
	s0 =	sshrl.u32 s28, $0xA  }
0x57: {  	s0 =	sand.u32 $0x3F, s0  }
0x58: {  	s29 =	smul.u32 $0xD, s0;
	_ =	sdelay $0x1  }
0x59: {  	s24 =	sshll.u32 s1, $0x4;
	[dreg:$0x9] =	wrdreg s1;
	s1 =	ssub.s32 $0x0, s29  }
0x5a: {  	s1 =	sand.u32 $0xFF, s1  }
0x5b: {  	s2 =	sor.u32 s0, s24;
	v9 =	vmov s1  }
0x5c: {  	s2 =	sshll.u32 s2, $0x7;
	v9 =	vshll.u32 v9, $0x7  }
0x5d: {  	s2 =	sor.u32 s1, s2;
	v9 =	vbroadcast v9, $0x0  }
0x5e: {  	v10 =	vmov s2  }
0x5f: {  	v11 =	vor.u32 v0, v9;
	_ =	sdelay $0x2  }
0x60: {  	s0 =	smul.u32 $0x27, s0  }
0x61: {  	v13 =	vld.idx.msk [tilespmem:v10+s3+$0x0], $0xffff  }
0x62: {  	s0 =	sadd.s32 s1, s0;
	v10 =	vld.idx.msk [tilespmem:v11+s10+$0x0], $0xffff  }
0x63: {  	s0 =	sshll.u32 s0, $0x7  }
0x64: {  	v11 =	vor.u32 s0, v0  }
0x65: {  	v12 =	vor.u32 v6, v9;
	_ =	sdelay $0x1  }
0x66: {  	v10 =	vmul.f32 v10, v13;
	_ =	sdelay $0x1  }
0x67: {  	[tilespmem:v11+s12+$0x0] =	vst.idx.msk $0xffff, v10  }
0x68: {  	v10 =	vld.idx.msk [tilespmem:v12+s10+$0x0], $0xffff;
	_ =	sdelay $0x1  }
0x69: {  	v11 =	vor.u32 s0, v6  }
0x6a: {  	v12 =	vor.u32 v7, v9;
	_ =	sdelay $0x1  }
0x6b: {  	v10 =	vmul.f32 v10, v13;
	_ =	sdelay $0x1  }
0x6c: {  	s30 =	simm.s32 $0x1;
	[tilespmem:v11+s12+$0x0] =	vst.idx.msk $0xffff, v10  }
0x6d: {  	s1 =	smul.u32 $0x4F, s30;
	v10 =	vld.idx.msk [tilespmem:v12+s10+$0x0], $0xffff;
	_ =	sdelay $0x1  }
0x6e: {  	s1 =	sshrl.u32 s1, $0xA;
	v11 =	vor.u32 s0, v7  }
0x6f: {  	s1 =	sand.u32 $0x3F, s1;
	v9 =	vor.u32 v8, v9  }
0x70: {  	s31 =	smul.u32 $0xD, s1  }
0x71: {  	v10 =	vmul.f32 v10, v13  }
0x72: {  	s2 =	ssub.s32 $0x1, s31  }
0x73: {  	s2 =	sand.u32 $0xFF, s2;
	[tilespmem:v11+s12+$0x0] =	vst.idx.msk $0xffff, v10  }
0x74: {  	s6 =	sor.u32 s1, s24;
	v14 =	vld.idx.msk [tilespmem:v9+s10+$0x0], $0xffff;
	v9 =	vmov s2  }
0x75: {  	s6 =	sshll.u32 s6, $0x7;
	v9 =	vshll.u32 v9, $0x7  }
0x76: {  	s1 =	smul.u32 $0x27, s1;
	s6 =	sor.u32 s2, s6;
	v10 =	vor.u32 s0, v8;
	v9 =	vbroadcast v9, $0x0  }
0x77: {  	v11 =	vmov s6  }
0x78: {  	s2 =	sadd.s32 s2, s1;
	v12 =	vor.u32 v0, v9  }
0x79: {  	s1 =	simm.s32 $0x2;
	s0 =	sshll.u32 s2, $0x7;
	v13 =	vmul.f32 v14, v13  }
.LBB2_5:
0x7a: {  	_ = 	snop  }
0x7b: {  	p1 =	seq.s32 s1, $0x67;
	s2 =	smov.u32 s1;
	s1 =	sadd.s32 $0x1, s1;
	[tilespmem:v10+s12+$0x0] =	vst.idx.msk $0xffff, v13  }
0x7c: {  	v13 =	vld.idx.msk [tilespmem:v11+s3+$0x0], $0xffff  }
0x7d: {  	v10 =	vld.idx.msk [tilespmem:v12+s10+$0x0], $0xffff;
	_ =	sdelay $0x2  }
0x7e: {  	v11 =	vor.u32 s0, v0  }
0x7f: {  	v12 =	vor.u32 v6, v9;
	_ =	sdelay $0x1  }
0x80: {  	v10 =	vmul.f32 v10, v13;
	_ =	sdelay $0x1  }
0x81: {  	[tilespmem:v11+s12+$0x0] =	vst.idx.msk $0xffff, v10  }
0x82: {  	v10 =	vld.idx.msk [tilespmem:v12+s10+$0x0], $0xffff;
	_ =	sdelay $0x2  }
0x83: {  	v11 =	vor.u32 s0, v6  }
0x84: {  	v12 =	vor.u32 v7, v9;
	_ =	sdelay $0x1  }
0x85: {  	v10 =	vmul.f32 v10, v13;
	_ =	sdelay $0x1  }
0x86: {  	[tilespmem:v11+s12+$0x0] =	vst.idx.msk $0xffff, v10  }
0x87: {  	v10 =	vld.idx.msk [tilespmem:v12+s10+$0x0], $0xffff;
	_ =	sdelay $0x1  }
0x88: {  	s6 =	smul.u32 $0x4F, s2  }
0x89: {  	v11 =	vor.u32 s0, v7  }
0x8a: {  	s6 =	sshrl.u32 s6, $0xA;
	v9 =	vor.u32 v8, v9  }
0x8b: {  	s6 =	sand.u32 $0x3F, s6  }
0x8c: {  	s7 =	smul.u32 $0xD, s6;
	s8 =	sor.u32 s6, s24;
	v10 =	vmul.f32 v10, v13;
	_ =	sdelay $0x1  }
0x8d: {  	s6 =	smul.u32 $0x27, s6;
	s2 =	ssub.s32 s2, s7;
	[tilespmem:v11+s12+$0x0] =	vst.idx.msk $0xffff, v10  }
0x8e: {  	s7 =	sshll.u32 s8, $0x7;
	s2 =	sand.u32 $0xFF, s2;
	v14 =	vld.idx.msk [tilespmem:v9+s10+$0x0], $0xffff  }
0x8f: {  	s7 =	sor.u32 s2, s7;
	v9 =	vmov s2;
	s2 =	sadd.s32 s2, s6  }
.Ltmp5:
0x90: {  	v9 =	vshll.u32 v9, $0x7;
	s2 =	sshll.u32 s2, $0x7;
	(pc) =	sbr.rel @!p1 .LBB2_5-.Ltmp5, $4  }
0x91: {  	v10 =	vor.u32 s0, v8;
	v9 =	vbroadcast v9, $0x0;
	s0 =	smov.u32 s2  }
0x92: {  	v11 =	vmov s7  }
0x93: {  	v12 =	vor.u32 v0, v9  }
0x94: {  	v13 =	vmul.f32 v14, v13  }
0x95: {  	_ =	sdelay $0x3  }
0x96: {  	[tilespmem:v10+s12+$0x0] =	vst.idx.msk $0xffff, v13  }
0x97: {  	v10 =	vld.idx.msk [tilespmem:v11+s3+$0x0], $0xffff  }
0x98: {  	v11 =	vld.idx.msk [tilespmem:v12+s10+$0x0], $0xffff;
	_ =	sdelay $0x1  }
0x99: {  	v58 =	vor.u32 s0, v0  }
0x9a: {  	v59 =	vor.u32 v6, v9;
	_ =	sdelay $0x1  }
0x9b: {  	v11 =	vmul.f32 v11, v10;
	_ =	sdelay $0x1  }
0x9c: {  	[tilespmem:v58+s12+$0x0] =	vst.idx.msk $0xffff, v11  }
0x9d: {  	v11 =	vld.idx.msk [tilespmem:v59+s10+$0x0], $0xffff;
	_ =	sdelay $0x1  }
0x9e: {  	v60 =	vor.u32 s0, v6  }
0x9f: {  	v61 =	vor.u32 v7, v9;
	_ =	sdelay $0x1  }
0xa0: {  	v11 =	vmul.f32 v11, v10;
	_ =	sdelay $0x1  }
0xa1: {  	[tilespmem:v60+s12+$0x0] =	vst.idx.msk $0xffff, v11  }
0xa2: {  	v11 =	vld.idx.msk [tilespmem:v61+s10+$0x0], $0xffff;
	_ =	sdelay $0x1  }
0xa3: {  	v62 =	vor.u32 s0, v7  }
0xa4: {  	v9 =	vor.u32 v8, v9;
	_ =	sdelay $0x1  }
0xa5: {  	v11 =	vmul.f32 v11, v10;
	_ =	sdelay $0x1  }
0xa6: {  	[tilespmem:v62+s12+$0x0] =	vst.idx.msk $0xffff, v11  }
0xa7: {  	v9 =	vld.idx.msk [tilespmem:v9+s10+$0x0], $0xffff;
	_ =	sdelay $0x1  }
0xa8: {  	v11 =	vor.u32 s0, v8;
	_ =	sdelay $0x2  }
0xa9: {  	s1 =	simm.s32 $0x0;
	v9 =	vmul.f32 v9, v10  }
0xaa: {  	s29 =	sshll.u32 s24, $0x7;
	v10 =	vmov s1  }
0xab: {  	v10 =	vand.u32 $0x7F, v10;
	[tilespmem:v11+s12+$0x0] =	vst.idx.msk $0xffff, v9;
	v9 =	vmov s29  }
0xac: {  	v10 =	vadd.s32 v9, v10  }
0xad: {  	v10 =	vbroadcast v10, $0x0;
	_ =	sdelay $0x5  }
0xae: {  	v10 =	vld.idx.msk [tilespmem:v10+s11+$0x0], $0xffff;
	_ =	sdelay $0x4  }
0xaf: {  	v10 =	vxor.u32 $0x80000000, v10  }
0xb0: {  	(xrf0) =	vmax.scan.msk.u32 $0xffff, v10;
	_ =	sdelay $0x5  }
0xb1: {  	v10, _, _ =	vpop (xrf0)  }
0xb2: {  	(v2sf) =	vpush v10, $0xF;
	_ =	sdelay $0xe  }
0xb3: {  	s30 =	spop (v2sf)  }
0xb4: {  	s31 =	simm.s32 $0x1;
	s2 =	sxor.u32 $0x80000000, s30  }
0xb5: {  	s6 =	sand.u32 $0x7, s30;
	p1 =	sgt.s32 s30, $0xFFFFFFFF;
	p2 =	slt.s32 s2, $0x1  }
0xb6: {  	v10 =	vmov s31;
	s2 =	sshra.s32 s2, $0x1F;
	p6 =	sne.s32 s6, $0x0;
	p1 =	por p1, p2  }
0xb7: {  	v10 =	vand.u32 $0x7F, v10;
	s2 =	sshrl.u32 s2, $0x1D;
	p1 =	por !p6, !p1  }
0xb8: {  	v10 =	vadd.s32 v9, v10;
	s1 =	sadd.s32 s2, s30;
	s2 =	simm.s32 $0x1;
	p1 =	por !p1, !p1  }
0xb9: {  	v10 =	vbroadcast v10, $0x0;
	s1 =	sshrl.u32 s1, $0x3;
	s2 =	simm.s32 @!p1 $0x0  }
0xba: {  	s1 =	ssub.s32 s1, s2  }
0xbb: {  	s1 =	sshll.u32 s1, $0x7  }
0xbc: {  	s0 =	simm.s32 $0x8800;
	s1 =	sand.u32 $0x1FFFFF80, s1  }
0xbd: {  	s2 =	simm.s32 $0x2;
	s6 =	sadd.s32 s4, s1;
	s1 =	simm.s32 $0x8C00  }
.LBB2_7:
0xbe: {  	[tilespmem:s0], [sflag:$0x1] =	stream.linear.gather [hbm4b:s6+s3], $0x400, $0x38;
	v63 =	vld [tilespmem:$0x0]  }
0xbf: {  	p1 =	sne.s32 s2, $0x3;
	s6 =	smov.u32 s2;
	s2 =	sadd.s32 $0x1, s2;
	v10 =	vld.idx.msk [tilespmem:v10+s11+$0x0], $0xffff  }
0xc0: {  	s0 =	smov.u32 s1;
	_ =	sdelay $0x4  }
0xc1: {  	v10 =	vxor.u32 $0x80000000, v10  }
0xc2: {  	(xrf0) =	vmax.scan.msk.u32 $0xffff, v10;
	_ =	sdelay $0x5  }
0xc3: {  	v10, _, _ =	vpop (xrf0)  }
0xc4: {  	(v2sf) =	vpush v10, $0xF;
	_ =	sdelay $0xe  }
0xc5: {  	s7 =	spop (v2sf)  }
0xc6: {  	s8 =	sxor.u32 $0x80000000, s7;
	s9 =	sand.u32 $0x7, s7  }
0xc7: {  	p2 =	sgt.s32 s7, $0xFFFFFFFF;
	s19 =	sshra.s32 s8, $0x1F;
	p3 =	slt.s32 s8, $0x1  }
0xc8: {  	v10 =	vmov s6;
	s6 =	sshrl.u32 s19, $0x1D;
	p2 =	por p2, p3;
	p3 =	sne.s32 s9, $0x0  }
0xc9: {  	v10 =	vand.u32 $0x7F, v10;
	s6 =	sadd.s32 s6, s7;
	p2 =	por !p3, !p2  }
0xca: {  	v10 =	vadd.s32 v9, v10;
	s7 =	simm.s32 $0x1;
	p2 =	por !p2, !p2  }
.Ltmp6:
0xcb: {  	v10 =	vbroadcast v10, $0x0;
	s6 =	sshrl.u32 s6, $0x3;
	s7 =	simm.s32 @!p2 $0x0;
	(pc) =	sbr.rel @p1 .LBB2_7-.Ltmp6, $4  }
0xcc: {  	s6 =	ssub.s32 s6, s7  }
0xcd: {  	s6 =	sshll.u32 s6, $0x7  }
0xce: {  	s6 =	sand.u32 $0x1FFFFF80, s6  }
0xcf: {  	s1 =	sadd.s32 $0x400, s1;
	s6 =	sadd.s32 s4, s6  }
0xd0: {  	_ =	sdelay $0x2  }
0xd1: {  	[tilespmem:s0], [sflag:$0x1] =	stream.linear.gather [hbm4b:s6+s3], $0x400, $0x38;
	v63 =	vld [tilespmem:$0x0]  }
0xd2: {  	v10 =	vld.idx.msk [tilespmem:v10+s11+$0x0], $0xffff;
	_ =	sdelay $0x4  }
0xd3: {  	v10 =	vxor.u32 $0x80000000, v10  }
0xd4: {  	(xrf0) =	vmax.scan.msk.u32 $0xffff, v10;
	_ =	sdelay $0x5  }
0xd5: {  	v10, _, _ =	vpop (xrf0)  }
0xd6: {  	(v2sf) =	vpush v10, $0xF;
	_ =	sdelay $0xe  }
0xd7: {  	s25 =	spop (v2sf)  }
0xd8: {  	s7 =	simm.s32 $0x4;
	s2 =	sxor.u32 $0x80000000, s25  }
0xd9: {  	s26 =	sand.u32 $0x7, s25;
	p1 =	sgt.s32 s25, $0xFFFFFFFF;
	p2 =	slt.s32 s2, $0x1  }
0xda: {  	v10 =	vmov s7;
	s2 =	sshra.s32 s2, $0x1F;
	p3 =	sne.s32 s26, $0x0;
	p1 =	por p1, p2  }
0xdb: {  	v10 =	vand.u32 $0x7F, v10;
	s2 =	sshrl.u32 s2, $0x1D;
	p1 =	por !p3, !p1  }
0xdc: {  	v10 =	vadd.s32 v9, v10;
	s0 =	sadd.s32 s2, s25;
	s2 =	simm.s32 $0x1;
	p1 =	por !p1, !p1  }
0xdd: {  	v10 =	vbroadcast v10, $0x0;
	s0 =	sshrl.u32 s0, $0x3;
	s2 =	simm.s32 @!p1 $0x0  }
0xde: {  	s0 =	ssub.s32 s0, s2  }
0xdf: {  	s0 =	sshll.u32 s0, $0x7  }
0xe0: {  	s0 =	sand.u32 $0x1FFFFF80, s0  }
0xe1: {  	s0 =	sadd.s32 s4, s0  }
0xe2: {  	[tilespmem:s1], [sflag:$0x1] =	stream.linear.gather [hbm4b:s0+s3], $0x400, $0x38;
	v63 =	vld [tilespmem:$0x0]  }
0xe3: {  	v10 =	vld.idx.msk [tilespmem:v10+s11+$0x0], $0xffff;
	_ =	sdelay $0x4  }
0xe4: {  	v10 =	vxor.u32 $0x80000000, v10  }
0xe5: {  	(xrf0) =	vmax.scan.msk.u32 $0xffff, v10;
	_ =	sdelay $0x5  }
0xe6: {  	v10, _, _ =	vpop (xrf0)  }
0xe7: {  	(v2sf) =	vpush v10, $0xF;
	_ =	sdelay $0xe  }
0xe8: {  	s28 =	spop (v2sf)  }
0xe9: {  	s31 =	simm.s32 $0x5;
	s29 =	sxor.u32 $0x80000000, s28  }
0xea: {  	s30 =	sand.u32 $0x7, s28;
	p4 =	sgt.s32 s28, $0xFFFFFFFF;
	p5 =	slt.s32 s29, $0x1  }
0xeb: {  	v10 =	vmov s31;
	s1 =	sshra.s32 s29, $0x1F;
	p6 =	sne.s32 s30, $0x0;
	p1 =	por p4, p5  }
0xec: {  	v10 =	vand.u32 $0x7F, v10;
	s1 =	sshrl.u32 s1, $0x1D;
	p1 =	por !p6, !p1  }
0xed: {  	v10 =	vadd.s32 v9, v10;
	s0 =	sadd.s32 s1, s28;
	s1 =	simm.s32 $0x1;
	p1 =	por !p1, !p1  }
0xee: {  	v10 =	vbroadcast v10, $0x0;
	s0 =	sshrl.u32 s0, $0x3;
	s1 =	simm.s32 @!p1 $0x0  }
0xef: {  	s0 =	ssub.s32 s0, s1  }
0xf0: {  	s0 =	sshll.u32 s0, $0x7  }
0xf1: {  	s2 =	simm.s32 $0x9800;
	s0 =	sand.u32 $0x1FFFFF80, s0  }
0xf2: {  	s1 =	simm.s32 $0x6;
	s6 =	sadd.s32 s4, s0;
	s0 =	simm.s32 $0x9C00  }
.LBB2_9:
0xf3: {  	[tilespmem:s2], [sflag:$0x2] =	stream.linear.gather [hbm4b:s6+s3], $0x400, $0x38;
	v63 =	vld [tilespmem:$0x0]  }
0xf4: {  	p1 =	sne.s32 s1, $0x7;
	s6 =	smov.u32 s1;
	s1 =	sadd.s32 $0x1, s1;
	v10 =	vld.idx.msk [tilespmem:v10+s11+$0x0], $0xffff  }
0xf5: {  	s2 =	smov.u32 s0;
	_ =	sdelay $0x4  }
0xf6: {  	v10 =	vxor.u32 $0x80000000, v10  }
0xf7: {  	(xrf0) =	vmax.scan.msk.u32 $0xffff, v10;
	_ =	sdelay $0x5  }
0xf8: {  	v10, _, _ =	vpop (xrf0)  }
0xf9: {  	(v2sf) =	vpush v10, $0xF;
	_ =	sdelay $0xe  }
0xfa: {  	s7 =	spop (v2sf)  }
0xfb: {  	s8 =	sxor.u32 $0x80000000, s7;
	s9 =	sand.u32 $0x7, s7  }
0xfc: {  	p2 =	sgt.s32 s7, $0xFFFFFFFF;
	s19 =	sshra.s32 s8, $0x1F;
	p3 =	slt.s32 s8, $0x1  }
0xfd: {  	v10 =	vmov s6;
	s6 =	sshrl.u32 s19, $0x1D;
	p2 =	por p2, p3;
	p3 =	sne.s32 s9, $0x0  }
0xfe: {  	v10 =	vand.u32 $0x7F, v10;
	s6 =	sadd.s32 s6, s7;
	p2 =	por !p3, !p2  }
0xff: {  	v10 =	vadd.s32 v9, v10;
	s7 =	simm.s32 $0x1;
	p2 =	por !p2, !p2  }
.Ltmp7:
0x100: {  	v10 =	vbroadcast v10, $0x0;
	s6 =	sshrl.u32 s6, $0x3;
	s7 =	simm.s32 @!p2 $0x0;
	(pc) =	sbr.rel @p1 .LBB2_9-.Ltmp7, $4  }
0x101: {  	s6 =	ssub.s32 s6, s7  }
0x102: {  	s6 =	sshll.u32 s6, $0x7  }
0x103: {  	s6 =	sand.u32 $0x1FFFFF80, s6  }
0x104: {  	s0 =	sadd.s32 $0x400, s0;
	s6 =	sadd.s32 s4, s6  }
0x105: {  	_ =	sdelay $0x2  }
0x106: {  	[tilespmem:s2], [sflag:$0x2] =	stream.linear.gather [hbm4b:s6+s3], $0x400, $0x38;
	v63 =	vld [tilespmem:$0x0]  }
0x107: {  	v10 =	vld.idx.msk [tilespmem:v10+s11+$0x0], $0xffff;
	_ =	sdelay $0x4  }
0x108: {  	v10 =	vxor.u32 $0x80000000, v10  }
0x109: {  	(xrf0) =	vmax.scan.msk.u32 $0xffff, v10;
	_ =	sdelay $0x5  }
0x10a: {  	v10, _, _ =	vpop (xrf0)  }
0x10b: {  	(v2sf) =	vpush v10, $0xF;
	_ =	sdelay $0xe  }
0x10c: {  	s1 =	spop (v2sf)  }
0x10d: {  	s7 =	simm.s32 $0x8;
	s25 =	sxor.u32 $0x80000000, s1  }
0x10e: {  	s26 =	sand.u32 $0x7, s1;
	p1 =	sgt.s32 s1, $0xFFFFFFFF;
	p2 =	slt.s32 s25, $0x1  }
0x10f: {  	v10 =	vmov s7;
	s2 =	sshra.s32 s25, $0x1F;
	p3 =	sne.s32 s26, $0x0;
	p1 =	por p1, p2  }
0x110: {  	v10 =	vand.u32 $0x7F, v10;
	s2 =	sshrl.u32 s2, $0x1D;
	p1 =	por !p3, !p1  }
0x111: {  	v10 =	vadd.s32 v9, v10;
	s1 =	sadd.s32 s2, s1;
	s2 =	simm.s32 $0x1;
	p1 =	por !p1, !p1  }
0x112: {  	v10 =	vbroadcast v10, $0x0;
	s1 =	sshrl.u32 s1, $0x3;
	s2 =	simm.s32 @!p1 $0x0  }
0x113: {  	s1 =	ssub.s32 s1, s2  }
0x114: {  	s1 =	sshll.u32 s1, $0x7  }
0x115: {  	s1 =	sand.u32 $0x1FFFFF80, s1  }
0x116: {  	s1 =	sadd.s32 s4, s1  }
0x117: {  	[tilespmem:s0], [sflag:$0x2] =	stream.linear.gather [hbm4b:s1+s3], $0x400, $0x38;
	v63 =	vld [tilespmem:$0x0]  }
0x118: {  	v10 =	vld.idx.msk [tilespmem:v10+s11+$0x0], $0xffff;
	_ =	sdelay $0x4  }
0x119: {  	v10 =	vxor.u32 $0x80000000, v10  }
0x11a: {  	(xrf0) =	vmax.scan.msk.u32 $0xffff, v10;
	_ =	sdelay $0x5  }
0x11b: {  	v10, _, _ =	vpop (xrf0)  }
0x11c: {  	(v2sf) =	vpush v10, $0xF;
	_ =	sdelay $0xe  }
0x11d: {  	s28 =	spop (v2sf)  }
0x11e: {  	s31 =	simm.s32 $0x9;
	s29 =	sxor.u32 $0x80000000, s28  }
0x11f: {  	s30 =	sand.u32 $0x7, s28;
	p4 =	sgt.s32 s28, $0xFFFFFFFF;
	p5 =	slt.s32 s29, $0x1  }
0x120: {  	v10 =	vmov s31;
	s1 =	sshra.s32 s29, $0x1F;
	p6 =	sne.s32 s30, $0x0;
	p1 =	por p4, p5  }
0x121: {  	v10 =	vand.u32 $0x7F, v10;
	s1 =	sshrl.u32 s1, $0x1D;
	p1 =	por !p6, !p1  }
0x122: {  	v10 =	vadd.s32 v9, v10;
	s0 =	sadd.s32 s1, s28;
	s1 =	simm.s32 $0x1;
	p1 =	por !p1, !p1  }
0x123: {  	v10 =	vbroadcast v10, $0x0;
	s0 =	sshrl.u32 s0, $0x3;
	s1 =	simm.s32 @!p1 $0x0  }
0x124: {  	s0 =	ssub.s32 s0, s1  }
0x125: {  	s0 =	sshll.u32 s0, $0x7  }
0x126: {  	s2 =	simm.s32 $0xA800;
	s0 =	sand.u32 $0x1FFFFF80, s0  }
0x127: {  	s1 =	simm.s32 $0xA;
	s6 =	sadd.s32 s4, s0;
	s0 =	simm.s32 $0xAC00  }
.LBB2_11:
0x128: {  	[tilespmem:s2], [sflag:$0x3] =	stream.linear.gather [hbm4b:s6+s3], $0x400, $0x38;
	v63 =	vld [tilespmem:$0x0]  }
0x129: {  	p1 =	sne.s32 s1, $0xB;
	s6 =	smov.u32 s1;
	s1 =	sadd.s32 $0x1, s1;
	v10 =	vld.idx.msk [tilespmem:v10+s11+$0x0], $0xffff  }
0x12a: {  	s2 =	smov.u32 s0;
	_ =	sdelay $0x4  }
0x12b: {  	v10 =	vxor.u32 $0x80000000, v10  }
0x12c: {  	(xrf0) =	vmax.scan.msk.u32 $0xffff, v10;
	_ =	sdelay $0x5  }
0x12d: {  	v10, _, _ =	vpop (xrf0)  }
0x12e: {  	(v2sf) =	vpush v10, $0xF;
	_ =	sdelay $0xe  }
0x12f: {  	s7 =	spop (v2sf)  }
0x130: {  	s8 =	sxor.u32 $0x80000000, s7;
	s9 =	sand.u32 $0x7, s7  }
0x131: {  	p2 =	sgt.s32 s7, $0xFFFFFFFF;
	s19 =	sshra.s32 s8, $0x1F;
	p3 =	slt.s32 s8, $0x1  }
0x132: {  	v10 =	vmov s6;
	s6 =	sshrl.u32 s19, $0x1D;
	p2 =	por p2, p3;
	p3 =	sne.s32 s9, $0x0  }
0x133: {  	v10 =	vand.u32 $0x7F, v10;
	s6 =	sadd.s32 s6, s7;
	p2 =	por !p3, !p2  }
0x134: {  	v10 =	vadd.s32 v9, v10;
	s7 =	simm.s32 $0x1;
	p2 =	por !p2, !p2  }
.Ltmp8:
0x135: {  	v10 =	vbroadcast v10, $0x0;
	s6 =	sshrl.u32 s6, $0x3;
	s7 =	simm.s32 @!p2 $0x0;
	(pc) =	sbr.rel @p1 .LBB2_11-.Ltmp8, $4  }
0x136: {  	s6 =	ssub.s32 s6, s7  }
0x137: {  	s6 =	sshll.u32 s6, $0x7  }
0x138: {  	s6 =	sand.u32 $0x1FFFFF80, s6  }
0x139: {  	s0 =	sadd.s32 $0x400, s0;
	s6 =	sadd.s32 s4, s6  }
0x13a: {  	_ =	sdelay $0x2  }
0x13b: {  	[tilespmem:s2], [sflag:$0x3] =	stream.linear.gather [hbm4b:s6+s3], $0x400, $0x38;
	v63 =	vld [tilespmem:$0x0]  }
0x13c: {  	v10 =	vld.idx.msk [tilespmem:v10+s11+$0x0], $0xffff;
	_ =	sdelay $0x4  }
0x13d: {  	v10 =	vxor.u32 $0x80000000, v10  }
0x13e: {  	(xrf0) =	vmax.scan.msk.u32 $0xffff, v10;
	_ =	sdelay $0x5  }
0x13f: {  	v10, _, _ =	vpop (xrf0)  }
0x140: {  	(v2sf) =	vpush v10, $0xF;
	_ =	sdelay $0xe  }
0x141: {  	s1 =	spop (v2sf)  }
0x142: {  	s25 =	simm.s32 $0xC;
	s23 =	sxor.u32 $0x80000000, s1  }
0x143: {  	s26 =	sand.u32 $0x7, s1;
	p1 =	sgt.s32 s1, $0xFFFFFFFF;
	p2 =	slt.s32 s23, $0x1  }
0x144: {  	v10 =	vmov s25;
	s2 =	sshra.s32 s23, $0x1F;
	p3 =	sne.s32 s26, $0x0;
	p1 =	por p1, p2  }
0x145: {  	v10 =	vand.u32 $0x7F, v10;
	s2 =	sshrl.u32 s2, $0x1D;
	p1 =	por !p3, !p1  }
0x146: {  	v10 =	vadd.s32 v9, v10;
	s1 =	sadd.s32 s2, s1;
	s2 =	simm.s32 $0x1;
	p1 =	por !p1, !p1  }
0x147: {  	v10 =	vbroadcast v10, $0x0;
	s1 =	sshrl.u32 s1, $0x3;
	s2 =	simm.s32 @!p1 $0x0  }
0x148: {  	s1 =	ssub.s32 s1, s2  }
0x149: {  	s1 =	sshll.u32 s1, $0x7  }
0x14a: {  	s1 =	sand.u32 $0x1FFFFF80, s1  }
0x14b: {  	s1 =	sadd.s32 s4, s1  }
0x14c: {  	[tilespmem:s0], [sflag:$0x3] =	stream.linear.gather [hbm4b:s1+s3], $0x400, $0x38;
	v63 =	vld [tilespmem:$0x0]  }
0x14d: {  	v10 =	vld.idx.msk [tilespmem:v10+s11+$0x0], $0xffff;
	_ =	sdelay $0x4  }
0x14e: {  	v10 =	vxor.u32 $0x80000000, v10  }
0x14f: {  	(xrf0) =	vmax.scan.msk.u32 $0xffff, v10;
	_ =	sdelay $0x5  }
0x150: {  	v10, _, _ =	vpop (xrf0)  }
0x151: {  	(v2sf) =	vpush v10, $0xF;
	_ =	sdelay $0xe  }
0x152: {  	s28 =	spop (v2sf)  }
0x153: {  	s31 =	simm.s32 $0xD;
	s29 =	sxor.u32 $0x80000000, s28  }
0x154: {  	s30 =	sand.u32 $0x7, s28;
	p4 =	sgt.s32 s28, $0xFFFFFFFF;
	p5 =	slt.s32 s29, $0x1  }
0x155: {  	v10 =	vmov s31;
	s1 =	sshra.s32 s29, $0x1F;
	p6 =	sne.s32 s30, $0x0;
	p1 =	por p4, p5  }
0x156: {  	v10 =	vand.u32 $0x7F, v10;
	s1 =	sshrl.u32 s1, $0x1D;
	p1 =	por !p6, !p1  }
0x157: {  	v10 =	vadd.s32 v9, v10;
	s0 =	sadd.s32 s1, s28;
	s1 =	simm.s32 $0x1;
	p1 =	por !p1, !p1  }
0x158: {  	v10 =	vbroadcast v10, $0x0;
	s0 =	sshrl.u32 s0, $0x3;
	s1 =	simm.s32 @!p1 $0x0  }
0x159: {  	s0 =	ssub.s32 s0, s1  }
0x15a: {  	s0 =	sshll.u32 s0, $0x7  }
0x15b: {  	s7 =	simm.s32 $0xB800;
	s2 =	simm.s32 $0x0;
	s0 =	sand.u32 $0x1FFFFF80, s0  }
0x15c: {  	s1 =	simm.s32 $0xE;
	s8 =	sadd.s32 s4, s0;
	s0 =	simm.s32 $0xBC00  }
.LBB2_13:
0x15d: {  	[tilespmem:s7], [sflag:$0x4] =	stream.linear.gather [hbm4b:s8+s2], $0x400, $0x38;
	v63 =	vld [tilespmem:$0x0]  }
0x15e: {  	p1 =	sne.s32 s1, $0xF;
	s6 =	smov.u32 s1;
	s1 =	sadd.s32 $0x1, s1;
	v10 =	vld.idx.msk [tilespmem:v10+s11+$0x0], $0xffff  }
0x15f: {  	s7 =	smov.u32 s0;
	_ =	sdelay $0x4  }
0x160: {  	v10 =	vxor.u32 $0x80000000, v10  }
0x161: {  	(xrf0) =	vmax.scan.msk.u32 $0xffff, v10;
	_ =	sdelay $0x5  }
0x162: {  	v10, _, _ =	vpop (xrf0)  }
0x163: {  	(v2sf) =	vpush v10, $0xF;
	_ =	sdelay $0xe  }
0x164: {  	s8 =	spop (v2sf)  }
0x165: {  	s9 =	sxor.u32 $0x80000000, s8;
	s19 =	sand.u32 $0x7, s8  }
0x166: {  	p2 =	sgt.s32 s8, $0xFFFFFFFF;
	s20 =	sshra.s32 s9, $0x1F;
	p3 =	slt.s32 s9, $0x1  }
0x167: {  	v10 =	vmov s6;
	s6 =	sshrl.u32 s20, $0x1D;
	p2 =	por p2, p3;
	p3 =	sne.s32 s19, $0x0  }
0x168: {  	v10 =	vand.u32 $0x7F, v10;
	s6 =	sadd.s32 s6, s8;
	p2 =	por !p3, !p2  }
0x169: {  	v10 =	vadd.s32 v9, v10;
	s8 =	simm.s32 $0x1;
	p2 =	por !p2, !p2  }
.Ltmp9:
0x16a: {  	v10 =	vbroadcast v10, $0x0;
	s6 =	sshrl.u32 s6, $0x3;
	s8 =	simm.s32 @!p2 $0x0;
	(pc) =	sbr.rel @p1 .LBB2_13-.Ltmp9, $4  }
0x16b: {  	s6 =	ssub.s32 s6, s8  }
0x16c: {  	s6 =	sshll.u32 s6, $0x7  }
0x16d: {  	s6 =	sand.u32 $0x1FFFFF80, s6  }
0x16e: {  	s0 =	sadd.s32 $0x400, s0;
	s8 =	sadd.s32 s4, s6  }
0x16f: {  	_ =	sdelay $0x2  }
0x170: {  	[tilespmem:s7], [sflag:$0x4] =	stream.linear.gather [hbm4b:s8+s2], $0x400, $0x38;
	v63 =	vld [tilespmem:$0x0]  }
0x171: {  	v9 =	vld.idx.msk [tilespmem:v10+s11+$0x0], $0xffff;
	_ =	sdelay $0x4  }
0x172: {  	v9 =	vxor.u32 $0x80000000, v9  }
0x173: {  	(xrf0) =	vmax.scan.msk.u32 $0xffff, v9;
	_ =	sdelay $0x5  }
0x174: {  	v9, _, _ =	vpop (xrf0)  }
0x175: {  	(v2sf) =	vpush v9, $0xF;
	_ =	sdelay $0xe  }
0x176: {  	s1 =	spop (v2sf)  }
0x177: {  	s23 =	sxor.u32 $0x80000000, s1  }
0x178: {  	s6 =	sand.u32 $0x7, s1;
	p1 =	sgt.s32 s1, $0xFFFFFFFF;
	p2 =	slt.s32 s23, $0x1  }
0x179: {  	s2 =	sshra.s32 s23, $0x1F;
	p6 =	sne.s32 s6, $0x0;
	p1 =	por p1, p2  }
0x17a: {  	s2 =	sshrl.u32 s2, $0x1D;
	p1 =	por !p6, !p1  }
0x17b: {  	s1 =	sadd.s32 s2, s1;
	s2 =	simm.s32 $0x1;
	p1 =	por !p1, !p1  }
0x17c: {  	s1 =	sshrl.u32 s1, $0x3;
	s2 =	simm.s32 @!p1 $0x0  }
0x17d: {  	s1 =	ssub.s32 s1, s2  }
0x17e: {  	s26 =	simm.s32 $0x0;
	s28 =	simm.s32 $0x10;
	s1 =	sshll.u32 s1, $0x7  }
0x17f: {  	s29 =	simm.s32 $0x4;
	s30 =	simm.s32 $0x14;
	s1 =	sand.u32 $0x1FFFFF80, s1  }
0x180: {  	s31 =	simm.s32 $0x8;
	s7 =	simm.s32 $0x0;
	s1 =	sadd.s32 s4, s1  }
0x181: {  	[tilespmem:s0], [sflag:$0x4] =	stream.linear.gather [hbm4b:s1+s26], $0x400, $0x38;
	v63 =	vld [tilespmem:$0x0]  }
0x182: {  	s2 =	simm.s32 $0x1C;
	s0 =	simm.s32 $0x18;
	s1 =	simm.s32 $0x0  }
.LBB2_15:
0x183: {  	_ =	swait.ge [sflag:s13], $0x400  }
0x184: {  	s6 =	smulhi.u32 $0x4EC4EC4F, s1;
	[sflag:s13] =	ssyncset.done $0x0  }
0x185: {  	[sflag:s13] =	ssyncadd.s32 $0xFFFFFC00  }
0x186: {  	s6 =	sshrl.u32 s6, $0x3;
	_ =	swait.ge [sflag:s13], $0x400  }
0x187: {  	s8 =	smul.u32 $0x1A, s6;
	[sflag:s13] =	ssyncset.done $0x0  }
0x188: {  	p2 =	por $0x1, $0x1;
	[sflag:s13] =	ssyncadd.s32 $0xFFFFFC00  }
0x189: {  	s9 =	smul.u32 $0x27, s6;
	s8 =	ssub.s32 s1, s8;
	_ =	swait.ge [sflag:s13], $0x400  }
.Ltmp10:
0x18a: {  	s6 =	sadd.s32 s24, s6;
	v9 =	vmov s8;
	[sflag:s13] =	ssyncset.done $0x0;
	(pc) =	sbr.rel @!p2 .LBB2_16-.Ltmp10, $4  }
0x18b: {  	s6 =	sshll.u32 s6, $0x7;
	v9 =	vadd.s32 s9, v9;
	[sflag:s13] =	ssyncadd.s32 $0xFFFFFC00  }
0x18c: {  	v10 =	vmov s6;
	v9 =	vadd.s32 $0xD, v9;
	_ =	swait.ge [sflag:s13], $0x400  }
0x18d: {  	v10 =	vor.u32 s8, v10;
	v9 =	vshll.u32 v9, $0x7;
	[sflag:s13] =	ssyncset.done $0x0  }
0x18e: {  	p1 =	por $0x0, $0x0;
	s8 =	simm.s32 $0x8;
	v10 =	vbroadcast v10, $0x0;
	v9 =	vbroadcast v9, $0x0;
	[sflag:s13] =	ssyncadd.s32 $0xFFFFFC00  }
0x18f: {  	_ =	sdelay $0x4  }
0x190: {  	v10 =	vld.idx.msk [tilespmem:v10+s11+$0x0], $0xffff;
	_ =	sdelay $0x4  }
0x191: {  	s5 =	simm.s32 $0x0;
	v10 =	vand.u32 $0x7, v10  }
0x192: {  	v10 =	vor.u32 s5, v10  }
0x193: {  	v10 =	vshll.u32 v10, $0x7  }
0x194: {  	v11 =	vor.u32 v0, v10;
	_ =	sdelay $0x4  }
0x195: {  	v12 =	vor.u32 v0, v9;
	v11 =	vld.idx.msk [tilespmem:v11+s14+$0x0], $0xffff  }
0x196: {  	v13 =	vor.u32 v6, v10;
	_ =	sdelay $0x3  }
0x197: {  	[tilespmem:v12+s12+$0x0] =	vst.idx.msk $0xffff, v11  }
0x198: {  	v12 =	vor.u32 v6, v9;
	v11 =	vld.idx.msk [tilespmem:v13+s14+$0x0], $0xffff  }
0x199: {  	v13 =	vor.u32 v7, v10;
	_ =	sdelay $0x1  }
0x19a: {  	s19 =	sadd.s32 $0x1, s1  }
0x19b: {  	s6 =	smulhi.u32 $0x4EC4EC4F, s19  }
0x19c: {  	[tilespmem:v12+s12+$0x0] =	vst.idx.msk $0xffff, v11  }
0x19d: {  	s6 =	sshrl.u32 s6, $0x3;
	v12 =	vor.u32 v7, v9;
	v11 =	vld.idx.msk [tilespmem:v13+s14+$0x0], $0xffff  }
0x19e: {  	s9 =	smul.u32 $0x1A, s6;
	v10 =	vor.u32 v8, v10  }
0x19f: {  	s20 =	smul.u32 $0x27, s6;
	s6 =	sadd.s32 s24, s6  }
0x1a0: {  	s6 =	sshll.u32 s6, $0x7  }
0x1a1: {  	p2 =	por $0x1, $0x1;
	s9 =	ssub.s32 s19, s9;
	v14 =	vmov s6  }
.Ltmp11:
0x1a2: {  	v14 =	vor.u32 s9, v14;
	v13 =	vmov s9;
	[tilespmem:v12+s12+$0x0] =	vst.idx.msk $0xffff, v11;
	(pc) =	sbr.rel @!p2 .LBB2_19-.Ltmp11, $4  }
0x1a3: {  	v13 =	vadd.s32 s20, v13;
	v12 =	vor.u32 v8, v9;
	v11 =	vld.idx.msk [tilespmem:v10+s14+$0x0], $0xffff;
	v10 =	vbroadcast v14, $0x0  }
0x1a4: {  	v13 =	vadd.s32 $0xD, v13  }
0x1a5: {  	v9 =	vshll.u32 v13, $0x7  }
0x1a6: {  	p1 =	por $0x1, $0x1;
	s20 =	simm.s32 $0x10;
	v9 =	vbroadcast v9, $0x0  }
.LBB2_18:
0x1a7: {  	_ = 	snop  }
0x1a8: {  	p2 =	sne.s32 s20, $0x18;
	[tilespmem:v12+s12+$0x0] =	vst.idx.msk $0xffff, v11;
	s6 =	smov.u32 s20;
	s20 =	sadd.s32 $0x8, s20  }
0x1a9: {  	v10 =	vld.idx.msk [tilespmem:v10+s11+$0x0], $0xffff;
	_ =	sdelay $0x5  }
0x1aa: {  	v10 =	vand.u32 $0x7, v10  }
0x1ab: {  	v10 =	vor.u32 s8, v10;
	s8 =	smov.u32 s6  }
0x1ac: {  	v10 =	vshll.u32 v10, $0x7  }
0x1ad: {  	v11 =	vor.u32 v0, v10;
	_ =	sdelay $0x4  }
0x1ae: {  	v11 =	vld.idx.msk [tilespmem:v11+s14+$0x0], $0xffff  }
0x1af: {  	v12 =	vor.u32 v0, v9  }
0x1b0: {  	v13 =	vor.u32 v6, v10;
	_ =	sdelay $0x3  }
0x1b1: {  	[tilespmem:v12+s12+$0x0] =	vst.idx.msk $0xffff, v11  }
0x1b2: {  	v11 =	vld.idx.msk [tilespmem:v13+s14+$0x0], $0xffff  }
0x1b3: {  	v12 =	vor.u32 v6, v9  }
0x1b4: {  	v13 =	vor.u32 v7, v10;
	_ =	sdelay $0x3  }
0x1b5: {  	[tilespmem:v12+s12+$0x0] =	vst.idx.msk $0xffff, v11  }
0x1b6: {  	s19 =	sadd.s32 $0x1, s19;
	v11 =	vld.idx.msk [tilespmem:v13+s14+$0x0], $0xffff  }
0x1b7: {  	s6 =	smulhi.u32 $0x4EC4EC4F, s19;
	v12 =	vor.u32 v7, v9  }
0x1b8: {  	v10 =	vor.u32 v8, v10  }
0x1b9: {  	s6 =	sshrl.u32 s6, $0x3  }
0x1ba: {  	s9 =	smul.u32 $0x1A, s6;
	s21 =	sadd.s32 s24, s6  }
0x1bb: {  	s21 =	sshll.u32 s21, $0x7  }
0x1bc: {  	s6 =	smul.u32 $0x27, s6;
	s9 =	ssub.s32 s19, s9;
	v13 =	vmov s21;
	[tilespmem:v12+s12+$0x0] =	vst.idx.msk $0xffff, v11  }
.Ltmp12:
0x1bd: {  	v13 =	vor.u32 s9, v13;
	v12 =	vmov s9;
	v11 =	vld.idx.msk [tilespmem:v10+s14+$0x0], $0xffff;
	(pc) =	sbr.rel @p2 .LBB2_18-.Ltmp12, $4  }
0x1be: {  	v10 =	vbroadcast v13, $0x0;
	v13 =	vadd.s32 s6, v12;
	v12 =	vor.u32 v8, v9  }
0x1bf: {  	v9 =	vadd.s32 $0xD, v13  }
0x1c0: {  	v9 =	vshll.u32 v9, $0x7  }
0x1c1: {  	v9 =	vbroadcast v9, $0x0  }
.LBB2_19:
0x1c2: {  	_ =	sdelay $0x3  }
0x1c3: {  	[tilespmem:v12+s12+$0x0] =	vst.idx.msk @p1 $0xffff, v11  }
0x1c4: {  	v10 =	vld.idx.msk [tilespmem:v10+s11+$0x0], $0xffff;
	_ =	sdelay $0x4  }
0x1c5: {  	v10 =	vand.u32 $0x7, v10  }
0x1c6: {  	v10 =	vor.u32 s8, v10  }
0x1c7: {  	v10 =	vshll.u32 v10, $0x7  }
0x1c8: {  	v11 =	vor.u32 v0, v10;
	_ =	sdelay $0x4  }
0x1c9: {  	v59 =	vor.u32 v0, v9;
	v11 =	vld.idx.msk [tilespmem:v11+s14+$0x0], $0xffff  }
0x1ca: {  	v13 =	vor.u32 v6, v10;
	_ =	sdelay $0x3  }
0x1cb: {  	[tilespmem:v59+s12+$0x0] =	vst.idx.msk $0xffff, v11  }
0x1cc: {  	v60 =	vor.u32 v6, v9;
	v11 =	vld.idx.msk [tilespmem:v13+s14+$0x0], $0xffff  }
0x1cd: {  	v61 =	vor.u32 v7, v10;
	_ =	sdelay $0x3  }
0x1ce: {  	[tilespmem:v60+s12+$0x0] =	vst.idx.msk $0xffff, v11  }
0x1cf: {  	v62 =	vor.u32 v7, v9;
	v11 =	vld.idx.msk [tilespmem:v61+s14+$0x0], $0xffff  }
0x1d0: {  	v10 =	vor.u32 v8, v10;
	_ =	sdelay $0x3  }
0x1d1: {  	[tilespmem:v62+s12+$0x0] =	vst.idx.msk $0xffff, v11  }
0x1d2: {  	v9 =	vor.u32 v8, v9;
	p1 =	seq.s32 s7, $0xC;
	v10 =	vld.idx.msk [tilespmem:v10+s14+$0x0], $0xffff  }
.Ltmp13:
0x1d3: {  	_ = 	snop;
	(pc) =	sbr.rel @p1 .LBB2_23-.Ltmp13, $2  }
0x1d4: {  	_ =	sdelay $0x2  }
0x1d5: {  	[tilespmem:v9+s12+$0x0] =	vst.idx.msk $0xffff, v10  }
0x1d6: {  	s6 =	smulhi.u32 $0x4EC4EC4F, s28;
	_ =	sdelay $0x1  }
0x1d7: {  	s8 =	sadd.s32 $0x0, s1;
	s6 =	sshrl.u32 s6, $0x3  }
0x1d8: {  	s9 =	sadd.s32 $0x10, s8;
	s6 =	smul.u32 $0x1A, s6  }
0x1d9: {  	s9 =	smulhi.u32 $0x4EC4EC4F, s9  }
0x1da: {  	s6 =	ssub.s32 s8, s6  }
0x1db: {  	s19 =	sshrl.u32 s9, $0x3;
	s6 =	sadd.s32 $0x10, s6  }
0x1dc: {  	s8 =	sadd.s32 s24, s19;
	v9 =	vmov s6  }
0x1dd: {  	s20 =	sshll.u32 s8, $0x7;
	v9 =	vand.u32 $0x7F, v9  }
0x1de: {  	v9 =	vor.u32 s20, v9  }
0x1df: {  	v9 =	vbroadcast v9, $0x0;
	_ =	sdelay $0x5  }
0x1e0: {  	v9 =	vld.idx.msk [tilespmem:v9+s11+$0x0], $0xffff;
	_ =	sdelay $0x4  }
0x1e1: {  	v9 =	vxor.u32 $0x80000000, v9  }
0x1e2: {  	(xrf0) =	vmax.scan.msk.u32 $0xffff, v9;
	_ =	sdelay $0x5  }
0x1e3: {  	v9, _, _ =	vpop (xrf0)  }
0x1e4: {  	(v2sf) =	vpush v9, $0xF;
	_ =	sdelay $0x8  }
0x1e5: {  	s19 =	sadd.s32 $0x1, s28  }
0x1e6: {  	s23 =	sadd.s32 $0x1, s1;
	s21 =	smulhi.u32 $0x4EC4EC4F, s19  }
0x1e7: {  	s26 =	sadd.s32 $0x10, s23  }
0x1e8: {  	s9 =	smulhi.u32 $0x4EC4EC4F, s26;
	s6 =	sshrl.u32 s21, $0x3  }
0x1e9: {  	s6 =	smul.u32 $0x1A, s6;
	_ =	sdelay $0x1  }
0x1ea: {  	s9 =	sshrl.u32 s9, $0x3;
	s6 =	ssub.s32 s23, s6;
	s5 =	spop (v2sf)  }
0x1eb: {  	s9 =	sadd.s32 s24, s9;
	s6 =	sadd.s32 $0x10, s6;
	s20 =	sxor.u32 $0x80000000, s5  }
0x1ec: {  	p2 =	sgt.s32 s5, $0xFFFFFFFF;
	s21 =	sand.u32 $0x7, s5;
	p3 =	slt.s32 s20, $0x1  }
0x1ed: {  	s20 =	sshra.s32 s20, $0x1F;
	p6 =	sne.s32 s21, $0x0;
	p2 =	por p2, p3  }
0x1ee: {  	v9 =	vmov s6;
	s21 =	sshll.u32 s9, $0x7;
	s23 =	sshrl.u32 s20, $0x1D;
	p2 =	por !p6, !p2  }
0x1ef: {  	v9 =	vand.u32 $0x7F, v9;
	s20 =	simm.s32 $0x1;
	s9 =	sadd.s32 s23, s5;
	p2 =	por !p2, !p2  }
0x1f0: {  	s8 =	simm.s32 $0x8800;
	v9 =	vor.u32 s21, v9;
	s26 =	sshrl.u32 s9, $0x3;
	s20 =	simm.s32 @!p2 $0x0  }
0x1f1: {  	v9 =	vbroadcast v9, $0x0;
	s9 =	simm.s32 $0x2;
	s6 =	ssub.s32 s26, s20;
	s20 =	simm.s32 $0x8800  }
.LBB2_21:
0x1f2: {  	s6 =	sshll.u32 s6, $0x7  }
0x1f3: {  	s8 =	sadd.s32 $0x400, s8;
	s5 =	smov.u32 s9;
	s21 =	sadd.s32 $0x1, s9  }
0x1f4: {  	p2 =	sne.s32 s9, $0x3;
	s6 =	sand.u32 $0x1FFFFF80, s6  }
0x1f5: {  	s6 =	sadd.s32 s4, s6  }
0x1f6: {  	[tilespmem:s20], [sflag:$0x1] =	stream.linear.gather [hbm4b:s6+s3], $0x400, $0x38;
	v63 =	vld [tilespmem:$0x0]  }
0x1f7: {  	s20 =	smov.u32 s8;
	v9 =	vld.idx.msk [tilespmem:v9+s11+$0x0], $0xffff;
	_ =	sdelay $0x5  }
0x1f8: {  	v9 =	vxor.u32 $0x80000000, v9  }
0x1f9: {  	(xrf0) =	vmax.scan.msk.u32 $0xffff, v9;
	_ =	sdelay $0x5  }
0x1fa: {  	v9, _, _ =	vpop (xrf0)  }
0x1fb: {  	(v2sf) =	vpush v9, $0xF;
	_ =	sdelay $0x7  }
0x1fc: {  	s19 =	sadd.s32 $0x1, s19  }
0x1fd: {  	s5 =	sadd.s32 s5, s1;
	s6 =	smulhi.u32 $0x4EC4EC4F, s19  }
0x1fe: {  	s9 =	sadd.s32 $0x10, s5  }
0x1ff: {  	s9 =	smulhi.u32 $0x4EC4EC4F, s9;
	s6 =	sshrl.u32 s6, $0x3  }
0x200: {  	s6 =	smul.u32 $0x1A, s6;
	_ =	sdelay $0x1  }
0x201: {  	s9 =	sshrl.u32 s9, $0x3;
	s5 =	ssub.s32 s5, s6  }
0x202: {  	s9 =	sadd.s32 s24, s9;
	s5 =	sadd.s32 $0x10, s5;
	s6 =	spop (v2sf)  }
0x203: {  	s9 =	sshll.u32 s9, $0x7;
	v9 =	vmov s5;
	s23 =	sxor.u32 $0x80000000, s6  }
0x204: {  	v9 =	vand.u32 $0x7F, v9;
	p3 =	sgt.s32 s6, $0xFFFFFFFF;
	s5 =	sand.u32 $0x7, s6;
	s26 =	sshra.s32 s23, $0x1F  }
0x205: {  	v9 =	vor.u32 s9, v9;
	p4 =	slt.s32 s23, $0x1;
	s9 =	sshrl.u32 s26, $0x1D  }
.Ltmp14:
0x206: {  	p3 =	por p3, p4;
	p4 =	sne.s32 s5, $0x0;
	(pc) =	sbr.rel @p2 .LBB2_21-.Ltmp14, $4  }
0x207: {  	v9 =	vbroadcast v9, $0x0;
	s5 =	sadd.s32 s9, s6;
	p3 =	por !p4, !p3  }
0x208: {  	s6 =	simm.s32 $0x1;
	p3 =	por !p3, !p3  }
0x209: {  	s5 =	sshrl.u32 s5, $0x3;
	s6 =	simm.s32 @!p3 $0x0  }
0x20a: {  	s9 =	smov.u32 s21;
	s6 =	ssub.s32 s5, s6  }
0x20b: {  	s5 =	sshll.u32 s6, $0x7  }
0x20c: {  	s5 =	sand.u32 $0x1FFFFF80, s5  }
0x20d: {  	s5 =	sadd.s32 s4, s5  }
0x20e: {  	[tilespmem:s20], [sflag:$0x1] =	stream.linear.gather [hbm4b:s5+s3], $0x400, $0x38;
	v63 =	vld [tilespmem:$0x0]  }
0x20f: {  	v9 =	vld.idx.msk [tilespmem:v9+s11+$0x0], $0xffff;
	_ =	sdelay $0x4  }
0x210: {  	v9 =	vxor.u32 $0x80000000, v9  }
0x211: {  	(xrf0) =	vmax.scan.msk.u32 $0xffff, v9;
	_ =	sdelay $0x5  }
0x212: {  	v9, _, _ =	vpop (xrf0)  }
0x213: {  	(v2sf) =	vpush v9, $0xF;
	_ =	sdelay $0xe  }
0x214: {  	s21 =	spop (v2sf)  }
0x215: {  	s23 =	sxor.u32 $0x80000000, s21  }
0x216: {  	p2 =	sgt.s32 s21, $0xFFFFFFFF;
	s9 =	sand.u32 $0x7, s21;
	p3 =	slt.s32 s23, $0x1  }
0x217: {  	s6 =	sshra.s32 s23, $0x1F;
	p6 =	sne.s32 s9, $0x0;
	p2 =	por p2, p3  }
0x218: {  	s6 =	sshrl.u32 s6, $0x1D;
	p2 =	por !p6, !p2  }
0x219: {  	s5 =	sadd.s32 s6, s21;
	s6 =	simm.s32 $0x1;
	p2 =	por !p2, !p2  }
0x21a: {  	s5 =	sshrl.u32 s5, $0x3;
	s6 =	simm.s32 @!p2 $0x0  }
0x21b: {  	s5 =	ssub.s32 s5, s6  }
0x21c: {  	s5 =	sshll.u32 s5, $0x7  }
0x21d: {  	s5 =	sand.u32 $0x1FFFFF80, s5  }
0x21e: {  	s26 =	sadd.s32 $0x400, s8;
	s5 =	sadd.s32 s4, s5  }
0x21f: {  	[tilespmem:s26], [sflag:$0x1] =	stream.linear.gather [hbm4b:s5+s3], $0x400, $0x38;
	v63 =	vld [tilespmem:$0x0]  }
.LBB2_23:
0x220: {  	s5 =	smulhi.u32 $0x4EC4EC4F, s29  }
0x221: {  	_ =	swait.ge [sflag:s15], $0x400  }
0x222: {  	[sflag:s15] =	ssyncset.done $0x0;
	s5 =	sshrl.u32 s5, $0x3  }
0x223: {  	[sflag:s15] =	ssyncadd.s32 $0xFFFFFC00;
	s6 =	smul.u32 $0x1A, s5;
	s8 =	sadd.s32 s24, s5  }
0x224: {  	_ =	swait.ge [sflag:s15], $0x400;
	s8 =	sshll.u32 s8, $0x7  }
0x225: {  	[sflag:s15] =	ssyncset.done $0x0;
	s6 =	ssub.s32 s29, s6;
	v9 =	vmov s8  }
0x226: {  	[sflag:s15] =	ssyncadd.s32 $0xFFFFFC00;
	v9 =	vor.u32 s6, v9  }
0x227: {  	_ =	swait.ge [sflag:s15], $0x400;
	v9 =	vbroadcast v9, $0x0  }
0x228: {  	[sflag:s15] =	ssyncset.done $0x0  }
0x229: {  	[sflag:s15] =	ssyncadd.s32 $0xFFFFFC00  }
0x22a: {  	_ =	swait.ge [sflag:s15], $0x400  }
0x22b: {  	[sflag:s15] =	ssyncset.done $0x0  }
0x22c: {  	[sflag:s15] =	ssyncadd.s32 $0xFFFFFC00  }
0x22d: {  	v9 =	vld.idx.msk [tilespmem:v9+s11+$0x0], $0xffff;
	_ =	sdelay $0x4  }
0x22e: {  	s21 =	simm.s32 $0x20;
	v9 =	vand.u32 $0x7, v9  }
0x22f: {  	s5 =	smul.u32 $0x27, s5;
	v9 =	vor.u32 s21, v9  }
0x230: {  	v10 =	vmov s6;
	v9 =	vshll.u32 v9, $0x7  }
0x231: {  	v10 =	vadd.s32 s5, v10;
	v11 =	vor.u32 v0, v9  }
0x232: {  	v10 =	vadd.s32 $0xD, v10  }
0x233: {  	v10 =	vshll.u32 v10, $0x7  }
0x234: {  	v12 =	vbroadcast v10, $0x0;
	_ =	sdelay $0x1  }
0x235: {  	v10 =	vld.idx.msk [tilespmem:v11+s14+$0x0], $0xffff;
	v11 =	vor.u32 v0, v12  }
0x236: {  	v13 =	vor.u32 v6, v9;
	_ =	sdelay $0x3  }
0x237: {  	[tilespmem:v11+s12+$0x0] =	vst.idx.msk $0xffff, v10  }
0x238: {  	v11 =	vor.u32 v6, v12;
	v10 =	vld.idx.msk [tilespmem:v13+s14+$0x0], $0xffff  }
0x239: {  	v13 =	vor.u32 v7, v9;
	_ =	sdelay $0x1  }
0x23a: {  	s8 =	sadd.s32 $0x1, s29  }
0x23b: {  	s23 =	smulhi.u32 $0x4EC4EC4F, s8  }
0x23c: {  	[tilespmem:v11+s12+$0x0] =	vst.idx.msk $0xffff, v10  }
0x23d: {  	s5 =	sshrl.u32 s23, $0x3;
	v11 =	vor.u32 v7, v12;
	v10 =	vld.idx.msk [tilespmem:v13+s14+$0x0], $0xffff  }
0x23e: {  	s26 =	smul.u32 $0x1A, s5;
	v9 =	vor.u32 v8, v9  }
0x23f: {  	s9 =	smul.u32 $0x27, s5;
	s5 =	sadd.s32 s24, s5  }
0x240: {  	s5 =	sshll.u32 s5, $0x7  }
0x241: {  	s6 =	ssub.s32 s8, s26;
	v14 =	vmov s5  }
0x242: {  	v13 =	vmov s6;
	[tilespmem:v11+s12+$0x0] =	vst.idx.msk $0xffff, v10;
	v10 =	vor.u32 s6, v14  }
0x243: {  	v12 =	vor.u32 v8, v12;
	v13 =	vadd.s32 s9, v13;
	v11 =	vld.idx.msk [tilespmem:v9+s14+$0x0], $0xffff;
	v10 =	vbroadcast v10, $0x0  }
0x244: {  	v13 =	vadd.s32 $0xD, v13  }
0x245: {  	v13 =	vshll.u32 v13, $0x7  }
0x246: {  	s19 =	simm.s32 $0x28;
	s20 =	simm.s32 $0x30;
	v9 =	vbroadcast v13, $0x0  }
.LBB2_24:
0x247: {  	_ = 	snop  }
0x248: {  	p2 =	sne.s32 s20, $0x38;
	[tilespmem:v12+s12+$0x0] =	vst.idx.msk $0xffff, v11;
	s5 =	smov.u32 s20;
	s20 =	sadd.s32 $0x8, s20  }
0x249: {  	v10 =	vld.idx.msk [tilespmem:v10+s11+$0x0], $0xffff;
	_ =	sdelay $0x5  }
0x24a: {  	v10 =	vand.u32 $0x7, v10  }
0x24b: {  	v10 =	vor.u32 s19, v10;
	s19 =	smov.u32 s5  }
0x24c: {  	v10 =	vshll.u32 v10, $0x7  }
0x24d: {  	v11 =	vor.u32 v0, v10;
	_ =	sdelay $0x4  }
0x24e: {  	v11 =	vld.idx.msk [tilespmem:v11+s14+$0x0], $0xffff  }
0x24f: {  	v12 =	vor.u32 v0, v9  }
0x250: {  	v13 =	vor.u32 v6, v10;
	_ =	sdelay $0x3  }
0x251: {  	[tilespmem:v12+s12+$0x0] =	vst.idx.msk $0xffff, v11  }
0x252: {  	v11 =	vld.idx.msk [tilespmem:v13+s14+$0x0], $0xffff  }
0x253: {  	v12 =	vor.u32 v6, v9  }
0x254: {  	v13 =	vor.u32 v7, v10;
	_ =	sdelay $0x3  }
0x255: {  	[tilespmem:v12+s12+$0x0] =	vst.idx.msk $0xffff, v11  }
0x256: {  	s8 =	sadd.s32 $0x1, s8;
	v11 =	vld.idx.msk [tilespmem:v13+s14+$0x0], $0xffff  }
0x257: {  	s5 =	smulhi.u32 $0x4EC4EC4F, s8;
	v12 =	vor.u32 v7, v9  }
0x258: {  	v10 =	vor.u32 v8, v10  }
0x259: {  	s5 =	sshrl.u32 s5, $0x3  }
0x25a: {  	s6 =	smul.u32 $0x1A, s5;
	s9 =	sadd.s32 s24, s5  }
0x25b: {  	s9 =	sshll.u32 s9, $0x7  }
0x25c: {  	s5 =	smul.u32 $0x27, s5;
	s6 =	ssub.s32 s8, s6;
	v13 =	vmov s9;
	[tilespmem:v12+s12+$0x0] =	vst.idx.msk $0xffff, v11  }
.Ltmp15:
0x25d: {  	v13 =	vor.u32 s6, v13;
	v12 =	vmov s6;
	v11 =	vld.idx.msk [tilespmem:v10+s14+$0x0], $0xffff;
	(pc) =	sbr.rel @p2 .LBB2_24-.Ltmp15, $4  }
0x25e: {  	v10 =	vbroadcast v13, $0x0;
	v13 =	vadd.s32 s5, v12;
	v12 =	vor.u32 v8, v9  }
0x25f: {  	v9 =	vadd.s32 $0xD, v13  }
0x260: {  	v9 =	vshll.u32 v9, $0x7  }
0x261: {  	v9 =	vbroadcast v9, $0x0  }
0x262: {  	_ =	sdelay $0x3  }
0x263: {  	[tilespmem:v12+s12+$0x0] =	vst.idx.msk $0xffff, v11  }
0x264: {  	v10 =	vld.idx.msk [tilespmem:v10+s11+$0x0], $0xffff;
	_ =	sdelay $0x4  }
0x265: {  	v10 =	vand.u32 $0x7, v10  }
0x266: {  	v10 =	vor.u32 s19, v10  }
0x267: {  	v10 =	vshll.u32 v10, $0x7  }
0x268: {  	v11 =	vor.u32 v0, v10;
	_ =	sdelay $0x4  }
0x269: {  	v59 =	vor.u32 v0, v9;
	v11 =	vld.idx.msk [tilespmem:v11+s14+$0x0], $0xffff  }
0x26a: {  	v13 =	vor.u32 v6, v10;
	_ =	sdelay $0x3  }
0x26b: {  	[tilespmem:v59+s12+$0x0] =	vst.idx.msk $0xffff, v11  }
0x26c: {  	v60 =	vor.u32 v6, v9;
	v11 =	vld.idx.msk [tilespmem:v13+s14+$0x0], $0xffff  }
0x26d: {  	v61 =	vor.u32 v7, v10;
	_ =	sdelay $0x3  }
0x26e: {  	[tilespmem:v60+s12+$0x0] =	vst.idx.msk $0xffff, v11  }
0x26f: {  	v62 =	vor.u32 v7, v9;
	v11 =	vld.idx.msk [tilespmem:v61+s14+$0x0], $0xffff  }
0x270: {  	v10 =	vor.u32 v8, v10;
	_ =	sdelay $0x3  }
0x271: {  	[tilespmem:v62+s12+$0x0] =	vst.idx.msk $0xffff, v11  }
0x272: {  	v9 =	vor.u32 v8, v9;
	v10 =	vld.idx.msk [tilespmem:v10+s14+$0x0], $0xffff  }
.Ltmp16:
0x273: {  	_ = 	snop;
	(pc) =	sbr.rel @p1 .LBB2_29-.Ltmp16, $2  }
0x274: {  	_ =	sdelay $0x2  }
0x275: {  	[tilespmem:v9+s12+$0x0] =	vst.idx.msk $0xffff, v10  }
0x276: {  	s5 =	smulhi.u32 $0x4EC4EC4F, s30;
	_ =	sdelay $0x1  }
0x277: {  	s6 =	sadd.s32 $0x0, s1;
	s5 =	sshrl.u32 s5, $0x3  }
0x278: {  	s8 =	sadd.s32 $0x14, s6;
	s5 =	smul.u32 $0x1A, s5  }
0x279: {  	s8 =	smulhi.u32 $0x4EC4EC4F, s8  }
0x27a: {  	s5 =	ssub.s32 s6, s5  }
0x27b: {  	s9 =	sshrl.u32 s8, $0x3;
	s5 =	sadd.s32 $0x14, s5  }
0x27c: {  	s6 =	sadd.s32 s24, s9;
	v9 =	vmov s5  }
0x27d: {  	s19 =	sshll.u32 s6, $0x7;
	v9 =	vand.u32 $0x7F, v9  }
0x27e: {  	v9 =	vor.u32 s19, v9  }
0x27f: {  	v9 =	vbroadcast v9, $0x0;
	_ =	sdelay $0x5  }
0x280: {  	v9 =	vld.idx.msk [tilespmem:v9+s11+$0x0], $0xffff;
	_ =	sdelay $0x4  }
0x281: {  	v9 =	vxor.u32 $0x80000000, v9  }
0x282: {  	(xrf0) =	vmax.scan.msk.u32 $0xffff, v9;
	_ =	sdelay $0x5  }
0x283: {  	v9, _, _ =	vpop (xrf0)  }
0x284: {  	(v2sf) =	vpush v9, $0xF;
	_ =	sdelay $0x8  }
0x285: {  	s19 =	sadd.s32 $0x1, s30  }
0x286: {  	s21 =	sadd.s32 $0x1, s1;
	s20 =	smulhi.u32 $0x4EC4EC4F, s19  }
0x287: {  	s23 =	sadd.s32 $0x14, s21  }
0x288: {  	s8 =	smulhi.u32 $0x4EC4EC4F, s23;
	s5 =	sshrl.u32 s20, $0x3  }
0x289: {  	s5 =	smul.u32 $0x1A, s5;
	_ =	sdelay $0x1  }
0x28a: {  	s8 =	sshrl.u32 s8, $0x3;
	s5 =	ssub.s32 s21, s5;
	s26 =	spop (v2sf)  }
0x28b: {  	s8 =	sadd.s32 s24, s8;
	s5 =	sadd.s32 $0x14, s5;
	s9 =	sxor.u32 $0x80000000, s26  }
0x28c: {  	p2 =	sgt.s32 s26, $0xFFFFFFFF;
	s20 =	sand.u32 $0x7, s26;
	p3 =	slt.s32 s9, $0x1  }
0x28d: {  	s9 =	sshra.s32 s9, $0x1F;
	p6 =	sne.s32 s20, $0x0;
	p2 =	por p2, p3  }
0x28e: {  	s21 =	sshll.u32 s8, $0x7;
	v9 =	vmov s5;
	s23 =	sshrl.u32 s9, $0x1D;
	p2 =	por !p6, !p2  }
0x28f: {  	v9 =	vand.u32 $0x7F, v9;
	s9 =	simm.s32 $0x1;
	s6 =	sadd.s32 s23, s26;
	p2 =	por !p2, !p2  }
0x290: {  	s8 =	simm.s32 $0x9800;
	v9 =	vor.u32 s21, v9;
	s26 =	sshrl.u32 s6, $0x3;
	s9 =	simm.s32 @!p2 $0x0  }
0x291: {  	s21 =	simm.s32 $0x2;
	v9 =	vbroadcast v9, $0x0;
	s20 =	simm.s32 $0x9800;
	s6 =	ssub.s32 s26, s9  }
.LBB2_27:
0x292: {  	s5 =	sshll.u32 s6, $0x7  }
0x293: {  	s8 =	sadd.s32 $0x400, s8;
	s6 =	smov.u32 s21;
	s9 =	sadd.s32 $0x1, s21  }
0x294: {  	p2 =	sne.s32 s21, $0x3;
	s5 =	sand.u32 $0x1FFFFF80, s5  }
0x295: {  	s5 =	sadd.s32 s4, s5  }
0x296: {  	[tilespmem:s20], [sflag:$0x2] =	stream.linear.gather [hbm4b:s5+s3], $0x400, $0x38;
	v63 =	vld [tilespmem:$0x0]  }
0x297: {  	s20 =	smov.u32 s8;
	v9 =	vld.idx.msk [tilespmem:v9+s11+$0x0], $0xffff;
	_ =	sdelay $0x5  }
0x298: {  	v9 =	vxor.u32 $0x80000000, v9  }
0x299: {  	(xrf0) =	vmax.scan.msk.u32 $0xffff, v9;
	_ =	sdelay $0x5  }
0x29a: {  	v9, _, _ =	vpop (xrf0)  }
0x29b: {  	(v2sf) =	vpush v9, $0xF;
	_ =	sdelay $0x7  }
0x29c: {  	s19 =	sadd.s32 $0x1, s19  }
0x29d: {  	s6 =	sadd.s32 s6, s1;
	s5 =	smulhi.u32 $0x4EC4EC4F, s19  }
0x29e: {  	s21 =	sadd.s32 $0x14, s6  }
0x29f: {  	s21 =	smulhi.u32 $0x4EC4EC4F, s21;
	s5 =	sshrl.u32 s5, $0x3  }
0x2a0: {  	s5 =	smul.u32 $0x1A, s5;
	_ =	sdelay $0x1  }
0x2a1: {  	s21 =	sshrl.u32 s21, $0x3;
	s5 =	ssub.s32 s6, s5  }
0x2a2: {  	s21 =	sadd.s32 s24, s21;
	s5 =	sadd.s32 $0x14, s5;
	s6 =	spop (v2sf)  }
0x2a3: {  	s21 =	sshll.u32 s21, $0x7;
	v9 =	vmov s5;
	s23 =	sxor.u32 $0x80000000, s6  }
0x2a4: {  	v9 =	vand.u32 $0x7F, v9;
	p3 =	sgt.s32 s6, $0xFFFFFFFF;
	s5 =	sand.u32 $0x7, s6;
	s26 =	sshra.s32 s23, $0x1F  }
0x2a5: {  	v9 =	vor.u32 s21, v9;
	p4 =	slt.s32 s23, $0x1;
	s21 =	sshrl.u32 s26, $0x1D  }
.Ltmp17:
0x2a6: {  	p3 =	por p3, p4;
	p4 =	sne.s32 s5, $0x0;
	(pc) =	sbr.rel @p2 .LBB2_27-.Ltmp17, $4  }
0x2a7: {  	v9 =	vbroadcast v9, $0x0;
	s5 =	sadd.s32 s21, s6;
	p3 =	por !p4, !p3  }
0x2a8: {  	s6 =	simm.s32 $0x1;
	p3 =	por !p3, !p3  }
0x2a9: {  	s5 =	sshrl.u32 s5, $0x3;
	s6 =	simm.s32 @!p3 $0x0  }
0x2aa: {  	s21 =	smov.u32 s9;
	s6 =	ssub.s32 s5, s6  }
0x2ab: {  	s5 =	sshll.u32 s6, $0x7  }
0x2ac: {  	s5 =	sand.u32 $0x1FFFFF80, s5  }
0x2ad: {  	s5 =	sadd.s32 s4, s5  }
0x2ae: {  	[tilespmem:s20], [sflag:$0x2] =	stream.linear.gather [hbm4b:s5+s3], $0x400, $0x38;
	v63 =	vld [tilespmem:$0x0]  }
0x2af: {  	v9 =	vld.idx.msk [tilespmem:v9+s11+$0x0], $0xffff;
	_ =	sdelay $0x4  }
0x2b0: {  	v9 =	vxor.u32 $0x80000000, v9  }
0x2b1: {  	(xrf0) =	vmax.scan.msk.u32 $0xffff, v9;
	_ =	sdelay $0x5  }
0x2b2: {  	v9, _, _ =	vpop (xrf0)  }
0x2b3: {  	(v2sf) =	vpush v9, $0xF;
	_ =	sdelay $0xe  }
0x2b4: {  	s21 =	spop (v2sf)  }
0x2b5: {  	s23 =	sxor.u32 $0x80000000, s21  }
0x2b6: {  	p2 =	sgt.s32 s21, $0xFFFFFFFF;
	s9 =	sand.u32 $0x7, s21;
	p3 =	slt.s32 s23, $0x1  }
0x2b7: {  	s6 =	sshra.s32 s23, $0x1F;
	p6 =	sne.s32 s9, $0x0;
	p2 =	por p2, p3  }
0x2b8: {  	s6 =	sshrl.u32 s6, $0x1D;
	p2 =	por !p6, !p2  }
0x2b9: {  	s5 =	sadd.s32 s6, s21;
	s6 =	simm.s32 $0x1;
	p2 =	por !p2, !p2  }
0x2ba: {  	s5 =	sshrl.u32 s5, $0x3;
	s6 =	simm.s32 @!p2 $0x0  }
0x2bb: {  	s5 =	ssub.s32 s5, s6  }
0x2bc: {  	s5 =	sshll.u32 s5, $0x7  }
0x2bd: {  	s5 =	sand.u32 $0x1FFFFF80, s5  }
0x2be: {  	s26 =	sadd.s32 $0x400, s8;
	s5 =	sadd.s32 s4, s5  }
0x2bf: {  	[tilespmem:s26], [sflag:$0x2] =	stream.linear.gather [hbm4b:s5+s3], $0x400, $0x38;
	v63 =	vld [tilespmem:$0x0]  }
.LBB2_29:
0x2c0: {  	s5 =	smulhi.u32 $0x4EC4EC4F, s31  }
0x2c1: {  	_ =	swait.ge [sflag:s16], $0x400  }
0x2c2: {  	[sflag:s16] =	ssyncset.done $0x0;
	s5 =	sshrl.u32 s5, $0x3  }
0x2c3: {  	[sflag:s16] =	ssyncadd.s32 $0xFFFFFC00;
	s6 =	smul.u32 $0x1A, s5;
	s8 =	sadd.s32 s24, s5  }
0x2c4: {  	_ =	swait.ge [sflag:s16], $0x400;
	s8 =	sshll.u32 s8, $0x7  }
0x2c5: {  	[sflag:s16] =	ssyncset.done $0x0;
	s6 =	ssub.s32 s31, s6;
	v9 =	vmov s8  }
0x2c6: {  	[sflag:s16] =	ssyncadd.s32 $0xFFFFFC00;
	v9 =	vor.u32 s6, v9  }
0x2c7: {  	_ =	swait.ge [sflag:s16], $0x400;
	v9 =	vbroadcast v9, $0x0  }
0x2c8: {  	[sflag:s16] =	ssyncset.done $0x0  }
0x2c9: {  	[sflag:s16] =	ssyncadd.s32 $0xFFFFFC00  }
0x2ca: {  	_ =	swait.ge [sflag:s16], $0x400  }
0x2cb: {  	[sflag:s16] =	ssyncset.done $0x0  }
0x2cc: {  	[sflag:s16] =	ssyncadd.s32 $0xFFFFFC00  }
0x2cd: {  	v9 =	vld.idx.msk [tilespmem:v9+s11+$0x0], $0xffff;
	_ =	sdelay $0x4  }
0x2ce: {  	s21 =	simm.s32 $0x40;
	v9 =	vand.u32 $0x7, v9  }
0x2cf: {  	s5 =	smul.u32 $0x27, s5;
	v9 =	vor.u32 s21, v9  }
0x2d0: {  	v10 =	vmov s6;
	v9 =	vshll.u32 v9, $0x7  }
0x2d1: {  	v10 =	vadd.s32 s5, v10;
	v11 =	vor.u32 v0, v9  }
0x2d2: {  	v10 =	vadd.s32 $0xD, v10  }
0x2d3: {  	v10 =	vshll.u32 v10, $0x7  }
0x2d4: {  	v12 =	vbroadcast v10, $0x0;
	_ =	sdelay $0x1  }
0x2d5: {  	v10 =	vld.idx.msk [tilespmem:v11+s14+$0x0], $0xffff;
	v11 =	vor.u32 v0, v12  }
0x2d6: {  	v13 =	vor.u32 v6, v9;
	_ =	sdelay $0x3  }
0x2d7: {  	[tilespmem:v11+s12+$0x0] =	vst.idx.msk $0xffff, v10  }
0x2d8: {  	v11 =	vor.u32 v6, v12;
	v10 =	vld.idx.msk [tilespmem:v13+s14+$0x0], $0xffff  }
0x2d9: {  	v13 =	vor.u32 v7, v9;
	_ =	sdelay $0x1  }
0x2da: {  	s8 =	sadd.s32 $0x1, s31  }
0x2db: {  	s23 =	smulhi.u32 $0x4EC4EC4F, s8  }
0x2dc: {  	[tilespmem:v11+s12+$0x0] =	vst.idx.msk $0xffff, v10  }
0x2dd: {  	s5 =	sshrl.u32 s23, $0x3;
	v11 =	vor.u32 v7, v12;
	v10 =	vld.idx.msk [tilespmem:v13+s14+$0x0], $0xffff  }
0x2de: {  	s26 =	smul.u32 $0x1A, s5;
	v9 =	vor.u32 v8, v9  }
0x2df: {  	s9 =	smul.u32 $0x27, s5;
	s5 =	sadd.s32 s24, s5  }
0x2e0: {  	s5 =	sshll.u32 s5, $0x7  }
0x2e1: {  	s6 =	ssub.s32 s8, s26;
	v14 =	vmov s5  }
0x2e2: {  	v13 =	vmov s6;
	[tilespmem:v11+s12+$0x0] =	vst.idx.msk $0xffff, v10;
	v10 =	vor.u32 s6, v14  }
0x2e3: {  	v12 =	vor.u32 v8, v12;
	v13 =	vadd.s32 s9, v13;
	v11 =	vld.idx.msk [tilespmem:v9+s14+$0x0], $0xffff;
	v10 =	vbroadcast v10, $0x0  }
0x2e4: {  	v13 =	vadd.s32 $0xD, v13  }
0x2e5: {  	v13 =	vshll.u32 v13, $0x7  }
0x2e6: {  	s19 =	simm.s32 $0x48;
	s20 =	simm.s32 $0x50;
	v9 =	vbroadcast v13, $0x0  }
.LBB2_30:
0x2e7: {  	_ = 	snop  }
0x2e8: {  	p2 =	sne.s32 s20, $0x58;
	[tilespmem:v12+s12+$0x0] =	vst.idx.msk $0xffff, v11;
	s5 =	smov.u32 s20;
	s20 =	sadd.s32 $0x8, s20  }
0x2e9: {  	v10 =	vld.idx.msk [tilespmem:v10+s11+$0x0], $0xffff;
	_ =	sdelay $0x5  }
0x2ea: {  	v10 =	vand.u32 $0x7, v10  }
0x2eb: {  	v10 =	vor.u32 s19, v10;
	s19 =	smov.u32 s5  }
0x2ec: {  	v10 =	vshll.u32 v10, $0x7  }
0x2ed: {  	v11 =	vor.u32 v0, v10;
	_ =	sdelay $0x4  }
0x2ee: {  	v11 =	vld.idx.msk [tilespmem:v11+s14+$0x0], $0xffff  }
0x2ef: {  	v12 =	vor.u32 v0, v9  }
0x2f0: {  	v13 =	vor.u32 v6, v10;
	_ =	sdelay $0x3  }
0x2f1: {  	[tilespmem:v12+s12+$0x0] =	vst.idx.msk $0xffff, v11  }
0x2f2: {  	v11 =	vld.idx.msk [tilespmem:v13+s14+$0x0], $0xffff  }
0x2f3: {  	v12 =	vor.u32 v6, v9  }
0x2f4: {  	v13 =	vor.u32 v7, v10;
	_ =	sdelay $0x3  }
0x2f5: {  	[tilespmem:v12+s12+$0x0] =	vst.idx.msk $0xffff, v11  }
0x2f6: {  	s8 =	sadd.s32 $0x1, s8;
	v11 =	vld.idx.msk [tilespmem:v13+s14+$0x0], $0xffff  }
0x2f7: {  	s5 =	smulhi.u32 $0x4EC4EC4F, s8;
	v12 =	vor.u32 v7, v9  }
0x2f8: {  	v10 =	vor.u32 v8, v10  }
0x2f9: {  	s5 =	sshrl.u32 s5, $0x3  }
0x2fa: {  	s6 =	smul.u32 $0x1A, s5;
	s9 =	sadd.s32 s24, s5  }
0x2fb: {  	s9 =	sshll.u32 s9, $0x7  }
0x2fc: {  	s5 =	smul.u32 $0x27, s5;
	s6 =	ssub.s32 s8, s6;
	v13 =	vmov s9;
	[tilespmem:v12+s12+$0x0] =	vst.idx.msk $0xffff, v11  }
.Ltmp18:
0x2fd: {  	v13 =	vor.u32 s6, v13;
	v12 =	vmov s6;
	v11 =	vld.idx.msk [tilespmem:v10+s14+$0x0], $0xffff;
	(pc) =	sbr.rel @p2 .LBB2_30-.Ltmp18, $4  }
0x2fe: {  	v10 =	vbroadcast v13, $0x0;
	v13 =	vadd.s32 s5, v12;
	v12 =	vor.u32 v8, v9  }
0x2ff: {  	v9 =	vadd.s32 $0xD, v13  }
0x300: {  	v9 =	vshll.u32 v9, $0x7  }
0x301: {  	v9 =	vbroadcast v9, $0x0  }
0x302: {  	_ =	sdelay $0x3  }
0x303: {  	[tilespmem:v12+s12+$0x0] =	vst.idx.msk $0xffff, v11  }
0x304: {  	v10 =	vld.idx.msk [tilespmem:v10+s11+$0x0], $0xffff;
	_ =	sdelay $0x4  }
0x305: {  	v10 =	vand.u32 $0x7, v10  }
0x306: {  	v10 =	vor.u32 s19, v10  }
0x307: {  	v10 =	vshll.u32 v10, $0x7  }
0x308: {  	v11 =	vor.u32 v0, v10;
	_ =	sdelay $0x4  }
0x309: {  	v59 =	vor.u32 v0, v9;
	v11 =	vld.idx.msk [tilespmem:v11+s14+$0x0], $0xffff  }
0x30a: {  	v13 =	vor.u32 v6, v10;
	_ =	sdelay $0x3  }
0x30b: {  	[tilespmem:v59+s12+$0x0] =	vst.idx.msk $0xffff, v11  }
0x30c: {  	v60 =	vor.u32 v6, v9;
	v11 =	vld.idx.msk [tilespmem:v13+s14+$0x0], $0xffff  }
0x30d: {  	v61 =	vor.u32 v7, v10;
	_ =	sdelay $0x3  }
0x30e: {  	[tilespmem:v60+s12+$0x0] =	vst.idx.msk $0xffff, v11  }
0x30f: {  	v62 =	vor.u32 v7, v9;
	v11 =	vld.idx.msk [tilespmem:v61+s14+$0x0], $0xffff  }
0x310: {  	v10 =	vor.u32 v8, v10;
	_ =	sdelay $0x3  }
0x311: {  	[tilespmem:v62+s12+$0x0] =	vst.idx.msk $0xffff, v11  }
0x312: {  	v9 =	vor.u32 v8, v9;
	v10 =	vld.idx.msk [tilespmem:v10+s14+$0x0], $0xffff  }
.Ltmp19:
0x313: {  	_ = 	snop;
	(pc) =	sbr.rel @p1 .LBB2_35-.Ltmp19, $2  }
0x314: {  	_ =	sdelay $0x2  }
0x315: {  	[tilespmem:v9+s12+$0x0] =	vst.idx.msk $0xffff, v10  }
0x316: {  	s5 =	smulhi.u32 $0x4EC4EC4F, s0;
	_ =	sdelay $0x1  }
0x317: {  	s6 =	sadd.s32 $0x0, s1;
	s5 =	sshrl.u32 s5, $0x3  }
0x318: {  	s8 =	sadd.s32 $0x18, s6;
	s5 =	smul.u32 $0x1A, s5  }
0x319: {  	s8 =	smulhi.u32 $0x4EC4EC4F, s8  }
0x31a: {  	s5 =	ssub.s32 s6, s5  }
0x31b: {  	s9 =	sshrl.u32 s8, $0x3;
	s5 =	sadd.s32 $0x18, s5  }
0x31c: {  	s6 =	sadd.s32 s24, s9;
	v9 =	vmov s5  }
0x31d: {  	s19 =	sshll.u32 s6, $0x7;
	v9 =	vand.u32 $0x7F, v9  }
0x31e: {  	v9 =	vor.u32 s19, v9  }
0x31f: {  	v9 =	vbroadcast v9, $0x0;
	_ =	sdelay $0x5  }
0x320: {  	v9 =	vld.idx.msk [tilespmem:v9+s11+$0x0], $0xffff;
	_ =	sdelay $0x4  }
0x321: {  	v9 =	vxor.u32 $0x80000000, v9  }
0x322: {  	(xrf0) =	vmax.scan.msk.u32 $0xffff, v9;
	_ =	sdelay $0x5  }
0x323: {  	v9, _, _ =	vpop (xrf0)  }
0x324: {  	(v2sf) =	vpush v9, $0xF;
	_ =	sdelay $0x8  }
0x325: {  	s19 =	sadd.s32 $0x1, s0  }
0x326: {  	s21 =	sadd.s32 $0x1, s1;
	s20 =	smulhi.u32 $0x4EC4EC4F, s19  }
0x327: {  	s23 =	sadd.s32 $0x18, s21  }
0x328: {  	s8 =	smulhi.u32 $0x4EC4EC4F, s23;
	s5 =	sshrl.u32 s20, $0x3  }
0x329: {  	s5 =	smul.u32 $0x1A, s5;
	_ =	sdelay $0x1  }
0x32a: {  	s8 =	sshrl.u32 s8, $0x3;
	s5 =	ssub.s32 s21, s5;
	s26 =	spop (v2sf)  }
0x32b: {  	s8 =	sadd.s32 s24, s8;
	s5 =	sadd.s32 $0x18, s5;
	s9 =	sxor.u32 $0x80000000, s26  }
0x32c: {  	p2 =	sgt.s32 s26, $0xFFFFFFFF;
	s20 =	sand.u32 $0x7, s26;
	p3 =	slt.s32 s9, $0x1  }
0x32d: {  	s9 =	sshra.s32 s9, $0x1F;
	p6 =	sne.s32 s20, $0x0;
	p2 =	por p2, p3  }
0x32e: {  	s21 =	sshll.u32 s8, $0x7;
	v9 =	vmov s5;
	s23 =	sshrl.u32 s9, $0x1D;
	p2 =	por !p6, !p2  }
0x32f: {  	v9 =	vand.u32 $0x7F, v9;
	s9 =	simm.s32 $0x1;
	s6 =	sadd.s32 s23, s26;
	p2 =	por !p2, !p2  }
0x330: {  	s8 =	simm.s32 $0xA800;
	v9 =	vor.u32 s21, v9;
	s26 =	sshrl.u32 s6, $0x3;
	s9 =	simm.s32 @!p2 $0x0  }
0x331: {  	s21 =	simm.s32 $0x2;
	v9 =	vbroadcast v9, $0x0;
	s20 =	simm.s32 $0xA800;
	s6 =	ssub.s32 s26, s9  }
.LBB2_33:
0x332: {  	s5 =	sshll.u32 s6, $0x7  }
0x333: {  	s8 =	sadd.s32 $0x400, s8;
	s6 =	smov.u32 s21;
	s9 =	sadd.s32 $0x1, s21  }
0x334: {  	p2 =	sne.s32 s21, $0x3;
	s5 =	sand.u32 $0x1FFFFF80, s5  }
0x335: {  	s5 =	sadd.s32 s4, s5  }
0x336: {  	[tilespmem:s20], [sflag:$0x3] =	stream.linear.gather [hbm4b:s5+s3], $0x400, $0x38;
	v63 =	vld [tilespmem:$0x0]  }
0x337: {  	s20 =	smov.u32 s8;
	v9 =	vld.idx.msk [tilespmem:v9+s11+$0x0], $0xffff;
	_ =	sdelay $0x5  }
0x338: {  	v9 =	vxor.u32 $0x80000000, v9  }
0x339: {  	(xrf0) =	vmax.scan.msk.u32 $0xffff, v9;
	_ =	sdelay $0x5  }
0x33a: {  	v9, _, _ =	vpop (xrf0)  }
0x33b: {  	(v2sf) =	vpush v9, $0xF;
	_ =	sdelay $0x7  }
0x33c: {  	s19 =	sadd.s32 $0x1, s19  }
0x33d: {  	s6 =	sadd.s32 s6, s1;
	s5 =	smulhi.u32 $0x4EC4EC4F, s19  }
0x33e: {  	s21 =	sadd.s32 $0x18, s6  }
0x33f: {  	s21 =	smulhi.u32 $0x4EC4EC4F, s21;
	s5 =	sshrl.u32 s5, $0x3  }
0x340: {  	s5 =	smul.u32 $0x1A, s5;
	_ =	sdelay $0x1  }
0x341: {  	s21 =	sshrl.u32 s21, $0x3;
	s5 =	ssub.s32 s6, s5  }
0x342: {  	s21 =	sadd.s32 s24, s21;
	s5 =	sadd.s32 $0x18, s5;
	s6 =	spop (v2sf)  }
0x343: {  	s21 =	sshll.u32 s21, $0x7;
	v9 =	vmov s5;
	s23 =	sxor.u32 $0x80000000, s6  }
0x344: {  	v9 =	vand.u32 $0x7F, v9;
	p3 =	sgt.s32 s6, $0xFFFFFFFF;
	s5 =	sand.u32 $0x7, s6;
	s26 =	sshra.s32 s23, $0x1F  }
0x345: {  	v9 =	vor.u32 s21, v9;
	p4 =	slt.s32 s23, $0x1;
	s21 =	sshrl.u32 s26, $0x1D  }
.Ltmp20:
0x346: {  	p3 =	por p3, p4;
	p4 =	sne.s32 s5, $0x0;
	(pc) =	sbr.rel @p2 .LBB2_33-.Ltmp20, $4  }
0x347: {  	v9 =	vbroadcast v9, $0x0;
	s5 =	sadd.s32 s21, s6;
	p3 =	por !p4, !p3  }
0x348: {  	s6 =	simm.s32 $0x1;
	p3 =	por !p3, !p3  }
0x349: {  	s5 =	sshrl.u32 s5, $0x3;
	s6 =	simm.s32 @!p3 $0x0  }
0x34a: {  	s21 =	smov.u32 s9;
	s6 =	ssub.s32 s5, s6  }
0x34b: {  	s5 =	sshll.u32 s6, $0x7  }
0x34c: {  	s5 =	sand.u32 $0x1FFFFF80, s5  }
0x34d: {  	s5 =	sadd.s32 s4, s5  }
0x34e: {  	[tilespmem:s20], [sflag:$0x3] =	stream.linear.gather [hbm4b:s5+s3], $0x400, $0x38;
	v63 =	vld [tilespmem:$0x0]  }
0x34f: {  	v9 =	vld.idx.msk [tilespmem:v9+s11+$0x0], $0xffff;
	_ =	sdelay $0x4  }
0x350: {  	v9 =	vxor.u32 $0x80000000, v9  }
0x351: {  	(xrf0) =	vmax.scan.msk.u32 $0xffff, v9;
	_ =	sdelay $0x5  }
0x352: {  	v9, _, _ =	vpop (xrf0)  }
0x353: {  	(v2sf) =	vpush v9, $0xF;
	_ =	sdelay $0xe  }
0x354: {  	s21 =	spop (v2sf)  }
0x355: {  	s23 =	sxor.u32 $0x80000000, s21  }
0x356: {  	p2 =	sgt.s32 s21, $0xFFFFFFFF;
	s9 =	sand.u32 $0x7, s21;
	p3 =	slt.s32 s23, $0x1  }
0x357: {  	s6 =	sshra.s32 s23, $0x1F;
	p6 =	sne.s32 s9, $0x0;
	p2 =	por p2, p3  }
0x358: {  	s6 =	sshrl.u32 s6, $0x1D;
	p2 =	por !p6, !p2  }
0x359: {  	s5 =	sadd.s32 s6, s21;
	s6 =	simm.s32 $0x1;
	p2 =	por !p2, !p2  }
0x35a: {  	s5 =	sshrl.u32 s5, $0x3;
	s6 =	simm.s32 @!p2 $0x0  }
0x35b: {  	s5 =	ssub.s32 s5, s6  }
0x35c: {  	s5 =	sshll.u32 s5, $0x7  }
0x35d: {  	s5 =	sand.u32 $0x1FFFFF80, s5  }
0x35e: {  	s26 =	sadd.s32 $0x400, s8;
	s5 =	sadd.s32 s4, s5  }
0x35f: {  	[tilespmem:s26], [sflag:$0x3] =	stream.linear.gather [hbm4b:s5+s3], $0x400, $0x38;
	v63 =	vld [tilespmem:$0x0]  }
.LBB2_35:
0x360: {  	s5 =	smulhi.u32 $0x4EC4EC4F, s25  }
0x361: {  	_ =	swait.ge [sflag:s17], $0x400  }
0x362: {  	[sflag:s17] =	ssyncset.done $0x0;
	s5 =	sshrl.u32 s5, $0x3  }
0x363: {  	[sflag:s17] =	ssyncadd.s32 $0xFFFFFC00;
	s6 =	smul.u32 $0x1A, s5;
	s8 =	sadd.s32 s24, s5  }
0x364: {  	_ =	swait.ge [sflag:s17], $0x400;
	s8 =	sshll.u32 s8, $0x7  }
0x365: {  	[sflag:s17] =	ssyncset.done $0x0;
	s6 =	ssub.s32 s25, s6;
	v9 =	vmov s8  }
0x366: {  	[sflag:s17] =	ssyncadd.s32 $0xFFFFFC00;
	v9 =	vor.u32 s6, v9  }
0x367: {  	_ =	swait.ge [sflag:s17], $0x400;
	v9 =	vbroadcast v9, $0x0  }
0x368: {  	[sflag:s17] =	ssyncset.done $0x0  }
0x369: {  	[sflag:s17] =	ssyncadd.s32 $0xFFFFFC00  }
0x36a: {  	_ =	swait.ge [sflag:s17], $0x400  }
0x36b: {  	[sflag:s17] =	ssyncset.done $0x0  }
0x36c: {  	[sflag:s17] =	ssyncadd.s32 $0xFFFFFC00  }
0x36d: {  	v9 =	vld.idx.msk [tilespmem:v9+s11+$0x0], $0xffff;
	_ =	sdelay $0x4  }
0x36e: {  	s21 =	simm.s32 $0x60;
	v9 =	vand.u32 $0x7, v9  }
0x36f: {  	s5 =	smul.u32 $0x27, s5;
	v9 =	vor.u32 s21, v9  }
0x370: {  	v10 =	vmov s6;
	v9 =	vshll.u32 v9, $0x7  }
0x371: {  	v10 =	vadd.s32 s5, v10;
	v11 =	vor.u32 v0, v9  }
0x372: {  	v10 =	vadd.s32 $0xD, v10  }
0x373: {  	v10 =	vshll.u32 v10, $0x7  }
0x374: {  	v12 =	vbroadcast v10, $0x0;
	_ =	sdelay $0x1  }
0x375: {  	v10 =	vld.idx.msk [tilespmem:v11+s14+$0x0], $0xffff;
	v11 =	vor.u32 v0, v12  }
0x376: {  	v13 =	vor.u32 v6, v9;
	_ =	sdelay $0x3  }
0x377: {  	[tilespmem:v11+s12+$0x0] =	vst.idx.msk $0xffff, v10  }
0x378: {  	v11 =	vor.u32 v6, v12;
	v10 =	vld.idx.msk [tilespmem:v13+s14+$0x0], $0xffff  }
0x379: {  	v13 =	vor.u32 v7, v9;
	_ =	sdelay $0x1  }
0x37a: {  	s8 =	sadd.s32 $0x1, s25  }
0x37b: {  	s23 =	smulhi.u32 $0x4EC4EC4F, s8  }
0x37c: {  	[tilespmem:v11+s12+$0x0] =	vst.idx.msk $0xffff, v10  }
0x37d: {  	s5 =	sshrl.u32 s23, $0x3;
	v11 =	vor.u32 v7, v12;
	v10 =	vld.idx.msk [tilespmem:v13+s14+$0x0], $0xffff  }
0x37e: {  	s26 =	smul.u32 $0x1A, s5;
	v9 =	vor.u32 v8, v9  }
0x37f: {  	s9 =	smul.u32 $0x27, s5;
	s5 =	sadd.s32 s24, s5  }
0x380: {  	s5 =	sshll.u32 s5, $0x7  }
0x381: {  	s6 =	ssub.s32 s8, s26;
	v14 =	vmov s5  }
0x382: {  	v13 =	vmov s6;
	[tilespmem:v11+s12+$0x0] =	vst.idx.msk $0xffff, v10;
	v10 =	vor.u32 s6, v14  }
0x383: {  	v12 =	vor.u32 v8, v12;
	v13 =	vadd.s32 s9, v13;
	v11 =	vld.idx.msk [tilespmem:v9+s14+$0x0], $0xffff;
	v10 =	vbroadcast v10, $0x0  }
0x384: {  	v13 =	vadd.s32 $0xD, v13  }
0x385: {  	v13 =	vshll.u32 v13, $0x7  }
0x386: {  	s19 =	simm.s32 $0x68;
	s20 =	simm.s32 $0x70;
	v9 =	vbroadcast v13, $0x0  }
.LBB2_36:
0x387: {  	_ = 	snop  }
0x388: {  	p2 =	sne.s32 s20, $0x78;
	[tilespmem:v12+s12+$0x0] =	vst.idx.msk $0xffff, v11;
	s5 =	smov.u32 s20;
	s20 =	sadd.s32 $0x8, s20  }
0x389: {  	v10 =	vld.idx.msk [tilespmem:v10+s11+$0x0], $0xffff;
	_ =	sdelay $0x5  }
0x38a: {  	v10 =	vand.u32 $0x7, v10  }
0x38b: {  	v10 =	vor.u32 s19, v10;
	s19 =	smov.u32 s5  }
0x38c: {  	v10 =	vshll.u32 v10, $0x7  }
0x38d: {  	v11 =	vor.u32 v0, v10;
	_ =	sdelay $0x4  }
0x38e: {  	v11 =	vld.idx.msk [tilespmem:v11+s14+$0x0], $0xffff  }
0x38f: {  	v12 =	vor.u32 v0, v9  }
0x390: {  	v13 =	vor.u32 v6, v10;
	_ =	sdelay $0x3  }
0x391: {  	[tilespmem:v12+s12+$0x0] =	vst.idx.msk $0xffff, v11  }
0x392: {  	v11 =	vld.idx.msk [tilespmem:v13+s14+$0x0], $0xffff  }
0x393: {  	v12 =	vor.u32 v6, v9  }
0x394: {  	v13 =	vor.u32 v7, v10;
	_ =	sdelay $0x3  }
0x395: {  	[tilespmem:v12+s12+$0x0] =	vst.idx.msk $0xffff, v11  }
0x396: {  	s8 =	sadd.s32 $0x1, s8;
	v11 =	vld.idx.msk [tilespmem:v13+s14+$0x0], $0xffff  }
0x397: {  	s5 =	smulhi.u32 $0x4EC4EC4F, s8;
	v12 =	vor.u32 v7, v9  }
0x398: {  	v10 =	vor.u32 v8, v10  }
0x399: {  	s5 =	sshrl.u32 s5, $0x3  }
0x39a: {  	s6 =	smul.u32 $0x1A, s5;
	s9 =	sadd.s32 s24, s5  }
0x39b: {  	s9 =	sshll.u32 s9, $0x7  }
0x39c: {  	s5 =	smul.u32 $0x27, s5;
	s6 =	ssub.s32 s8, s6;
	v13 =	vmov s9;
	[tilespmem:v12+s12+$0x0] =	vst.idx.msk $0xffff, v11  }
.Ltmp21:
0x39d: {  	v13 =	vor.u32 s6, v13;
	v12 =	vmov s6;
	v11 =	vld.idx.msk [tilespmem:v10+s14+$0x0], $0xffff;
	(pc) =	sbr.rel @p2 .LBB2_36-.Ltmp21, $4  }
0x39e: {  	v10 =	vbroadcast v13, $0x0;
	v13 =	vadd.s32 s5, v12;
	v12 =	vor.u32 v8, v9  }
0x39f: {  	v9 =	vadd.s32 $0xD, v13  }
0x3a0: {  	v9 =	vshll.u32 v9, $0x7  }
0x3a1: {  	v9 =	vbroadcast v9, $0x0  }
0x3a2: {  	_ =	sdelay $0x3  }
0x3a3: {  	[tilespmem:v12+s12+$0x0] =	vst.idx.msk $0xffff, v11  }
0x3a4: {  	v10 =	vld.idx.msk [tilespmem:v10+s11+$0x0], $0xffff;
	_ =	sdelay $0x4  }
0x3a5: {  	v10 =	vand.u32 $0x7, v10  }
0x3a6: {  	v10 =	vor.u32 s19, v10  }
0x3a7: {  	v10 =	vshll.u32 v10, $0x7  }
0x3a8: {  	v11 =	vor.u32 v0, v10;
	_ =	sdelay $0x4  }
0x3a9: {  	v59 =	vor.u32 v0, v9;
	v11 =	vld.idx.msk [tilespmem:v11+s14+$0x0], $0xffff  }
0x3aa: {  	v13 =	vor.u32 v6, v10;
	_ =	sdelay $0x3  }
0x3ab: {  	[tilespmem:v59+s12+$0x0] =	vst.idx.msk $0xffff, v11  }
0x3ac: {  	v60 =	vor.u32 v6, v9;
	v11 =	vld.idx.msk [tilespmem:v13+s14+$0x0], $0xffff  }
0x3ad: {  	v61 =	vor.u32 v7, v10;
	_ =	sdelay $0x3  }
0x3ae: {  	[tilespmem:v60+s12+$0x0] =	vst.idx.msk $0xffff, v11  }
0x3af: {  	v62 =	vor.u32 v7, v9;
	v11 =	vld.idx.msk [tilespmem:v61+s14+$0x0], $0xffff  }
0x3b0: {  	v10 =	vor.u32 v8, v10;
	_ =	sdelay $0x3  }
0x3b1: {  	[tilespmem:v62+s12+$0x0] =	vst.idx.msk $0xffff, v11  }
0x3b2: {  	v9 =	vor.u32 v8, v9;
	v10 =	vld.idx.msk [tilespmem:v10+s14+$0x0], $0xffff  }
.Ltmp22:
0x3b3: {  	_ = 	snop;
	(pc) =	sbr.rel @p1 .LBB2_41-.Ltmp22, $2  }
0x3b4: {  	_ =	sdelay $0x2  }
0x3b5: {  	[tilespmem:v9+s12+$0x0] =	vst.idx.msk $0xffff, v10  }
0x3b6: {  	s5 =	smulhi.u32 $0x4EC4EC4F, s2;
	_ =	sdelay $0x1  }
0x3b7: {  	s6 =	sadd.s32 $0x0, s1;
	s5 =	sshrl.u32 s5, $0x3  }
0x3b8: {  	s8 =	sadd.s32 $0x1C, s6;
	s5 =	smul.u32 $0x1A, s5  }
0x3b9: {  	s8 =	smulhi.u32 $0x4EC4EC4F, s8  }
0x3ba: {  	s5 =	ssub.s32 s6, s5  }
0x3bb: {  	s9 =	sshrl.u32 s8, $0x3;
	s5 =	sadd.s32 $0x1C, s5  }
0x3bc: {  	s6 =	sadd.s32 s24, s9;
	v9 =	vmov s5  }
0x3bd: {  	s19 =	sshll.u32 s6, $0x7;
	v9 =	vand.u32 $0x7F, v9  }
0x3be: {  	v9 =	vor.u32 s19, v9  }
0x3bf: {  	v9 =	vbroadcast v9, $0x0;
	_ =	sdelay $0x5  }
0x3c0: {  	v9 =	vld.idx.msk [tilespmem:v9+s11+$0x0], $0xffff;
	_ =	sdelay $0x4  }
0x3c1: {  	v9 =	vxor.u32 $0x80000000, v9  }
0x3c2: {  	(xrf0) =	vmax.scan.msk.u32 $0xffff, v9;
	_ =	sdelay $0x5  }
0x3c3: {  	v9, _, _ =	vpop (xrf0)  }
0x3c4: {  	(v2sf) =	vpush v9, $0xF;
	_ =	sdelay $0x8  }
0x3c5: {  	s19 =	sadd.s32 $0x1, s2  }
0x3c6: {  	s21 =	sadd.s32 $0x1, s1;
	s20 =	smulhi.u32 $0x4EC4EC4F, s19  }
0x3c7: {  	s23 =	sadd.s32 $0x1C, s21  }
0x3c8: {  	s8 =	smulhi.u32 $0x4EC4EC4F, s23;
	s5 =	sshrl.u32 s20, $0x3  }
0x3c9: {  	s5 =	smul.u32 $0x1A, s5;
	_ =	sdelay $0x1  }
0x3ca: {  	s8 =	sshrl.u32 s8, $0x3;
	s5 =	ssub.s32 s21, s5;
	s26 =	spop (v2sf)  }
0x3cb: {  	s8 =	sadd.s32 s24, s8;
	s5 =	sadd.s32 $0x1C, s5;
	s9 =	sxor.u32 $0x80000000, s26  }
0x3cc: {  	p1 =	sgt.s32 s26, $0xFFFFFFFF;
	s20 =	sand.u32 $0x7, s26;
	p2 =	slt.s32 s9, $0x1  }
0x3cd: {  	s9 =	sshra.s32 s9, $0x1F;
	p6 =	sne.s32 s20, $0x0;
	p1 =	por p1, p2  }
0x3ce: {  	s21 =	sshll.u32 s8, $0x7;
	v9 =	vmov s5;
	s23 =	sshrl.u32 s9, $0x1D;
	p1 =	por !p6, !p1  }
0x3cf: {  	v9 =	vand.u32 $0x7F, v9;
	s9 =	simm.s32 $0x1;
	s6 =	sadd.s32 s23, s26;
	p1 =	por !p1, !p1  }
0x3d0: {  	s8 =	simm.s32 $0xB800;
	v9 =	vor.u32 s21, v9;
	s26 =	sshrl.u32 s6, $0x3;
	s9 =	simm.s32 @!p1 $0x0  }
0x3d1: {  	s21 =	simm.s32 $0x2;
	v9 =	vbroadcast v9, $0x0;
	s20 =	simm.s32 $0xB800;
	s6 =	ssub.s32 s26, s9  }
.LBB2_39:
0x3d2: {  	s5 =	sshll.u32 s6, $0x7  }
0x3d3: {  	s8 =	sadd.s32 $0x400, s8;
	s6 =	smov.u32 s21;
	s9 =	sadd.s32 $0x1, s21  }
0x3d4: {  	p1 =	sne.s32 s21, $0x3;
	s5 =	sand.u32 $0x1FFFFF80, s5  }
0x3d5: {  	s5 =	sadd.s32 s4, s5  }
0x3d6: {  	[tilespmem:s20], [sflag:$0x4] =	stream.linear.gather [hbm4b:s5+s3], $0x400, $0x38;
	v63 =	vld [tilespmem:$0x0]  }
0x3d7: {  	s20 =	smov.u32 s8;
	v9 =	vld.idx.msk [tilespmem:v9+s11+$0x0], $0xffff;
	_ =	sdelay $0x5  }
0x3d8: {  	v9 =	vxor.u32 $0x80000000, v9  }
0x3d9: {  	(xrf0) =	vmax.scan.msk.u32 $0xffff, v9;
	_ =	sdelay $0x5  }
0x3da: {  	v9, _, _ =	vpop (xrf0)  }
0x3db: {  	(v2sf) =	vpush v9, $0xF;
	_ =	sdelay $0x7  }
0x3dc: {  	s19 =	sadd.s32 $0x1, s19  }
0x3dd: {  	s6 =	sadd.s32 s6, s1;
	s5 =	smulhi.u32 $0x4EC4EC4F, s19  }
0x3de: {  	s21 =	sadd.s32 $0x1C, s6  }
0x3df: {  	s21 =	smulhi.u32 $0x4EC4EC4F, s21;
	s5 =	sshrl.u32 s5, $0x3  }
0x3e0: {  	s5 =	smul.u32 $0x1A, s5;
	_ =	sdelay $0x1  }
0x3e1: {  	s21 =	sshrl.u32 s21, $0x3;
	s5 =	ssub.s32 s6, s5  }
0x3e2: {  	s21 =	sadd.s32 s24, s21;
	s5 =	sadd.s32 $0x1C, s5;
	s6 =	spop (v2sf)  }
0x3e3: {  	s21 =	sshll.u32 s21, $0x7;
	v9 =	vmov s5;
	s23 =	sxor.u32 $0x80000000, s6  }
0x3e4: {  	v9 =	vand.u32 $0x7F, v9;
	p2 =	sgt.s32 s6, $0xFFFFFFFF;
	s5 =	sand.u32 $0x7, s6;
	s26 =	sshra.s32 s23, $0x1F  }
0x3e5: {  	v9 =	vor.u32 s21, v9;
	p3 =	slt.s32 s23, $0x1;
	s21 =	sshrl.u32 s26, $0x1D  }
.Ltmp23:
0x3e6: {  	p2 =	por p2, p3;
	p3 =	sne.s32 s5, $0x0;
	(pc) =	sbr.rel @p1 .LBB2_39-.Ltmp23, $4  }
0x3e7: {  	v9 =	vbroadcast v9, $0x0;
	s5 =	sadd.s32 s21, s6;
	p2 =	por !p3, !p2  }
0x3e8: {  	s6 =	simm.s32 $0x1;
	p2 =	por !p2, !p2  }
0x3e9: {  	s5 =	sshrl.u32 s5, $0x3;
	s6 =	simm.s32 @!p2 $0x0  }
0x3ea: {  	s21 =	smov.u32 s9;
	s6 =	ssub.s32 s5, s6  }
0x3eb: {  	s5 =	sshll.u32 s6, $0x7  }
0x3ec: {  	s5 =	sand.u32 $0x1FFFFF80, s5  }
0x3ed: {  	s5 =	sadd.s32 s4, s5  }
0x3ee: {  	[tilespmem:s20], [sflag:$0x4] =	stream.linear.gather [hbm4b:s5+s3], $0x400, $0x38;
	v63 =	vld [tilespmem:$0x0]  }
0x3ef: {  	v9 =	vld.idx.msk [tilespmem:v9+s11+$0x0], $0xffff;
	_ =	sdelay $0x4  }
0x3f0: {  	v9 =	vxor.u32 $0x80000000, v9  }
0x3f1: {  	(xrf0) =	vmax.scan.msk.u32 $0xffff, v9;
	_ =	sdelay $0x5  }
0x3f2: {  	v9, _, _ =	vpop (xrf0)  }
0x3f3: {  	(v2sf) =	vpush v9, $0xF;
	_ =	sdelay $0xe  }
0x3f4: {  	s21 =	spop (v2sf)  }
0x3f5: {  	s26 =	sadd.s32 $0x400, s8;
	s23 =	sxor.u32 $0x80000000, s21  }
0x3f6: {  	p1 =	sgt.s32 s21, $0xFFFFFFFF;
	s9 =	sand.u32 $0x7, s21;
	p2 =	slt.s32 s23, $0x1  }
0x3f7: {  	s6 =	sshra.s32 s23, $0x1F;
	p6 =	sne.s32 s9, $0x0;
	p1 =	por p1, p2  }
0x3f8: {  	s7 =	sadd.s32 $0x1, s7;
	s6 =	sshrl.u32 s6, $0x1D;
	p1 =	por !p6, !p1  }
0x3f9: {  	s5 =	sadd.s32 s6, s21;
	s6 =	simm.s32 $0x1;
	p1 =	por !p1, !p1  }
0x3fa: {  	s1 =	sadd.s32 $0x10, s1;
	s5 =	sshrl.u32 s5, $0x3;
	s6 =	simm.s32 @!p1 $0x0  }
.Ltmp24:
0x3fb: {  	s28 =	sadd.s32 $0x10, s28;
	s5 =	ssub.s32 s5, s6;
	(pc) =	sbr.rel .LBB2_15-.Ltmp24, $4  }
0x3fc: {  	s29 =	sadd.s32 $0x10, s29;
	s30 =	sadd.s32 $0x10, s30;
	s5 =	sshll.u32 s5, $0x7  }
0x3fd: {  	s31 =	sadd.s32 $0x10, s31;
	s0 =	sadd.s32 $0x10, s0;
	s5 =	sand.u32 $0x1FFFFF80, s5  }
0x3fe: {  	s25 =	sadd.s32 $0x10, s25;
	s2 =	sadd.s32 $0x10, s2;
	s5 =	sadd.s32 s4, s5  }
0x3ff: {  	[tilespmem:s26], [sflag:$0x4] =	stream.linear.gather [hbm4b:s5+s3], $0x400, $0x38;
	v63 =	vld [tilespmem:$0x0]  }
.LBB2_16:
.Ltmp25:
0x400: {  	(pc) =	sbr.rel .LBB2_19-.Ltmp25, $2  }
0x401: {  	_ =	sdelay $0x2  }
0x402: {  	s8 =	simm.s32 $0x0  }
.LBB2_41:
0x403: {  	s0 =	rddreg [dreg:$0x4]  }
0x404: {  	s0 =	sadd.s32 s0, s24  }
0x405: {  	s0 =	smul.u32 $0x270, s0  }
0x406: {  	s1 =	rddreg [dreg:$0x5]  }
0x407: {  	s0 =	sadd.s32 s1, s0  }
0x408: {  	[hbm4b:s0+s3] =	stream.linear.scatter [tilespmem:s12], [sflag:$0x5], $0x9C00, $0x38;
	v63 =	vld [tilespmem:$0x0]  }
0x409: {  	s0 =	simm.s32 @!p0 $0x6  }
0x40a: {  	_ =	swait.ge @!p0 [sflag:s0], $0x9C00  }
0x40b: {  	s28 =	simm.s32 $0x0;
	[sflag:s0] =	ssyncset.done @!p0 $0x0  }
0x40c: {  	[sflag:s0] =	ssyncadd.s32 @!p0 $0xFFFF6400;
	s0 =	smul.u32 $0x4F, s28;
	_ =	sdelay $0x1  }
0x40d: {  	s0 =	sshrl.u32 s0, $0xA  }
0x40e: {  	s0 =	sand.u32 $0x3F, s0  }
0x40f: {  	s29 =	smul.u32 $0xD, s0;
	_ =	sdelay $0x1  }
0x410: {  	s1 =	ssub.s32 $0x0, s29  }
0x411: {  	s24 =	sor.u32 $0x8, s24;
	s1 =	sand.u32 $0xFF, s1  }
0x412: {  	s2 =	sadd.s32 s0, s24;
	v9 =	vmov s1  }
0x413: {  	s2 =	sshll.u32 s2, $0x7;
	v9 =	vshll.u32 v9, $0x7  }
0x414: {  	s2 =	sor.u32 s1, s2;
	v9 =	vbroadcast v9, $0x0  }
0x415: {  	v10 =	vmov s2  }
0x416: {  	v11 =	vor.u32 v0, v9;
	_ =	sdelay $0x2  }
0x417: {  	s0 =	smul.u32 $0x27, s0  }
0x418: {  	v13 =	vld.idx.msk [tilespmem:v10+s3+$0x0], $0xffff  }
0x419: {  	s0 =	sadd.s32 s1, s0;
	v10 =	vld.idx.msk [tilespmem:v11+s10+$0x0], $0xffff  }
0x41a: {  	s0 =	sshll.u32 s0, $0x7  }
0x41b: {  	v11 =	vor.u32 s0, v0  }
0x41c: {  	v12 =	vor.u32 v6, v9;
	_ =	sdelay $0x1  }
0x41d: {  	v10 =	vmul.f32 v10, v13;
	_ =	sdelay $0x1  }
0x41e: {  	[tilespmem:v11+s18+$0x0] =	vst.idx.msk $0xffff, v10  }
0x41f: {  	v10 =	vld.idx.msk [tilespmem:v12+s10+$0x0], $0xffff;
	_ =	sdelay $0x1  }
0x420: {  	v11 =	vor.u32 s0, v6  }
0x421: {  	v12 =	vor.u32 v7, v9;
	_ =	sdelay $0x1  }
0x422: {  	v10 =	vmul.f32 v10, v13;
	_ =	sdelay $0x1  }
0x423: {  	s30 =	simm.s32 $0x1;
	[tilespmem:v11+s18+$0x0] =	vst.idx.msk $0xffff, v10  }
0x424: {  	s1 =	smul.u32 $0x4F, s30;
	v10 =	vld.idx.msk [tilespmem:v12+s10+$0x0], $0xffff;
	_ =	sdelay $0x1  }
0x425: {  	s1 =	sshrl.u32 s1, $0xA;
	v11 =	vor.u32 s0, v7  }
0x426: {  	s1 =	sand.u32 $0x3F, s1;
	v9 =	vor.u32 v8, v9  }
0x427: {  	s31 =	smul.u32 $0xD, s1  }
0x428: {  	v10 =	vmul.f32 v10, v13  }
0x429: {  	s2 =	ssub.s32 $0x1, s31  }
0x42a: {  	s2 =	sand.u32 $0xFF, s2;
	[tilespmem:v11+s18+$0x0] =	vst.idx.msk $0xffff, v10  }
0x42b: {  	s5 =	sadd.s32 s1, s24;
	v14 =	vld.idx.msk [tilespmem:v9+s10+$0x0], $0xffff;
	v9 =	vmov s2  }
0x42c: {  	s5 =	sshll.u32 s5, $0x7;
	v9 =	vshll.u32 v9, $0x7  }
0x42d: {  	s1 =	smul.u32 $0x27, s1;
	s5 =	sor.u32 s2, s5;
	v10 =	vor.u32 s0, v8;
	v9 =	vbroadcast v9, $0x0  }
0x42e: {  	v11 =	vmov s5  }
0x42f: {  	s2 =	sadd.s32 s2, s1;
	v12 =	vor.u32 v0, v9  }
0x430: {  	s1 =	simm.s32 $0x2;
	s0 =	sshll.u32 s2, $0x7;
	v13 =	vmul.f32 v14, v13  }
.LBB2_42:
0x431: {  	_ = 	snop  }
0x432: {  	p0 =	seq.s32 s1, $0x67;
	s2 =	smov.u32 s1;
	s1 =	sadd.s32 $0x1, s1;
	[tilespmem:v10+s18+$0x0] =	vst.idx.msk $0xffff, v13  }
0x433: {  	v13 =	vld.idx.msk [tilespmem:v11+s3+$0x0], $0xffff  }
0x434: {  	v10 =	vld.idx.msk [tilespmem:v12+s10+$0x0], $0xffff;
	_ =	sdelay $0x2  }
0x435: {  	v11 =	vor.u32 s0, v0  }
0x436: {  	v12 =	vor.u32 v6, v9;
	_ =	sdelay $0x1  }
0x437: {  	v10 =	vmul.f32 v10, v13;
	_ =	sdelay $0x1  }
0x438: {  	[tilespmem:v11+s18+$0x0] =	vst.idx.msk $0xffff, v10  }
0x439: {  	v10 =	vld.idx.msk [tilespmem:v12+s10+$0x0], $0xffff;
	_ =	sdelay $0x2  }
0x43a: {  	v11 =	vor.u32 s0, v6  }
0x43b: {  	v12 =	vor.u32 v7, v9;
	_ =	sdelay $0x1  }
0x43c: {  	v10 =	vmul.f32 v10, v13;
	_ =	sdelay $0x1  }
0x43d: {  	[tilespmem:v11+s18+$0x0] =	vst.idx.msk $0xffff, v10  }
0x43e: {  	v10 =	vld.idx.msk [tilespmem:v12+s10+$0x0], $0xffff;
	_ =	sdelay $0x1  }
0x43f: {  	s5 =	smul.u32 $0x4F, s2  }
0x440: {  	v11 =	vor.u32 s0, v7  }
0x441: {  	s5 =	sshrl.u32 s5, $0xA;
	v9 =	vor.u32 v8, v9  }
0x442: {  	s5 =	sand.u32 $0x3F, s5  }
0x443: {  	s6 =	smul.u32 $0xD, s5;
	s7 =	sadd.s32 s5, s24;
	v10 =	vmul.f32 v10, v13;
	_ =	sdelay $0x1  }
0x444: {  	s5 =	smul.u32 $0x27, s5;
	s2 =	ssub.s32 s2, s6;
	[tilespmem:v11+s18+$0x0] =	vst.idx.msk $0xffff, v10  }
0x445: {  	s6 =	sshll.u32 s7, $0x7;
	s2 =	sand.u32 $0xFF, s2;
	v14 =	vld.idx.msk [tilespmem:v9+s10+$0x0], $0xffff  }
0x446: {  	s6 =	sor.u32 s2, s6;
	v9 =	vmov s2;
	s2 =	sadd.s32 s2, s5  }
.Ltmp26:
0x447: {  	v9 =	vshll.u32 v9, $0x7;
	s2 =	sshll.u32 s2, $0x7;
	(pc) =	sbr.rel @!p0 .LBB2_42-.Ltmp26, $4  }
0x448: {  	v10 =	vor.u32 s0, v8;
	v9 =	vbroadcast v9, $0x0;
	s0 =	smov.u32 s2  }
0x449: {  	v11 =	vmov s6  }
0x44a: {  	v12 =	vor.u32 v0, v9  }
0x44b: {  	v13 =	vmul.f32 v14, v13  }
0x44c: {  	_ =	sdelay $0x3  }
0x44d: {  	[tilespmem:v10+s18+$0x0] =	vst.idx.msk $0xffff, v13  }
0x44e: {  	v10 =	vld.idx.msk [tilespmem:v11+s3+$0x0], $0xffff  }
0x44f: {  	v11 =	vld.idx.msk [tilespmem:v12+s10+$0x0], $0xffff;
	_ =	sdelay $0x1  }
0x450: {  	v58 =	vor.u32 s0, v0  }
0x451: {  	v59 =	vor.u32 v6, v9;
	_ =	sdelay $0x1  }
0x452: {  	v11 =	vmul.f32 v11, v10;
	_ =	sdelay $0x1  }
0x453: {  	[tilespmem:v58+s18+$0x0] =	vst.idx.msk $0xffff, v11  }
0x454: {  	v11 =	vld.idx.msk [tilespmem:v59+s10+$0x0], $0xffff;
	_ =	sdelay $0x1  }
0x455: {  	v60 =	vor.u32 s0, v6  }
0x456: {  	v61 =	vor.u32 v7, v9;
	_ =	sdelay $0x1  }
0x457: {  	v11 =	vmul.f32 v11, v10;
	_ =	sdelay $0x1  }
0x458: {  	[tilespmem:v60+s18+$0x0] =	vst.idx.msk $0xffff, v11  }
0x459: {  	v11 =	vld.idx.msk [tilespmem:v61+s10+$0x0], $0xffff;
	_ =	sdelay $0x1  }
0x45a: {  	v62 =	vor.u32 s0, v7  }
0x45b: {  	v9 =	vor.u32 v8, v9;
	_ =	sdelay $0x1  }
0x45c: {  	v11 =	vmul.f32 v11, v10;
	_ =	sdelay $0x1  }
0x45d: {  	[tilespmem:v62+s18+$0x0] =	vst.idx.msk $0xffff, v11  }
0x45e: {  	v9 =	vld.idx.msk [tilespmem:v9+s10+$0x0], $0xffff;
	_ =	sdelay $0x1  }
0x45f: {  	v11 =	vor.u32 s0, v8;
	_ =	sdelay $0x2  }
0x460: {  	s1 =	simm.s32 $0x0;
	v9 =	vmul.f32 v9, v10  }
0x461: {  	s29 =	sshll.u32 s24, $0x7;
	v10 =	vmov s1  }
0x462: {  	v10 =	vand.u32 $0x7F, v10;
	[tilespmem:v11+s18+$0x0] =	vst.idx.msk $0xffff, v9;
	v9 =	vmov s29  }
0x463: {  	v10 =	vadd.s32 v9, v10  }
0x464: {  	v10 =	vbroadcast v10, $0x0;
	_ =	sdelay $0x5  }
0x465: {  	v10 =	vld.idx.msk [tilespmem:v10+s11+$0x0], $0xffff;
	_ =	sdelay $0x4  }
0x466: {  	v10 =	vxor.u32 $0x80000000, v10  }
0x467: {  	(xrf0) =	vmax.scan.msk.u32 $0xffff, v10;
	_ =	sdelay $0x5  }
0x468: {  	v10, _, _ =	vpop (xrf0)  }
0x469: {  	(v2sf) =	vpush v10, $0xF;
	_ =	sdelay $0xe  }
0x46a: {  	s30 =	spop (v2sf)  }
0x46b: {  	s31 =	simm.s32 $0x1;
	s2 =	sxor.u32 $0x80000000, s30  }
0x46c: {  	s5 =	sand.u32 $0x7, s30;
	p0 =	sgt.s32 s30, $0xFFFFFFFF;
	p1 =	slt.s32 s2, $0x1  }
0x46d: {  	v10 =	vmov s31;
	s2 =	sshra.s32 s2, $0x1F;
	p6 =	sne.s32 s5, $0x0;
	p0 =	por p0, p1  }
0x46e: {  	v10 =	vand.u32 $0x7F, v10;
	s2 =	sshrl.u32 s2, $0x1D;
	p0 =	por !p6, !p0  }
0x46f: {  	v10 =	vadd.s32 v9, v10;
	s1 =	sadd.s32 s2, s30;
	s2 =	simm.s32 $0x1;
	p0 =	por !p0, !p0  }
0x470: {  	v10 =	vbroadcast v10, $0x0;
	s1 =	sshrl.u32 s1, $0x3;
	s2 =	simm.s32 @!p0 $0x0  }
0x471: {  	s1 =	ssub.s32 s1, s2  }
0x472: {  	s1 =	sshll.u32 s1, $0x7  }
0x473: {  	s0 =	simm.s32 $0x8800;
	s1 =	sand.u32 $0x1FFFFF80, s1  }
0x474: {  	s2 =	simm.s32 $0x2;
	s6 =	sadd.s32 s4, s1;
	s1 =	simm.s32 $0x8C00  }
.LBB2_44:
0x475: {  	[tilespmem:s0], [sflag:$0x1] =	stream.linear.gather [hbm4b:s6+s3], $0x400, $0x38;
	v63 =	vld [tilespmem:$0x0]  }
0x476: {  	p0 =	sne.s32 s2, $0x3;
	s5 =	smov.u32 s2;
	s2 =	sadd.s32 $0x1, s2;
	v10 =	vld.idx.msk [tilespmem:v10+s11+$0x0], $0xffff  }
0x477: {  	s0 =	smov.u32 s1;
	_ =	sdelay $0x4  }
0x478: {  	v10 =	vxor.u32 $0x80000000, v10  }
0x479: {  	(xrf0) =	vmax.scan.msk.u32 $0xffff, v10;
	_ =	sdelay $0x5  }
0x47a: {  	v10, _, _ =	vpop (xrf0)  }
0x47b: {  	(v2sf) =	vpush v10, $0xF;
	_ =	sdelay $0xe  }
0x47c: {  	s6 =	spop (v2sf)  }
0x47d: {  	s7 =	sxor.u32 $0x80000000, s6;
	s8 =	sand.u32 $0x7, s6  }
0x47e: {  	p1 =	sgt.s32 s6, $0xFFFFFFFF;
	s9 =	sshra.s32 s7, $0x1F;
	p2 =	slt.s32 s7, $0x1  }
0x47f: {  	v10 =	vmov s5;
	s5 =	sshrl.u32 s9, $0x1D;
	p1 =	por p1, p2;
	p2 =	sne.s32 s8, $0x0  }
0x480: {  	v10 =	vand.u32 $0x7F, v10;
	s5 =	sadd.s32 s5, s6;
	p1 =	por !p2, !p1  }
0x481: {  	v10 =	vadd.s32 v9, v10;
	s6 =	simm.s32 $0x1;
	p1 =	por !p1, !p1  }
.Ltmp27:
0x482: {  	v10 =	vbroadcast v10, $0x0;
	s5 =	sshrl.u32 s5, $0x3;
	s6 =	simm.s32 @!p1 $0x0;
	(pc) =	sbr.rel @p0 .LBB2_44-.Ltmp27, $4  }
0x483: {  	s5 =	ssub.s32 s5, s6  }
0x484: {  	s5 =	sshll.u32 s5, $0x7  }
0x485: {  	s5 =	sand.u32 $0x1FFFFF80, s5  }
0x486: {  	s1 =	sadd.s32 $0x400, s1;
	s6 =	sadd.s32 s4, s5  }
0x487: {  	_ =	sdelay $0x2  }
0x488: {  	[tilespmem:s0], [sflag:$0x1] =	stream.linear.gather [hbm4b:s6+s3], $0x400, $0x38;
	v63 =	vld [tilespmem:$0x0]  }
0x489: {  	v10 =	vld.idx.msk [tilespmem:v10+s11+$0x0], $0xffff;
	_ =	sdelay $0x4  }
0x48a: {  	v10 =	vxor.u32 $0x80000000, v10  }
0x48b: {  	(xrf0) =	vmax.scan.msk.u32 $0xffff, v10;
	_ =	sdelay $0x5  }
0x48c: {  	v10, _, _ =	vpop (xrf0)  }
0x48d: {  	(v2sf) =	vpush v10, $0xF;
	_ =	sdelay $0xe  }
0x48e: {  	s25 =	spop (v2sf)  }
0x48f: {  	s26 =	simm.s32 $0x4;
	s2 =	sxor.u32 $0x80000000, s25  }
0x490: {  	s5 =	sand.u32 $0x7, s25;
	p0 =	sgt.s32 s25, $0xFFFFFFFF;
	p1 =	slt.s32 s2, $0x1  }
0x491: {  	v10 =	vmov s26;
	s2 =	sshra.s32 s2, $0x1F;
	p3 =	sne.s32 s5, $0x0;
	p0 =	por p0, p1  }
0x492: {  	v10 =	vand.u32 $0x7F, v10;
	s2 =	sshrl.u32 s2, $0x1D;
	p0 =	por !p3, !p0  }
0x493: {  	v10 =	vadd.s32 v9, v10;
	s0 =	sadd.s32 s2, s25;
	s2 =	simm.s32 $0x1;
	p0 =	por !p0, !p0  }
0x494: {  	v10 =	vbroadcast v10, $0x0;
	s0 =	sshrl.u32 s0, $0x3;
	s2 =	simm.s32 @!p0 $0x0  }
0x495: {  	s0 =	ssub.s32 s0, s2  }
0x496: {  	s0 =	sshll.u32 s0, $0x7  }
0x497: {  	s0 =	sand.u32 $0x1FFFFF80, s0  }
0x498: {  	s0 =	sadd.s32 s4, s0  }
0x499: {  	[tilespmem:s1], [sflag:$0x1] =	stream.linear.gather [hbm4b:s0+s3], $0x400, $0x38;
	v63 =	vld [tilespmem:$0x0]  }
0x49a: {  	v10 =	vld.idx.msk [tilespmem:v10+s11+$0x0], $0xffff;
	_ =	sdelay $0x4  }
0x49b: {  	v10 =	vxor.u32 $0x80000000, v10  }
0x49c: {  	(xrf0) =	vmax.scan.msk.u32 $0xffff, v10;
	_ =	sdelay $0x5  }
0x49d: {  	v10, _, _ =	vpop (xrf0)  }
0x49e: {  	(v2sf) =	vpush v10, $0xF;
	_ =	sdelay $0xe  }
0x49f: {  	s28 =	spop (v2sf)  }
0x4a0: {  	s31 =	simm.s32 $0x5;
	s29 =	sxor.u32 $0x80000000, s28  }
0x4a1: {  	s30 =	sand.u32 $0x7, s28;
	p4 =	sgt.s32 s28, $0xFFFFFFFF;
	p5 =	slt.s32 s29, $0x1  }
0x4a2: {  	v10 =	vmov s31;
	s1 =	sshra.s32 s29, $0x1F;
	p6 =	sne.s32 s30, $0x0;
	p0 =	por p4, p5  }
0x4a3: {  	v10 =	vand.u32 $0x7F, v10;
	s1 =	sshrl.u32 s1, $0x1D;
	p0 =	por !p6, !p0  }
0x4a4: {  	v10 =	vadd.s32 v9, v10;
	s0 =	sadd.s32 s1, s28;
	s1 =	simm.s32 $0x1;
	p0 =	por !p0, !p0  }
0x4a5: {  	v10 =	vbroadcast v10, $0x0;
	s0 =	sshrl.u32 s0, $0x3;
	s1 =	simm.s32 @!p0 $0x0  }
0x4a6: {  	s0 =	ssub.s32 s0, s1  }
0x4a7: {  	s0 =	sshll.u32 s0, $0x7  }
0x4a8: {  	s2 =	simm.s32 $0x9800;
	s0 =	sand.u32 $0x1FFFFF80, s0  }
0x4a9: {  	s1 =	simm.s32 $0x6;
	s6 =	sadd.s32 s4, s0;
	s0 =	simm.s32 $0x9C00  }
.LBB2_46:
0x4aa: {  	[tilespmem:s2], [sflag:$0x2] =	stream.linear.gather [hbm4b:s6+s3], $0x400, $0x38;
	v63 =	vld [tilespmem:$0x0]  }
0x4ab: {  	p0 =	sne.s32 s1, $0x7;
	s5 =	smov.u32 s1;
	s1 =	sadd.s32 $0x1, s1;
	v10 =	vld.idx.msk [tilespmem:v10+s11+$0x0], $0xffff  }
0x4ac: {  	s2 =	smov.u32 s0;
	_ =	sdelay $0x4  }
0x4ad: {  	v10 =	vxor.u32 $0x80000000, v10  }
0x4ae: {  	(xrf0) =	vmax.scan.msk.u32 $0xffff, v10;
	_ =	sdelay $0x5  }
0x4af: {  	v10, _, _ =	vpop (xrf0)  }
0x4b0: {  	(v2sf) =	vpush v10, $0xF;
	_ =	sdelay $0xe  }
0x4b1: {  	s6 =	spop (v2sf)  }
0x4b2: {  	s7 =	sxor.u32 $0x80000000, s6;
	s8 =	sand.u32 $0x7, s6  }
0x4b3: {  	p1 =	sgt.s32 s6, $0xFFFFFFFF;
	s9 =	sshra.s32 s7, $0x1F;
	p2 =	slt.s32 s7, $0x1  }
0x4b4: {  	v10 =	vmov s5;
	s5 =	sshrl.u32 s9, $0x1D;
	p1 =	por p1, p2;
	p2 =	sne.s32 s8, $0x0  }
0x4b5: {  	v10 =	vand.u32 $0x7F, v10;
	s5 =	sadd.s32 s5, s6;
	p1 =	por !p2, !p1  }
0x4b6: {  	v10 =	vadd.s32 v9, v10;
	s6 =	simm.s32 $0x1;
	p1 =	por !p1, !p1  }
.Ltmp28:
0x4b7: {  	v10 =	vbroadcast v10, $0x0;
	s5 =	sshrl.u32 s5, $0x3;
	s6 =	simm.s32 @!p1 $0x0;
	(pc) =	sbr.rel @p0 .LBB2_46-.Ltmp28, $4  }
0x4b8: {  	s5 =	ssub.s32 s5, s6  }
0x4b9: {  	s5 =	sshll.u32 s5, $0x7  }
0x4ba: {  	s5 =	sand.u32 $0x1FFFFF80, s5  }
0x4bb: {  	s0 =	sadd.s32 $0x400, s0;
	s6 =	sadd.s32 s4, s5  }
0x4bc: {  	_ =	sdelay $0x2  }
0x4bd: {  	[tilespmem:s2], [sflag:$0x2] =	stream.linear.gather [hbm4b:s6+s3], $0x400, $0x38;
	v63 =	vld [tilespmem:$0x0]  }
0x4be: {  	v10 =	vld.idx.msk [tilespmem:v10+s11+$0x0], $0xffff;
	_ =	sdelay $0x4  }
0x4bf: {  	v10 =	vxor.u32 $0x80000000, v10  }
0x4c0: {  	(xrf0) =	vmax.scan.msk.u32 $0xffff, v10;
	_ =	sdelay $0x5  }
0x4c1: {  	v10, _, _ =	vpop (xrf0)  }
0x4c2: {  	(v2sf) =	vpush v10, $0xF;
	_ =	sdelay $0xe  }
0x4c3: {  	s1 =	spop (v2sf)  }
0x4c4: {  	s26 =	simm.s32 $0x8;
	s25 =	sxor.u32 $0x80000000, s1  }
0x4c5: {  	s5 =	sand.u32 $0x7, s1;
	p0 =	sgt.s32 s1, $0xFFFFFFFF;
	p1 =	slt.s32 s25, $0x1  }
0x4c6: {  	v10 =	vmov s26;
	s2 =	sshra.s32 s25, $0x1F;
	p3 =	sne.s32 s5, $0x0;
	p0 =	por p0, p1  }
0x4c7: {  	v10 =	vand.u32 $0x7F, v10;
	s2 =	sshrl.u32 s2, $0x1D;
	p0 =	por !p3, !p0  }
0x4c8: {  	v10 =	vadd.s32 v9, v10;
	s1 =	sadd.s32 s2, s1;
	s2 =	simm.s32 $0x1;
	p0 =	por !p0, !p0  }
0x4c9: {  	v10 =	vbroadcast v10, $0x0;
	s1 =	sshrl.u32 s1, $0x3;
	s2 =	simm.s32 @!p0 $0x0  }
0x4ca: {  	s1 =	ssub.s32 s1, s2  }
0x4cb: {  	s1 =	sshll.u32 s1, $0x7  }
0x4cc: {  	s1 =	sand.u32 $0x1FFFFF80, s1  }
0x4cd: {  	s1 =	sadd.s32 s4, s1  }
0x4ce: {  	[tilespmem:s0], [sflag:$0x2] =	stream.linear.gather [hbm4b:s1+s3], $0x400, $0x38;
	v63 =	vld [tilespmem:$0x0]  }
0x4cf: {  	v10 =	vld.idx.msk [tilespmem:v10+s11+$0x0], $0xffff;
	_ =	sdelay $0x4  }
0x4d0: {  	v10 =	vxor.u32 $0x80000000, v10  }
0x4d1: {  	(xrf0) =	vmax.scan.msk.u32 $0xffff, v10;
	_ =	sdelay $0x5  }
0x4d2: {  	v10, _, _ =	vpop (xrf0)  }
0x4d3: {  	(v2sf) =	vpush v10, $0xF;
	_ =	sdelay $0xe  }
0x4d4: {  	s28 =	spop (v2sf)  }
0x4d5: {  	s31 =	simm.s32 $0x9;
	s29 =	sxor.u32 $0x80000000, s28  }
0x4d6: {  	s30 =	sand.u32 $0x7, s28;
	p4 =	sgt.s32 s28, $0xFFFFFFFF;
	p5 =	slt.s32 s29, $0x1  }
0x4d7: {  	v10 =	vmov s31;
	s1 =	sshra.s32 s29, $0x1F;
	p6 =	sne.s32 s30, $0x0;
	p0 =	por p4, p5  }
0x4d8: {  	v10 =	vand.u32 $0x7F, v10;
	s1 =	sshrl.u32 s1, $0x1D;
	p0 =	por !p6, !p0  }
0x4d9: {  	v10 =	vadd.s32 v9, v10;
	s0 =	sadd.s32 s1, s28;
	s1 =	simm.s32 $0x1;
	p0 =	por !p0, !p0  }
0x4da: {  	v10 =	vbroadcast v10, $0x0;
	s0 =	sshrl.u32 s0, $0x3;
	s1 =	simm.s32 @!p0 $0x0  }
0x4db: {  	s0 =	ssub.s32 s0, s1  }
0x4dc: {  	s0 =	sshll.u32 s0, $0x7  }
0x4dd: {  	s2 =	simm.s32 $0xA800;
	s0 =	sand.u32 $0x1FFFFF80, s0  }
0x4de: {  	s1 =	simm.s32 $0xA;
	s6 =	sadd.s32 s4, s0;
	s0 =	simm.s32 $0xAC00  }
.LBB2_48:
0x4df: {  	[tilespmem:s2], [sflag:$0x3] =	stream.linear.gather [hbm4b:s6+s3], $0x400, $0x38;
	v63 =	vld [tilespmem:$0x0]  }
0x4e0: {  	p0 =	sne.s32 s1, $0xB;
	s5 =	smov.u32 s1;
	s1 =	sadd.s32 $0x1, s1;
	v10 =	vld.idx.msk [tilespmem:v10+s11+$0x0], $0xffff  }
0x4e1: {  	s2 =	smov.u32 s0;
	_ =	sdelay $0x4  }
0x4e2: {  	v10 =	vxor.u32 $0x80000000, v10  }
0x4e3: {  	(xrf0) =	vmax.scan.msk.u32 $0xffff, v10;
	_ =	sdelay $0x5  }
0x4e4: {  	v10, _, _ =	vpop (xrf0)  }
0x4e5: {  	(v2sf) =	vpush v10, $0xF;
	_ =	sdelay $0xe  }
0x4e6: {  	s6 =	spop (v2sf)  }
0x4e7: {  	s7 =	sxor.u32 $0x80000000, s6;
	s8 =	sand.u32 $0x7, s6  }
0x4e8: {  	p1 =	sgt.s32 s6, $0xFFFFFFFF;
	s9 =	sshra.s32 s7, $0x1F;
	p2 =	slt.s32 s7, $0x1  }
0x4e9: {  	v10 =	vmov s5;
	s5 =	sshrl.u32 s9, $0x1D;
	p1 =	por p1, p2;
	p2 =	sne.s32 s8, $0x0  }
0x4ea: {  	v10 =	vand.u32 $0x7F, v10;
	s5 =	sadd.s32 s5, s6;
	p1 =	por !p2, !p1  }
0x4eb: {  	v10 =	vadd.s32 v9, v10;
	s6 =	simm.s32 $0x1;
	p1 =	por !p1, !p1  }
.Ltmp29:
0x4ec: {  	v10 =	vbroadcast v10, $0x0;
	s5 =	sshrl.u32 s5, $0x3;
	s6 =	simm.s32 @!p1 $0x0;
	(pc) =	sbr.rel @p0 .LBB2_48-.Ltmp29, $4  }
0x4ed: {  	s5 =	ssub.s32 s5, s6  }
0x4ee: {  	s5 =	sshll.u32 s5, $0x7  }
0x4ef: {  	s5 =	sand.u32 $0x1FFFFF80, s5  }
0x4f0: {  	s0 =	sadd.s32 $0x400, s0;
	s6 =	sadd.s32 s4, s5  }
0x4f1: {  	_ =	sdelay $0x2  }
0x4f2: {  	[tilespmem:s2], [sflag:$0x3] =	stream.linear.gather [hbm4b:s6+s3], $0x400, $0x38;
	v63 =	vld [tilespmem:$0x0]  }
0x4f3: {  	v10 =	vld.idx.msk [tilespmem:v10+s11+$0x0], $0xffff;
	_ =	sdelay $0x4  }
0x4f4: {  	v10 =	vxor.u32 $0x80000000, v10  }
0x4f5: {  	(xrf0) =	vmax.scan.msk.u32 $0xffff, v10;
	_ =	sdelay $0x5  }
0x4f6: {  	v10, _, _ =	vpop (xrf0)  }
0x4f7: {  	(v2sf) =	vpush v10, $0xF;
	_ =	sdelay $0xe  }
0x4f8: {  	s1 =	spop (v2sf)  }
0x4f9: {  	s25 =	simm.s32 $0xC;
	s26 =	sxor.u32 $0x80000000, s1  }
0x4fa: {  	s5 =	sand.u32 $0x7, s1;
	p0 =	sgt.s32 s1, $0xFFFFFFFF;
	p1 =	slt.s32 s26, $0x1  }
0x4fb: {  	v10 =	vmov s25;
	s2 =	sshra.s32 s26, $0x1F;
	p3 =	sne.s32 s5, $0x0;
	p0 =	por p0, p1  }
0x4fc: {  	v10 =	vand.u32 $0x7F, v10;
	s2 =	sshrl.u32 s2, $0x1D;
	p0 =	por !p3, !p0  }
0x4fd: {  	v10 =	vadd.s32 v9, v10;
	s1 =	sadd.s32 s2, s1;
	s2 =	simm.s32 $0x1;
	p0 =	por !p0, !p0  }
0x4fe: {  	v10 =	vbroadcast v10, $0x0;
	s1 =	sshrl.u32 s1, $0x3;
	s2 =	simm.s32 @!p0 $0x0  }
0x4ff: {  	s1 =	ssub.s32 s1, s2  }
0x500: {  	s1 =	sshll.u32 s1, $0x7  }
0x501: {  	s1 =	sand.u32 $0x1FFFFF80, s1  }
0x502: {  	s1 =	sadd.s32 s4, s1  }
0x503: {  	[tilespmem:s0], [sflag:$0x3] =	stream.linear.gather [hbm4b:s1+s3], $0x400, $0x38;
	v63 =	vld [tilespmem:$0x0]  }
0x504: {  	v10 =	vld.idx.msk [tilespmem:v10+s11+$0x0], $0xffff;
	_ =	sdelay $0x4  }
0x505: {  	v10 =	vxor.u32 $0x80000000, v10  }
0x506: {  	(xrf0) =	vmax.scan.msk.u32 $0xffff, v10;
	_ =	sdelay $0x5  }
0x507: {  	v10, _, _ =	vpop (xrf0)  }
0x508: {  	(v2sf) =	vpush v10, $0xF;
	_ =	sdelay $0xe  }
0x509: {  	s28 =	spop (v2sf)  }
0x50a: {  	s31 =	simm.s32 $0xD;
	s29 =	sxor.u32 $0x80000000, s28  }
0x50b: {  	s30 =	sand.u32 $0x7, s28;
	p4 =	sgt.s32 s28, $0xFFFFFFFF;
	p5 =	slt.s32 s29, $0x1  }
0x50c: {  	v10 =	vmov s31;
	s1 =	sshra.s32 s29, $0x1F;
	p6 =	sne.s32 s30, $0x0;
	p0 =	por p4, p5  }
0x50d: {  	v10 =	vand.u32 $0x7F, v10;
	s1 =	sshrl.u32 s1, $0x1D;
	p0 =	por !p6, !p0  }
0x50e: {  	v10 =	vadd.s32 v9, v10;
	s0 =	sadd.s32 s1, s28;
	s1 =	simm.s32 $0x1;
	p0 =	por !p0, !p0  }
0x50f: {  	v10 =	vbroadcast v10, $0x0;
	s0 =	sshrl.u32 s0, $0x3;
	s1 =	simm.s32 @!p0 $0x0  }
0x510: {  	s0 =	ssub.s32 s0, s1  }
0x511: {  	s0 =	sshll.u32 s0, $0x7  }
0x512: {  	s7 =	simm.s32 $0xB800;
	s2 =	simm.s32 $0x0;
	s0 =	sand.u32 $0x1FFFFF80, s0  }
0x513: {  	s1 =	simm.s32 $0xE;
	s6 =	sadd.s32 s4, s0;
	s0 =	simm.s32 $0xBC00  }
.LBB2_50:
0x514: {  	[tilespmem:s7], [sflag:$0x4] =	stream.linear.gather [hbm4b:s6+s2], $0x400, $0x38;
	v63 =	vld [tilespmem:$0x0]  }
0x515: {  	p0 =	sne.s32 s1, $0xF;
	s5 =	smov.u32 s1;
	s1 =	sadd.s32 $0x1, s1;
	v10 =	vld.idx.msk [tilespmem:v10+s11+$0x0], $0xffff  }
0x516: {  	s7 =	smov.u32 s0;
	_ =	sdelay $0x4  }
0x517: {  	v10 =	vxor.u32 $0x80000000, v10  }
0x518: {  	(xrf0) =	vmax.scan.msk.u32 $0xffff, v10;
	_ =	sdelay $0x5  }
0x519: {  	v10, _, _ =	vpop (xrf0)  }
0x51a: {  	(v2sf) =	vpush v10, $0xF;
	_ =	sdelay $0xe  }
0x51b: {  	s6 =	spop (v2sf)  }
0x51c: {  	s8 =	sxor.u32 $0x80000000, s6;
	s9 =	sand.u32 $0x7, s6  }
0x51d: {  	p1 =	sgt.s32 s6, $0xFFFFFFFF;
	s19 =	sshra.s32 s8, $0x1F;
	p2 =	slt.s32 s8, $0x1  }
0x51e: {  	v10 =	vmov s5;
	s5 =	sshrl.u32 s19, $0x1D;
	p1 =	por p1, p2;
	p2 =	sne.s32 s9, $0x0  }
0x51f: {  	v10 =	vand.u32 $0x7F, v10;
	s5 =	sadd.s32 s5, s6;
	p1 =	por !p2, !p1  }
0x520: {  	v10 =	vadd.s32 v9, v10;
	s6 =	simm.s32 $0x1;
	p1 =	por !p1, !p1  }
.Ltmp30:
0x521: {  	v10 =	vbroadcast v10, $0x0;
	s5 =	sshrl.u32 s5, $0x3;
	s6 =	simm.s32 @!p1 $0x0;
	(pc) =	sbr.rel @p0 .LBB2_50-.Ltmp30, $4  }
0x522: {  	s5 =	ssub.s32 s5, s6  }
0x523: {  	s5 =	sshll.u32 s5, $0x7  }
0x524: {  	s5 =	sand.u32 $0x1FFFFF80, s5  }
0x525: {  	s0 =	sadd.s32 $0x400, s0;
	s6 =	sadd.s32 s4, s5  }
0x526: {  	_ =	sdelay $0x2  }
0x527: {  	[tilespmem:s7], [sflag:$0x4] =	stream.linear.gather [hbm4b:s6+s2], $0x400, $0x38;
	v63 =	vld [tilespmem:$0x0]  }
0x528: {  	v9 =	vld.idx.msk [tilespmem:v10+s11+$0x0], $0xffff;
	_ =	sdelay $0x4  }
0x529: {  	v9 =	vxor.u32 $0x80000000, v9  }
0x52a: {  	(xrf0) =	vmax.scan.msk.u32 $0xffff, v9;
	_ =	sdelay $0x5  }
0x52b: {  	v9, _, _ =	vpop (xrf0)  }
0x52c: {  	(v2sf) =	vpush v9, $0xF;
	_ =	sdelay $0xe  }
0x52d: {  	s1 =	spop (v2sf)  }
0x52e: {  	s23 =	sxor.u32 $0x80000000, s1  }
0x52f: {  	s5 =	sand.u32 $0x7, s1;
	p0 =	sgt.s32 s1, $0xFFFFFFFF;
	p1 =	slt.s32 s23, $0x1  }
0x530: {  	s2 =	sshra.s32 s23, $0x1F;
	p6 =	sne.s32 s5, $0x0;
	p0 =	por p0, p1  }
0x531: {  	s2 =	sshrl.u32 s2, $0x1D;
	p0 =	por !p6, !p0  }
0x532: {  	s1 =	sadd.s32 s2, s1;
	s2 =	simm.s32 $0x1;
	p0 =	por !p0, !p0  }
0x533: {  	s1 =	sshrl.u32 s1, $0x3;
	s2 =	simm.s32 @!p0 $0x0  }
0x534: {  	s1 =	ssub.s32 s1, s2  }
0x535: {  	s26 =	simm.s32 $0x0;
	s28 =	simm.s32 $0x10;
	s1 =	sshll.u32 s1, $0x7  }
0x536: {  	s29 =	simm.s32 $0x4;
	s30 =	simm.s32 $0x14;
	s1 =	sand.u32 $0x1FFFFF80, s1  }
0x537: {  	s31 =	simm.s32 $0x8;
	s7 =	simm.s32 $0x0;
	s1 =	sadd.s32 s4, s1  }
0x538: {  	[tilespmem:s0], [sflag:$0x4] =	stream.linear.gather [hbm4b:s1+s26], $0x400, $0x38;
	v63 =	vld [tilespmem:$0x0]  }
0x539: {  	s2 =	simm.s32 $0x1C;
	s0 =	simm.s32 $0x18;
	s1 =	simm.s32 $0x0  }
.LBB2_52:
0x53a: {  	_ =	swait.ge [sflag:s13], $0x400  }
0x53b: {  	s5 =	smulhi.u32 $0x4EC4EC4F, s1;
	[sflag:s13] =	ssyncset.done $0x0  }
0x53c: {  	[sflag:s13] =	ssyncadd.s32 $0xFFFFFC00  }
0x53d: {  	s5 =	sshrl.u32 s5, $0x3;
	_ =	swait.ge [sflag:s13], $0x400  }
0x53e: {  	s6 =	smul.u32 $0x1A, s5;
	[sflag:s13] =	ssyncset.done $0x0  }
0x53f: {  	p1 =	por $0x1, $0x1;
	[sflag:s13] =	ssyncadd.s32 $0xFFFFFC00  }
0x540: {  	s8 =	smul.u32 $0x27, s5;
	s6 =	ssub.s32 s1, s6;
	_ =	swait.ge [sflag:s13], $0x400  }
.Ltmp31:
0x541: {  	s5 =	sadd.s32 s24, s5;
	v9 =	vmov s6;
	[sflag:s13] =	ssyncset.done $0x0;
	(pc) =	sbr.rel @!p1 .LBB2_53-.Ltmp31, $4  }
0x542: {  	s5 =	sshll.u32 s5, $0x7;
	v9 =	vadd.s32 s8, v9;
	[sflag:s13] =	ssyncadd.s32 $0xFFFFFC00  }
0x543: {  	v10 =	vmov s5;
	v9 =	vadd.s32 $0xD, v9;
	_ =	swait.ge [sflag:s13], $0x400  }
0x544: {  	v10 =	vor.u32 s6, v10;
	v9 =	vshll.u32 v9, $0x7;
	[sflag:s13] =	ssyncset.done $0x0  }
0x545: {  	p0 =	por $0x0, $0x0;
	s8 =	simm.s32 $0x8;
	v10 =	vbroadcast v10, $0x0;
	v9 =	vbroadcast v9, $0x0;
	[sflag:s13] =	ssyncadd.s32 $0xFFFFFC00  }
0x546: {  	_ =	sdelay $0x4  }
0x547: {  	v10 =	vld.idx.msk [tilespmem:v10+s11+$0x0], $0xffff;
	_ =	sdelay $0x4  }
0x548: {  	s5 =	simm.s32 $0x0;
	v10 =	vand.u32 $0x7, v10  }
0x549: {  	v10 =	vor.u32 s5, v10  }
0x54a: {  	v10 =	vshll.u32 v10, $0x7  }
0x54b: {  	v11 =	vor.u32 v0, v10;
	_ =	sdelay $0x4  }
0x54c: {  	v12 =	vor.u32 v0, v9;
	v11 =	vld.idx.msk [tilespmem:v11+s14+$0x0], $0xffff  }
0x54d: {  	v13 =	vor.u32 v6, v10;
	_ =	sdelay $0x3  }
0x54e: {  	[tilespmem:v12+s18+$0x0] =	vst.idx.msk $0xffff, v11  }
0x54f: {  	v12 =	vor.u32 v6, v9;
	v11 =	vld.idx.msk [tilespmem:v13+s14+$0x0], $0xffff  }
0x550: {  	v13 =	vor.u32 v7, v10;
	_ =	sdelay $0x1  }
0x551: {  	s19 =	sadd.s32 $0x1, s1  }
0x552: {  	s26 =	smulhi.u32 $0x4EC4EC4F, s19  }
0x553: {  	[tilespmem:v12+s18+$0x0] =	vst.idx.msk $0xffff, v11  }
0x554: {  	s5 =	sshrl.u32 s26, $0x3;
	v12 =	vor.u32 v7, v9;
	v11 =	vld.idx.msk [tilespmem:v13+s14+$0x0], $0xffff  }
0x555: {  	s6 =	smul.u32 $0x1A, s5;
	v10 =	vor.u32 v8, v10  }
0x556: {  	s9 =	smul.u32 $0x27, s5;
	s5 =	sadd.s32 s24, s5  }
0x557: {  	s5 =	sshll.u32 s5, $0x7  }
0x558: {  	p1 =	por $0x1, $0x1;
	s6 =	ssub.s32 s19, s6;
	v14 =	vmov s5  }
.Ltmp32:
0x559: {  	v14 =	vor.u32 s6, v14;
	v13 =	vmov s6;
	[tilespmem:v12+s18+$0x0] =	vst.idx.msk $0xffff, v11;
	(pc) =	sbr.rel @!p1 .LBB2_56-.Ltmp32, $4  }
0x55a: {  	v13 =	vadd.s32 s9, v13;
	v12 =	vor.u32 v8, v9;
	v11 =	vld.idx.msk [tilespmem:v10+s14+$0x0], $0xffff;
	v10 =	vbroadcast v14, $0x0  }
0x55b: {  	v13 =	vadd.s32 $0xD, v13  }
0x55c: {  	v9 =	vshll.u32 v13, $0x7  }
0x55d: {  	s20 =	simm.s32 $0x10;
	p0 =	por $0x1, $0x1;
	v9 =	vbroadcast v9, $0x0  }
.LBB2_55:
0x55e: {  	_ = 	snop  }
0x55f: {  	p1 =	sne.s32 s20, $0x18;
	[tilespmem:v12+s18+$0x0] =	vst.idx.msk $0xffff, v11;
	s5 =	smov.u32 s20;
	s20 =	sadd.s32 $0x8, s20  }
0x560: {  	v10 =	vld.idx.msk [tilespmem:v10+s11+$0x0], $0xffff;
	_ =	sdelay $0x5  }
0x561: {  	v10 =	vand.u32 $0x7, v10  }
0x562: {  	v10 =	vor.u32 s8, v10;
	s8 =	smov.u32 s5  }
0x563: {  	v10 =	vshll.u32 v10, $0x7  }
0x564: {  	v11 =	vor.u32 v0, v10;
	_ =	sdelay $0x4  }
0x565: {  	v11 =	vld.idx.msk [tilespmem:v11+s14+$0x0], $0xffff  }
0x566: {  	v12 =	vor.u32 v0, v9  }
0x567: {  	v13 =	vor.u32 v6, v10;
	_ =	sdelay $0x3  }
0x568: {  	[tilespmem:v12+s18+$0x0] =	vst.idx.msk $0xffff, v11  }
0x569: {  	v11 =	vld.idx.msk [tilespmem:v13+s14+$0x0], $0xffff  }
0x56a: {  	v12 =	vor.u32 v6, v9  }
0x56b: {  	v13 =	vor.u32 v7, v10;
	_ =	sdelay $0x3  }
0x56c: {  	[tilespmem:v12+s18+$0x0] =	vst.idx.msk $0xffff, v11  }
0x56d: {  	s19 =	sadd.s32 $0x1, s19;
	v11 =	vld.idx.msk [tilespmem:v13+s14+$0x0], $0xffff  }
0x56e: {  	s5 =	smulhi.u32 $0x4EC4EC4F, s19;
	v12 =	vor.u32 v7, v9  }
0x56f: {  	v10 =	vor.u32 v8, v10  }
0x570: {  	s5 =	sshrl.u32 s5, $0x3  }
0x571: {  	s6 =	smul.u32 $0x1A, s5;
	s9 =	sadd.s32 s24, s5  }
0x572: {  	s9 =	sshll.u32 s9, $0x7  }
0x573: {  	s5 =	smul.u32 $0x27, s5;
	s6 =	ssub.s32 s19, s6;
	v13 =	vmov s9;
	[tilespmem:v12+s18+$0x0] =	vst.idx.msk $0xffff, v11  }
.Ltmp33:
0x574: {  	v13 =	vor.u32 s6, v13;
	v12 =	vmov s6;
	v11 =	vld.idx.msk [tilespmem:v10+s14+$0x0], $0xffff;
	(pc) =	sbr.rel @p1 .LBB2_55-.Ltmp33, $4  }
0x575: {  	v10 =	vbroadcast v13, $0x0;
	v13 =	vadd.s32 s5, v12;
	v12 =	vor.u32 v8, v9  }
0x576: {  	v9 =	vadd.s32 $0xD, v13  }
0x577: {  	v9 =	vshll.u32 v9, $0x7  }
0x578: {  	v9 =	vbroadcast v9, $0x0  }
.LBB2_56:
0x579: {  	_ =	sdelay $0x3  }
0x57a: {  	[tilespmem:v12+s18+$0x0] =	vst.idx.msk @p0 $0xffff, v11  }
0x57b: {  	v10 =	vld.idx.msk [tilespmem:v10+s11+$0x0], $0xffff;
	_ =	sdelay $0x4  }
0x57c: {  	v10 =	vand.u32 $0x7, v10  }
0x57d: {  	v10 =	vor.u32 s8, v10  }
0x57e: {  	v10 =	vshll.u32 v10, $0x7  }
0x57f: {  	v11 =	vor.u32 v0, v10;
	_ =	sdelay $0x4  }
0x580: {  	v59 =	vor.u32 v0, v9;
	v11 =	vld.idx.msk [tilespmem:v11+s14+$0x0], $0xffff  }
0x581: {  	v13 =	vor.u32 v6, v10;
	_ =	sdelay $0x3  }
0x582: {  	[tilespmem:v59+s18+$0x0] =	vst.idx.msk $0xffff, v11  }
0x583: {  	v60 =	vor.u32 v6, v9;
	v11 =	vld.idx.msk [tilespmem:v13+s14+$0x0], $0xffff  }
0x584: {  	v61 =	vor.u32 v7, v10;
	_ =	sdelay $0x3  }
0x585: {  	[tilespmem:v60+s18+$0x0] =	vst.idx.msk $0xffff, v11  }
0x586: {  	v62 =	vor.u32 v7, v9;
	v11 =	vld.idx.msk [tilespmem:v61+s14+$0x0], $0xffff  }
0x587: {  	v10 =	vor.u32 v8, v10;
	_ =	sdelay $0x3  }
0x588: {  	[tilespmem:v62+s18+$0x0] =	vst.idx.msk $0xffff, v11  }
0x589: {  	v9 =	vor.u32 v8, v9;
	p0 =	seq.s32 s7, $0xC;
	v10 =	vld.idx.msk [tilespmem:v10+s14+$0x0], $0xffff  }
.Ltmp34:
0x58a: {  	_ = 	snop;
	(pc) =	sbr.rel @p0 .LBB2_60-.Ltmp34, $2  }
0x58b: {  	_ =	sdelay $0x2  }
0x58c: {  	[tilespmem:v9+s18+$0x0] =	vst.idx.msk $0xffff, v10  }
0x58d: {  	s5 =	smulhi.u32 $0x4EC4EC4F, s28;
	_ =	sdelay $0x1  }
0x58e: {  	s6 =	sadd.s32 $0x0, s1;
	s5 =	sshrl.u32 s5, $0x3  }
0x58f: {  	s8 =	sadd.s32 $0x10, s6;
	s5 =	smul.u32 $0x1A, s5  }
0x590: {  	s8 =	smulhi.u32 $0x4EC4EC4F, s8  }
0x591: {  	s5 =	ssub.s32 s6, s5  }
0x592: {  	s9 =	sshrl.u32 s8, $0x3;
	s5 =	sadd.s32 $0x10, s5  }
0x593: {  	s6 =	sadd.s32 s24, s9;
	v9 =	vmov s5  }
0x594: {  	s19 =	sshll.u32 s6, $0x7;
	v9 =	vand.u32 $0x7F, v9  }
0x595: {  	v9 =	vor.u32 s19, v9  }
0x596: {  	v9 =	vbroadcast v9, $0x0;
	_ =	sdelay $0x5  }
0x597: {  	v9 =	vld.idx.msk [tilespmem:v9+s11+$0x0], $0xffff;
	_ =	sdelay $0x4  }
0x598: {  	v9 =	vxor.u32 $0x80000000, v9  }
0x599: {  	(xrf0) =	vmax.scan.msk.u32 $0xffff, v9;
	_ =	sdelay $0x5  }
0x59a: {  	v9, _, _ =	vpop (xrf0)  }
0x59b: {  	(v2sf) =	vpush v9, $0xF;
	_ =	sdelay $0x8  }
0x59c: {  	s19 =	sadd.s32 $0x1, s28  }
0x59d: {  	s21 =	sadd.s32 $0x1, s1;
	s20 =	smulhi.u32 $0x4EC4EC4F, s19  }
0x59e: {  	s23 =	sadd.s32 $0x10, s21  }
0x59f: {  	s8 =	smulhi.u32 $0x4EC4EC4F, s23;
	s5 =	sshrl.u32 s20, $0x3  }
0x5a0: {  	s5 =	smul.u32 $0x1A, s5;
	_ =	sdelay $0x1  }
0x5a1: {  	s8 =	sshrl.u32 s8, $0x3;
	s5 =	ssub.s32 s21, s5;
	s26 =	spop (v2sf)  }
0x5a2: {  	s8 =	sadd.s32 s24, s8;
	s5 =	sadd.s32 $0x10, s5;
	s9 =	sxor.u32 $0x80000000, s26  }
0x5a3: {  	p1 =	sgt.s32 s26, $0xFFFFFFFF;
	s20 =	sand.u32 $0x7, s26;
	p2 =	slt.s32 s9, $0x1  }
0x5a4: {  	s9 =	sshra.s32 s9, $0x1F;
	p6 =	sne.s32 s20, $0x0;
	p1 =	por p1, p2  }
0x5a5: {  	s21 =	sshll.u32 s8, $0x7;
	v9 =	vmov s5;
	s23 =	sshrl.u32 s9, $0x1D;
	p1 =	por !p6, !p1  }
0x5a6: {  	v9 =	vand.u32 $0x7F, v9;
	s9 =	simm.s32 $0x1;
	s6 =	sadd.s32 s23, s26;
	p1 =	por !p1, !p1  }
0x5a7: {  	s8 =	simm.s32 $0x8800;
	v9 =	vor.u32 s21, v9;
	s26 =	sshrl.u32 s6, $0x3;
	s9 =	simm.s32 @!p1 $0x0  }
0x5a8: {  	s21 =	simm.s32 $0x2;
	v9 =	vbroadcast v9, $0x0;
	s20 =	simm.s32 $0x8800;
	s6 =	ssub.s32 s26, s9  }
.LBB2_58:
0x5a9: {  	s5 =	sshll.u32 s6, $0x7  }
0x5aa: {  	s8 =	sadd.s32 $0x400, s8;
	s6 =	smov.u32 s21;
	s9 =	sadd.s32 $0x1, s21  }
0x5ab: {  	p1 =	sne.s32 s21, $0x3;
	s5 =	sand.u32 $0x1FFFFF80, s5  }
0x5ac: {  	s5 =	sadd.s32 s4, s5  }
0x5ad: {  	[tilespmem:s20], [sflag:$0x1] =	stream.linear.gather [hbm4b:s5+s3], $0x400, $0x38;
	v63 =	vld [tilespmem:$0x0]  }
0x5ae: {  	s20 =	smov.u32 s8;
	v9 =	vld.idx.msk [tilespmem:v9+s11+$0x0], $0xffff;
	_ =	sdelay $0x5  }
0x5af: {  	v9 =	vxor.u32 $0x80000000, v9  }
0x5b0: {  	(xrf0) =	vmax.scan.msk.u32 $0xffff, v9;
	_ =	sdelay $0x5  }
0x5b1: {  	v9, _, _ =	vpop (xrf0)  }
0x5b2: {  	(v2sf) =	vpush v9, $0xF;
	_ =	sdelay $0x7  }
0x5b3: {  	s19 =	sadd.s32 $0x1, s19  }
0x5b4: {  	s6 =	sadd.s32 s6, s1;
	s5 =	smulhi.u32 $0x4EC4EC4F, s19  }
0x5b5: {  	s21 =	sadd.s32 $0x10, s6  }
0x5b6: {  	s21 =	smulhi.u32 $0x4EC4EC4F, s21;
	s5 =	sshrl.u32 s5, $0x3  }
0x5b7: {  	s5 =	smul.u32 $0x1A, s5;
	_ =	sdelay $0x1  }
0x5b8: {  	s21 =	sshrl.u32 s21, $0x3;
	s5 =	ssub.s32 s6, s5  }
0x5b9: {  	s21 =	sadd.s32 s24, s21;
	s5 =	sadd.s32 $0x10, s5;
	s6 =	spop (v2sf)  }
0x5ba: {  	s21 =	sshll.u32 s21, $0x7;
	v9 =	vmov s5;
	s23 =	sxor.u32 $0x80000000, s6  }
0x5bb: {  	v9 =	vand.u32 $0x7F, v9;
	p2 =	sgt.s32 s6, $0xFFFFFFFF;
	s5 =	sand.u32 $0x7, s6;
	s26 =	sshra.s32 s23, $0x1F  }
0x5bc: {  	v9 =	vor.u32 s21, v9;
	p3 =	slt.s32 s23, $0x1;
	s21 =	sshrl.u32 s26, $0x1D  }
.Ltmp35:
0x5bd: {  	p2 =	por p2, p3;
	p3 =	sne.s32 s5, $0x0;
	(pc) =	sbr.rel @p1 .LBB2_58-.Ltmp35, $4  }
0x5be: {  	v9 =	vbroadcast v9, $0x0;
	s5 =	sadd.s32 s21, s6;
	p2 =	por !p3, !p2  }
0x5bf: {  	s6 =	simm.s32 $0x1;
	p2 =	por !p2, !p2  }
0x5c0: {  	s5 =	sshrl.u32 s5, $0x3;
	s6 =	simm.s32 @!p2 $0x0  }
0x5c1: {  	s21 =	smov.u32 s9;
	s6 =	ssub.s32 s5, s6  }
0x5c2: {  	s5 =	sshll.u32 s6, $0x7  }
0x5c3: {  	s5 =	sand.u32 $0x1FFFFF80, s5  }
0x5c4: {  	s5 =	sadd.s32 s4, s5  }
0x5c5: {  	[tilespmem:s20], [sflag:$0x1] =	stream.linear.gather [hbm4b:s5+s3], $0x400, $0x38;
	v63 =	vld [tilespmem:$0x0]  }
0x5c6: {  	v9 =	vld.idx.msk [tilespmem:v9+s11+$0x0], $0xffff;
	_ =	sdelay $0x4  }
0x5c7: {  	v9 =	vxor.u32 $0x80000000, v9  }
0x5c8: {  	(xrf0) =	vmax.scan.msk.u32 $0xffff, v9;
	_ =	sdelay $0x5  }
0x5c9: {  	v9, _, _ =	vpop (xrf0)  }
0x5ca: {  	(v2sf) =	vpush v9, $0xF;
	_ =	sdelay $0xe  }
0x5cb: {  	s21 =	spop (v2sf)  }
0x5cc: {  	s23 =	sxor.u32 $0x80000000, s21  }
0x5cd: {  	p1 =	sgt.s32 s21, $0xFFFFFFFF;
	s9 =	sand.u32 $0x7, s21;
	p2 =	slt.s32 s23, $0x1  }
0x5ce: {  	s6 =	sshra.s32 s23, $0x1F;
	p6 =	sne.s32 s9, $0x0;
	p1 =	por p1, p2  }
0x5cf: {  	s6 =	sshrl.u32 s6, $0x1D;
	p1 =	por !p6, !p1  }
0x5d0: {  	s5 =	sadd.s32 s6, s21;
	s6 =	simm.s32 $0x1;
	p1 =	por !p1, !p1  }
0x5d1: {  	s5 =	sshrl.u32 s5, $0x3;
	s6 =	simm.s32 @!p1 $0x0  }
0x5d2: {  	s5 =	ssub.s32 s5, s6  }
0x5d3: {  	s5 =	sshll.u32 s5, $0x7  }
0x5d4: {  	s5 =	sand.u32 $0x1FFFFF80, s5  }
0x5d5: {  	s26 =	sadd.s32 $0x400, s8;
	s5 =	sadd.s32 s4, s5  }
0x5d6: {  	[tilespmem:s26], [sflag:$0x1] =	stream.linear.gather [hbm4b:s5+s3], $0x400, $0x38;
	v63 =	vld [tilespmem:$0x0]  }
.LBB2_60:
0x5d7: {  	s5 =	smulhi.u32 $0x4EC4EC4F, s29  }
0x5d8: {  	_ =	swait.ge [sflag:s15], $0x400  }
0x5d9: {  	[sflag:s15] =	ssyncset.done $0x0;
	s5 =	sshrl.u32 s5, $0x3  }
0x5da: {  	[sflag:s15] =	ssyncadd.s32 $0xFFFFFC00;
	s6 =	smul.u32 $0x1A, s5;
	s8 =	sadd.s32 s24, s5  }
0x5db: {  	_ =	swait.ge [sflag:s15], $0x400;
	s8 =	sshll.u32 s8, $0x7  }
0x5dc: {  	[sflag:s15] =	ssyncset.done $0x0;
	s6 =	ssub.s32 s29, s6;
	v9 =	vmov s8  }
0x5dd: {  	[sflag:s15] =	ssyncadd.s32 $0xFFFFFC00;
	v9 =	vor.u32 s6, v9  }
0x5de: {  	_ =	swait.ge [sflag:s15], $0x400;
	v9 =	vbroadcast v9, $0x0  }
0x5df: {  	[sflag:s15] =	ssyncset.done $0x0  }
0x5e0: {  	[sflag:s15] =	ssyncadd.s32 $0xFFFFFC00  }
0x5e1: {  	_ =	swait.ge [sflag:s15], $0x400  }
0x5e2: {  	[sflag:s15] =	ssyncset.done $0x0  }
0x5e3: {  	[sflag:s15] =	ssyncadd.s32 $0xFFFFFC00  }
0x5e4: {  	v9 =	vld.idx.msk [tilespmem:v9+s11+$0x0], $0xffff;
	_ =	sdelay $0x4  }
0x5e5: {  	s21 =	simm.s32 $0x20;
	v9 =	vand.u32 $0x7, v9  }
0x5e6: {  	s5 =	smul.u32 $0x27, s5;
	v9 =	vor.u32 s21, v9  }
0x5e7: {  	v10 =	vmov s6;
	v9 =	vshll.u32 v9, $0x7  }
0x5e8: {  	v10 =	vadd.s32 s5, v10;
	v11 =	vor.u32 v0, v9  }
0x5e9: {  	v10 =	vadd.s32 $0xD, v10  }
0x5ea: {  	v10 =	vshll.u32 v10, $0x7  }
0x5eb: {  	v12 =	vbroadcast v10, $0x0;
	_ =	sdelay $0x1  }
0x5ec: {  	v10 =	vld.idx.msk [tilespmem:v11+s14+$0x0], $0xffff;
	v11 =	vor.u32 v0, v12  }
0x5ed: {  	v13 =	vor.u32 v6, v9;
	_ =	sdelay $0x3  }
0x5ee: {  	[tilespmem:v11+s18+$0x0] =	vst.idx.msk $0xffff, v10  }
0x5ef: {  	v11 =	vor.u32 v6, v12;
	v10 =	vld.idx.msk [tilespmem:v13+s14+$0x0], $0xffff  }
0x5f0: {  	v13 =	vor.u32 v7, v9;
	_ =	sdelay $0x1  }
0x5f1: {  	s8 =	sadd.s32 $0x1, s29  }
0x5f2: {  	s23 =	smulhi.u32 $0x4EC4EC4F, s8  }
0x5f3: {  	[tilespmem:v11+s18+$0x0] =	vst.idx.msk $0xffff, v10  }
0x5f4: {  	s5 =	sshrl.u32 s23, $0x3;
	v11 =	vor.u32 v7, v12;
	v10 =	vld.idx.msk [tilespmem:v13+s14+$0x0], $0xffff  }
0x5f5: {  	s26 =	smul.u32 $0x1A, s5;
	v9 =	vor.u32 v8, v9  }
0x5f6: {  	s9 =	smul.u32 $0x27, s5;
	s5 =	sadd.s32 s24, s5  }
0x5f7: {  	s5 =	sshll.u32 s5, $0x7  }
0x5f8: {  	s6 =	ssub.s32 s8, s26;
	v14 =	vmov s5  }
0x5f9: {  	v13 =	vmov s6;
	[tilespmem:v11+s18+$0x0] =	vst.idx.msk $0xffff, v10;
	v10 =	vor.u32 s6, v14  }
0x5fa: {  	v12 =	vor.u32 v8, v12;
	v13 =	vadd.s32 s9, v13;
	v11 =	vld.idx.msk [tilespmem:v9+s14+$0x0], $0xffff;
	v10 =	vbroadcast v10, $0x0  }
0x5fb: {  	v13 =	vadd.s32 $0xD, v13  }
0x5fc: {  	v13 =	vshll.u32 v13, $0x7  }
0x5fd: {  	s19 =	simm.s32 $0x28;
	s20 =	simm.s32 $0x30;
	v9 =	vbroadcast v13, $0x0  }
.LBB2_61:
0x5fe: {  	_ = 	snop  }
0x5ff: {  	p1 =	sne.s32 s20, $0x38;
	[tilespmem:v12+s18+$0x0] =	vst.idx.msk $0xffff, v11;
	s5 =	smov.u32 s20;
	s20 =	sadd.s32 $0x8, s20  }
0x600: {  	v10 =	vld.idx.msk [tilespmem:v10+s11+$0x0], $0xffff;
	_ =	sdelay $0x5  }
0x601: {  	v10 =	vand.u32 $0x7, v10  }
0x602: {  	v10 =	vor.u32 s19, v10;
	s19 =	smov.u32 s5  }
0x603: {  	v10 =	vshll.u32 v10, $0x7  }
0x604: {  	v11 =	vor.u32 v0, v10;
	_ =	sdelay $0x4  }
0x605: {  	v11 =	vld.idx.msk [tilespmem:v11+s14+$0x0], $0xffff  }
0x606: {  	v12 =	vor.u32 v0, v9  }
0x607: {  	v13 =	vor.u32 v6, v10;
	_ =	sdelay $0x3  }
0x608: {  	[tilespmem:v12+s18+$0x0] =	vst.idx.msk $0xffff, v11  }
0x609: {  	v11 =	vld.idx.msk [tilespmem:v13+s14+$0x0], $0xffff  }
0x60a: {  	v12 =	vor.u32 v6, v9  }
0x60b: {  	v13 =	vor.u32 v7, v10;
	_ =	sdelay $0x3  }
0x60c: {  	[tilespmem:v12+s18+$0x0] =	vst.idx.msk $0xffff, v11  }
0x60d: {  	s8 =	sadd.s32 $0x1, s8;
	v11 =	vld.idx.msk [tilespmem:v13+s14+$0x0], $0xffff  }
0x60e: {  	s5 =	smulhi.u32 $0x4EC4EC4F, s8;
	v12 =	vor.u32 v7, v9  }
0x60f: {  	v10 =	vor.u32 v8, v10  }
0x610: {  	s5 =	sshrl.u32 s5, $0x3  }
0x611: {  	s6 =	smul.u32 $0x1A, s5;
	s9 =	sadd.s32 s24, s5  }
0x612: {  	s9 =	sshll.u32 s9, $0x7  }
0x613: {  	s5 =	smul.u32 $0x27, s5;
	s6 =	ssub.s32 s8, s6;
	v13 =	vmov s9;
	[tilespmem:v12+s18+$0x0] =	vst.idx.msk $0xffff, v11  }
.Ltmp36:
0x614: {  	v13 =	vor.u32 s6, v13;
	v12 =	vmov s6;
	v11 =	vld.idx.msk [tilespmem:v10+s14+$0x0], $0xffff;
	(pc) =	sbr.rel @p1 .LBB2_61-.Ltmp36, $4  }
0x615: {  	v10 =	vbroadcast v13, $0x0;
	v13 =	vadd.s32 s5, v12;
	v12 =	vor.u32 v8, v9  }
0x616: {  	v9 =	vadd.s32 $0xD, v13  }
0x617: {  	v9 =	vshll.u32 v9, $0x7  }
0x618: {  	v9 =	vbroadcast v9, $0x0  }
0x619: {  	_ =	sdelay $0x3  }
0x61a: {  	[tilespmem:v12+s18+$0x0] =	vst.idx.msk $0xffff, v11  }
0x61b: {  	v10 =	vld.idx.msk [tilespmem:v10+s11+$0x0], $0xffff;
	_ =	sdelay $0x4  }
0x61c: {  	v10 =	vand.u32 $0x7, v10  }
0x61d: {  	v10 =	vor.u32 s19, v10  }
0x61e: {  	v10 =	vshll.u32 v10, $0x7  }
0x61f: {  	v11 =	vor.u32 v0, v10;
	_ =	sdelay $0x4  }
0x620: {  	v59 =	vor.u32 v0, v9;
	v11 =	vld.idx.msk [tilespmem:v11+s14+$0x0], $0xffff  }
0x621: {  	v13 =	vor.u32 v6, v10;
	_ =	sdelay $0x3  }
0x622: {  	[tilespmem:v59+s18+$0x0] =	vst.idx.msk $0xffff, v11  }
0x623: {  	v60 =	vor.u32 v6, v9;
	v11 =	vld.idx.msk [tilespmem:v13+s14+$0x0], $0xffff  }
0x624: {  	v61 =	vor.u32 v7, v10;
	_ =	sdelay $0x3  }
0x625: {  	[tilespmem:v60+s18+$0x0] =	vst.idx.msk $0xffff, v11  }
0x626: {  	v62 =	vor.u32 v7, v9;
	v11 =	vld.idx.msk [tilespmem:v61+s14+$0x0], $0xffff  }
0x627: {  	v10 =	vor.u32 v8, v10;
	_ =	sdelay $0x3  }
0x628: {  	[tilespmem:v62+s18+$0x0] =	vst.idx.msk $0xffff, v11  }
0x629: {  	v9 =	vor.u32 v8, v9;
	v10 =	vld.idx.msk [tilespmem:v10+s14+$0x0], $0xffff  }
.Ltmp37:
0x62a: {  	_ = 	snop;
	(pc) =	sbr.rel @p0 .LBB2_66-.Ltmp37, $2  }
0x62b: {  	_ =	sdelay $0x2  }
0x62c: {  	[tilespmem:v9+s18+$0x0] =	vst.idx.msk $0xffff, v10  }
0x62d: {  	s5 =	smulhi.u32 $0x4EC4EC4F, s30;
	_ =	sdelay $0x1  }
0x62e: {  	s6 =	sadd.s32 $0x0, s1;
	s5 =	sshrl.u32 s5, $0x3  }
0x62f: {  	s8 =	sadd.s32 $0x14, s6;
	s5 =	smul.u32 $0x1A, s5  }
0x630: {  	s8 =	smulhi.u32 $0x4EC4EC4F, s8  }
0x631: {  	s5 =	ssub.s32 s6, s5  }
0x632: {  	s9 =	sshrl.u32 s8, $0x3;
	s5 =	sadd.s32 $0x14, s5  }
0x633: {  	s6 =	sadd.s32 s24, s9;
	v9 =	vmov s5  }
0x634: {  	s19 =	sshll.u32 s6, $0x7;
	v9 =	vand.u32 $0x7F, v9  }
0x635: {  	v9 =	vor.u32 s19, v9  }
0x636: {  	v9 =	vbroadcast v9, $0x0;
	_ =	sdelay $0x5  }
0x637: {  	v9 =	vld.idx.msk [tilespmem:v9+s11+$0x0], $0xffff;
	_ =	sdelay $0x4  }
0x638: {  	v9 =	vxor.u32 $0x80000000, v9  }
0x639: {  	(xrf0) =	vmax.scan.msk.u32 $0xffff, v9;
	_ =	sdelay $0x5  }
0x63a: {  	v9, _, _ =	vpop (xrf0)  }
0x63b: {  	(v2sf) =	vpush v9, $0xF;
	_ =	sdelay $0x8  }
0x63c: {  	s19 =	sadd.s32 $0x1, s30  }
0x63d: {  	s21 =	sadd.s32 $0x1, s1;
	s20 =	smulhi.u32 $0x4EC4EC4F, s19  }
0x63e: {  	s23 =	sadd.s32 $0x14, s21  }
0x63f: {  	s8 =	smulhi.u32 $0x4EC4EC4F, s23;
	s5 =	sshrl.u32 s20, $0x3  }
0x640: {  	s5 =	smul.u32 $0x1A, s5;
	_ =	sdelay $0x1  }
0x641: {  	s8 =	sshrl.u32 s8, $0x3;
	s5 =	ssub.s32 s21, s5;
	s26 =	spop (v2sf)  }
0x642: {  	s8 =	sadd.s32 s24, s8;
	s5 =	sadd.s32 $0x14, s5;
	s9 =	sxor.u32 $0x80000000, s26  }
0x643: {  	p1 =	sgt.s32 s26, $0xFFFFFFFF;
	s20 =	sand.u32 $0x7, s26;
	p2 =	slt.s32 s9, $0x1  }
0x644: {  	s9 =	sshra.s32 s9, $0x1F;
	p6 =	sne.s32 s20, $0x0;
	p1 =	por p1, p2  }
0x645: {  	s21 =	sshll.u32 s8, $0x7;
	v9 =	vmov s5;
	s23 =	sshrl.u32 s9, $0x1D;
	p1 =	por !p6, !p1  }
0x646: {  	v9 =	vand.u32 $0x7F, v9;
	s9 =	simm.s32 $0x1;
	s6 =	sadd.s32 s23, s26;
	p1 =	por !p1, !p1  }
0x647: {  	s8 =	simm.s32 $0x9800;
	v9 =	vor.u32 s21, v9;
	s26 =	sshrl.u32 s6, $0x3;
	s9 =	simm.s32 @!p1 $0x0  }
0x648: {  	s21 =	simm.s32 $0x2;
	v9 =	vbroadcast v9, $0x0;
	s20 =	simm.s32 $0x9800;
	s6 =	ssub.s32 s26, s9  }
.LBB2_64:
0x649: {  	s5 =	sshll.u32 s6, $0x7  }
0x64a: {  	s8 =	sadd.s32 $0x400, s8;
	s6 =	smov.u32 s21;
	s9 =	sadd.s32 $0x1, s21  }
0x64b: {  	p1 =	sne.s32 s21, $0x3;
	s5 =	sand.u32 $0x1FFFFF80, s5  }
0x64c: {  	s5 =	sadd.s32 s4, s5  }
0x64d: {  	[tilespmem:s20], [sflag:$0x2] =	stream.linear.gather [hbm4b:s5+s3], $0x400, $0x38;
	v63 =	vld [tilespmem:$0x0]  }
0x64e: {  	s20 =	smov.u32 s8;
	v9 =	vld.idx.msk [tilespmem:v9+s11+$0x0], $0xffff;
	_ =	sdelay $0x5  }
0x64f: {  	v9 =	vxor.u32 $0x80000000, v9  }
0x650: {  	(xrf0) =	vmax.scan.msk.u32 $0xffff, v9;
	_ =	sdelay $0x5  }
0x651: {  	v9, _, _ =	vpop (xrf0)  }
0x652: {  	(v2sf) =	vpush v9, $0xF;
	_ =	sdelay $0x7  }
0x653: {  	s19 =	sadd.s32 $0x1, s19  }
0x654: {  	s6 =	sadd.s32 s6, s1;
	s5 =	smulhi.u32 $0x4EC4EC4F, s19  }
0x655: {  	s21 =	sadd.s32 $0x14, s6  }
0x656: {  	s21 =	smulhi.u32 $0x4EC4EC4F, s21;
	s5 =	sshrl.u32 s5, $0x3  }
0x657: {  	s5 =	smul.u32 $0x1A, s5;
	_ =	sdelay $0x1  }
0x658: {  	s21 =	sshrl.u32 s21, $0x3;
	s5 =	ssub.s32 s6, s5  }
0x659: {  	s21 =	sadd.s32 s24, s21;
	s5 =	sadd.s32 $0x14, s5;
	s6 =	spop (v2sf)  }
0x65a: {  	s21 =	sshll.u32 s21, $0x7;
	v9 =	vmov s5;
	s23 =	sxor.u32 $0x80000000, s6  }
0x65b: {  	v9 =	vand.u32 $0x7F, v9;
	p2 =	sgt.s32 s6, $0xFFFFFFFF;
	s5 =	sand.u32 $0x7, s6;
	s26 =	sshra.s32 s23, $0x1F  }
0x65c: {  	v9 =	vor.u32 s21, v9;
	p3 =	slt.s32 s23, $0x1;
	s21 =	sshrl.u32 s26, $0x1D  }
.Ltmp38:
0x65d: {  	p2 =	por p2, p3;
	p3 =	sne.s32 s5, $0x0;
	(pc) =	sbr.rel @p1 .LBB2_64-.Ltmp38, $4  }
0x65e: {  	v9 =	vbroadcast v9, $0x0;
	s5 =	sadd.s32 s21, s6;
	p2 =	por !p3, !p2  }
0x65f: {  	s6 =	simm.s32 $0x1;
	p2 =	por !p2, !p2  }
0x660: {  	s5 =	sshrl.u32 s5, $0x3;
	s6 =	simm.s32 @!p2 $0x0  }
0x661: {  	s21 =	smov.u32 s9;
	s6 =	ssub.s32 s5, s6  }
0x662: {  	s5 =	sshll.u32 s6, $0x7  }
0x663: {  	s5 =	sand.u32 $0x1FFFFF80, s5  }
0x664: {  	s5 =	sadd.s32 s4, s5  }
0x665: {  	[tilespmem:s20], [sflag:$0x2] =	stream.linear.gather [hbm4b:s5+s3], $0x400, $0x38;
	v63 =	vld [tilespmem:$0x0]  }
0x666: {  	v9 =	vld.idx.msk [tilespmem:v9+s11+$0x0], $0xffff;
	_ =	sdelay $0x4  }
0x667: {  	v9 =	vxor.u32 $0x80000000, v9  }
0x668: {  	(xrf0) =	vmax.scan.msk.u32 $0xffff, v9;
	_ =	sdelay $0x5  }
0x669: {  	v9, _, _ =	vpop (xrf0)  }
0x66a: {  	(v2sf) =	vpush v9, $0xF;
	_ =	sdelay $0xe  }
0x66b: {  	s21 =	spop (v2sf)  }
0x66c: {  	s23 =	sxor.u32 $0x80000000, s21  }
0x66d: {  	p1 =	sgt.s32 s21, $0xFFFFFFFF;
	s9 =	sand.u32 $0x7, s21;
	p2 =	slt.s32 s23, $0x1  }
0x66e: {  	s6 =	sshra.s32 s23, $0x1F;
	p6 =	sne.s32 s9, $0x0;
	p1 =	por p1, p2  }
0x66f: {  	s6 =	sshrl.u32 s6, $0x1D;
	p1 =	por !p6, !p1  }
0x670: {  	s5 =	sadd.s32 s6, s21;
	s6 =	simm.s32 $0x1;
	p1 =	por !p1, !p1  }
0x671: {  	s5 =	sshrl.u32 s5, $0x3;
	s6 =	simm.s32 @!p1 $0x0  }
0x672: {  	s5 =	ssub.s32 s5, s6  }
0x673: {  	s5 =	sshll.u32 s5, $0x7  }
0x674: {  	s5 =	sand.u32 $0x1FFFFF80, s5  }
0x675: {  	s26 =	sadd.s32 $0x400, s8;
	s5 =	sadd.s32 s4, s5  }
0x676: {  	[tilespmem:s26], [sflag:$0x2] =	stream.linear.gather [hbm4b:s5+s3], $0x400, $0x38;
	v63 =	vld [tilespmem:$0x0]  }
.LBB2_66:
0x677: {  	s5 =	smulhi.u32 $0x4EC4EC4F, s31  }
0x678: {  	_ =	swait.ge [sflag:s16], $0x400  }
0x679: {  	[sflag:s16] =	ssyncset.done $0x0;
	s5 =	sshrl.u32 s5, $0x3  }
0x67a: {  	[sflag:s16] =	ssyncadd.s32 $0xFFFFFC00;
	s6 =	smul.u32 $0x1A, s5;
	s8 =	sadd.s32 s24, s5  }
0x67b: {  	_ =	swait.ge [sflag:s16], $0x400;
	s8 =	sshll.u32 s8, $0x7  }
0x67c: {  	[sflag:s16] =	ssyncset.done $0x0;
	s6 =	ssub.s32 s31, s6;
	v9 =	vmov s8  }
0x67d: {  	[sflag:s16] =	ssyncadd.s32 $0xFFFFFC00;
	v9 =	vor.u32 s6, v9  }
0x67e: {  	_ =	swait.ge [sflag:s16], $0x400;
	v9 =	vbroadcast v9, $0x0  }
0x67f: {  	[sflag:s16] =	ssyncset.done $0x0  }
0x680: {  	[sflag:s16] =	ssyncadd.s32 $0xFFFFFC00  }
0x681: {  	_ =	swait.ge [sflag:s16], $0x400  }
0x682: {  	[sflag:s16] =	ssyncset.done $0x0  }
0x683: {  	[sflag:s16] =	ssyncadd.s32 $0xFFFFFC00  }
0x684: {  	v9 =	vld.idx.msk [tilespmem:v9+s11+$0x0], $0xffff;
	_ =	sdelay $0x4  }
0x685: {  	s21 =	simm.s32 $0x40;
	v9 =	vand.u32 $0x7, v9  }
0x686: {  	s5 =	smul.u32 $0x27, s5;
	v9 =	vor.u32 s21, v9  }
0x687: {  	v10 =	vmov s6;
	v9 =	vshll.u32 v9, $0x7  }
0x688: {  	v10 =	vadd.s32 s5, v10;
	v11 =	vor.u32 v0, v9  }
0x689: {  	v10 =	vadd.s32 $0xD, v10  }
0x68a: {  	v10 =	vshll.u32 v10, $0x7  }
0x68b: {  	v12 =	vbroadcast v10, $0x0;
	_ =	sdelay $0x1  }
0x68c: {  	v10 =	vld.idx.msk [tilespmem:v11+s14+$0x0], $0xffff;
	v11 =	vor.u32 v0, v12  }
0x68d: {  	v13 =	vor.u32 v6, v9;
	_ =	sdelay $0x3  }
0x68e: {  	[tilespmem:v11+s18+$0x0] =	vst.idx.msk $0xffff, v10  }
0x68f: {  	v11 =	vor.u32 v6, v12;
	v10 =	vld.idx.msk [tilespmem:v13+s14+$0x0], $0xffff  }
0x690: {  	v13 =	vor.u32 v7, v9;
	_ =	sdelay $0x1  }
0x691: {  	s8 =	sadd.s32 $0x1, s31  }
0x692: {  	s23 =	smulhi.u32 $0x4EC4EC4F, s8  }
0x693: {  	[tilespmem:v11+s18+$0x0] =	vst.idx.msk $0xffff, v10  }
0x694: {  	s5 =	sshrl.u32 s23, $0x3;
	v11 =	vor.u32 v7, v12;
	v10 =	vld.idx.msk [tilespmem:v13+s14+$0x0], $0xffff  }
0x695: {  	s26 =	smul.u32 $0x1A, s5;
	v9 =	vor.u32 v8, v9  }
0x696: {  	s9 =	smul.u32 $0x27, s5;
	s5 =	sadd.s32 s24, s5  }
0x697: {  	s5 =	sshll.u32 s5, $0x7  }
0x698: {  	s6 =	ssub.s32 s8, s26;
	v14 =	vmov s5  }
0x699: {  	v13 =	vmov s6;
	[tilespmem:v11+s18+$0x0] =	vst.idx.msk $0xffff, v10;
	v10 =	vor.u32 s6, v14  }
0x69a: {  	v12 =	vor.u32 v8, v12;
	v13 =	vadd.s32 s9, v13;
	v11 =	vld.idx.msk [tilespmem:v9+s14+$0x0], $0xffff;
	v10 =	vbroadcast v10, $0x0  }
0x69b: {  	v13 =	vadd.s32 $0xD, v13  }
0x69c: {  	v13 =	vshll.u32 v13, $0x7  }
0x69d: {  	s19 =	simm.s32 $0x48;
	s20 =	simm.s32 $0x50;
	v9 =	vbroadcast v13, $0x0  }
.LBB2_67:
0x69e: {  	_ = 	snop  }
0x69f: {  	p1 =	sne.s32 s20, $0x58;
	[tilespmem:v12+s18+$0x0] =	vst.idx.msk $0xffff, v11;
	s5 =	smov.u32 s20;
	s20 =	sadd.s32 $0x8, s20  }
0x6a0: {  	v10 =	vld.idx.msk [tilespmem:v10+s11+$0x0], $0xffff;
	_ =	sdelay $0x5  }
0x6a1: {  	v10 =	vand.u32 $0x7, v10  }
0x6a2: {  	v10 =	vor.u32 s19, v10;
	s19 =	smov.u32 s5  }
0x6a3: {  	v10 =	vshll.u32 v10, $0x7  }
0x6a4: {  	v11 =	vor.u32 v0, v10;
	_ =	sdelay $0x4  }
0x6a5: {  	v11 =	vld.idx.msk [tilespmem:v11+s14+$0x0], $0xffff  }
0x6a6: {  	v12 =	vor.u32 v0, v9  }
0x6a7: {  	v13 =	vor.u32 v6, v10;
	_ =	sdelay $0x3  }
0x6a8: {  	[tilespmem:v12+s18+$0x0] =	vst.idx.msk $0xffff, v11  }
0x6a9: {  	v11 =	vld.idx.msk [tilespmem:v13+s14+$0x0], $0xffff  }
0x6aa: {  	v12 =	vor.u32 v6, v9  }
0x6ab: {  	v13 =	vor.u32 v7, v10;
	_ =	sdelay $0x3  }
0x6ac: {  	[tilespmem:v12+s18+$0x0] =	vst.idx.msk $0xffff, v11  }
0x6ad: {  	s8 =	sadd.s32 $0x1, s8;
	v11 =	vld.idx.msk [tilespmem:v13+s14+$0x0], $0xffff  }
0x6ae: {  	s5 =	smulhi.u32 $0x4EC4EC4F, s8;
	v12 =	vor.u32 v7, v9  }
0x6af: {  	v10 =	vor.u32 v8, v10  }
0x6b0: {  	s5 =	sshrl.u32 s5, $0x3  }
0x6b1: {  	s6 =	smul.u32 $0x1A, s5;
	s9 =	sadd.s32 s24, s5  }
0x6b2: {  	s9 =	sshll.u32 s9, $0x7  }
0x6b3: {  	s5 =	smul.u32 $0x27, s5;
	s6 =	ssub.s32 s8, s6;
	v13 =	vmov s9;
	[tilespmem:v12+s18+$0x0] =	vst.idx.msk $0xffff, v11  }
.Ltmp39:
0x6b4: {  	v13 =	vor.u32 s6, v13;
	v12 =	vmov s6;
	v11 =	vld.idx.msk [tilespmem:v10+s14+$0x0], $0xffff;
	(pc) =	sbr.rel @p1 .LBB2_67-.Ltmp39, $4  }
0x6b5: {  	v10 =	vbroadcast v13, $0x0;
	v13 =	vadd.s32 s5, v12;
	v12 =	vor.u32 v8, v9  }
0x6b6: {  	v9 =	vadd.s32 $0xD, v13  }
0x6b7: {  	v9 =	vshll.u32 v9, $0x7  }
0x6b8: {  	v9 =	vbroadcast v9, $0x0  }
0x6b9: {  	_ =	sdelay $0x3  }
0x6ba: {  	[tilespmem:v12+s18+$0x0] =	vst.idx.msk $0xffff, v11  }
0x6bb: {  	v10 =	vld.idx.msk [tilespmem:v10+s11+$0x0], $0xffff;
	_ =	sdelay $0x4  }
0x6bc: {  	v10 =	vand.u32 $0x7, v10  }
0x6bd: {  	v10 =	vor.u32 s19, v10  }
0x6be: {  	v10 =	vshll.u32 v10, $0x7  }
0x6bf: {  	v11 =	vor.u32 v0, v10;
	_ =	sdelay $0x4  }
0x6c0: {  	v59 =	vor.u32 v0, v9;
	v11 =	vld.idx.msk [tilespmem:v11+s14+$0x0], $0xffff  }
0x6c1: {  	v13 =	vor.u32 v6, v10;
	_ =	sdelay $0x3  }
0x6c2: {  	[tilespmem:v59+s18+$0x0] =	vst.idx.msk $0xffff, v11  }
0x6c3: {  	v60 =	vor.u32 v6, v9;
	v11 =	vld.idx.msk [tilespmem:v13+s14+$0x0], $0xffff  }
0x6c4: {  	v61 =	vor.u32 v7, v10;
	_ =	sdelay $0x3  }
0x6c5: {  	[tilespmem:v60+s18+$0x0] =	vst.idx.msk $0xffff, v11  }
0x6c6: {  	v62 =	vor.u32 v7, v9;
	v11 =	vld.idx.msk [tilespmem:v61+s14+$0x0], $0xffff  }
0x6c7: {  	v10 =	vor.u32 v8, v10;
	_ =	sdelay $0x3  }
0x6c8: {  	[tilespmem:v62+s18+$0x0] =	vst.idx.msk $0xffff, v11  }
0x6c9: {  	v9 =	vor.u32 v8, v9;
	v10 =	vld.idx.msk [tilespmem:v10+s14+$0x0], $0xffff  }
.Ltmp40:
0x6ca: {  	_ = 	snop;
	(pc) =	sbr.rel @p0 .LBB2_72-.Ltmp40, $2  }
0x6cb: {  	_ =	sdelay $0x2  }
0x6cc: {  	[tilespmem:v9+s18+$0x0] =	vst.idx.msk $0xffff, v10  }
0x6cd: {  	s5 =	smulhi.u32 $0x4EC4EC4F, s0;
	_ =	sdelay $0x1  }
0x6ce: {  	s6 =	sadd.s32 $0x0, s1;
	s5 =	sshrl.u32 s5, $0x3  }
0x6cf: {  	s8 =	sadd.s32 $0x18, s6;
	s5 =	smul.u32 $0x1A, s5  }
0x6d0: {  	s8 =	smulhi.u32 $0x4EC4EC4F, s8  }
0x6d1: {  	s5 =	ssub.s32 s6, s5  }
0x6d2: {  	s9 =	sshrl.u32 s8, $0x3;
	s5 =	sadd.s32 $0x18, s5  }
0x6d3: {  	s6 =	sadd.s32 s24, s9;
	v9 =	vmov s5  }
0x6d4: {  	s19 =	sshll.u32 s6, $0x7;
	v9 =	vand.u32 $0x7F, v9  }
0x6d5: {  	v9 =	vor.u32 s19, v9  }
0x6d6: {  	v9 =	vbroadcast v9, $0x0;
	_ =	sdelay $0x5  }
0x6d7: {  	v9 =	vld.idx.msk [tilespmem:v9+s11+$0x0], $0xffff;
	_ =	sdelay $0x4  }
0x6d8: {  	v9 =	vxor.u32 $0x80000000, v9  }
0x6d9: {  	(xrf0) =	vmax.scan.msk.u32 $0xffff, v9;
	_ =	sdelay $0x5  }
0x6da: {  	v9, _, _ =	vpop (xrf0)  }
0x6db: {  	(v2sf) =	vpush v9, $0xF;
	_ =	sdelay $0x8  }
0x6dc: {  	s19 =	sadd.s32 $0x1, s0  }
0x6dd: {  	s21 =	sadd.s32 $0x1, s1;
	s20 =	smulhi.u32 $0x4EC4EC4F, s19  }
0x6de: {  	s23 =	sadd.s32 $0x18, s21  }
0x6df: {  	s8 =	smulhi.u32 $0x4EC4EC4F, s23;
	s5 =	sshrl.u32 s20, $0x3  }
0x6e0: {  	s5 =	smul.u32 $0x1A, s5;
	_ =	sdelay $0x1  }
0x6e1: {  	s8 =	sshrl.u32 s8, $0x3;
	s5 =	ssub.s32 s21, s5;
	s26 =	spop (v2sf)  }
0x6e2: {  	s8 =	sadd.s32 s24, s8;
	s5 =	sadd.s32 $0x18, s5;
	s9 =	sxor.u32 $0x80000000, s26  }
0x6e3: {  	p1 =	sgt.s32 s26, $0xFFFFFFFF;
	s20 =	sand.u32 $0x7, s26;
	p2 =	slt.s32 s9, $0x1  }
0x6e4: {  	s9 =	sshra.s32 s9, $0x1F;
	p6 =	sne.s32 s20, $0x0;
	p1 =	por p1, p2  }
0x6e5: {  	s21 =	sshll.u32 s8, $0x7;
	v9 =	vmov s5;
	s23 =	sshrl.u32 s9, $0x1D;
	p1 =	por !p6, !p1  }
0x6e6: {  	v9 =	vand.u32 $0x7F, v9;
	s9 =	simm.s32 $0x1;
	s6 =	sadd.s32 s23, s26;
	p1 =	por !p1, !p1  }
0x6e7: {  	s8 =	simm.s32 $0xA800;
	v9 =	vor.u32 s21, v9;
	s26 =	sshrl.u32 s6, $0x3;
	s9 =	simm.s32 @!p1 $0x0  }
0x6e8: {  	s21 =	simm.s32 $0x2;
	v9 =	vbroadcast v9, $0x0;
	s20 =	simm.s32 $0xA800;
	s6 =	ssub.s32 s26, s9  }
.LBB2_70:
0x6e9: {  	s5 =	sshll.u32 s6, $0x7  }
0x6ea: {  	s8 =	sadd.s32 $0x400, s8;
	s6 =	smov.u32 s21;
	s9 =	sadd.s32 $0x1, s21  }
0x6eb: {  	p1 =	sne.s32 s21, $0x3;
	s5 =	sand.u32 $0x1FFFFF80, s5  }
0x6ec: {  	s5 =	sadd.s32 s4, s5  }
0x6ed: {  	[tilespmem:s20], [sflag:$0x3] =	stream.linear.gather [hbm4b:s5+s3], $0x400, $0x38;
	v63 =	vld [tilespmem:$0x0]  }
0x6ee: {  	s20 =	smov.u32 s8;
	v9 =	vld.idx.msk [tilespmem:v9+s11+$0x0], $0xffff;
	_ =	sdelay $0x5  }
0x6ef: {  	v9 =	vxor.u32 $0x80000000, v9  }
0x6f0: {  	(xrf0) =	vmax.scan.msk.u32 $0xffff, v9;
	_ =	sdelay $0x5  }
0x6f1: {  	v9, _, _ =	vpop (xrf0)  }
0x6f2: {  	(v2sf) =	vpush v9, $0xF;
	_ =	sdelay $0x7  }
0x6f3: {  	s19 =	sadd.s32 $0x1, s19  }
0x6f4: {  	s6 =	sadd.s32 s6, s1;
	s5 =	smulhi.u32 $0x4EC4EC4F, s19  }
0x6f5: {  	s21 =	sadd.s32 $0x18, s6  }
0x6f6: {  	s21 =	smulhi.u32 $0x4EC4EC4F, s21;
	s5 =	sshrl.u32 s5, $0x3  }
0x6f7: {  	s5 =	smul.u32 $0x1A, s5;
	_ =	sdelay $0x1  }
0x6f8: {  	s21 =	sshrl.u32 s21, $0x3;
	s5 =	ssub.s32 s6, s5  }
0x6f9: {  	s21 =	sadd.s32 s24, s21;
	s5 =	sadd.s32 $0x18, s5;
	s6 =	spop (v2sf)  }
0x6fa: {  	s21 =	sshll.u32 s21, $0x7;
	v9 =	vmov s5;
	s23 =	sxor.u32 $0x80000000, s6  }
0x6fb: {  	v9 =	vand.u32 $0x7F, v9;
	p2 =	sgt.s32 s6, $0xFFFFFFFF;
	s5 =	sand.u32 $0x7, s6;
	s26 =	sshra.s32 s23, $0x1F  }
0x6fc: {  	v9 =	vor.u32 s21, v9;
	p3 =	slt.s32 s23, $0x1;
	s21 =	sshrl.u32 s26, $0x1D  }
.Ltmp41:
0x6fd: {  	p2 =	por p2, p3;
	p3 =	sne.s32 s5, $0x0;
	(pc) =	sbr.rel @p1 .LBB2_70-.Ltmp41, $4  }
0x6fe: {  	v9 =	vbroadcast v9, $0x0;
	s5 =	sadd.s32 s21, s6;
	p2 =	por !p3, !p2  }
0x6ff: {  	s6 =	simm.s32 $0x1;
	p2 =	por !p2, !p2  }
0x700: {  	s5 =	sshrl.u32 s5, $0x3;
	s6 =	simm.s32 @!p2 $0x0  }
0x701: {  	s21 =	smov.u32 s9;
	s6 =	ssub.s32 s5, s6  }
0x702: {  	s5 =	sshll.u32 s6, $0x7  }
0x703: {  	s5 =	sand.u32 $0x1FFFFF80, s5  }
0x704: {  	s5 =	sadd.s32 s4, s5  }
0x705: {  	[tilespmem:s20], [sflag:$0x3] =	stream.linear.gather [hbm4b:s5+s3], $0x400, $0x38;
	v63 =	vld [tilespmem:$0x0]  }
0x706: {  	v9 =	vld.idx.msk [tilespmem:v9+s11+$0x0], $0xffff;
	_ =	sdelay $0x4  }
0x707: {  	v9 =	vxor.u32 $0x80000000, v9  }
0x708: {  	(xrf0) =	vmax.scan.msk.u32 $0xffff, v9;
	_ =	sdelay $0x5  }
0x709: {  	v9, _, _ =	vpop (xrf0)  }
0x70a: {  	(v2sf) =	vpush v9, $0xF;
	_ =	sdelay $0xe  }
0x70b: {  	s21 =	spop (v2sf)  }
0x70c: {  	s23 =	sxor.u32 $0x80000000, s21  }
0x70d: {  	p1 =	sgt.s32 s21, $0xFFFFFFFF;
	s9 =	sand.u32 $0x7, s21;
	p2 =	slt.s32 s23, $0x1  }
0x70e: {  	s6 =	sshra.s32 s23, $0x1F;
	p6 =	sne.s32 s9, $0x0;
	p1 =	por p1, p2  }
0x70f: {  	s6 =	sshrl.u32 s6, $0x1D;
	p1 =	por !p6, !p1  }
0x710: {  	s5 =	sadd.s32 s6, s21;
	s6 =	simm.s32 $0x1;
	p1 =	por !p1, !p1  }
0x711: {  	s5 =	sshrl.u32 s5, $0x3;
	s6 =	simm.s32 @!p1 $0x0  }
0x712: {  	s5 =	ssub.s32 s5, s6  }
0x713: {  	s5 =	sshll.u32 s5, $0x7  }
0x714: {  	s5 =	sand.u32 $0x1FFFFF80, s5  }
0x715: {  	s26 =	sadd.s32 $0x400, s8;
	s5 =	sadd.s32 s4, s5  }
0x716: {  	[tilespmem:s26], [sflag:$0x3] =	stream.linear.gather [hbm4b:s5+s3], $0x400, $0x38;
	v63 =	vld [tilespmem:$0x0]  }
.LBB2_72:
0x717: {  	s5 =	smulhi.u32 $0x4EC4EC4F, s25  }
0x718: {  	_ =	swait.ge [sflag:s17], $0x400  }
0x719: {  	[sflag:s17] =	ssyncset.done $0x0;
	s5 =	sshrl.u32 s5, $0x3  }
0x71a: {  	[sflag:s17] =	ssyncadd.s32 $0xFFFFFC00;
	s6 =	smul.u32 $0x1A, s5;
	s8 =	sadd.s32 s24, s5  }
0x71b: {  	_ =	swait.ge [sflag:s17], $0x400;
	s8 =	sshll.u32 s8, $0x7  }
0x71c: {  	[sflag:s17] =	ssyncset.done $0x0;
	s6 =	ssub.s32 s25, s6;
	v9 =	vmov s8  }
0x71d: {  	[sflag:s17] =	ssyncadd.s32 $0xFFFFFC00;
	v9 =	vor.u32 s6, v9  }
0x71e: {  	_ =	swait.ge [sflag:s17], $0x400;
	v9 =	vbroadcast v9, $0x0  }
0x71f: {  	[sflag:s17] =	ssyncset.done $0x0  }
0x720: {  	[sflag:s17] =	ssyncadd.s32 $0xFFFFFC00  }
0x721: {  	_ =	swait.ge [sflag:s17], $0x400  }
0x722: {  	[sflag:s17] =	ssyncset.done $0x0  }
0x723: {  	[sflag:s17] =	ssyncadd.s32 $0xFFFFFC00  }
0x724: {  	v9 =	vld.idx.msk [tilespmem:v9+s11+$0x0], $0xffff;
	_ =	sdelay $0x4  }
0x725: {  	s21 =	simm.s32 $0x60;
	v9 =	vand.u32 $0x7, v9  }
0x726: {  	s5 =	smul.u32 $0x27, s5;
	v9 =	vor.u32 s21, v9  }
0x727: {  	v10 =	vmov s6;
	v9 =	vshll.u32 v9, $0x7  }
0x728: {  	v10 =	vadd.s32 s5, v10;
	v11 =	vor.u32 v0, v9  }
0x729: {  	v10 =	vadd.s32 $0xD, v10  }
0x72a: {  	v10 =	vshll.u32 v10, $0x7  }
0x72b: {  	v12 =	vbroadcast v10, $0x0;
	_ =	sdelay $0x1  }
0x72c: {  	v10 =	vld.idx.msk [tilespmem:v11+s14+$0x0], $0xffff;
	v11 =	vor.u32 v0, v12  }
0x72d: {  	v13 =	vor.u32 v6, v9;
	_ =	sdelay $0x3  }
0x72e: {  	[tilespmem:v11+s18+$0x0] =	vst.idx.msk $0xffff, v10  }
0x72f: {  	v11 =	vor.u32 v6, v12;
	v10 =	vld.idx.msk [tilespmem:v13+s14+$0x0], $0xffff  }
0x730: {  	v13 =	vor.u32 v7, v9;
	_ =	sdelay $0x1  }
0x731: {  	s8 =	sadd.s32 $0x1, s25  }
0x732: {  	s23 =	smulhi.u32 $0x4EC4EC4F, s8  }
0x733: {  	[tilespmem:v11+s18+$0x0] =	vst.idx.msk $0xffff, v10  }
0x734: {  	s5 =	sshrl.u32 s23, $0x3;
	v11 =	vor.u32 v7, v12;
	v10 =	vld.idx.msk [tilespmem:v13+s14+$0x0], $0xffff  }
0x735: {  	s26 =	smul.u32 $0x1A, s5;
	v9 =	vor.u32 v8, v9  }
0x736: {  	s9 =	smul.u32 $0x27, s5;
	s5 =	sadd.s32 s24, s5  }
0x737: {  	s5 =	sshll.u32 s5, $0x7  }
0x738: {  	s6 =	ssub.s32 s8, s26;
	v14 =	vmov s5  }
0x739: {  	v13 =	vmov s6;
	[tilespmem:v11+s18+$0x0] =	vst.idx.msk $0xffff, v10;
	v10 =	vor.u32 s6, v14  }
0x73a: {  	v12 =	vor.u32 v8, v12;
	v13 =	vadd.s32 s9, v13;
	v11 =	vld.idx.msk [tilespmem:v9+s14+$0x0], $0xffff;
	v10 =	vbroadcast v10, $0x0  }
0x73b: {  	v13 =	vadd.s32 $0xD, v13  }
0x73c: {  	v13 =	vshll.u32 v13, $0x7  }
0x73d: {  	s19 =	simm.s32 $0x68;
	s20 =	simm.s32 $0x70;
	v9 =	vbroadcast v13, $0x0  }
.LBB2_73:
0x73e: {  	_ = 	snop  }
0x73f: {  	p1 =	sne.s32 s20, $0x78;
	[tilespmem:v12+s18+$0x0] =	vst.idx.msk $0xffff, v11;
	s5 =	smov.u32 s20;
	s20 =	sadd.s32 $0x8, s20  }
0x740: {  	v10 =	vld.idx.msk [tilespmem:v10+s11+$0x0], $0xffff;
	_ =	sdelay $0x5  }
0x741: {  	v10 =	vand.u32 $0x7, v10  }
0x742: {  	v10 =	vor.u32 s19, v10;
	s19 =	smov.u32 s5  }
0x743: {  	v10 =	vshll.u32 v10, $0x7  }
0x744: {  	v11 =	vor.u32 v0, v10;
	_ =	sdelay $0x4  }
0x745: {  	v11 =	vld.idx.msk [tilespmem:v11+s14+$0x0], $0xffff  }
0x746: {  	v12 =	vor.u32 v0, v9  }
0x747: {  	v13 =	vor.u32 v6, v10;
	_ =	sdelay $0x3  }
0x748: {  	[tilespmem:v12+s18+$0x0] =	vst.idx.msk $0xffff, v11  }
0x749: {  	v11 =	vld.idx.msk [tilespmem:v13+s14+$0x0], $0xffff  }
0x74a: {  	v12 =	vor.u32 v6, v9  }
0x74b: {  	v13 =	vor.u32 v7, v10;
	_ =	sdelay $0x3  }
0x74c: {  	[tilespmem:v12+s18+$0x0] =	vst.idx.msk $0xffff, v11  }
0x74d: {  	s8 =	sadd.s32 $0x1, s8;
	v11 =	vld.idx.msk [tilespmem:v13+s14+$0x0], $0xffff  }
0x74e: {  	s5 =	smulhi.u32 $0x4EC4EC4F, s8;
	v12 =	vor.u32 v7, v9  }
0x74f: {  	v10 =	vor.u32 v8, v10  }
0x750: {  	s5 =	sshrl.u32 s5, $0x3  }
0x751: {  	s6 =	smul.u32 $0x1A, s5;
	s9 =	sadd.s32 s24, s5  }
0x752: {  	s9 =	sshll.u32 s9, $0x7  }
0x753: {  	s5 =	smul.u32 $0x27, s5;
	s6 =	ssub.s32 s8, s6;
	v13 =	vmov s9;
	[tilespmem:v12+s18+$0x0] =	vst.idx.msk $0xffff, v11  }
.Ltmp42:
0x754: {  	v13 =	vor.u32 s6, v13;
	v12 =	vmov s6;
	v11 =	vld.idx.msk [tilespmem:v10+s14+$0x0], $0xffff;
	(pc) =	sbr.rel @p1 .LBB2_73-.Ltmp42, $4  }
0x755: {  	v10 =	vbroadcast v13, $0x0;
	v13 =	vadd.s32 s5, v12;
	v12 =	vor.u32 v8, v9  }
0x756: {  	v9 =	vadd.s32 $0xD, v13  }
0x757: {  	v9 =	vshll.u32 v9, $0x7  }
0x758: {  	v9 =	vbroadcast v9, $0x0  }
0x759: {  	_ =	sdelay $0x3  }
0x75a: {  	[tilespmem:v12+s18+$0x0] =	vst.idx.msk $0xffff, v11  }
0x75b: {  	v10 =	vld.idx.msk [tilespmem:v10+s11+$0x0], $0xffff;
	_ =	sdelay $0x4  }
0x75c: {  	v10 =	vand.u32 $0x7, v10  }
0x75d: {  	v10 =	vor.u32 s19, v10  }
0x75e: {  	v10 =	vshll.u32 v10, $0x7  }
0x75f: {  	v11 =	vor.u32 v0, v10;
	_ =	sdelay $0x4  }
0x760: {  	v59 =	vor.u32 v0, v9;
	v11 =	vld.idx.msk [tilespmem:v11+s14+$0x0], $0xffff  }
0x761: {  	v13 =	vor.u32 v6, v10;
	_ =	sdelay $0x3  }
0x762: {  	[tilespmem:v59+s18+$0x0] =	vst.idx.msk $0xffff, v11  }
0x763: {  	v60 =	vor.u32 v6, v9;
	v11 =	vld.idx.msk [tilespmem:v13+s14+$0x0], $0xffff  }
0x764: {  	v61 =	vor.u32 v7, v10;
	_ =	sdelay $0x3  }
0x765: {  	[tilespmem:v60+s18+$0x0] =	vst.idx.msk $0xffff, v11  }
0x766: {  	v62 =	vor.u32 v7, v9;
	v11 =	vld.idx.msk [tilespmem:v61+s14+$0x0], $0xffff  }
0x767: {  	v10 =	vor.u32 v8, v10;
	_ =	sdelay $0x3  }
0x768: {  	[tilespmem:v62+s18+$0x0] =	vst.idx.msk $0xffff, v11  }
0x769: {  	v9 =	vor.u32 v8, v9;
	v10 =	vld.idx.msk [tilespmem:v10+s14+$0x0], $0xffff  }
.Ltmp43:
0x76a: {  	_ = 	snop;
	(pc) =	sbr.rel @p0 .LBB2_78-.Ltmp43, $2  }
0x76b: {  	_ =	sdelay $0x2  }
0x76c: {  	[tilespmem:v9+s18+$0x0] =	vst.idx.msk $0xffff, v10  }
0x76d: {  	s5 =	smulhi.u32 $0x4EC4EC4F, s2;
	_ =	sdelay $0x1  }
0x76e: {  	s6 =	sadd.s32 $0x0, s1;
	s5 =	sshrl.u32 s5, $0x3  }
0x76f: {  	s8 =	sadd.s32 $0x1C, s6;
	s5 =	smul.u32 $0x1A, s5  }
0x770: {  	s8 =	smulhi.u32 $0x4EC4EC4F, s8  }
0x771: {  	s5 =	ssub.s32 s6, s5  }
0x772: {  	s9 =	sshrl.u32 s8, $0x3;
	s5 =	sadd.s32 $0x1C, s5  }
0x773: {  	s6 =	sadd.s32 s24, s9;
	v9 =	vmov s5  }
0x774: {  	s19 =	sshll.u32 s6, $0x7;
	v9 =	vand.u32 $0x7F, v9  }
0x775: {  	v9 =	vor.u32 s19, v9  }
0x776: {  	v9 =	vbroadcast v9, $0x0;
	_ =	sdelay $0x5  }
0x777: {  	v9 =	vld.idx.msk [tilespmem:v9+s11+$0x0], $0xffff;
	_ =	sdelay $0x4  }
0x778: {  	v9 =	vxor.u32 $0x80000000, v9  }
0x779: {  	(xrf0) =	vmax.scan.msk.u32 $0xffff, v9;
	_ =	sdelay $0x5  }
0x77a: {  	v9, _, _ =	vpop (xrf0)  }
0x77b: {  	(v2sf) =	vpush v9, $0xF;
	_ =	sdelay $0x8  }
0x77c: {  	s19 =	sadd.s32 $0x1, s2  }
0x77d: {  	s21 =	sadd.s32 $0x1, s1;
	s20 =	smulhi.u32 $0x4EC4EC4F, s19  }
0x77e: {  	s23 =	sadd.s32 $0x1C, s21  }
0x77f: {  	s8 =	smulhi.u32 $0x4EC4EC4F, s23;
	s5 =	sshrl.u32 s20, $0x3  }
0x780: {  	s5 =	smul.u32 $0x1A, s5;
	_ =	sdelay $0x1  }
0x781: {  	s8 =	sshrl.u32 s8, $0x3;
	s5 =	ssub.s32 s21, s5;
	s26 =	spop (v2sf)  }
0x782: {  	s8 =	sadd.s32 s24, s8;
	s5 =	sadd.s32 $0x1C, s5;
	s9 =	sxor.u32 $0x80000000, s26  }
0x783: {  	p0 =	sgt.s32 s26, $0xFFFFFFFF;
	s20 =	sand.u32 $0x7, s26;
	p1 =	slt.s32 s9, $0x1  }
0x784: {  	s9 =	sshra.s32 s9, $0x1F;
	p6 =	sne.s32 s20, $0x0;
	p0 =	por p0, p1  }
0x785: {  	s21 =	sshll.u32 s8, $0x7;
	v9 =	vmov s5;
	s23 =	sshrl.u32 s9, $0x1D;
	p0 =	por !p6, !p0  }
0x786: {  	v9 =	vand.u32 $0x7F, v9;
	s9 =	simm.s32 $0x1;
	s6 =	sadd.s32 s23, s26;
	p0 =	por !p0, !p0  }
0x787: {  	s8 =	simm.s32 $0xB800;
	v9 =	vor.u32 s21, v9;
	s26 =	sshrl.u32 s6, $0x3;
	s9 =	simm.s32 @!p0 $0x0  }
0x788: {  	s21 =	simm.s32 $0x2;
	v9 =	vbroadcast v9, $0x0;
	s20 =	simm.s32 $0xB800;
	s6 =	ssub.s32 s26, s9  }
.LBB2_76:
0x789: {  	s5 =	sshll.u32 s6, $0x7  }
0x78a: {  	s8 =	sadd.s32 $0x400, s8;
	s6 =	smov.u32 s21;
	s9 =	sadd.s32 $0x1, s21  }
0x78b: {  	p0 =	sne.s32 s21, $0x3;
	s5 =	sand.u32 $0x1FFFFF80, s5  }
0x78c: {  	s5 =	sadd.s32 s4, s5  }
0x78d: {  	[tilespmem:s20], [sflag:$0x4] =	stream.linear.gather [hbm4b:s5+s3], $0x400, $0x38;
	v63 =	vld [tilespmem:$0x0]  }
0x78e: {  	s20 =	smov.u32 s8;
	v9 =	vld.idx.msk [tilespmem:v9+s11+$0x0], $0xffff;
	_ =	sdelay $0x5  }
0x78f: {  	v9 =	vxor.u32 $0x80000000, v9  }
0x790: {  	(xrf0) =	vmax.scan.msk.u32 $0xffff, v9;
	_ =	sdelay $0x5  }
0x791: {  	v9, _, _ =	vpop (xrf0)  }
0x792: {  	(v2sf) =	vpush v9, $0xF;
	_ =	sdelay $0x7  }
0x793: {  	s19 =	sadd.s32 $0x1, s19  }
0x794: {  	s6 =	sadd.s32 s6, s1;
	s5 =	smulhi.u32 $0x4EC4EC4F, s19  }
0x795: {  	s21 =	sadd.s32 $0x1C, s6  }
0x796: {  	s21 =	smulhi.u32 $0x4EC4EC4F, s21;
	s5 =	sshrl.u32 s5, $0x3  }
0x797: {  	s5 =	smul.u32 $0x1A, s5;
	_ =	sdelay $0x1  }
0x798: {  	s21 =	sshrl.u32 s21, $0x3;
	s5 =	ssub.s32 s6, s5  }
0x799: {  	s21 =	sadd.s32 s24, s21;
	s5 =	sadd.s32 $0x1C, s5;
	s6 =	spop (v2sf)  }
0x79a: {  	s21 =	sshll.u32 s21, $0x7;
	v9 =	vmov s5;
	s23 =	sxor.u32 $0x80000000, s6  }
0x79b: {  	v9 =	vand.u32 $0x7F, v9;
	p1 =	sgt.s32 s6, $0xFFFFFFFF;
	s5 =	sand.u32 $0x7, s6;
	s26 =	sshra.s32 s23, $0x1F  }
0x79c: {  	v9 =	vor.u32 s21, v9;
	p2 =	slt.s32 s23, $0x1;
	s21 =	sshrl.u32 s26, $0x1D  }
.Ltmp44:
0x79d: {  	p1 =	por p1, p2;
	p2 =	sne.s32 s5, $0x0;
	(pc) =	sbr.rel @p0 .LBB2_76-.Ltmp44, $4  }
0x79e: {  	v9 =	vbroadcast v9, $0x0;
	s5 =	sadd.s32 s21, s6;
	p1 =	por !p2, !p1  }
0x79f: {  	s6 =	simm.s32 $0x1;
	p1 =	por !p1, !p1  }
0x7a0: {  	s5 =	sshrl.u32 s5, $0x3;
	s6 =	simm.s32 @!p1 $0x0  }
0x7a1: {  	s21 =	smov.u32 s9;
	s6 =	ssub.s32 s5, s6  }
0x7a2: {  	s5 =	sshll.u32 s6, $0x7  }
0x7a3: {  	s5 =	sand.u32 $0x1FFFFF80, s5  }
0x7a4: {  	s5 =	sadd.s32 s4, s5  }
0x7a5: {  	[tilespmem:s20], [sflag:$0x4] =	stream.linear.gather [hbm4b:s5+s3], $0x400, $0x38;
	v63 =	vld [tilespmem:$0x0]  }
0x7a6: {  	v9 =	vld.idx.msk [tilespmem:v9+s11+$0x0], $0xffff;
	_ =	sdelay $0x4  }
0x7a7: {  	v9 =	vxor.u32 $0x80000000, v9  }
0x7a8: {  	(xrf0) =	vmax.scan.msk.u32 $0xffff, v9;
	_ =	sdelay $0x5  }
0x7a9: {  	v9, _, _ =	vpop (xrf0)  }
0x7aa: {  	(v2sf) =	vpush v9, $0xF;
	_ =	sdelay $0xe  }
0x7ab: {  	s21 =	spop (v2sf)  }
0x7ac: {  	s26 =	sadd.s32 $0x400, s8;
	s23 =	sxor.u32 $0x80000000, s21  }
0x7ad: {  	p0 =	sgt.s32 s21, $0xFFFFFFFF;
	s9 =	sand.u32 $0x7, s21;
	p1 =	slt.s32 s23, $0x1  }
0x7ae: {  	s6 =	sshra.s32 s23, $0x1F;
	p6 =	sne.s32 s9, $0x0;
	p0 =	por p0, p1  }
0x7af: {  	s7 =	sadd.s32 $0x1, s7;
	s6 =	sshrl.u32 s6, $0x1D;
	p0 =	por !p6, !p0  }
0x7b0: {  	s5 =	sadd.s32 s6, s21;
	s6 =	simm.s32 $0x1;
	p0 =	por !p0, !p0  }
0x7b1: {  	s1 =	sadd.s32 $0x10, s1;
	s5 =	sshrl.u32 s5, $0x3;
	s6 =	simm.s32 @!p0 $0x0  }
.Ltmp45:
0x7b2: {  	s28 =	sadd.s32 $0x10, s28;
	s5 =	ssub.s32 s5, s6;
	(pc) =	sbr.rel .LBB2_52-.Ltmp45, $4  }
0x7b3: {  	s29 =	sadd.s32 $0x10, s29;
	s30 =	sadd.s32 $0x10, s30;
	s5 =	sshll.u32 s5, $0x7  }
0x7b4: {  	s31 =	sadd.s32 $0x10, s31;
	s0 =	sadd.s32 $0x10, s0;
	s5 =	sand.u32 $0x1FFFFF80, s5  }
0x7b5: {  	s25 =	sadd.s32 $0x10, s25;
	s2 =	sadd.s32 $0x10, s2;
	s5 =	sadd.s32 s4, s5  }
0x7b6: {  	[tilespmem:s26], [sflag:$0x4] =	stream.linear.gather [hbm4b:s5+s3], $0x400, $0x38;
	v63 =	vld [tilespmem:$0x0]  }
.LBB2_53:
.Ltmp46:
0x7b7: {  	(pc) =	sbr.rel .LBB2_56-.Ltmp46, $2  }
0x7b8: {  	_ =	sdelay $0x2  }
0x7b9: {  	s8 =	simm.s32 $0x0  }
.LBB2_80:
0x7ba: {  	_ =	sfence.sel $0x180000  }
0x7bb: {  	[bflag:$0x0] =	sbarrier.arrive $0xFFFF  }
0x7bc: {  	_ =	strace $0x90000047  }
0x7bd: {  	s0 =	stileid.u32;
	[bflag:$0x2] =	sbarrier.arrive $0xFFFF  }
0x7be: {  	p0 =	sne.s32 s0, $0x0;
	s0 =	rddreg [dreg:$0x3]  }
0x7bf: {  	s0 =	sadd.s32 @!p0 $0x100000, s0  }
0x7c0: {  	[sflag:s0] =	ssyncadd.tile.s32 @!p0 $0x1;
	_ =	shalt  }
.Lfunc_end2:
_tile_overlayer_lowered:
.L_overlay_start_2:
0x7c1: {  	(tag) =	ssettag $0x2  }
0x7c2: {  	s0 =	rddreg [dreg:$0x0];
	s2 =	stileid.u32  }
0x7c3: {  	s1 =	rddreg [dreg:$0x1];
	p0 =	sne.s32 s2, $0x0  }
0x7c4: {  	s3 =	rddreg [dreg:$0x2];
	[bflag:$0x3] =	sbarrier.arrive $0xFFFF;
	s2 =	simm.s32 @!p0 $0x1C07  }
0x7c5: {  	[timem:s3], [sflag:s2] =	dma.local @!p0 [hbm:s0], s1  }
0x7c6: {  	s0 =	simm.s32 @!p0 $0x7  }
0x7c7: {  	_ =	swait.ge @!p0 [sflag:s0], s1  }
0x7c8: {  	s1 =	ssub.s32 @!p0 $0x0, s1;
	[sflag:s0] =	ssyncset.done @!p0 $0x0  }
0x7c9: {  	[sflag:s0] =	ssyncadd.s32 @!p0 s1  }
0x7ca: {  	[bflag:$0x3] =	sbarrier.arrive $0xFFFF  }
0x7cb: {  	_ =	shalt  }

// kernel: sparse-core-data-format-call.cloned.1.call-start
scs
called_computation_lowered:
.L_overlay_start_0:
0x0: {  	s2 =	sld [smem:$0x3FD9]  }
0x1: {  	s3 =	sld [smem:$0x3FFE];
	_ =	sdelay $0x1  }
0x2: {  	s1 =	srdreg.scid  }
0x3: {  	s0 =	sand.u32 $0x1, s1  }
0x4: {  	s18 =	sshll.u32 s0, $0xA;
	s2 =	sadd.s32 s3, s2  }
0x5: {  	s2 =	sadd.s32 s2, s18  }
0x6: {  	[smem:$0x3FC5] =	sst s2  }
0x7: {  	_ = 	snop  }
0x8: {  	s2 =	sld [smem:$0x3FD0];
	(tm) =	ssettm $0x1  }
0x9: {  	s19 =	sld [smem:$0x3FFB];
	_ =	sdelay $0x3  }
0xa: {  	_ =	strace s19  }
0xb: {  	s3 =	sld [smem:$0x3FFC];
	_ =	sdelay $0x3  }
0xc: {  	_ =	strace s3  }
0xd: {  	s3 =	sld [smem:$0x3FFD];
	_ =	sdelay $0x3  }
0xe: {  	_ =	strace s3  }
0xf: {  	_ =	strace $0x8FFFFFFF  }
0x10: {  	s20 =	sld [smem:$0x3FDB];
	_ =	sdelay $0x1  }
0x11: {  	s4 =	simm.s32 $_scs_section_size  }
0x12: {  	s5 =	simm.s32 $_size__tile_overlayer_lowered;
	s6 =	simm.s32 $_tile_overlayer_lowered  }
0x13: {  	s23 =	simm.s32 $0x1BFF;
	s22 =	sshll.u32 s6, $0x1;
	s3 =	sadd.s32 s4, s20  }
0x14: {  	s7 =	simm.s32 $0x0;
	s21 =	sshll.u32 s5, $0x1;
	s5 =	sadd.s32 s22, s3  }
0x15: {  	[timem:s7], [sflag:s23] =	dma.local [hbm:s5], s21  }
0x16: {  	_ =	swait.ge [sflag:s23], s21  }
0x17: {  	s4 =	ssub.s32 $0x0, s21;
	[sflag:s23] =	ssyncset.done $0x0  }
0x18: {  	[sflag:s23] =	ssyncadd.s32 s4;
	_ =	sdelay $0x1  }
0x19: {  	s24 =	simm.s32 $0x1B8B  }
0x1a: {  	_ =	swait.ge [sflag:s24], $0x1  }
0x1b: {  	[sflag:s24] =	ssyncset.done $0x0  }
0x1c: {  	s26 =	simm.s32 $0x1B8E;
	s25 =	sld [smem:$0x3FFE];
	[sflag:s24] =	ssyncadd.s32 $0xFFFFFFFF  }
0x1d: {  	s27 =	simm.s32 $execute0_lowered;
	[smem:$0x3FD2] =	sst s26  }
0x1e: {  	s5 =	sshll.u32 s27, $0x1;
	_ =	strace $0x80000049;
	[dreg:$0x1] =	wrdreg $0xFFFFFFFF  }
0x1f: {  	s28 =	simm.s32 $_size_execute0_lowered;
	s3 =	sadd.s32 s3, s5;
	[dreg:$0x0] =	wrdreg $0x0  }
0x20: {  	s5 =	sshll.u32 s28, $0x1;
	[dreg:$0x2] =	wrdreg s3  }
0x21: {  	[dreg:$0x3] =	wrdreg s5  }
0x22: {  	[dreg:$0x4] =	wrdreg $0xC0  }
0x23: {  	_ =	task [dreg:s7], $0x5FFFF  }
0x24: {  	[dreg:$0x1] =	wrdreg $0xFFFFFFFF  }
0x25: {  	[dreg:$0x0] =	wrdreg $0x60  }
0x26: {  	[dreg:$0x2] =	wrdreg s25  }
0x27: {  	[dreg:$0x3] =	wrdreg s2  }
0x28: {  	[dreg:$0x4] =	wrdreg $0x9  }
0x29: {  	_ =	task.clear_ibuf [dreg:s7], $0x5FFFF;
	_ =	strace $0x90000049  }
0x2a: {  	s29 =	simm.s32 $0x9;
	_ =	strace $0x8000004B  }
0x2b: {  	_ =	swait.ge [sflag:s29], $0x1  }
0x2c: {  	[sflag:s29] =	ssyncadd.s32 $0xFFFFFFFF  }
0x2d: {  	_ =	strace $0x9000004B  }
0x2e: {  	_ =	sfence  }
0x2f: {  	s30 =	sld [smem:$0x0];
	_ =	sdelay $0x2  }
0x30: {  	s31 =	sshll.u32 s1, $0xD;
	s1 =	sshrl.u32 s1, $0x2  }
0x31: {  	s3 =	sand.u32 $0x4000, s31;
	s1 =	sadd.s32 s1, s30  }
0x32: {  	s0 =	sor.u32 s3, s0;
	s1 =	sshll.u32 s1, $0x11  }
0x33: {  	s0 =	sor.u32 s1, s0  }
0x34: {  	s0 =	sadd.s32 $0x8F2B, s0  }
0x35: {  	[sflag:s0] =	ssyncadd.remote.s32 $0x1  }
0x36: {  	_ =	sfence.sel $0xFFFF  }
0x37: {  	[dreg:$0x0] =	wrdreg $0xFFFFFFFF;
	(pc) =	sbr.abs _section_cstart, $3  }
0x38: {  	[dreg:$0x1] =	wrdreg $0xFFFFFFFF  }
0x39: {  	_ =	task.clear_ibuf [dreg:s7], $0x2FFFF;
	_ =	strace $0x9FFFFFFF  }
0x3a: {  	(tm) =	ssettm $0x7FFFFFFF  }
0x3b: {  	_ =	shalt  }
tec
execute0_lowered:
.L_overlay_start_1:
0x0: {  	(tag) =	ssettag $0x1  }
0x1: {  	s0 =	srdreg.scid  }
0x2: {  	s1 =	sshll.u32 s0, $0x4  }
0x3: {  	s0 =	stileid.u32;
	s1 =	sand.u32 $0x10, s1  }
0x4: {  	s1 =	sor.u32 s0, s1  }
0x5: {  	s6 =	rddreg [dreg:$0x0];
	s4 =	simm.s32 $0x1;
	s2 =	sshll.u32 s1, $0x7  }
0x6: {  	s7 =	simm.s32 $0x2;
	s12 =	simm.s32 $0x0;
	s1 =	ssub.s32 $0x1000, s2  }
0x7: {  	s8 =	simm.s32 $0x8000;
	s13 =	simm.s32 $0x0;
	s3 =	sand.u32 $0xF80, s1  }
0x8: {  	s9 =	simm.s32 $0x0;
	s5 =	sshrl.u32 s1, $0xC;
	p0 =	sne.s32 s3, $0x0  }
.Ltmp0:
0x9: {  	s1 =	rddreg [dreg:$0x2];
	s4 =	simm.s32 @!p0 $0x0;
	(pc) =	sbr.rel .LBB1_1-.Ltmp0, $4  }
0xa: {  	s11 =	simm.s32 $0x0;
	s3 =	rddreg [dreg:$0x1];
	s5 =	sadd.s32 s4, s5  }
0xb: {  	_ =	strace $0x8000004A;
	s4 =	simm.s32 $0x1;
	s5 =	smul.u32 $0x27, s5  }
0xc: {  	s6 =	sadd.s32 $0x800, s6;
	s10 =	smov.u32 s2;
	[sflag:s4] =	ssyncpa.u1 $0x0  }
0xd: {  	p0 =	por $0x0, $0x0;
	[sflag:s7] =	ssyncpa.u1 $0x0;
	s7 =	sadd.s32 $0x1, s5  }
.LBB1_4:
0xe: {  	s16 =	sshll.u32 s13, $0x3;
	s17 =	sand.u32 $0x78, s13  }
0xf: {  	s30 =	sand.u32 $0x7E00, s13;
	s12 =	sshll.u32 s12, $0xF;
	s16 =	sand.u32 $0xC00, s16  }
0x10: {  	[tilespmem:s15+$0x810 ss:$0x81] =	vst.msk $0xffff, v2;
	s31 =	sand.u32 $0x7, s13;
	s16 =	sor.u32 s17, s16;
	s17 =	sadd.s32 s3, s30  }
0x11: {  	[tilespmem:s15+$0x1020 ss:$0x81] =	vst.msk $0xffff, v0;
	s13 =	sshll.u32 s31, $0x12;
	s12 =	sadd.s32 s12, s17;
	s16 =	sshrl.u32 s16, $0x3  }
0x12: {  	[tilespmem:s15+$0x0 ss:$0x81] =	vst.msk $0xffff, v1;
	s13 =	sor.u32 $0x400, s13;
	s12 =	sadd.s32 s16, s12  }
0x13: {  	[hbm4b:s12+s13] =	stream.strided.scatter [tilespmem:s14], [sflag:$0x2], $0x2000, s8, s13, $0x20;
	[tilespmem:$0x8080] =	vst v63  }
.LBB1_5:
0x14: {  	s14 =	sadd.s32 $0x1, s9  }
0x15: {  	s12 =	sadd.s32 $0x1000, s10;
	s16 =	smov.u32 s10;
	p2 =	sgt.s32 s14, $0x26  }
0x16: {  	s16 =	smov.u32 @p2 s12  }
0x17: {  	s14 =	simm.s32 @p2 $0x0;
	p2 =	sgt.s32 s16, $0xFFF  }
0x18: {  	s16 =	smov.u32 @p2 s2;
	p2 =	sne.s32 s11, s7  }
.Ltmp1:
0x19: {  	p1 =	slt.u32 s11, $0x2;
	(pc) =	sbr.rel @!p2 .LBB1_6-.Ltmp1, $4  }
0x1a: {  	s15 =	simm.s32 @!p1 $0x2  }
0x1b: {  	s13 =	smov.u32 s10;
	p0 =	por !p0, !p0;
	_ =	swait.ge @!p1 [sflag:s15], $0x2000  }
0x1c: {  	s12 =	smov.u32 s9;
	[sflag:s15] =	ssyncset.done @!p1 $0x0;
	s9 =	smov.u32 s14  }
0x1d: {  	s11 =	sadd.s32 $0x1, s11;
	[sflag:s15] =	ssyncadd.s32 @!p1 $0xFFFFE000;
	s10 =	smov.u32 s16  }
.LBB1_1:
0x1e: {  	p1 =	sge.u32 s11, s5  }
0x1f: {  	s14 =	sand.u32 @!p1 $0x1FFFFFF, s9  }
0x20: {  	s15 =	smulhi.u32 @!p1 $0x6666667, s14;
	_ =	sdelay $0x1  }
0x21: {  	s15 =	smul.u32 @!p1 $0x28, s15  }
0x22: {  	s16 =	sxor.u32 @!p1 $0xFFFFFFFF, s11;
	s17 =	smul.u32 @!p1 $0x280, s10  }
0x23: {  	s31 =	sadd.s32 $0xFFFFFFFF, s11;
	s16 =	sshll.u32 @!p1 s16, $0xD;
	s14 =	ssub.s32 @!p1 s14, s15  }
0x24: {  	s15 =	sand.u32 @!p1 $0x2000, s16;
	s16 =	sadd.s32 @!p1 s6, s17;
	s14 =	sshll.u32 @!p1 s14, $0x4  }
0x25: {  	s17 =	simm.s32 @!p1 $0x1400;
	s14 =	sadd.s32 @!p1 s14, s16;
	s16 =	simm.s32 @!p1 $0x40  }
0x26: {  	[tilespmem:s15], [sflag:$0x1] =	stream.strided.gather @!p1 [hbm4b:s14+s16], $0x2000, s17, s16, $0x38;
	[tilespmem:$0x8080] =	vst v63  }
0x27: {  	p1 =	sge.u32 s31, s5  }
.Ltmp2:
0x28: {  	_ = 	snop;
	(pc) =	sbr.rel @p1 .LBB1_5-.Ltmp2, $1  }
0x29: {  	_ =	sdelay $0x3  }
0x2a: {  	s14 =	simm.s32 $0x1  }
0x2b: {  	_ =	swait.ge [sflag:s4], $0x2000;
	s14 =	simm.s32 @!p0 $0x0  }
0x2c: {  	[sflag:s4] =	ssyncset.done $0x0;
	s15 =	sshll.u32 s14, $0xD  }
0x2d: {  	[sflag:s4] =	ssyncadd.s32 $0xFFFFE000;
	s18 =	sor.u32 $0x20, s15  }
0x2e: {  	s14 =	smul.u32 $0x8100, s14;
	v3 =	vld [tilespmem:s18+$0x10]  }
0x2f: {  	s30 =	sand.u32 $0x1, s11;
	v2 =	vld [tilespmem:s18+$0xFFFFFFF0]  }
0x30: {  	s15 =	smul.u32 $0x8100, s30;
	s14 =	sshrl.u32 s14, $0x2;
	v0 =	vld [tilespmem:s18+$0x0]  }
0x31: {  	v1 =	vld [tilespmem:s18+$0xFFFFFFE0];
	s16 =	sor.u32 $0x4000, s14  }
0x32: {  	s31 =	sshrl.u32 s15, $0x2;
	s15 =	sadd.s32 $0x0, s16  }
0x33: {  	s17 =	simm.s32 $0x4;
	s18 =	sadd.s32 $0x40, s18;
	s14 =	sor.u32 $0x4000, s31;
	[tilespmem:s15+$0x1830 ss:$0x81] =	vst.msk $0xffff, v3  }
.LBB1_3:
0x34: {  	v3 =	vld [tilespmem:s18+$0x10];
	p1 =	sne.s32 s17, $0x1FC;
	[tilespmem:s15+$0x810 ss:$0x81] =	vst.msk $0xffff, v2;
	s19 =	smov.u32 s17;
	s17 =	sadd.s32 $0x4, s17  }
.Ltmp3:
0x35: {  	v2 =	vld [tilespmem:s18+$0xFFFFFFF0];
	[tilespmem:s15+$0x1020 ss:$0x81] =	vst.msk $0xffff, v0;
	(pc) =	sbr.rel @p1 .LBB1_3-.Ltmp3, $4  }
0x36: {  	v0 =	vld [tilespmem:s18+$0x0];
	[tilespmem:s15+$0x0 ss:$0x81] =	vst.msk $0xffff, v1  }
0x37: {  	s15 =	sshra.s32 s19, $0x2;
	v1 =	vld [tilespmem:s18+$0xFFFFFFE0]  }
0x38: {  	s15 =	sadd.s32 s15, s16  }
0x39: {  	s18 =	sadd.s32 $0x40, s18;
	[tilespmem:s15+$0x1830 ss:$0x81] =	vst.msk $0xffff, v3  }
.Ltmp4:
0x3a: {  	_ = 	snop;
	(pc) =	sbr.rel .LBB1_4-.Ltmp4, $1  }
0x3b: {  	_ =	sdelay $0x3  }
.LBB1_6:
0x3c: {  	_ =	sfence.sel $0x180000  }
0x3d: {  	s2 =	simm.s32 $0x1;
	[bflag:$0x0] =	sbarrier.arrive $0xFFFF  }
0x3e: {  	s31 =	simm.s32 $0x2;
	[sflag:s2] =	ssyncpa.u1 $0x1  }
0x3f: {  	[sflag:s31] =	ssyncpa.u1 $0x1  }
0x40: {  	p0 =	sne.s32 s0, $0x0;
	_ =	strace $0x9000004A  }
0x41: {  	s0 =	sadd.s32 @!p0 $0x100000, s1;
	[bflag:$0x2] =	sbarrier.arrive $0xFFFF  }
0x42: {  	[sflag:s0] =	ssyncadd.tile.s32 @!p0 $0x1;
	_ =	shalt  }
.Lfunc_end1:
_tile_overlayer_lowered:
.L_overlay_start_2:
0x43: {  	(tag) =	ssettag $0x2  }
0x44: {  	s0 =	rddreg [dreg:$0x0];
	s2 =	stileid.u32  }
0x45: {  	s1 =	rddreg [dreg:$0x1];
	p0 =	sne.s32 s2, $0x0  }
0x46: {  	s3 =	rddreg [dreg:$0x2];
	[bflag:$0x3] =	sbarrier.arrive $0xFFFF;
	s2 =	simm.s32 @!p0 $0x1C01  }
0x47: {  	[timem:s3], [sflag:s2] =	dma.local @!p0 [hbm:s0], s1  }
0x48: {  	s0 =	simm.s32 @!p0 $0x1  }
0x49: {  	_ =	swait.ge @!p0 [sflag:s0], s1  }
0x4a: {  	s1 =	ssub.s32 @!p0 $0x0, s1;
	[sflag:s0] =	ssyncset.done @!p0 $0x0  }
0x4b: {  	[sflag:s0] =	ssyncadd.s32 @!p0 s1  }
0x4c: {  	[bflag:$0x3] =	sbarrier.arrive $0xFFFF  }
0x4d: {  	_ =	shalt  }

</sc_bundles>
